<compile_context>
chip_gen: v7x
topology: tpu7x:2x2x1
jax: 0.10.2.dev20260603
libtpu: 0.0.44.dev20260713+nightly
codegen_flags: <defaults>
</compile_context>

<pallas_src>
import functools

import jax
import jax.numpy as jnp
from jax import lax
from jax.experimental import pallas as pl
from jax.experimental.pallas import tpu as pltpu
from jax.experimental.pallas import tpu_sc as plsc

N_RAYS = 131072
N_PTS = 64
N_OUT = 128
EPS = 1e-5
NW = 32
RAYS_PER_W = N_RAYS // NW
CH = 128
N_CHUNKS = RAYS_PER_W // CH


def _rev(x):
    return lax.rev(x, (0,))


_GDN = lax.GatherDimensionNumbers(
    offset_dims=(), collapsed_slice_dims=(0,), start_index_map=(0,))


def _gather16(x, idx):
    return lax.gather(x, idx[:, None], _GDN, slice_sizes=(1,),
                      mode=lax.GatherScatterMode.PROMISE_IN_BOUNDS)


def _m16(x, y):
    yr = _rev(y)
    return [jnp.sort(jnp.minimum(x, yr)), jnp.sort(jnp.maximum(x, yr))]


def _bit32(l0, l1):
    return [jnp.sort(jnp.minimum(l0, l1)), jnp.sort(jnp.maximum(l0, l1))]


def _m32(a, b):
    rb0, rb1 = _rev(b[1]), _rev(b[0])
    return (_bit32(jnp.minimum(a[0], rb0), jnp.minimum(a[1], rb1))
            + _bit32(jnp.maximum(a[0], rb0), jnp.maximum(a[1], rb1)))


def _bit64(p):
    q0, q1 = jnp.minimum(p[0], p[2]), jnp.minimum(p[1], p[3])
    q2, q3 = jnp.maximum(p[0], p[2]), jnp.maximum(p[1], p[3])
    return _bit32(q0, q1) + _bit32(q2, q3)


def _m64(a, b):
    rb = [_rev(b[3]), _rev(b[2]), _rev(b[1]), _rev(b[0])]
    l = [jnp.minimum(a[i], rb[i]) for i in range(4)]
    h = [jnp.maximum(a[i], rb[i]) for i in range(4)]
    return _bit64(l) + _bit64(h)


def _sort128(v):
    s = [jnp.sort(x) for x in v]
    a = _m32(_m16(s[0], s[1]), _m16(s[2], s[3]))
    b = _m32(_m16(s[4], s[5]), _m16(s[6], s[7]))
    return _m64(a, b)


_mesh = plsc.VectorSubcoreMesh(core_axis_name="c", subcore_axis_name="s")


@functools.partial(
    pl.kernel,
    mesh=_mesh,
    out_type=jax.ShapeDtypeStruct((N_RAYS, N_OUT), jnp.float32),
    scratch_types=[
        pltpu.VMEM((CH, N_PTS), jnp.float32),
        pltpu.VMEM((CH, N_PTS), jnp.float32),
        pltpu.VMEM((CH, N_OUT), jnp.float32),
        pltpu.VMEM((CH, N_PTS), jnp.float32),
        pltpu.VMEM((CH, N_PTS), jnp.float32),
        pltpu.VMEM((CH, N_OUT), jnp.float32),
        pltpu.VMEM((CH * N_PTS,), jnp.float32),
        pltpu.VMEM((CH * N_PTS,), jnp.float32),
        pltpu.VMEM((CH * N_PTS,), jnp.int32),
        pltpu.VMEM((64,), jnp.float32),
        pltpu.SemaphoreType.DMA,
        pltpu.SemaphoreType.DMA,
        pltpu.SemaphoreType.DMA,
        pltpu.SemaphoreType.DMA,
    ],
    compiler_params=pltpu.CompilerParams(needs_layout_passes=False),
)
def _refine(z_hbm, w_hbm, u_hbm, out_hbm, zb0, wb0, ob0, zb1, wb1, ob1,
            cb, bb, hb, ub, si0, si1, so0, so1):
    wid = lax.axis_index("s") * 2 + lax.axis_index("c")
    pltpu.sync_copy(u_hbm, ub)
    ii = lax.iota(jnp.int32, 16)
    u_vecs = [ub[pl.ds(16 * g, 16)] for g in range(4)]
    zbs, wbs, obs = (zb0, zb1), (wb0, wb1), (ob0, ob1)
    sins, souts = (si0, si1), (so0, so1)

    def hbase(c):
        return wid * RAYS_PER_W + c * CH

    def in_copies(c, b):
        return (pltpu.make_async_copy(z_hbm.at[pl.ds(hbase(c), CH)], zbs[b], sins[b]),
                pltpu.make_async_copy(w_hbm.at[pl.ds(hbase(c), CH)], wbs[b], sins[b]))

    def out_copy(c, b):
        return pltpu.make_async_copy(obs[b], out_hbm.at[pl.ds(hbase(c), CH)], souts[b])

    def start_in(c, b):
        for cp in in_copies(c, b):
            cp.start()

    for cp in in_copies(0, 0):
        cp.start()

    def pair_body(i, carry):
        c0 = i * 2
        for b in range(2):
            c = c0 + b
            compute(c, b)
        return carry

    def compute(c, b):
        zb, wb, ob = zbs[b], wbs[b], obs[b]

        @pl.when(c + 1 < N_CHUNKS)
        def _():
            start_in(c + 1, 1 - b)

        for cp in in_copies(c, b):
            cp.wait()

        @pl.when(c >= 2)
        def _():
            out_copy(c, b).wait()

        @plsc.parallel_loop(0, CH, 1, unroll=2)
        def ray_body(r):
            r64 = r * N_PTS
            z = [zb[r, pl.ds(16 * g, 16)] for g in range(4)]
            w = [wb[r, pl.ds(16 * g, 16)] for g in range(4)]
            w0 = jnp.where(ii >= 1, w[0] + EPS, 0.0)
            w1 = w[1] + EPS
            w2 = w[2] + EPS
            w3 = jnp.where(ii <= 14, w[3] + EPS, 0.0)
            c0 = plsc.cumsum(w0)
            c1 = plsc.cumsum(w1) + c0[15]
            c2 = plsc.cumsum(w2) + c1[15]
            c3 = plsc.cumsum(w3) + c2[15]
            s_tot = c3[15]
            rs = 1.0 / jnp.full((16,), s_tot, jnp.float32)
            cb[pl.ds(r64, 16)] = c0
            cb[pl.ds(r64 + 16, 16)] = c1
            cb[pl.ds(r64 + 32, 16)] = c2
            cb[pl.ds(r64 + 48, 16)] = jnp.where(ii >= 15, jnp.inf, c3)
            shift_idx = jnp.minimum(ii + 1, 15)
            for g in range(4):
                zk1 = _gather16(z[g], shift_idx)
                if g < 3:
                    zk1 = jnp.where(ii >= 15, z[g + 1][0], zk1)
                bb[pl.ds(r64 + 16 * g, 16)] = zk1 + 0.5 * (z[g] - zk1)
            base = jnp.full((16,), r64, jnp.int32)
            izero = jnp.zeros((16,), jnp.int32)
            ione = jnp.ones((16,), jnp.int32)
            rs63 = rs * 63.0
            for g in range(4):
                hb[pl.ds(r64 + 16 * g, 16)] = izero
            for g, cg in enumerate((c0, c1, c2, c3)):
                y = cg * rs63
                ti = y.astype(jnp.int32)
                n = ti + (ti.astype(jnp.float32) < y).astype(jnp.int32)
                mask = n <= 63
                if g == 0:
                    mask = mask & (ii >= 1)
                if g == 3:
                    mask = mask & (ii <= 14)
                plsc.addupdate_scatter(hb, [base + n], ione, mask=mask)
            p0 = plsc.cumsum(hb[pl.ds(r64, 16)])
            p1 = plsc.cumsum(hb[pl.ds(r64 + 16, 16)]) + p0[15]
            p2 = plsc.cumsum(hb[pl.ds(r64 + 32, 16)]) + p1[15]
            p3 = plsc.cumsum(hb[pl.ds(r64 + 48, 16)]) + p2[15]
            ms = (p0 + base, p1 + base, p2 + base, p3 + base)
            smp = []
            for g in range(4):
                t = u_vecs[g] * s_tot
                m = ms[g]
                na = m + 1
                vm = plsc.load_gather(cb, [m])
                cg1 = plsc.load_gather(cb, [na])
                bg0 = plsc.load_gather(bb, [m])
                bg1 = plsc.load_gather(bb, [na])
                dncdf = (cg1 - vm) * rs
                tf = (t - vm) * rs
                tfrac = jnp.where(dncdf < EPS, tf, tf / dncdf)
                smp.append(bg0 + tfrac * (bg1 - bg0))
            o = _sort128(z + smp)
            for g in range(8):
                ob[r, pl.ds(16 * g, 16)] = o[g]

        out_copy(c, b).start()

    lax.fori_loop(0, N_CHUNKS // 2, pair_body, 0)
    out_copy(N_CHUNKS - 2, 0).wait()
    out_copy(N_CHUNKS - 1, 1).wait()


def kernel(lengths, ray_weights):
    u = jnp.linspace(0.0, 1.0, N_PTS, dtype=jnp.float32)
    return _refine(lengths, ray_weights, u)

# --- scband reference (transcript-rebuilt; emitter-appended) ---
"""Pipeline reference for scband-ray-point-refiner-19816979104400 (READ-ONLY COPY).

The authoritative reference and input builder live on the scoring server;
editing this copy changes nothing except your own understanding.
"""

import jax, jax.numpy as jnp
import numpy as np

N_RAYS = 131072
N_PTS = 64
N_PTS_PER_RAY = 64
EPS = 1e-05


def setup_inputs(seed: int = 0) -> dict:
    key = jax.random.key(seed)
    k1, k2 = jax.random.split(key)
    lengths = jax.random.uniform(k1, (N_RAYS, N_PTS), dtype=jnp.float32)
    ray_weights = jax.random.uniform(k2, (N_RAYS, N_PTS), dtype=jnp.float32)
    return {"lengths": lengths, "ray_weights": ray_weights}


def sample_pdf(bins, weights, n_samples, eps):
    # bins: [B, n_bins], weights: [B, n_bins-1], deterministic (det=True) sampling
    weights = weights + eps
    pdf = weights / jnp.sum(weights, axis=-1, keepdims=True)
    cdf = jnp.cumsum(pdf, axis=-1)
    cdf = jnp.concatenate([jnp.zeros_like(cdf[..., :1]), cdf], axis=-1)  # [B, n_bins]
    u = jnp.linspace(0.0, 1.0, n_samples, dtype=bins.dtype)
    u = jnp.broadcast_to(u, cdf.shape[:-1] + (n_samples,))
    inds = jax.vmap(lambda c, uu: jnp.searchsorted(c, uu, side='right'))(cdf, u)
    n_bins = cdf.shape[-1]
    below = jnp.clip(inds - 1, 0, n_bins - 1)
    above = jnp.clip(inds, 0, n_bins - 1)
    cdf_g0 = jnp.take_along_axis(cdf, below, axis=-1)
    cdf_g1 = jnp.take_along_axis(cdf, above, axis=-1)
    bins_g0 = jnp.take_along_axis(bins, below, axis=-1)
    bins_g1 = jnp.take_along_axis(bins, above, axis=-1)
    denom = cdf_g1 - cdf_g0
    denom = jnp.where(denom < eps, jnp.ones_like(denom), denom)
    t = (u - cdf_g0) / denom
    return bins_g0 + t * (bins_g1 - bins_g0)


def reference(lengths, ray_weights):
    # bins is None path of RayPointRefiner.forward
    z_vals = lengths  # [N_RAYS, N_PTS]
    rw = ray_weights.reshape(-1, ray_weights.shape[-1])
    rw = rw[..., 1:-1]  # [B, N_PTS-2]
    # torch.lerp(z[...,1:], z[...,:-1], 0.5) == midpoints
    bins = z_vals[..., 1:] + 0.5 * (z_vals[..., :-1] - z_vals[..., 1:])  # [B, N_PTS-1]
    z_samples = sample_pdf(bins.reshape(-1, bins.shape[-1]), rw, N_PTS_PER_RAY, EPS)
    z_samples = z_samples.reshape(z_vals.shape[:-1] + (N_PTS_PER_RAY,))
    # forward computes samples under torch.no_grad()
    z_samples = jax.lax.stop_gradient(z_samples)
    # add_input_samples=True
    z_all = jnp.concatenate([z_vals, z_samples], axis=-1)
    z_all = jnp.sort(z_all, axis=-1)
    return z_all

if __name__ == "__main__":
    import jax
    _d = setup_inputs()
    print(jax.jit(kernel)(*tuple(_d.values())))

</pallas_src>

<mosaic_0001>
#map = affine_map<(d0, d1) -> (0, 0)>
#map1 = affine_map<(d0, d1) -> (0)>
module attributes {stable_mosaic.version = 14 : i64} {
  func.func @_refine(%arg0: i32, %arg1: i32, %arg2: memref<131072x64xf32, #tpu.memory_space<hbm>>, %arg3: memref<131072x64xf32, #tpu.memory_space<hbm>>, %arg4: memref<64xf32, #tpu.memory_space<hbm>>, %arg5: memref<131072x128xf32, #tpu.memory_space<hbm>>, %arg6: memref<128x64xf32, #tpu.memory_space<vmem>>, %arg7: memref<128x64xf32, #tpu.memory_space<vmem>>, %arg8: memref<128x128xf32, #tpu.memory_space<vmem>>, %arg9: memref<128x64xf32, #tpu.memory_space<vmem>>, %arg10: memref<128x64xf32, #tpu.memory_space<vmem>>, %arg11: memref<128x128xf32, #tpu.memory_space<vmem>>, %arg12: memref<8192xf32, #tpu.memory_space<vmem>>, %arg13: memref<8192xf32, #tpu.memory_space<vmem>>, %arg14: memref<8192xi32, #tpu.memory_space<vmem>>, %arg15: memref<64xf32, #tpu.memory_space<vmem>>, %arg16: memref<!tpu.dma_semaphore, #tpu.memory_space<semaphore_mem>>, %arg17: memref<!tpu.dma_semaphore, #tpu.memory_space<semaphore_mem>>, %arg18: memref<!tpu.dma_semaphore, #tpu.memory_space<semaphore_mem>>, %arg19: memref<!tpu.dma_semaphore, #tpu.memory_space<semaphore_mem>>) attributes {dimension_semantics = [#tpu.dimension_semantics<core_parallel>, #tpu.dimension_semantics<subcore_parallel>], iteration_bounds = array<i64: 2, 16>, scalar_prefetch = 0 : i64, scratch_operands = 14 : i64, tpu.core_type = #tpu.core_type<sc_vector_subcore>, window_params = [{transform_indices = #map}, {transform_indices = #map}, {transform_indices = #map1}, {transform_indices = #map}]} {
    %mul3A = arith.constant 2 : i32
    %mul3A_0 = arith.muli %arg1, %mul3A : i32
    %add3A = arith.addi %mul3A_0, %arg0 : i32
    "tpu.region"() ({
      %run_scoped3A = tpu.sem_alloc : memref<!tpu.dma_semaphore, #tpu.memory_space<semaphore_mem>>
      tpu.enqueue_dma source(%arg4 : memref<64xf32, #tpu.memory_space<hbm>>) target(%arg15 : memref<64xf32, #tpu.memory_space<vmem>>) target_semaphore(%run_scoped3A : memref<!tpu.dma_semaphore, #tpu.memory_space<semaphore_mem>>)
      tpu.wait_dma2 semaphore(%run_scoped3A : memref<!tpu.dma_semaphore, #tpu.memory_space<semaphore_mem>>) src(%arg4 : memref<64xf32, #tpu.memory_space<hbm>>) dst(%arg15 : memref<64xf32, #tpu.memory_space<vmem>>)
      tpu.yield
    }) : () -> ()
    %iota3A = tpu.iota {dimensions = array<i32: 0>} : vector<16xi32>
    %get3A = arith.constant 0 : index
    %get3A_1 = tpu.vector_load %arg15[%get3A] {strides = array<i32>} : memref<64xf32, #tpu.memory_space<vmem>>, vector<16xf32>,
    %get3A_2 = arith.constant 16 : index
    %get3A_3 = tpu.vector_load %arg15[%get3A_2] {strides = array<i32>} : memref<64xf32, #tpu.memory_space<vmem>>, vector<16xf32>,
    %get3A_4 = arith.constant 32 : index
    %get3A_5 = tpu.vector_load %arg15[%get3A_4] {strides = array<i32>} : memref<64xf32, #tpu.memory_space<vmem>>, vector<16xf32>,
    %get3A_6 = arith.constant 48 : index
    %get3A_7 = tpu.vector_load %arg15[%get3A_6] {strides = array<i32>} : memref<64xf32, #tpu.memory_space<vmem>>, vector<16xf32>,
    %mul3A_8 = arith.constant 4096 : i32
    %mul3A_9 = arith.muli %add3A, %mul3A_8 : i32
    %add3A_10 = arith.constant 0 : i32
    %add3A_11 = arith.addi %mul3A_9, %add3A_10 : i32
    %mul3A_12 = arith.constant 4096 : i32
    %mul3A_13 = arith.muli %add3A, %mul3A_12 : i32
    %add3A_14 = arith.constant 0 : i32
    %add3A_15 = arith.addi %mul3A_13, %add3A_14 : i32
    %dma_start3A = arith.constant 0 : i32
    %dma_start3A_16 = tpu.memref_slice %arg2[%add3A_11, %dma_start3A] : memref<131072x64xf32, #tpu.memory_space<hbm>> -> memref<128x64xf32, #tpu.memory_space<hbm>>
    %dma_start3A_17 = arith.constant 0 : i32
    %dma_start3A_18 = tpu.memref_slice %arg2[%add3A_11, %dma_start3A_17] : memref<131072x64xf32, #tpu.memory_space<hbm>> -> memref<128x64xf32, #tpu.memory_space<hbm>>
    tpu.enqueue_dma source(%dma_start3A_18 : memref<128x64xf32, #tpu.memory_space<hbm>>) target(%arg6 : memref<128x64xf32, #tpu.memory_space<vmem>>) target_semaphore(%arg16 : memref<!tpu.dma_semaphore, #tpu.memory_space<semaphore_mem>>)
    %dma_start3A_19 = arith.constant 0 : i32
    %dma_start3A_20 = tpu.memref_slice %arg3[%add3A_15, %dma_start3A_19] : memref<131072x64xf32, #tpu.memory_space<hbm>> -> memref<128x64xf32, #tpu.memory_space<hbm>>
    %dma_start3A_21 = arith.constant 0 : i32
    %dma_start3A_22 = tpu.memref_slice %arg3[%add3A_15, %dma_start3A_21] : memref<131072x64xf32, #tpu.memory_space<hbm>> -> memref<128x64xf32, #tpu.memory_space<hbm>>
    tpu.enqueue_dma source(%dma_start3A_22 : memref<128x64xf32, #tpu.memory_space<hbm>>) target(%arg7 : memref<128x64xf32, #tpu.memory_space<vmem>>) target_semaphore(%arg16 : memref<!tpu.dma_semaphore, #tpu.memory_space<semaphore_mem>>)
    %scan3A = arith.constant 0 : i32
    %scan3A_23 = arith.constant 0 : i32
    %scan3A_24 = arith.constant 16 : i32
    %scan3A_25 = arith.addi %scan3A_23, %scan3A_24 : i32
    %scan3A_26 = arith.constant 1 : i32
    scf.for %scan3A_43 = %scan3A_23 to %scan3A_25 step %scan3A_26  : i32 {
      %mul3A_44 = arith.constant 2 : i32
      %mul3A_45 = arith.muli %scan3A_43, %mul3A_44 : i32
      %add3A_46 = arith.constant 0 : i32
      %add3A_47 = arith.addi %mul3A_45, %add3A_46 : i32
      %add3A_48 = arith.constant 1 : i32
      %add3A_49 = arith.addi %add3A_47, %add3A_48 : i32
      %lt3A = arith.constant 32 : i32
      %lt3A_50 = arith.cmpi slt, %add3A_49, %lt3A : i32
      %convert_element_type3A = arith.extui %lt3A_50 : i1 to i32
      %cond3A = arith.constant 0 : i32
      %cond3A_51 = arith.cmpi ne, %convert_element_type3A, %cond3A : i32
      scf.if %cond3A_51 {
        %add3A_129 = arith.constant 1 : i32
        %add3A_130 = arith.addi %add3A_47, %add3A_129 : i32
        %mul3A_131 = arith.constant 4096 : i32
        %mul3A_132 = arith.muli %add3A, %mul3A_131 : i32
        %mul3A_133 = arith.constant 128 : i32
        %mul3A_134 = arith.muli %add3A_130, %mul3A_133 : i32
        %add3A_135 = arith.addi %mul3A_132, %mul3A_134 : i32
        %mul3A_136 = arith.constant 4096 : i32
        %mul3A_137 = arith.muli %add3A, %mul3A_136 : i32
        %mul3A_138 = arith.constant 128 : i32
        %mul3A_139 = arith.muli %add3A_130, %mul3A_138 : i32
        %add3A_140 = arith.addi %mul3A_137, %mul3A_139 : i32
        %dma_start3A_141 = arith.constant 0 : i32
        %dma_start3A_142 = tpu.memref_slice %arg2[%add3A_135, %dma_start3A_141] : memref<131072x64xf32, #tpu.memory_space<hbm>> -> memref<128x64xf32, #tpu.memory_space<hbm>>
        %dma_start3A_143 = arith.constant 0 : i32
        %dma_start3A_144 = tpu.memref_slice %arg2[%add3A_135, %dma_start3A_143] : memref<131072x64xf32, #tpu.memory_space<hbm>> -> memref<128x64xf32, #tpu.memory_space<hbm>>
        tpu.enqueue_dma source(%dma_start3A_144 : memref<128x64xf32, #tpu.memory_space<hbm>>) target(%arg9 : memref<128x64xf32, #tpu.memory_space<vmem>>) target_semaphore(%arg17 : memref<!tpu.dma_semaphore, #tpu.memory_space<semaphore_mem>>)
        %dma_start3A_145 = arith.constant 0 : i32
        %dma_start3A_146 = tpu.memref_slice %arg3[%add3A_140, %dma_start3A_145] : memref<131072x64xf32, #tpu.memory_space<hbm>> -> memref<128x64xf32, #tpu.memory_space<hbm>>
        %dma_start3A_147 = arith.constant 0 : i32
        %dma_start3A_148 = tpu.memref_slice %arg3[%add3A_140, %dma_start3A_147] : memref<131072x64xf32, #tpu.memory_space<hbm>> -> memref<128x64xf32, #tpu.memory_space<hbm>>
        tpu.enqueue_dma source(%dma_start3A_148 : memref<128x64xf32, #tpu.memory_space<hbm>>) target(%arg10 : memref<128x64xf32, #tpu.memory_space<vmem>>) target_semaphore(%arg17 : memref<!tpu.dma_semaphore, #tpu.memory_space<semaphore_mem>>)
      } else {
      }
      %mul3A_52 = arith.constant 4096 : i32
      %mul3A_53 = arith.muli %add3A, %mul3A_52 : i32
      %mul3A_54 = arith.constant 128 : i32
      %mul3A_55 = arith.muli %add3A_47, %mul3A_54 : i32
      %add3A_56 = arith.addi %mul3A_53, %mul3A_55 : i32
      %mul3A_57 = arith.constant 4096 : i32
      %mul3A_58 = arith.muli %add3A, %mul3A_57 : i32
      %mul3A_59 = arith.constant 128 : i32
      %mul3A_60 = arith.muli %add3A_47, %mul3A_59 : i32
      %add3A_61 = arith.addi %mul3A_58, %mul3A_60 : i32
      %dma_wait3A_62 = arith.constant 0 : i32
      %dma_wait3A_63 = tpu.memref_slice %arg2[%add3A_56, %dma_wait3A_62] : memref<131072x64xf32, #tpu.memory_space<hbm>> -> memref<128x64xf32, #tpu.memory_space<hbm>>
      %dma_wait3A_64 = arith.constant 0 : i32
      %dma_wait3A_65 = tpu.memref_slice %arg2[%add3A_56, %dma_wait3A_64] : memref<131072x64xf32, #tpu.memory_space<hbm>> -> memref<128x64xf32, #tpu.memory_space<hbm>>
      tpu.wait_dma2 semaphore(%arg16 : memref<!tpu.dma_semaphore, #tpu.memory_space<semaphore_mem>>) src(%dma_wait3A_65 : memref<128x64xf32, #tpu.memory_space<hbm>>) dst(%arg6 : memref<128x64xf32, #tpu.memory_space<vmem>>)
      %dma_wait3A_66 = arith.constant 0 : i32
      %dma_wait3A_67 = tpu.memref_slice %arg3[%add3A_61, %dma_wait3A_66] : memref<131072x64xf32, #tpu.memory_space<hbm>> -> memref<128x64xf32, #tpu.memory_space<hbm>>
      %dma_wait3A_68 = arith.constant 0 : i32
      %dma_wait3A_69 = tpu.memref_slice %arg3[%add3A_61, %dma_wait3A_68] : memref<131072x64xf32, #tpu.memory_space<hbm>> -> memref<128x64xf32, #tpu.memory_space<hbm>>
      tpu.wait_dma2 semaphore(%arg16 : memref<!tpu.dma_semaphore, #tpu.memory_space<semaphore_mem>>) src(%dma_wait3A_69 : memref<128x64xf32, #tpu.memory_space<hbm>>) dst(%arg7 : memref<128x64xf32, #tpu.memory_space<vmem>>)
      %ge3A = arith.constant 2 : i32
      %ge3A_70 = arith.cmpi sge, %add3A_47, %ge3A : i32
      %convert_element_type3A_71 = arith.extui %ge3A_70 : i1 to i32
      %cond3A_72 = arith.constant 0 : i32
      %cond3A_73 = arith.cmpi ne, %convert_element_type3A_71, %cond3A_72 : i32
      scf.if %cond3A_73 {
        %mul3A_129 = arith.constant 4096 : i32
        %mul3A_130 = arith.muli %add3A, %mul3A_129 : i32
        %mul3A_131 = arith.constant 128 : i32
        %mul3A_132 = arith.muli %add3A_47, %mul3A_131 : i32
        %add3A_133 = arith.addi %mul3A_130, %mul3A_132 : i32
        %dma_wait3A_134 = arith.constant 0 : i32
        %dma_wait3A_135 = tpu.memref_slice %arg5[%add3A_133, %dma_wait3A_134] : memref<131072x128xf32, #tpu.memory_space<hbm>> -> memref<128x128xf32, #tpu.memory_space<hbm>>
        %dma_wait3A_136 = arith.constant 0 : i32
        %dma_wait3A_137 = tpu.memref_slice %arg5[%add3A_133, %dma_wait3A_136] : memref<131072x128xf32, #tpu.memory_space<hbm>> -> memref<128x128xf32, #tpu.memory_space<hbm>>
        tpu.wait_dma2 semaphore(%arg18 : memref<!tpu.dma_semaphore, #tpu.memory_space<semaphore_mem>>) src(%arg8 : memref<128x128xf32, #tpu.memory_space<vmem>>) dst(%dma_wait3A_137 : memref<128x128xf32, #tpu.memory_space<hbm>>)
      } else {
      }
      %parallel_loop3A = arith.constant 0 : i32
      %parallel_loop3A_74 = arith.constant 128 : i32
      %parallel_loop3A_75 = arith.constant 1 : i32
      scf.for %parallel_loop3A_129 = %parallel_loop3A to %parallel_loop3A_74 step %parallel_loop3A_75  : i32 {
        %parallel_loop3A_130 = arith.constant 64 : i32
        %parallel_loop3A_131 = arith.muli %parallel_loop3A_129, %parallel_loop3A_130 : i32
        %parallel_loop3A_132 = arith.index_cast %parallel_loop3A_129 : i32 to index
        %parallel_loop3A_133 = arith.constant 0 : index
        %parallel_loop3A_134 = tpu.vector_load %arg6[%parallel_loop3A_132, %parallel_loop3A_133] {strides = array<i32>} : memref<128x64xf32, #tpu.memory_space<vmem>>, vector<16xf32>,
        %parallel_loop3A_135 = arith.index_cast %parallel_loop3A_129 : i32 to index
        %parallel_loop3A_136 = arith.constant 16 : index
        %parallel_loop3A_137 = tpu.vector_load %arg6[%parallel_loop3A_135, %parallel_loop3A_136] {strides = array<i32>} : memref<128x64xf32, #tpu.memory_space<vmem>>, vector<16xf32>,
        %parallel_loop3A_138 = arith.index_cast %parallel_loop3A_129 : i32 to index
        %parallel_loop3A_139 = arith.constant 32 : index
        %parallel_loop3A_140 = tpu.vector_load %arg6[%parallel_loop3A_138, %parallel_loop3A_139] {strides = array<i32>} : memref<128x64xf32, #tpu.memory_space<vmem>>, vector<16xf32>,
        %parallel_loop3A_141 = arith.index_cast %parallel_loop3A_129 : i32 to index
        %parallel_loop3A_142 = arith.constant 48 : index
        %parallel_loop3A_143 = tpu.vector_load %arg6[%parallel_loop3A_141, %parallel_loop3A_142] {strides = array<i32>} : memref<128x64xf32, #tpu.memory_space<vmem>>, vector<16xf32>,
        %parallel_loop3A_144 = arith.index_cast %parallel_loop3A_129 : i32 to index
        %parallel_loop3A_145 = arith.constant 0 : index
        %parallel_loop3A_146 = tpu.vector_load %arg7[%parallel_loop3A_144, %parallel_loop3A_145] {strides = array<i32>} : memref<128x64xf32, #tpu.memory_space<vmem>>, vector<16xf32>,
        %parallel_loop3A_147 = arith.index_cast %parallel_loop3A_129 : i32 to index
        %parallel_loop3A_148 = arith.constant 16 : index
        %parallel_loop3A_149 = tpu.vector_load %arg7[%parallel_loop3A_147, %parallel_loop3A_148] {strides = array<i32>} : memref<128x64xf32, #tpu.memory_space<vmem>>, vector<16xf32>,
        %parallel_loop3A_150 = arith.index_cast %parallel_loop3A_129 : i32 to index
        %parallel_loop3A_151 = arith.constant 32 : index
        %parallel_loop3A_152 = tpu.vector_load %arg7[%parallel_loop3A_150, %parallel_loop3A_151] {strides = array<i32>} : memref<128x64xf32, #tpu.memory_space<vmem>>, vector<16xf32>,
        %parallel_loop3A_153 = arith.index_cast %parallel_loop3A_129 : i32 to index
        %parallel_loop3A_154 = arith.constant 48 : index
        %parallel_loop3A_155 = tpu.vector_load %arg7[%parallel_loop3A_153, %parallel_loop3A_154] {strides = array<i32>} : memref<128x64xf32, #tpu.memory_space<vmem>>, vector<16xf32>,
        %parallel_loop3A_156 = arith.constant 1 : i32
        %parallel_loop3A_157 = vector.broadcast %parallel_loop3A_156 : i32 to vector<16xi32>
        %parallel_loop3A_158 = arith.cmpi sge, %iota3A, %parallel_loop3A_157 : vector<16xi32>
        %parallel_loop3A_159 = arith.constant 9.99999974E-6 : f32
        %parallel_loop3A_160 = vector.broadcast %parallel_loop3A_159 : f32 to vector<16xf32>
        %parallel_loop3A_161 = arith.addf %parallel_loop3A_146, %parallel_loop3A_160 : vector<16xf32>
        %parallel_loop3A_162 = arith.constant 0.000000e+00 : f32
        %parallel_loop3A_163 = vector.broadcast %parallel_loop3A_162 : f32 to vector<16xf32>
        %parallel_loop3A_164 = arith.select %parallel_loop3A_158, %parallel_loop3A_161, %parallel_loop3A_163 : vector<16xi1>, vector<16xf32>
        %parallel_loop3A_165 = arith.constant 9.99999974E-6 : f32
        %parallel_loop3A_166 = vector.broadcast %parallel_loop3A_165 : f32 to vector<16xf32>
        %parallel_loop3A_167 = arith.addf %parallel_loop3A_149, %parallel_loop3A_166 : vector<16xf32>
        %parallel_loop3A_168 = arith.constant 9.99999974E-6 : f32
        %parallel_loop3A_169 = vector.broadcast %parallel_loop3A_168 : f32 to vector<16xf32>
        %parallel_loop3A_170 = arith.addf %parallel_loop3A_152, %parallel_loop3A_169 : vector<16xf32>
        %parallel_loop3A_171 = arith.constant 14 : i32
        %parallel_loop3A_172 = vector.broadcast %parallel_loop3A_171 : i32 to vector<16xi32>
        %parallel_loop3A_173 = arith.cmpi sle, %iota3A, %parallel_loop3A_172 : vector<16xi32>
        %parallel_loop3A_174 = arith.constant 9.99999974E-6 : f32
        %parallel_loop3A_175 = vector.broadcast %parallel_loop3A_174 : f32 to vector<16xf32>
        %parallel_loop3A_176 = arith.addf %parallel_loop3A_155, %parallel_loop3A_175 : vector<16xf32>
        %parallel_loop3A_177 = arith.constant 0.000000e+00 : f32
        %parallel_loop3A_178 = vector.broadcast %parallel_loop3A_177 : f32 to vector<16xf32>
        %parallel_loop3A_179 = arith.select %parallel_loop3A_173, %parallel_loop3A_176, %parallel_loop3A_178 : vector<16xi1>, vector<16xf32>
        %parallel_loop3A_180 = arith.constant true
        %parallel_loop3A_181 = vector.broadcast %parallel_loop3A_180 : i1 to vector<16xi1>
        %parallel_loop3A_182 = tpu.scan <sum>, %parallel_loop3A_164 masked %parallel_loop3A_181 : vector<16xf32>, vector<16xi1> -> vector<16xf32>
        %parallel_loop3A_183 = arith.constant true
        %parallel_loop3A_184 = vector.broadcast %parallel_loop3A_183 : i1 to vector<16xi1>
        %parallel_loop3A_185 = tpu.scan <sum>, %parallel_loop3A_167 masked %parallel_loop3A_184 : vector<16xf32>, vector<16xi1> -> vector<16xf32>
        %parallel_loop3A_186 = vector.extract_strided_slice %parallel_loop3A_182 {offsets = [15], sizes = [1], strides = [1]} : vector<16xf32> to vector<1xf32>
        %parallel_loop3A_187 = vector.extract %parallel_loop3A_186[0] : f32 from vector<1xf32>
        %parallel_loop3A_188 = vector.broadcast %parallel_loop3A_187 : f32 to vector<16xf32>
        %parallel_loop3A_189 = arith.addf %parallel_loop3A_185, %parallel_loop3A_188 : vector<16xf32>
        %parallel_loop3A_190 = arith.constant true
        %parallel_loop3A_191 = vector.broadcast %parallel_loop3A_190 : i1 to vector<16xi1>
        %parallel_loop3A_192 = tpu.scan <sum>, %parallel_loop3A_170 masked %parallel_loop3A_191 : vector<16xf32>, vector<16xi1> -> vector<16xf32>
        %parallel_loop3A_193 = vector.extract_strided_slice %parallel_loop3A_189 {offsets = [15], sizes = [1], strides = [1]} : vector<16xf32> to vector<1xf32>
        %parallel_loop3A_194 = vector.extract %parallel_loop3A_193[0] : f32 from vector<1xf32>
        %parallel_loop3A_195 = vector.broadcast %parallel_loop3A_194 : f32 to vector<16xf32>
        %parallel_loop3A_196 = arith.addf %parallel_loop3A_192, %parallel_loop3A_195 : vector<16xf32>
        %parallel_loop3A_197 = arith.constant true
        %parallel_loop3A_198 = vector.broadcast %parallel_loop3A_197 : i1 to vector<16xi1>
        %parallel_loop3A_199 = tpu.scan <sum>, %parallel_loop3A_179 masked %parallel_loop3A_198 : vector<16xf32>, vector<16xi1> -> vector<16xf32>
        %parallel_loop3A_200 = vector.extract_strided_slice %parallel_loop3A_196 {offsets = [15], sizes = [1], strides = [1]} : vector<16xf32> to vector<1xf32>
        %parallel_loop3A_201 = vector.extract %parallel_loop3A_200[0] : f32 from vector<1xf32>
        %parallel_loop3A_202 = vector.broadcast %parallel_loop3A_201 : f32 to vector<16xf32>
        %parallel_loop3A_203 = arith.addf %parallel_loop3A_199, %parallel_loop3A_202 : vector<16xf32>
        %parallel_loop3A_204 = vector.extract_strided_slice %parallel_loop3A_203 {offsets = [15], sizes = [1], strides = [1]} : vector<16xf32> to vector<1xf32>
        %parallel_loop3A_205 = vector.extract %parallel_loop3A_204[0] : f32 from vector<1xf32>
        %parallel_loop3A_206 = vector.broadcast %parallel_loop3A_205 : f32 to vector<16xf32>
        %parallel_loop3A_207 = arith.constant 1.000000e+00 : f32
        %parallel_loop3A_208 = vector.broadcast %parallel_loop3A_207 : f32 to vector<16xf32>
        %parallel_loop3A_209 = arith.divf %parallel_loop3A_208, %parallel_loop3A_206 : vector<16xf32>
        %parallel_loop3A_210 = arith.index_cast %parallel_loop3A_131 : i32 to index
        %parallel_loop3A_211 = tpu.vector_load %arg12[%parallel_loop3A_210] {strides = array<i32>} : memref<8192xf32, #tpu.memory_space<vmem>>, vector<16xf32>,
        tpu.vector_store %arg12[%parallel_loop3A_210], %parallel_loop3A_182 {strides = array<i32>} : memref<8192xf32, #tpu.memory_space<vmem>>, vector<16xf32>,
        %parallel_loop3A_212 = arith.constant 16 : i32
        %parallel_loop3A_213 = arith.addi %parallel_loop3A_131, %parallel_loop3A_212 : i32
        %parallel_loop3A_214 = arith.index_cast %parallel_loop3A_213 : i32 to index
        %parallel_loop3A_215 = tpu.vector_load %arg12[%parallel_loop3A_214] {strides = array<i32>} : memref<8192xf32, #tpu.memory_space<vmem>>, vector<16xf32>,
        tpu.vector_store %arg12[%parallel_loop3A_214], %parallel_loop3A_189 {strides = array<i32>} : memref<8192xf32, #tpu.memory_space<vmem>>, vector<16xf32>,
        %parallel_loop3A_216 = arith.constant 32 : i32
        %parallel_loop3A_217 = arith.addi %parallel_loop3A_131, %parallel_loop3A_216 : i32
        %parallel_loop3A_218 = arith.index_cast %parallel_loop3A_217 : i32 to index
        %parallel_loop3A_219 = tpu.vector_load %arg12[%parallel_loop3A_218] {strides = array<i32>} : memref<8192xf32, #tpu.memory_space<vmem>>, vector<16xf32>,
        tpu.vector_store %arg12[%parallel_loop3A_218], %parallel_loop3A_196 {strides = array<i32>} : memref<8192xf32, #tpu.memory_space<vmem>>, vector<16xf32>,
        %parallel_loop3A_220 = arith.constant 15 : i32
        %parallel_loop3A_221 = vector.broadcast %parallel_loop3A_220 : i32 to vector<16xi32>
        %parallel_loop3A_222 = arith.cmpi sge, %iota3A, %parallel_loop3A_221 : vector<16xi32>
        %parallel_loop3A_223 = arith.constant 0x7F800000 : f32
        %parallel_loop3A_224 = vector.broadcast %parallel_loop3A_223 : f32 to vector<16xf32>
        %parallel_loop3A_225 = arith.select %parallel_loop3A_222, %parallel_loop3A_224, %parallel_loop3A_203 : vector<16xi1>, vector<16xf32>
        %parallel_loop3A_226 = arith.constant 48 : i32
        %parallel_loop3A_227 = arith.addi %parallel_loop3A_131, %parallel_loop3A_226 : i32
        %parallel_loop3A_228 = arith.index_cast %parallel_loop3A_227 : i32 to index
        %parallel_loop3A_229 = tpu.vector_load %arg12[%parallel_loop3A_228] {strides = array<i32>} : memref<8192xf32, #tpu.memory_space<vmem>>, vector<16xf32>,
        tpu.vector_store %arg12[%parallel_loop3A_228], %parallel_loop3A_225 {strides = array<i32>} : memref<8192xf32, #tpu.memory_space<vmem>>, vector<16xf32>,
        %parallel_loop3A_230 = arith.constant 1 : i32
        %parallel_loop3A_231 = vector.broadcast %parallel_loop3A_230 : i32 to vector<16xi32>
        %parallel_loop3A_232 = arith.addi %iota3A, %parallel_loop3A_231 : vector<16xi32>
        %parallel_loop3A_233 = arith.constant 15 : i32
        %parallel_loop3A_234 = vector.broadcast %parallel_loop3A_233 : i32 to vector<16xi32>
        %parallel_loop3A_235 = arith.minsi %parallel_loop3A_232, %parallel_loop3A_234 : vector<16xi32>
        %parallel_loop3A_236 = vector.shape_cast %parallel_loop3A_235 : vector<16xi32> to vector<16x1xi32>
        %parallel_loop3A_237 = vector.shape_cast %parallel_loop3A_236 : vector<16x1xi32> to vector<16xi32>
        %parallel_loop3A_238 = tpu.dynamic_gather %parallel_loop3A_134[%parallel_loop3A_237] in [0] : vector<16xf32>, vector<16xi32> -> vector<16xf32>
        %parallel_loop3A_239 = arith.constant 15 : i32
        %parallel_loop3A_240 = vector.broadcast %parallel_loop3A_239 : i32 to vector<16xi32>
        %parallel_loop3A_241 = arith.cmpi sge, %iota3A, %parallel_loop3A_240 : vector<16xi32>
        %parallel_loop3A_242 = vector.extract_strided_slice %parallel_loop3A_137 {offsets = [0], sizes = [1], strides = [1]} : vector<16xf32> to vector<1xf32>
        %parallel_loop3A_243 = vector.extract %parallel_loop3A_242[0] : f32 from vector<1xf32>
        %parallel_loop3A_244 = vector.broadcast %parallel_loop3A_243 : f32 to vector<16xf32>
        %parallel_loop3A_245 = arith.select %parallel_loop3A_241, %parallel_loop3A_244, %parallel_loop3A_238 : vector<16xi1>, vector<16xf32>
        %parallel_loop3A_246 = arith.subf %parallel_loop3A_134, %parallel_loop3A_245 : vector<16xf32>
        %parallel_loop3A_247 = arith.constant 5.000000e-01 : f32
        %parallel_loop3A_248 = vector.broadcast %parallel_loop3A_247 : f32 to vector<16xf32>
        %parallel_loop3A_249 = arith.mulf %parallel_loop3A_248, %parallel_loop3A_246 : vector<16xf32>
        %parallel_loop3A_250 = arith.addf %parallel_loop3A_245, %parallel_loop3A_249 : vector<16xf32>
        %parallel_loop3A_251 = arith.constant 0 : i32
        %parallel_loop3A_252 = arith.addi %parallel_loop3A_131, %parallel_loop3A_251 : i32
        %parallel_loop3A_253 = arith.index_cast %parallel_loop3A_252 : i32 to index
        %parallel_loop3A_254 = tpu.vector_load %arg13[%parallel_loop3A_253] {strides = array<i32>} : memref<8192xf32, #tpu.memory_space<vmem>>, vector<16xf32>,
        tpu.vector_store %arg13[%parallel_loop3A_253], %parallel_loop3A_250 {strides = array<i32>} : memref<8192xf32, #tpu.memory_space<vmem>>, vector<16xf32>,
        %parallel_loop3A_255 = vector.shape_cast %parallel_loop3A_235 : vector<16xi32> to vector<16x1xi32>
        %parallel_loop3A_256 = vector.shape_cast %parallel_loop3A_255 : vector<16x1xi32> to vector<16xi32>
        %parallel_loop3A_257 = tpu.dynamic_gather %parallel_loop3A_137[%parallel_loop3A_256] in [0] : vector<16xf32>, vector<16xi32> -> vector<16xf32>
        %parallel_loop3A_258 = arith.constant 15 : i32
        %parallel_loop3A_259 = vector.broadcast %parallel_loop3A_258 : i32 to vector<16xi32>
        %parallel_loop3A_260 = arith.cmpi sge, %iota3A, %parallel_loop3A_259 : vector<16xi32>
        %parallel_loop3A_261 = vector.extract_strided_slice %parallel_loop3A_140 {offsets = [0], sizes = [1], strides = [1]} : vector<16xf32> to vector<1xf32>
        %parallel_loop3A_262 = vector.extract %parallel_loop3A_261[0] : f32 from vector<1xf32>
        %parallel_loop3A_263 = vector.broadcast %parallel_loop3A_262 : f32 to vector<16xf32>
        %parallel_loop3A_264 = arith.select %parallel_loop3A_260, %parallel_loop3A_263, %parallel_loop3A_257 : vector<16xi1>, vector<16xf32>
        %parallel_loop3A_265 = arith.subf %parallel_loop3A_137, %parallel_loop3A_264 : vector<16xf32>
        %parallel_loop3A_266 = arith.constant 5.000000e-01 : f32
        %parallel_loop3A_267 = vector.broadcast %parallel_loop3A_266 : f32 to vector<16xf32>
        %parallel_loop3A_268 = arith.mulf %parallel_loop3A_267, %parallel_loop3A_265 : vector<16xf32>
        %parallel_loop3A_269 = arith.addf %parallel_loop3A_264, %parallel_loop3A_268 : vector<16xf32>
        %parallel_loop3A_270 = arith.constant 16 : i32
        %parallel_loop3A_271 = arith.addi %parallel_loop3A_131, %parallel_loop3A_270 : i32
        %parallel_loop3A_272 = arith.index_cast %parallel_loop3A_271 : i32 to index
        %parallel_loop3A_273 = tpu.vector_load %arg13[%parallel_loop3A_272] {strides = array<i32>} : memref<8192xf32, #tpu.memory_space<vmem>>, vector<16xf32>,
        tpu.vector_store %arg13[%parallel_loop3A_272], %parallel_loop3A_269 {strides = array<i32>} : memref<8192xf32, #tpu.memory_space<vmem>>, vector<16xf32>,
        %parallel_loop3A_274 = vector.shape_cast %parallel_loop3A_235 : vector<16xi32> to vector<16x1xi32>
        %parallel_loop3A_275 = vector.shape_cast %parallel_loop3A_274 : vector<16x1xi32> to vector<16xi32>
        %parallel_loop3A_276 = tpu.dynamic_gather %parallel_loop3A_140[%parallel_loop3A_275] in [0] : vector<16xf32>, vector<16xi32> -> vector<16xf32>
        %parallel_loop3A_277 = arith.constant 15 : i32
        %parallel_loop3A_278 = vector.broadcast %parallel_loop3A_277 : i32 to vector<16xi32>
        %parallel_loop3A_279 = arith.cmpi sge, %iota3A, %parallel_loop3A_278 : vector<16xi32>
        %parallel_loop3A_280 = vector.extract_strided_slice %parallel_loop3A_143 {offsets = [0], sizes = [1], strides = [1]} : vector<16xf32> to vector<1xf32>
        %parallel_loop3A_281 = vector.extract %parallel_loop3A_280[0] : f32 from vector<1xf32>
        %parallel_loop3A_282 = vector.broadcast %parallel_loop3A_281 : f32 to vector<16xf32>
        %parallel_loop3A_283 = arith.select %parallel_loop3A_279, %parallel_loop3A_282, %parallel_loop3A_276 : vector<16xi1>, vector<16xf32>
        %parallel_loop3A_284 = arith.subf %parallel_loop3A_140, %parallel_loop3A_283 : vector<16xf32>
        %parallel_loop3A_285 = arith.constant 5.000000e-01 : f32
        %parallel_loop3A_286 = vector.broadcast %parallel_loop3A_285 : f32 to vector<16xf32>
        %parallel_loop3A_287 = arith.mulf %parallel_loop3A_286, %parallel_loop3A_284 : vector<16xf32>
        %parallel_loop3A_288 = arith.addf %parallel_loop3A_283, %parallel_loop3A_287 : vector<16xf32>
        %parallel_loop3A_289 = arith.constant 32 : i32
        %parallel_loop3A_290 = arith.addi %parallel_loop3A_131, %parallel_loop3A_289 : i32
        %parallel_loop3A_291 = arith.index_cast %parallel_loop3A_290 : i32 to index
        %parallel_loop3A_292 = tpu.vector_load %arg13[%parallel_loop3A_291] {strides = array<i32>} : memref<8192xf32, #tpu.memory_space<vmem>>, vector<16xf32>,
        tpu.vector_store %arg13[%parallel_loop3A_291], %parallel_loop3A_288 {strides = array<i32>} : memref<8192xf32, #tpu.memory_space<vmem>>, vector<16xf32>,
        %parallel_loop3A_293 = vector.shape_cast %parallel_loop3A_235 : vector<16xi32> to vector<16x1xi32>
        %parallel_loop3A_294 = vector.shape_cast %parallel_loop3A_293 : vector<16x1xi32> to vector<16xi32>
        %parallel_loop3A_295 = tpu.dynamic_gather %parallel_loop3A_143[%parallel_loop3A_294] in [0] : vector<16xf32>, vector<16xi32> -> vector<16xf32>
        %parallel_loop3A_296 = arith.subf %parallel_loop3A_143, %parallel_loop3A_295 : vector<16xf32>
        %parallel_loop3A_297 = arith.constant 5.000000e-01 : f32
        %parallel_loop3A_298 = vector.broadcast %parallel_loop3A_297 : f32 to vector<16xf32>
        %parallel_loop3A_299 = arith.mulf %parallel_loop3A_298, %parallel_loop3A_296 : vector<16xf32>
        %parallel_loop3A_300 = arith.addf %parallel_loop3A_295, %parallel_loop3A_299 : vector<16xf32>
        %parallel_loop3A_301 = arith.constant 48 : i32
        %parallel_loop3A_302 = arith.addi %parallel_loop3A_131, %parallel_loop3A_301 : i32
        %parallel_loop3A_303 = arith.index_cast %parallel_loop3A_302 : i32 to index
        %parallel_loop3A_304 = tpu.vector_load %arg13[%parallel_loop3A_303] {strides = array<i32>} : memref<8192xf32, #tpu.memory_space<vmem>>, vector<16xf32>,
        tpu.vector_store %arg13[%parallel_loop3A_303], %parallel_loop3A_300 {strides = array<i32>} : memref<8192xf32, #tpu.memory_space<vmem>>, vector<16xf32>,
        %parallel_loop3A_305 = vector.broadcast %parallel_loop3A_131 : i32 to vector<16xi32>
        %parallel_loop3A_306 = arith.constant 0 : i32
        %parallel_loop3A_307 = vector.broadcast %parallel_loop3A_306 : i32 to vector<16xi32>
        %parallel_loop3A_308 = arith.constant 1 : i32
        %parallel_loop3A_309 = vector.broadcast %parallel_loop3A_308 : i32 to vector<16xi32>
        %parallel_loop3A_310 = arith.constant 6.300000e+01 : f32
        %parallel_loop3A_311 = vector.broadcast %parallel_loop3A_310 : f32 to vector<16xf32>
        %parallel_loop3A_312 = arith.mulf %parallel_loop3A_209, %parallel_loop3A_311 : vector<16xf32>
        %parallel_loop3A_313 = arith.constant 0 : i32
        %parallel_loop3A_314 = arith.addi %parallel_loop3A_131, %parallel_loop3A_313 : i32
        %parallel_loop3A_315 = arith.index_cast %parallel_loop3A_314 : i32 to index
        %parallel_loop3A_316 = tpu.vector_load %arg14[%parallel_loop3A_315] {strides = array<i32>} : memref<8192xi32, #tpu.memory_space<vmem>>, vector<16xi32>,
        tpu.vector_store %arg14[%parallel_loop3A_315], %parallel_loop3A_307 {strides = array<i32>} : memref<8192xi32, #tpu.memory_space<vmem>>, vector<16xi32>,
        %parallel_loop3A_317 = arith.constant 16 : i32
        %parallel_loop3A_318 = arith.addi %parallel_loop3A_131, %parallel_loop3A_317 : i32
        %parallel_loop3A_319 = arith.index_cast %parallel_loop3A_318 : i32 to index
        %parallel_loop3A_320 = tpu.vector_load %arg14[%parallel_loop3A_319] {strides = array<i32>} : memref<8192xi32, #tpu.memory_space<vmem>>, vector<16xi32>,
        tpu.vector_store %arg14[%parallel_loop3A_319], %parallel_loop3A_307 {strides = array<i32>} : memref<8192xi32, #tpu.memory_space<vmem>>, vector<16xi32>,
        %parallel_loop3A_321 = arith.constant 32 : i32
        %parallel_loop3A_322 = arith.addi %parallel_loop3A_131, %parallel_loop3A_321 : i32
        %parallel_loop3A_323 = arith.index_cast %parallel_loop3A_322 : i32 to index
        %parallel_loop3A_324 = tpu.vector_load %arg14[%parallel_loop3A_323] {strides = array<i32>} : memref<8192xi32, #tpu.memory_space<vmem>>, vector<16xi32>,
        tpu.vector_store %arg14[%parallel_loop3A_323], %parallel_loop3A_307 {strides = array<i32>} : memref<8192xi32, #tpu.memory_space<vmem>>, vector<16xi32>,
        %parallel_loop3A_325 = arith.constant 48 : i32
        %parallel_loop3A_326 = arith.addi %parallel_loop3A_131, %parallel_loop3A_325 : i32
        %parallel_loop3A_327 = arith.index_cast %parallel_loop3A_326 : i32 to index
        %parallel_loop3A_328 = tpu.vector_load %arg14[%parallel_loop3A_327] {strides = array<i32>} : memref<8192xi32, #tpu.memory_space<vmem>>, vector<16xi32>,
        tpu.vector_store %arg14[%parallel_loop3A_327], %parallel_loop3A_307 {strides = array<i32>} : memref<8192xi32, #tpu.memory_space<vmem>>, vector<16xi32>,
        %parallel_loop3A_329 = arith.mulf %parallel_loop3A_182, %parallel_loop3A_312 : vector<16xf32>
        %parallel_loop3A_330 = arith.fptosi %parallel_loop3A_329 : vector<16xf32> to vector<16xi32>
        %parallel_loop3A_331 = arith.sitofp %parallel_loop3A_330 : vector<16xi32> to vector<16xf32>
        %parallel_loop3A_332 = arith.cmpf olt, %parallel_loop3A_331, %parallel_loop3A_329 : vector<16xf32>
        %parallel_loop3A_333 = arith.extui %parallel_loop3A_332 : vector<16xi1> to vector<16xi32>
        %parallel_loop3A_334 = arith.addi %parallel_loop3A_330, %parallel_loop3A_333 : vector<16xi32>
        %parallel_loop3A_335 = arith.constant 63 : i32
        %parallel_loop3A_336 = vector.broadcast %parallel_loop3A_335 : i32 to vector<16xi32>
        %parallel_loop3A_337 = arith.cmpi sle, %parallel_loop3A_334, %parallel_loop3A_336 : vector<16xi32>
        %parallel_loop3A_338 = arith.constant 1 : i32
        %parallel_loop3A_339 = vector.broadcast %parallel_loop3A_338 : i32 to vector<16xi32>
        %parallel_loop3A_340 = arith.cmpi sge, %iota3A, %parallel_loop3A_339 : vector<16xi32>
        %parallel_loop3A_341 = arith.andi %parallel_loop3A_337, %parallel_loop3A_340 : vector<16xi1>
        %parallel_loop3A_342 = arith.addi %parallel_loop3A_305, %parallel_loop3A_334 : vector<16xi32>
        tpu.vector_store_idx %arg14[%parallel_loop3A_342], %parallel_loop3A_309 masked %parallel_loop3A_341 {add = true} : memref<8192xi32, #tpu.memory_space<vmem>>[vector<16xi32>], vector<16xi32>, vector<16xi1>
        %parallel_loop3A_343 = arith.mulf %parallel_loop3A_189, %parallel_loop3A_312 : vector<16xf32>
        %parallel_loop3A_344 = arith.fptosi %parallel_loop3A_343 : vector<16xf32> to vector<16xi32>
        %parallel_loop3A_345 = arith.sitofp %parallel_loop3A_344 : vector<16xi32> to vector<16xf32>
        %parallel_loop3A_346 = arith.cmpf olt, %parallel_loop3A_345, %parallel_loop3A_343 : vector<16xf32>
        %parallel_loop3A_347 = arith.extui %parallel_loop3A_346 : vector<16xi1> to vector<16xi32>
        %parallel_loop3A_348 = arith.addi %parallel_loop3A_344, %parallel_loop3A_347 : vector<16xi32>
        %parallel_loop3A_349 = arith.constant 63 : i32
        %parallel_loop3A_350 = vector.broadcast %parallel_loop3A_349 : i32 to vector<16xi32>
        %parallel_loop3A_351 = arith.cmpi sle, %parallel_loop3A_348, %parallel_loop3A_350 : vector<16xi32>
        %parallel_loop3A_352 = arith.addi %parallel_loop3A_305, %parallel_loop3A_348 : vector<16xi32>
        tpu.vector_store_idx %arg14[%parallel_loop3A_352], %parallel_loop3A_309 masked %parallel_loop3A_351 {add = true} : memref<8192xi32, #tpu.memory_space<vmem>>[vector<16xi32>], vector<16xi32>, vector<16xi1>
        %parallel_loop3A_353 = arith.mulf %parallel_loop3A_196, %parallel_loop3A_312 : vector<16xf32>
        %parallel_loop3A_354 = arith.fptosi %parallel_loop3A_353 : vector<16xf32> to vector<16xi32>
        %parallel_loop3A_355 = arith.sitofp %parallel_loop3A_354 : vector<16xi32> to vector<16xf32>
        %parallel_loop3A_356 = arith.cmpf olt, %parallel_loop3A_355, %parallel_loop3A_353 : vector<16xf32>
        %parallel_loop3A_357 = arith.extui %parallel_loop3A_356 : vector<16xi1> to vector<16xi32>
        %parallel_loop3A_358 = arith.addi %parallel_loop3A_354, %parallel_loop3A_357 : vector<16xi32>
        %parallel_loop3A_359 = arith.constant 63 : i32
        %parallel_loop3A_360 = vector.broadcast %parallel_loop3A_359 : i32 to vector<16xi32>
        %parallel_loop3A_361 = arith.cmpi sle, %parallel_loop3A_358, %parallel_loop3A_360 : vector<16xi32>
        %parallel_loop3A_362 = arith.addi %parallel_loop3A_305, %parallel_loop3A_358 : vector<16xi32>
        tpu.vector_store_idx %arg14[%parallel_loop3A_362], %parallel_loop3A_309 masked %parallel_loop3A_361 {add = true} : memref<8192xi32, #tpu.memory_space<vmem>>[vector<16xi32>], vector<16xi32>, vector<16xi1>
        %parallel_loop3A_363 = arith.mulf %parallel_loop3A_203, %parallel_loop3A_312 : vector<16xf32>
        %parallel_loop3A_364 = arith.fptosi %parallel_loop3A_363 : vector<16xf32> to vector<16xi32>
        %parallel_loop3A_365 = arith.sitofp %parallel_loop3A_364 : vector<16xi32> to vector<16xf32>
        %parallel_loop3A_366 = arith.cmpf olt, %parallel_loop3A_365, %parallel_loop3A_363 : vector<16xf32>
        %parallel_loop3A_367 = arith.extui %parallel_loop3A_366 : vector<16xi1> to vector<16xi32>
        %parallel_loop3A_368 = arith.addi %parallel_loop3A_364, %parallel_loop3A_367 : vector<16xi32>
        %parallel_loop3A_369 = arith.constant 63 : i32
        %parallel_loop3A_370 = vector.broadcast %parallel_loop3A_369 : i32 to vector<16xi32>
        %parallel_loop3A_371 = arith.cmpi sle, %parallel_loop3A_368, %parallel_loop3A_370 : vector<16xi32>
        %parallel_loop3A_372 = arith.constant 14 : i32
        %parallel_loop3A_373 = vector.broadcast %parallel_loop3A_372 : i32 to vector<16xi32>
        %parallel_loop3A_374 = arith.cmpi sle, %iota3A, %parallel_loop3A_373 : vector<16xi32>
        %parallel_loop3A_375 = arith.andi %parallel_loop3A_371, %parallel_loop3A_374 : vector<16xi1>
        %parallel_loop3A_376 = arith.addi %parallel_loop3A_305, %parallel_loop3A_368 : vector<16xi32>
        tpu.vector_store_idx %arg14[%parallel_loop3A_376], %parallel_loop3A_309 masked %parallel_loop3A_375 {add = true} : memref<8192xi32, #tpu.memory_space<vmem>>[vector<16xi32>], vector<16xi32>, vector<16xi1>
        %parallel_loop3A_377 = arith.index_cast %parallel_loop3A_131 : i32 to index
        %parallel_loop3A_378 = tpu.vector_load %arg14[%parallel_loop3A_377] {strides = array<i32>} : memref<8192xi32, #tpu.memory_space<vmem>>, vector<16xi32>,
        %parallel_loop3A_379 = arith.constant true
        %parallel_loop3A_380 = vector.broadcast %parallel_loop3A_379 : i1 to vector<16xi1>
        %parallel_loop3A_381 = tpu.scan <sum>, %parallel_loop3A_378 masked %parallel_loop3A_380 : vector<16xi32>, vector<16xi1> -> vector<16xi32>
        %parallel_loop3A_382 = arith.constant 16 : i32
        %parallel_loop3A_383 = arith.addi %parallel_loop3A_131, %parallel_loop3A_382 : i32
        %parallel_loop3A_384 = arith.index_cast %parallel_loop3A_383 : i32 to index
        %parallel_loop3A_385 = tpu.vector_load %arg14[%parallel_loop3A_384] {strides = array<i32>} : memref<8192xi32, #tpu.memory_space<vmem>>, vector<16xi32>,
        %parallel_loop3A_386 = arith.constant true
        %parallel_loop3A_387 = vector.broadcast %parallel_loop3A_386 : i1 to vector<16xi1>
        %parallel_loop3A_388 = tpu.scan <sum>, %parallel_loop3A_385 masked %parallel_loop3A_387 : vector<16xi32>, vector<16xi1> -> vector<16xi32>
        %parallel_loop3A_389 = vector.extract_strided_slice %parallel_loop3A_381 {offsets = [15], sizes = [1], strides = [1]} : vector<16xi32> to vector<1xi32>
        %parallel_loop3A_390 = vector.extract %parallel_loop3A_389[0] : i32 from vector<1xi32>
        %parallel_loop3A_391 = vector.broadcast %parallel_loop3A_390 : i32 to vector<16xi32>
        %parallel_loop3A_392 = arith.addi %parallel_loop3A_388, %parallel_loop3A_391 : vector<16xi32>
        %parallel_loop3A_393 = arith.constant 32 : i32
        %parallel_loop3A_394 = arith.addi %parallel_loop3A_131, %parallel_loop3A_393 : i32
        %parallel_loop3A_395 = arith.index_cast %parallel_loop3A_394 : i32 to index
        %parallel_loop3A_396 = tpu.vector_load %arg14[%parallel_loop3A_395] {strides = array<i32>} : memref<8192xi32, #tpu.memory_space<vmem>>, vector<16xi32>,
        %parallel_loop3A_397 = arith.constant true
        %parallel_loop3A_398 = vector.broadcast %parallel_loop3A_397 : i1 to vector<16xi1>
        %parallel_loop3A_399 = tpu.scan <sum>, %parallel_loop3A_396 masked %parallel_loop3A_398 : vector<16xi32>, vector<16xi1> -> vector<16xi32>
        %parallel_loop3A_400 = vector.extract_strided_slice %parallel_loop3A_392 {offsets = [15], sizes = [1], strides = [1]} : vector<16xi32> to vector<1xi32>
        %parallel_loop3A_401 = vector.extract %parallel_loop3A_400[0] : i32 from vector<1xi32>
        %parallel_loop3A_402 = vector.broadcast %parallel_loop3A_401 : i32 to vector<16xi32>
        %parallel_loop3A_403 = arith.addi %parallel_loop3A_399, %parallel_loop3A_402 : vector<16xi32>
        %parallel_loop3A_404 = arith.constant 48 : i32
        %parallel_loop3A_405 = arith.addi %parallel_loop3A_131, %parallel_loop3A_404 : i32
        %parallel_loop3A_406 = arith.index_cast %parallel_loop3A_405 : i32 to index
        %parallel_loop3A_407 = tpu.vector_load %arg14[%parallel_loop3A_406] {strides = array<i32>} : memref<8192xi32, #tpu.memory_space<vmem>>, vector<16xi32>,
        %parallel_loop3A_408 = arith.constant true
        %parallel_loop3A_409 = vector.broadcast %parallel_loop3A_408 : i1 to vector<16xi1>
        %parallel_loop3A_410 = tpu.scan <sum>, %parallel_loop3A_407 masked %parallel_loop3A_409 : vector<16xi32>, vector<16xi1> -> vector<16xi32>
        %parallel_loop3A_411 = vector.extract_strided_slice %parallel_loop3A_403 {offsets = [15], sizes = [1], strides = [1]} : vector<16xi32> to vector<1xi32>
        %parallel_loop3A_412 = vector.extract %parallel_loop3A_411[0] : i32 from vector<1xi32>
        %parallel_loop3A_413 = vector.broadcast %parallel_loop3A_412 : i32 to vector<16xi32>
        %parallel_loop3A_414 = arith.addi %parallel_loop3A_410, %parallel_loop3A_413 : vector<16xi32>
        %parallel_loop3A_415 = arith.addi %parallel_loop3A_381, %parallel_loop3A_305 : vector<16xi32>
        %parallel_loop3A_416 = arith.addi %parallel_loop3A_392, %parallel_loop3A_305 : vector<16xi32>
        %parallel_loop3A_417 = arith.addi %parallel_loop3A_403, %parallel_loop3A_305 : vector<16xi32>
        %parallel_loop3A_418 = arith.addi %parallel_loop3A_414, %parallel_loop3A_305 : vector<16xi32>
        %parallel_loop3A_419 = vector.broadcast %parallel_loop3A_205 : f32 to vector<16xf32>
        %parallel_loop3A_420 = arith.mulf %get3A_1, %parallel_loop3A_419 : vector<16xf32>
        %parallel_loop3A_421 = arith.constant 1 : i32
        %parallel_loop3A_422 = vector.broadcast %parallel_loop3A_421 : i32 to vector<16xi32>
        %parallel_loop3A_423 = arith.addi %parallel_loop3A_415, %parallel_loop3A_422 : vector<16xi32>
        %parallel_loop3A_424 = tpu.vector_load_idx %arg12[%parallel_loop3A_415] : memref<8192xf32, #tpu.memory_space<vmem>>[vector<16xi32>], vector<16xf32>,
        %parallel_loop3A_425 = tpu.vector_load_idx %arg12[%parallel_loop3A_423] : memref<8192xf32, #tpu.memory_space<vmem>>[vector<16xi32>], vector<16xf32>,
        %parallel_loop3A_426 = tpu.vector_load_idx %arg13[%parallel_loop3A_415] : memref<8192xf32, #tpu.memory_space<vmem>>[vector<16xi32>], vector<16xf32>,
        %parallel_loop3A_427 = tpu.vector_load_idx %arg13[%parallel_loop3A_423] : memref<8192xf32, #tpu.memory_space<vmem>>[vector<16xi32>], vector<16xf32>,
        %parallel_loop3A_428 = arith.subf %parallel_loop3A_425, %parallel_loop3A_424 : vector<16xf32>
        %parallel_loop3A_429 = arith.mulf %parallel_loop3A_428, %parallel_loop3A_209 : vector<16xf32>
        %parallel_loop3A_430 = arith.subf %parallel_loop3A_420, %parallel_loop3A_424 : vector<16xf32>
        %parallel_loop3A_431 = arith.mulf %parallel_loop3A_430, %parallel_loop3A_209 : vector<16xf32>
        %parallel_loop3A_432 = arith.constant 9.99999974E-6 : f32
        %parallel_loop3A_433 = vector.broadcast %parallel_loop3A_432 : f32 to vector<16xf32>
        %parallel_loop3A_434 = arith.cmpf olt, %parallel_loop3A_429, %parallel_loop3A_433 : vector<16xf32>
        %parallel_loop3A_435 = arith.divf %parallel_loop3A_431, %parallel_loop3A_429 : vector<16xf32>
        %parallel_loop3A_436 = arith.select %parallel_loop3A_434, %parallel_loop3A_431, %parallel_loop3A_435 : vector<16xi1>, vector<16xf32>
        %parallel_loop3A_437 = arith.subf %parallel_loop3A_427, %parallel_loop3A_426 : vector<16xf32>
        %parallel_loop3A_438 = arith.mulf %parallel_loop3A_436, %parallel_loop3A_437 : vector<16xf32>
        %parallel_loop3A_439 = arith.addf %parallel_loop3A_426, %parallel_loop3A_438 : vector<16xf32>
        %parallel_loop3A_440 = vector.broadcast %parallel_loop3A_205 : f32 to vector<16xf32>
        %parallel_loop3A_441 = arith.mulf %get3A_3, %parallel_loop3A_440 : vector<16xf32>
        %parallel_loop3A_442 = arith.constant 1 : i32
        %parallel_loop3A_443 = vector.broadcast %parallel_loop3A_442 : i32 to vector<16xi32>
        %parallel_loop3A_444 = arith.addi %parallel_loop3A_416, %parallel_loop3A_443 : vector<16xi32>
        %parallel_loop3A_445 = tpu.vector_load_idx %arg12[%parallel_loop3A_416] : memref<8192xf32, #tpu.memory_space<vmem>>[vector<16xi32>], vector<16xf32>,
        %parallel_loop3A_446 = tpu.vector_load_idx %arg12[%parallel_loop3A_444] : memref<8192xf32, #tpu.memory_space<vmem>>[vector<16xi32>], vector<16xf32>,
        %parallel_loop3A_447 = tpu.vector_load_idx %arg13[%parallel_loop3A_416] : memref<8192xf32, #tpu.memory_space<vmem>>[vector<16xi32>], vector<16xf32>,
        %parallel_loop3A_448 = tpu.vector_load_idx %arg13[%parallel_loop3A_444] : memref<8192xf32, #tpu.memory_space<vmem>>[vector<16xi32>], vector<16xf32>,
        %parallel_loop3A_449 = arith.subf %parallel_loop3A_446, %parallel_loop3A_445 : vector<16xf32>
        %parallel_loop3A_450 = arith.mulf %parallel_loop3A_449, %parallel_loop3A_209 : vector<16xf32>
        %parallel_loop3A_451 = arith.subf %parallel_loop3A_441, %parallel_loop3A_445 : vector<16xf32>
        %parallel_loop3A_452 = arith.mulf %parallel_loop3A_451, %parallel_loop3A_209 : vector<16xf32>
        %parallel_loop3A_453 = arith.constant 9.99999974E-6 : f32
        %parallel_loop3A_454 = vector.broadcast %parallel_loop3A_453 : f32 to vector<16xf32>
        %parallel_loop3A_455 = arith.cmpf olt, %parallel_loop3A_450, %parallel_loop3A_454 : vector<16xf32>
        %parallel_loop3A_456 = arith.divf %parallel_loop3A_452, %parallel_loop3A_450 : vector<16xf32>
        %parallel_loop3A_457 = arith.select %parallel_loop3A_455, %parallel_loop3A_452, %parallel_loop3A_456 : vector<16xi1>, vector<16xf32>
        %parallel_loop3A_458 = arith.subf %parallel_loop3A_448, %parallel_loop3A_447 : vector<16xf32>
        %parallel_loop3A_459 = arith.mulf %parallel_loop3A_457, %parallel_loop3A_458 : vector<16xf32>
        %parallel_loop3A_460 = arith.addf %parallel_loop3A_447, %parallel_loop3A_459 : vector<16xf32>
        %parallel_loop3A_461 = vector.broadcast %parallel_loop3A_205 : f32 to vector<16xf32>
        %parallel_loop3A_462 = arith.mulf %get3A_5, %parallel_loop3A_461 : vector<16xf32>
        %parallel_loop3A_463 = arith.constant 1 : i32
        %parallel_loop3A_464 = vector.broadcast %parallel_loop3A_463 : i32 to vector<16xi32>
        %parallel_loop3A_465 = arith.addi %parallel_loop3A_417, %parallel_loop3A_464 : vector<16xi32>
        %parallel_loop3A_466 = tpu.vector_load_idx %arg12[%parallel_loop3A_417] : memref<8192xf32, #tpu.memory_space<vmem>>[vector<16xi32>], vector<16xf32>,
        %parallel_loop3A_467 = tpu.vector_load_idx %arg12[%parallel_loop3A_465] : memref<8192xf32, #tpu.memory_space<vmem>>[vector<16xi32>], vector<16xf32>,
        %parallel_loop3A_468 = tpu.vector_load_idx %arg13[%parallel_loop3A_417] : memref<8192xf32, #tpu.memory_space<vmem>>[vector<16xi32>], vector<16xf32>,
        %parallel_loop3A_469 = tpu.vector_load_idx %arg13[%parallel_loop3A_465] : memref<8192xf32, #tpu.memory_space<vmem>>[vector<16xi32>], vector<16xf32>,
        %parallel_loop3A_470 = arith.subf %parallel_loop3A_467, %parallel_loop3A_466 : vector<16xf32>
        %parallel_loop3A_471 = arith.mulf %parallel_loop3A_470, %parallel_loop3A_209 : vector<16xf32>
        %parallel_loop3A_472 = arith.subf %parallel_loop3A_462, %parallel_loop3A_466 : vector<16xf32>
        %parallel_loop3A_473 = arith.mulf %parallel_loop3A_472, %parallel_loop3A_209 : vector<16xf32>
        %parallel_loop3A_474 = arith.constant 9.99999974E-6 : f32
        %parallel_loop3A_475 = vector.broadcast %parallel_loop3A_474 : f32 to vector<16xf32>
        %parallel_loop3A_476 = arith.cmpf olt, %parallel_loop3A_471, %parallel_loop3A_475 : vector<16xf32>
        %parallel_loop3A_477 = arith.divf %parallel_loop3A_473, %parallel_loop3A_471 : vector<16xf32>
        %parallel_loop3A_478 = arith.select %parallel_loop3A_476, %parallel_loop3A_473, %parallel_loop3A_477 : vector<16xi1>, vector<16xf32>
        %parallel_loop3A_479 = arith.subf %parallel_loop3A_469, %parallel_loop3A_468 : vector<16xf32>
        %parallel_loop3A_480 = arith.mulf %parallel_loop3A_478, %parallel_loop3A_479 : vector<16xf32>
        %parallel_loop3A_481 = arith.addf %parallel_loop3A_468, %parallel_loop3A_480 : vector<16xf32>
        %parallel_loop3A_482 = vector.broadcast %parallel_loop3A_205 : f32 to vector<16xf32>
        %parallel_loop3A_483 = arith.mulf %get3A_7, %parallel_loop3A_482 : vector<16xf32>
        %parallel_loop3A_484 = arith.constant 1 : i32
        %parallel_loop3A_485 = vector.broadcast %parallel_loop3A_484 : i32 to vector<16xi32>
        %parallel_loop3A_486 = arith.addi %parallel_loop3A_418, %parallel_loop3A_485 : vector<16xi32>
        %parallel_loop3A_487 = tpu.vector_load_idx %arg12[%parallel_loop3A_418] : memref<8192xf32, #tpu.memory_space<vmem>>[vector<16xi32>], vector<16xf32>,
        %parallel_loop3A_488 = tpu.vector_load_idx %arg12[%parallel_loop3A_486] : memref<8192xf32, #tpu.memory_space<vmem>>[vector<16xi32>], vector<16xf32>,
        %parallel_loop3A_489 = tpu.vector_load_idx %arg13[%parallel_loop3A_418] : memref<8192xf32, #tpu.memory_space<vmem>>[vector<16xi32>], vector<16xf32>,
        %parallel_loop3A_490 = tpu.vector_load_idx %arg13[%parallel_loop3A_486] : memref<8192xf32, #tpu.memory_space<vmem>>[vector<16xi32>], vector<16xf32>,
        %parallel_loop3A_491 = arith.subf %parallel_loop3A_488, %parallel_loop3A_487 : vector<16xf32>
        %parallel_loop3A_492 = arith.mulf %parallel_loop3A_491, %parallel_loop3A_209 : vector<16xf32>
        %parallel_loop3A_493 = arith.subf %parallel_loop3A_483, %parallel_loop3A_487 : vector<16xf32>
        %parallel_loop3A_494 = arith.mulf %parallel_loop3A_493, %parallel_loop3A_209 : vector<16xf32>
        %parallel_loop3A_495 = arith.constant 9.99999974E-6 : f32
        %parallel_loop3A_496 = vector.broadcast %parallel_loop3A_495 : f32 to vector<16xf32>
        %parallel_loop3A_497 = arith.cmpf olt, %parallel_loop3A_492, %parallel_loop3A_496 : vector<16xf32>
        %parallel_loop3A_498 = arith.divf %parallel_loop3A_494, %parallel_loop3A_492 : vector<16xf32>
        %parallel_loop3A_499 = arith.select %parallel_loop3A_497, %parallel_loop3A_494, %parallel_loop3A_498 : vector<16xi1>, vector<16xf32>
        %parallel_loop3A_500 = arith.subf %parallel_loop3A_490, %parallel_loop3A_489 : vector<16xf32>
        %parallel_loop3A_501 = arith.mulf %parallel_loop3A_499, %parallel_loop3A_500 : vector<16xf32>
        %parallel_loop3A_502 = arith.addf %parallel_loop3A_489, %parallel_loop3A_501 : vector<16xf32>
        %parallel_loop3A_503 = arith.constant dense<true> : vector<16xi1>
        %parallel_loop3A_504, %parallel_loop3A_505, %parallel_loop3A_506 = tpu.sort %parallel_loop3A_134, %parallel_loop3A_134 masked %parallel_loop3A_503 : (vector<16xf32>, vector<16xf32>, vector<16xi1>) -> (vector<16xi1>, vector<16xf32>, vector<16xf32>)
        %parallel_loop3A_507 = arith.constant dense<true> : vector<16xi1>
        %parallel_loop3A_508, %parallel_loop3A_509, %parallel_loop3A_510 = tpu.sort %parallel_loop3A_137, %parallel_loop3A_137 masked %parallel_loop3A_507 : (vector<16xf32>, vector<16xf32>, vector<16xi1>) -> (vector<16xi1>, vector<16xf32>, vector<16xf32>)
        %parallel_loop3A_511 = arith.constant dense<true> : vector<16xi1>
        %parallel_loop3A_512, %parallel_loop3A_513, %parallel_loop3A_514 = tpu.sort %parallel_loop3A_140, %parallel_loop3A_140 masked %parallel_loop3A_511 : (vector<16xf32>, vector<16xf32>, vector<16xi1>) -> (vector<16xi1>, vector<16xf32>, vector<16xf32>)
        %parallel_loop3A_515 = arith.constant dense<true> : vector<16xi1>
        %parallel_loop3A_516, %parallel_loop3A_517, %parallel_loop3A_518 = tpu.sort %parallel_loop3A_143, %parallel_loop3A_143 masked %parallel_loop3A_515 : (vector<16xf32>, vector<16xf32>, vector<16xi1>) -> (vector<16xi1>, vector<16xf32>, vector<16xf32>)
        %parallel_loop3A_519 = arith.constant dense<true> : vector<16xi1>
        %parallel_loop3A_520, %parallel_loop3A_521, %parallel_loop3A_522 = tpu.sort %parallel_loop3A_439, %parallel_loop3A_439 masked %parallel_loop3A_519 : (vector<16xf32>, vector<16xf32>, vector<16xi1>) -> (vector<16xi1>, vector<16xf32>, vector<16xf32>)
        %parallel_loop3A_523 = arith.constant dense<true> : vector<16xi1>
        %parallel_loop3A_524, %parallel_loop3A_525, %parallel_loop3A_526 = tpu.sort %parallel_loop3A_460, %parallel_loop3A_460 masked %parallel_loop3A_523 : (vector<16xf32>, vector<16xf32>, vector<16xi1>) -> (vector<16xi1>, vector<16xf32>, vector<16xf32>)
        %parallel_loop3A_527 = arith.constant dense<true> : vector<16xi1>
        %parallel_loop3A_528, %parallel_loop3A_529, %parallel_loop3A_530 = tpu.sort %parallel_loop3A_481, %parallel_loop3A_481 masked %parallel_loop3A_527 : (vector<16xf32>, vector<16xf32>, vector<16xi1>) -> (vector<16xi1>, vector<16xf32>, vector<16xf32>)
        %parallel_loop3A_531 = arith.constant dense<true> : vector<16xi1>
        %parallel_loop3A_532, %parallel_loop3A_533, %parallel_loop3A_534 = tpu.sort %parallel_loop3A_502, %parallel_loop3A_502 masked %parallel_loop3A_531 : (vector<16xf32>, vector<16xf32>, vector<16xi1>) -> (vector<16xi1>, vector<16xf32>, vector<16xf32>)
        %parallel_loop3A_535 = arith.constant 15 : i32
        %parallel_loop3A_536 = vector.broadcast %parallel_loop3A_535 : i32 to vector<16xi32>
        %parallel_loop3A_537 = tpu.iota {dimensions = array<i32: 0>} : vector<16xi32>
        %parallel_loop3A_538 = arith.subi %parallel_loop3A_536, %parallel_loop3A_537 : vector<16xi32>
        %parallel_loop3A_539 = tpu.dynamic_gather %parallel_loop3A_509[%parallel_loop3A_538] in [0] : vector<16xf32>, vector<16xi32> -> vector<16xf32>
        %parallel_loop3A_540 = arith.minimumf %parallel_loop3A_505, %parallel_loop3A_539 : vector<16xf32>
        %parallel_loop3A_541 = arith.constant dense<true> : vector<16xi1>
        %parallel_loop3A_542, %parallel_loop3A_543, %parallel_loop3A_544 = tpu.sort %parallel_loop3A_540, %parallel_loop3A_540 masked %parallel_loop3A_541 : (vector<16xf32>, vector<16xf32>, vector<16xi1>) -> (vector<16xi1>, vector<16xf32>, vector<16xf32>)
        %parallel_loop3A_545 = arith.maximumf %parallel_loop3A_505, %parallel_loop3A_539 : vector<16xf32>
        %parallel_loop3A_546 = arith.constant dense<true> : vector<16xi1>
        %parallel_loop3A_547, %parallel_loop3A_548, %parallel_loop3A_549 = tpu.sort %parallel_loop3A_545, %parallel_loop3A_545 masked %parallel_loop3A_546 : (vector<16xf32>, vector<16xf32>, vector<16xi1>) -> (vector<16xi1>, vector<16xf32>, vector<16xf32>)
        %parallel_loop3A_550 = arith.constant 15 : i32
        %parallel_loop3A_551 = vector.broadcast %parallel_loop3A_550 : i32 to vector<16xi32>
        %parallel_loop3A_552 = tpu.iota {dimensions = array<i32: 0>} : vector<16xi32>
        %parallel_loop3A_553 = arith.subi %parallel_loop3A_551, %parallel_loop3A_552 : vector<16xi32>
        %parallel_loop3A_554 = tpu.dynamic_gather %parallel_loop3A_517[%parallel_loop3A_553] in [0] : vector<16xf32>, vector<16xi32> -> vector<16xf32>
        %parallel_loop3A_555 = arith.minimumf %parallel_loop3A_513, %parallel_loop3A_554 : vector<16xf32>
        %parallel_loop3A_556 = arith.constant dense<true> : vector<16xi1>
        %parallel_loop3A_557, %parallel_loop3A_558, %parallel_loop3A_559 = tpu.sort %parallel_loop3A_555, %parallel_loop3A_555 masked %parallel_loop3A_556 : (vector<16xf32>, vector<16xf32>, vector<16xi1>) -> (vector<16xi1>, vector<16xf32>, vector<16xf32>)
        %parallel_loop3A_560 = arith.maximumf %parallel_loop3A_513, %parallel_loop3A_554 : vector<16xf32>
        %parallel_loop3A_561 = arith.constant dense<true> : vector<16xi1>
        %parallel_loop3A_562, %parallel_loop3A_563, %parallel_loop3A_564 = tpu.sort %parallel_loop3A_560, %parallel_loop3A_560 masked %parallel_loop3A_561 : (vector<16xf32>, vector<16xf32>, vector<16xi1>) -> (vector<16xi1>, vector<16xf32>, vector<16xf32>)
        %parallel_loop3A_565 = arith.constant 15 : i32
        %parallel_loop3A_566 = vector.broadcast %parallel_loop3A_565 : i32 to vector<16xi32>
        %parallel_loop3A_567 = tpu.iota {dimensions = array<i32: 0>} : vector<16xi32>
        %parallel_loop3A_568 = arith.subi %parallel_loop3A_566, %parallel_loop3A_567 : vector<16xi32>
        %parallel_loop3A_569 = tpu.dynamic_gather %parallel_loop3A_563[%parallel_loop3A_568] in [0] : vector<16xf32>, vector<16xi32> -> vector<16xf32>
        %parallel_loop3A_570 = arith.constant 15 : i32
        %parallel_loop3A_571 = vector.broadcast %parallel_loop3A_570 : i32 to vector<16xi32>
        %parallel_loop3A_572 = tpu.iota {dimensions = array<i32: 0>} : vector<16xi32>
        %parallel_loop3A_573 = arith.subi %parallel_loop3A_571, %parallel_loop3A_572 : vector<16xi32>
        %parallel_loop3A_574 = tpu.dynamic_gather %parallel_loop3A_558[%parallel_loop3A_573] in [0] : vector<16xf32>, vector<16xi32> -> vector<16xf32>
        %parallel_loop3A_575 = arith.minimumf %parallel_loop3A_543, %parallel_loop3A_569 : vector<16xf32>
        %parallel_loop3A_576 = arith.minimumf %parallel_loop3A_548, %parallel_loop3A_574 : vector<16xf32>
        %parallel_loop3A_577 = arith.minimumf %parallel_loop3A_575, %parallel_loop3A_576 : vector<16xf32>
        %parallel_loop3A_578 = arith.constant dense<true> : vector<16xi1>
        %parallel_loop3A_579, %parallel_loop3A_580, %parallel_loop3A_581 = tpu.sort %parallel_loop3A_577, %parallel_loop3A_577 masked %parallel_loop3A_578 : (vector<16xf32>, vector<16xf32>, vector<16xi1>) -> (vector<16xi1>, vector<16xf32>, vector<16xf32>)
        %parallel_loop3A_582 = arith.maximumf %parallel_loop3A_575, %parallel_loop3A_576 : vector<16xf32>
        %parallel_loop3A_583 = arith.constant dense<true> : vector<16xi1>
        %parallel_loop3A_584, %parallel_loop3A_585, %parallel_loop3A_586 = tpu.sort %parallel_loop3A_582, %parallel_loop3A_582 masked %parallel_loop3A_583 : (vector<16xf32>, vector<16xf32>, vector<16xi1>) -> (vector<16xi1>, vector<16xf32>, vector<16xf32>)
        %parallel_loop3A_587 = arith.maximumf %parallel_loop3A_543, %parallel_loop3A_569 : vector<16xf32>
        %parallel_loop3A_588 = arith.maximumf %parallel_loop3A_548, %parallel_loop3A_574 : vector<16xf32>
        %parallel_loop3A_589 = arith.minimumf %parallel_loop3A_587, %parallel_loop3A_588 : vector<16xf32>
        %parallel_loop3A_590 = arith.constant dense<true> : vector<16xi1>
        %parallel_loop3A_591, %parallel_loop3A_592, %parallel_loop3A_593 = tpu.sort %parallel_loop3A_589, %parallel_loop3A_589 masked %parallel_loop3A_590 : (vector<16xf32>, vector<16xf32>, vector<16xi1>) -> (vector<16xi1>, vector<16xf32>, vector<16xf32>)
        %parallel_loop3A_594 = arith.maximumf %parallel_loop3A_587, %parallel_loop3A_588 : vector<16xf32>
        %parallel_loop3A_595 = arith.constant dense<true> : vector<16xi1>
        %parallel_loop3A_596, %parallel_loop3A_597, %parallel_loop3A_598 = tpu.sort %parallel_loop3A_594, %parallel_loop3A_594 masked %parallel_loop3A_595 : (vector<16xf32>, vector<16xf32>, vector<16xi1>) -> (vector<16xi1>, vector<16xf32>, vector<16xf32>)
        %parallel_loop3A_599 = arith.constant 15 : i32
        %parallel_loop3A_600 = vector.broadcast %parallel_loop3A_599 : i32 to vector<16xi32>
        %parallel_loop3A_601 = tpu.iota {dimensions = array<i32: 0>} : vector<16xi32>
        %parallel_loop3A_602 = arith.subi %parallel_loop3A_600, %parallel_loop3A_601 : vector<16xi32>
        %parallel_loop3A_603 = tpu.dynamic_gather %parallel_loop3A_525[%parallel_loop3A_602] in [0] : vector<16xf32>, vector<16xi32> -> vector<16xf32>
        %parallel_loop3A_604 = arith.minimumf %parallel_loop3A_521, %parallel_loop3A_603 : vector<16xf32>
        %parallel_loop3A_605 = arith.constant dense<true> : vector<16xi1>
        %parallel_loop3A_606, %parallel_loop3A_607, %parallel_loop3A_608 = tpu.sort %parallel_loop3A_604, %parallel_loop3A_604 masked %parallel_loop3A_605 : (vector<16xf32>, vector<16xf32>, vector<16xi1>) -> (vector<16xi1>, vector<16xf32>, vector<16xf32>)
        %parallel_loop3A_609 = arith.maximumf %parallel_loop3A_521, %parallel_loop3A_603 : vector<16xf32>
        %parallel_loop3A_610 = arith.constant dense<true> : vector<16xi1>
        %parallel_loop3A_611, %parallel_loop3A_612, %parallel_loop3A_613 = tpu.sort %parallel_loop3A_609, %parallel_loop3A_609 masked %parallel_loop3A_610 : (vector<16xf32>, vector<16xf32>, vector<16xi1>) -> (vector<16xi1>, vector<16xf32>, vector<16xf32>)
        %parallel_loop3A_614 = arith.constant 15 : i32
        %parallel_loop3A_615 = vector.broadcast %parallel_loop3A_614 : i32 to vector<16xi32>
        %parallel_loop3A_616 = tpu.iota {dimensions = array<i32: 0>} : vector<16xi32>
        %parallel_loop3A_617 = arith.subi %parallel_loop3A_615, %parallel_loop3A_616 : vector<16xi32>
        %parallel_loop3A_618 = tpu.dynamic_gather %parallel_loop3A_533[%parallel_loop3A_617] in [0] : vector<16xf32>, vector<16xi32> -> vector<16xf32>
        %parallel_loop3A_619 = arith.minimumf %parallel_loop3A_529, %parallel_loop3A_618 : vector<16xf32>
        %parallel_loop3A_620 = arith.constant dense<true> : vector<16xi1>
        %parallel_loop3A_621, %parallel_loop3A_622, %parallel_loop3A_623 = tpu.sort %parallel_loop3A_619, %parallel_loop3A_619 masked %parallel_loop3A_620 : (vector<16xf32>, vector<16xf32>, vector<16xi1>) -> (vector<16xi1>, vector<16xf32>, vector<16xf32>)
        %parallel_loop3A_624 = arith.maximumf %parallel_loop3A_529, %parallel_loop3A_618 : vector<16xf32>
        %parallel_loop3A_625 = arith.constant dense<true> : vector<16xi1>
        %parallel_loop3A_626, %parallel_loop3A_627, %parallel_loop3A_628 = tpu.sort %parallel_loop3A_624, %parallel_loop3A_624 masked %parallel_loop3A_625 : (vector<16xf32>, vector<16xf32>, vector<16xi1>) -> (vector<16xi1>, vector<16xf32>, vector<16xf32>)
        %parallel_loop3A_629 = arith.constant 15 : i32
        %parallel_loop3A_630 = vector.broadcast %parallel_loop3A_629 : i32 to vector<16xi32>
        %parallel_loop3A_631 = tpu.iota {dimensions = array<i32: 0>} : vector<16xi32>
        %parallel_loop3A_632 = arith.subi %parallel_loop3A_630, %parallel_loop3A_631 : vector<16xi32>
        %parallel_loop3A_633 = tpu.dynamic_gather %parallel_loop3A_627[%parallel_loop3A_632] in [0] : vector<16xf32>, vector<16xi32> -> vector<16xf32>
        %parallel_loop3A_634 = arith.constant 15 : i32
        %parallel_loop3A_635 = vector.broadcast %parallel_loop3A_634 : i32 to vector<16xi32>
        %parallel_loop3A_636 = tpu.iota {dimensions = array<i32: 0>} : vector<16xi32>
        %parallel_loop3A_637 = arith.subi %parallel_loop3A_635, %parallel_loop3A_636 : vector<16xi32>
        %parallel_loop3A_638 = tpu.dynamic_gather %parallel_loop3A_622[%parallel_loop3A_637] in [0] : vector<16xf32>, vector<16xi32> -> vector<16xf32>
        %parallel_loop3A_639 = arith.minimumf %parallel_loop3A_607, %parallel_loop3A_633 : vector<16xf32>
        %parallel_loop3A_640 = arith.minimumf %parallel_loop3A_612, %parallel_loop3A_638 : vector<16xf32>
        %parallel_loop3A_641 = arith.minimumf %parallel_loop3A_639, %parallel_loop3A_640 : vector<16xf32>
        %parallel_loop3A_642 = arith.constant dense<true> : vector<16xi1>
        %parallel_loop3A_643, %parallel_loop3A_644, %parallel_loop3A_645 = tpu.sort %parallel_loop3A_641, %parallel_loop3A_641 masked %parallel_loop3A_642 : (vector<16xf32>, vector<16xf32>, vector<16xi1>) -> (vector<16xi1>, vector<16xf32>, vector<16xf32>)
        %parallel_loop3A_646 = arith.maximumf %parallel_loop3A_639, %parallel_loop3A_640 : vector<16xf32>
        %parallel_loop3A_647 = arith.constant dense<true> : vector<16xi1>
        %parallel_loop3A_648, %parallel_loop3A_649, %parallel_loop3A_650 = tpu.sort %parallel_loop3A_646, %parallel_loop3A_646 masked %parallel_loop3A_647 : (vector<16xf32>, vector<16xf32>, vector<16xi1>) -> (vector<16xi1>, vector<16xf32>, vector<16xf32>)
        %parallel_loop3A_651 = arith.maximumf %parallel_loop3A_607, %parallel_loop3A_633 : vector<16xf32>
        %parallel_loop3A_652 = arith.maximumf %parallel_loop3A_612, %parallel_loop3A_638 : vector<16xf32>
        %parallel_loop3A_653 = arith.minimumf %parallel_loop3A_651, %parallel_loop3A_652 : vector<16xf32>
        %parallel_loop3A_654 = arith.constant dense<true> : vector<16xi1>
        %parallel_loop3A_655, %parallel_loop3A_656, %parallel_loop3A_657 = tpu.sort %parallel_loop3A_653, %parallel_loop3A_653 masked %parallel_loop3A_654 : (vector<16xf32>, vector<16xf32>, vector<16xi1>) -> (vector<16xi1>, vector<16xf32>, vector<16xf32>)
        %parallel_loop3A_658 = arith.maximumf %parallel_loop3A_651, %parallel_loop3A_652 : vector<16xf32>
        %parallel_loop3A_659 = arith.constant dense<true> : vector<16xi1>
        %parallel_loop3A_660, %parallel_loop3A_661, %parallel_loop3A_662 = tpu.sort %parallel_loop3A_658, %parallel_loop3A_658 masked %parallel_loop3A_659 : (vector<16xf32>, vector<16xf32>, vector<16xi1>) -> (vector<16xi1>, vector<16xf32>, vector<16xf32>)
        %parallel_loop3A_663 = arith.constant 15 : i32
        %parallel_loop3A_664 = vector.broadcast %parallel_loop3A_663 : i32 to vector<16xi32>
        %parallel_loop3A_665 = tpu.iota {dimensions = array<i32: 0>} : vector<16xi32>
        %parallel_loop3A_666 = arith.subi %parallel_loop3A_664, %parallel_loop3A_665 : vector<16xi32>
        %parallel_loop3A_667 = tpu.dynamic_gather %parallel_loop3A_661[%parallel_loop3A_666] in [0] : vector<16xf32>, vector<16xi32> -> vector<16xf32>
        %parallel_loop3A_668 = arith.constant 15 : i32
        %parallel_loop3A_669 = vector.broadcast %parallel_loop3A_668 : i32 to vector<16xi32>
        %parallel_loop3A_670 = tpu.iota {dimensions = array<i32: 0>} : vector<16xi32>
        %parallel_loop3A_671 = arith.subi %parallel_loop3A_669, %parallel_loop3A_670 : vector<16xi32>
        %parallel_loop3A_672 = tpu.dynamic_gather %parallel_loop3A_656[%parallel_loop3A_671] in [0] : vector<16xf32>, vector<16xi32> -> vector<16xf32>
        %parallel_loop3A_673 = arith.constant 15 : i32
        %parallel_loop3A_674 = vector.broadcast %parallel_loop3A_673 : i32 to vector<16xi32>
        %parallel_loop3A_675 = tpu.iota {dimensions = array<i32: 0>} : vector<16xi32>
        %parallel_loop3A_676 = arith.subi %parallel_loop3A_674, %parallel_loop3A_675 : vector<16xi32>
        %parallel_loop3A_677 = tpu.dynamic_gather %parallel_loop3A_649[%parallel_loop3A_676] in [0] : vector<16xf32>, vector<16xi32> -> vector<16xf32>
        %parallel_loop3A_678 = arith.constant 15 : i32
        %parallel_loop3A_679 = vector.broadcast %parallel_loop3A_678 : i32 to vector<16xi32>
        %parallel_loop3A_680 = tpu.iota {dimensions = array<i32: 0>} : vector<16xi32>
        %parallel_loop3A_681 = arith.subi %parallel_loop3A_679, %parallel_loop3A_680 : vector<16xi32>
        %parallel_loop3A_682 = tpu.dynamic_gather %parallel_loop3A_644[%parallel_loop3A_681] in [0] : vector<16xf32>, vector<16xi32> -> vector<16xf32>
        %parallel_loop3A_683 = arith.minimumf %parallel_loop3A_580, %parallel_loop3A_667 : vector<16xf32>
        %parallel_loop3A_684 = arith.minimumf %parallel_loop3A_585, %parallel_loop3A_672 : vector<16xf32>
        %parallel_loop3A_685 = arith.minimumf %parallel_loop3A_592, %parallel_loop3A_677 : vector<16xf32>
        %parallel_loop3A_686 = arith.minimumf %parallel_loop3A_597, %parallel_loop3A_682 : vector<16xf32>
        %parallel_loop3A_687 = arith.maximumf %parallel_loop3A_580, %parallel_loop3A_667 : vector<16xf32>
        %parallel_loop3A_688 = arith.maximumf %parallel_loop3A_585, %parallel_loop3A_672 : vector<16xf32>
        %parallel_loop3A_689 = arith.maximumf %parallel_loop3A_592, %parallel_loop3A_677 : vector<16xf32>
        %parallel_loop3A_690 = arith.maximumf %parallel_loop3A_597, %parallel_loop3A_682 : vector<16xf32>
        %parallel_loop3A_691 = arith.minimumf %parallel_loop3A_683, %parallel_loop3A_685 : vector<16xf32>
        %parallel_loop3A_692 = arith.minimumf %parallel_loop3A_684, %parallel_loop3A_686 : vector<16xf32>
        %parallel_loop3A_693 = arith.maximumf %parallel_loop3A_683, %parallel_loop3A_685 : vector<16xf32>
        %parallel_loop3A_694 = arith.maximumf %parallel_loop3A_684, %parallel_loop3A_686 : vector<16xf32>
        %parallel_loop3A_695 = arith.minimumf %parallel_loop3A_691, %parallel_loop3A_692 : vector<16xf32>
        %parallel_loop3A_696 = arith.constant dense<true> : vector<16xi1>
        %parallel_loop3A_697, %parallel_loop3A_698, %parallel_loop3A_699 = tpu.sort %parallel_loop3A_695, %parallel_loop3A_695 masked %parallel_loop3A_696 : (vector<16xf32>, vector<16xf32>, vector<16xi1>) -> (vector<16xi1>, vector<16xf32>, vector<16xf32>)
        %parallel_loop3A_700 = arith.maximumf %parallel_loop3A_691, %parallel_loop3A_692 : vector<16xf32>
        %parallel_loop3A_701 = arith.constant dense<true> : vector<16xi1>
        %parallel_loop3A_702, %parallel_loop3A_703, %parallel_loop3A_704 = tpu.sort %parallel_loop3A_700, %parallel_loop3A_700 masked %parallel_loop3A_701 : (vector<16xf32>, vector<16xf32>, vector<16xi1>) -> (vector<16xi1>, vector<16xf32>, vector<16xf32>)
        %parallel_loop3A_705 = arith.minimumf %parallel_loop3A_693, %parallel_loop3A_694 : vector<16xf32>
        %parallel_loop3A_706 = arith.constant dense<true> : vector<16xi1>
        %parallel_loop3A_707, %parallel_loop3A_708, %parallel_loop3A_709 = tpu.sort %parallel_loop3A_705, %parallel_loop3A_705 masked %parallel_loop3A_706 : (vector<16xf32>, vector<16xf32>, vector<16xi1>) -> (vector<16xi1>, vector<16xf32>, vector<16xf32>)
        %parallel_loop3A_710 = arith.maximumf %parallel_loop3A_693, %parallel_loop3A_694 : vector<16xf32>
        %parallel_loop3A_711 = arith.constant dense<true> : vector<16xi1>
        %parallel_loop3A_712, %parallel_loop3A_713, %parallel_loop3A_714 = tpu.sort %parallel_loop3A_710, %parallel_loop3A_710 masked %parallel_loop3A_711 : (vector<16xf32>, vector<16xf32>, vector<16xi1>) -> (vector<16xi1>, vector<16xf32>, vector<16xf32>)
        %parallel_loop3A_715 = arith.minimumf %parallel_loop3A_687, %parallel_loop3A_689 : vector<16xf32>
        %parallel_loop3A_716 = arith.minimumf %parallel_loop3A_688, %parallel_loop3A_690 : vector<16xf32>
        %parallel_loop3A_717 = arith.maximumf %parallel_loop3A_687, %parallel_loop3A_689 : vector<16xf32>
        %parallel_loop3A_718 = arith.maximumf %parallel_loop3A_688, %parallel_loop3A_690 : vector<16xf32>
        %parallel_loop3A_719 = arith.minimumf %parallel_loop3A_715, %parallel_loop3A_716 : vector<16xf32>
        %parallel_loop3A_720 = arith.constant dense<true> : vector<16xi1>
        %parallel_loop3A_721, %parallel_loop3A_722, %parallel_loop3A_723 = tpu.sort %parallel_loop3A_719, %parallel_loop3A_719 masked %parallel_loop3A_720 : (vector<16xf32>, vector<16xf32>, vector<16xi1>) -> (vector<16xi1>, vector<16xf32>, vector<16xf32>)
        %parallel_loop3A_724 = arith.maximumf %parallel_loop3A_715, %parallel_loop3A_716 : vector<16xf32>
        %parallel_loop3A_725 = arith.constant dense<true> : vector<16xi1>
        %parallel_loop3A_726, %parallel_loop3A_727, %parallel_loop3A_728 = tpu.sort %parallel_loop3A_724, %parallel_loop3A_724 masked %parallel_loop3A_725 : (vector<16xf32>, vector<16xf32>, vector<16xi1>) -> (vector<16xi1>, vector<16xf32>, vector<16xf32>)
        %parallel_loop3A_729 = arith.minimumf %parallel_loop3A_717, %parallel_loop3A_718 : vector<16xf32>
        %parallel_loop3A_730 = arith.constant dense<true> : vector<16xi1>
        %parallel_loop3A_731, %parallel_loop3A_732, %parallel_loop3A_733 = tpu.sort %parallel_loop3A_729, %parallel_loop3A_729 masked %parallel_loop3A_730 : (vector<16xf32>, vector<16xf32>, vector<16xi1>) -> (vector<16xi1>, vector<16xf32>, vector<16xf32>)
        %parallel_loop3A_734 = arith.maximumf %parallel_loop3A_717, %parallel_loop3A_718 : vector<16xf32>
        %parallel_loop3A_735 = arith.constant dense<true> : vector<16xi1>
        %parallel_loop3A_736, %parallel_loop3A_737, %parallel_loop3A_738 = tpu.sort %parallel_loop3A_734, %parallel_loop3A_734 masked %parallel_loop3A_735 : (vector<16xf32>, vector<16xf32>, vector<16xi1>) -> (vector<16xi1>, vector<16xf32>, vector<16xf32>)
        %parallel_loop3A_739 = arith.index_cast %parallel_loop3A_129 : i32 to index
        %parallel_loop3A_740 = arith.constant 0 : index
        %parallel_loop3A_741 = tpu.vector_load %arg8[%parallel_loop3A_739, %parallel_loop3A_740] {strides = array<i32>} : memref<128x128xf32, #tpu.memory_space<vmem>>, vector<16xf32>,
        tpu.vector_store %arg8[%parallel_loop3A_739, %parallel_loop3A_740], %parallel_loop3A_698 {strides = array<i32>} : memref<128x128xf32, #tpu.memory_space<vmem>>, vector<16xf32>,
        %parallel_loop3A_742 = arith.index_cast %parallel_loop3A_129 : i32 to index
        %parallel_loop3A_743 = arith.constant 16 : index
        %parallel_loop3A_744 = tpu.vector_load %arg8[%parallel_loop3A_742, %parallel_loop3A_743] {strides = array<i32>} : memref<128x128xf32, #tpu.memory_space<vmem>>, vector<16xf32>,
        tpu.vector_store %arg8[%parallel_loop3A_742, %parallel_loop3A_743], %parallel_loop3A_703 {strides = array<i32>} : memref<128x128xf32, #tpu.memory_space<vmem>>, vector<16xf32>,
        %parallel_loop3A_745 = arith.index_cast %parallel_loop3A_129 : i32 to index
        %parallel_loop3A_746 = arith.constant 32 : index
        %parallel_loop3A_747 = tpu.vector_load %arg8[%parallel_loop3A_745, %parallel_loop3A_746] {strides = array<i32>} : memref<128x128xf32, #tpu.memory_space<vmem>>, vector<16xf32>,
        tpu.vector_store %arg8[%parallel_loop3A_745, %parallel_loop3A_746], %parallel_loop3A_708 {strides = array<i32>} : memref<128x128xf32, #tpu.memory_space<vmem>>, vector<16xf32>,
        %parallel_loop3A_748 = arith.index_cast %parallel_loop3A_129 : i32 to index
        %parallel_loop3A_749 = arith.constant 48 : index
        %parallel_loop3A_750 = tpu.vector_load %arg8[%parallel_loop3A_748, %parallel_loop3A_749] {strides = array<i32>} : memref<128x128xf32, #tpu.memory_space<vmem>>, vector<16xf32>,
        tpu.vector_store %arg8[%parallel_loop3A_748, %parallel_loop3A_749], %parallel_loop3A_713 {strides = array<i32>} : memref<128x128xf32, #tpu.memory_space<vmem>>, vector<16xf32>,
        %parallel_loop3A_751 = arith.index_cast %parallel_loop3A_129 : i32 to index
        %parallel_loop3A_752 = arith.constant 64 : index
        %parallel_loop3A_753 = tpu.vector_load %arg8[%parallel_loop3A_751, %parallel_loop3A_752] {strides = array<i32>} : memref<128x128xf32, #tpu.memory_space<vmem>>, vector<16xf32>,
        tpu.vector_store %arg8[%parallel_loop3A_751, %parallel_loop3A_752], %parallel_loop3A_722 {strides = array<i32>} : memref<128x128xf32, #tpu.memory_space<vmem>>, vector<16xf32>,
        %parallel_loop3A_754 = arith.index_cast %parallel_loop3A_129 : i32 to index
        %parallel_loop3A_755 = arith.constant 80 : index
        %parallel_loop3A_756 = tpu.vector_load %arg8[%parallel_loop3A_754, %parallel_loop3A_755] {strides = array<i32>} : memref<128x128xf32, #tpu.memory_space<vmem>>, vector<16xf32>,
        tpu.vector_store %arg8[%parallel_loop3A_754, %parallel_loop3A_755], %parallel_loop3A_727 {strides = array<i32>} : memref<128x128xf32, #tpu.memory_space<vmem>>, vector<16xf32>,
        %parallel_loop3A_757 = arith.index_cast %parallel_loop3A_129 : i32 to index
        %parallel_loop3A_758 = arith.constant 96 : index
        %parallel_loop3A_759 = tpu.vector_load %arg8[%parallel_loop3A_757, %parallel_loop3A_758] {strides = array<i32>} : memref<128x128xf32, #tpu.memory_space<vmem>>, vector<16xf32>,
        tpu.vector_store %arg8[%parallel_loop3A_757, %parallel_loop3A_758], %parallel_loop3A_732 {strides = array<i32>} : memref<128x128xf32, #tpu.memory_space<vmem>>, vector<16xf32>,
        %parallel_loop3A_760 = arith.index_cast %parallel_loop3A_129 : i32 to index
        %parallel_loop3A_761 = arith.constant 112 : index
        %parallel_loop3A_762 = tpu.vector_load %arg8[%parallel_loop3A_760, %parallel_loop3A_761] {strides = array<i32>} : memref<128x128xf32, #tpu.memory_space<vmem>>, vector<16xf32>,
        tpu.vector_store %arg8[%parallel_loop3A_760, %parallel_loop3A_761], %parallel_loop3A_737 {strides = array<i32>} : memref<128x128xf32, #tpu.memory_space<vmem>>, vector<16xf32>,
      } {sc.loop_unroll_factor = 2 : i64, sc.parallel_access}
      %mul3A_76 = arith.constant 4096 : i32
      %mul3A_77 = arith.muli %add3A, %mul3A_76 : i32
      %mul3A_78 = arith.constant 128 : i32
      %mul3A_79 = arith.muli %add3A_47, %mul3A_78 : i32
      %add3A_80 = arith.addi %mul3A_77, %mul3A_79 : i32
      %dma_start3A_81 = arith.constant 0 : i32
      %dma_start3A_82 = tpu.memref_slice %arg5[%add3A_80, %dma_start3A_81] : memref<131072x128xf32, #tpu.memory_space<hbm>> -> memref<128x128xf32, #tpu.memory_space<hbm>>
      %dma_start3A_83 = arith.constant 0 : i32
      %dma_start3A_84 = tpu.memref_slice %arg5[%add3A_80, %dma_start3A_83] : memref<131072x128xf32, #tpu.memory_space<hbm>> -> memref<128x128xf32, #tpu.memory_space<hbm>>
      tpu.enqueue_dma source(%arg8 : memref<128x128xf32, #tpu.memory_space<vmem>>) target(%dma_start3A_84 : memref<128x128xf32, #tpu.memory_space<hbm>>) target_semaphore(%arg18 : memref<!tpu.dma_semaphore, #tpu.memory_space<semaphore_mem>>)
      %add3A_85 = arith.constant 1 : i32
      %add3A_86 = arith.addi %mul3A_45, %add3A_85 : i32
      %add3A_87 = arith.constant 1 : i32
      %add3A_88 = arith.addi %add3A_86, %add3A_87 : i32
      %lt3A_89 = arith.constant 32 : i32
      %lt3A_90 = arith.cmpi slt, %add3A_88, %lt3A_89 : i32
      %convert_element_type3A_91 = arith.extui %lt3A_90 : i1 to i32
      %cond3A_92 = arith.constant 0 : i32
      %cond3A_93 = arith.cmpi ne, %convert_element_type3A_91, %cond3A_92 : i32
      scf.if %cond3A_93 {
        %add3A_129 = arith.constant 1 : i32
        %add3A_130 = arith.addi %add3A_86, %add3A_129 : i32
        %mul3A_131 = arith.constant 4096 : i32
        %mul3A_132 = arith.muli %add3A, %mul3A_131 : i32
        %mul3A_133 = arith.constant 128 : i32
        %mul3A_134 = arith.muli %add3A_130, %mul3A_133 : i32
        %add3A_135 = arith.addi %mul3A_132, %mul3A_134 : i32
        %mul3A_136 = arith.constant 4096 : i32
        %mul3A_137 = arith.muli %add3A, %mul3A_136 : i32
        %mul3A_138 = arith.constant 128 : i32
        %mul3A_139 = arith.muli %add3A_130, %mul3A_138 : i32
        %add3A_140 = arith.addi %mul3A_137, %mul3A_139 : i32
        %dma_start3A_141 = arith.constant 0 : i32
        %dma_start3A_142 = tpu.memref_slice %arg2[%add3A_135, %dma_start3A_141] : memref<131072x64xf32, #tpu.memory_space<hbm>> -> memref<128x64xf32, #tpu.memory_space<hbm>>
        %dma_start3A_143 = arith.constant 0 : i32
        %dma_start3A_144 = tpu.memref_slice %arg2[%add3A_135, %dma_start3A_143] : memref<131072x64xf32, #tpu.memory_space<hbm>> -> memref<128x64xf32, #tpu.memory_space<hbm>>
        tpu.enqueue_dma source(%dma_start3A_144 : memref<128x64xf32, #tpu.memory_space<hbm>>) target(%arg6 : memref<128x64xf32, #tpu.memory_space<vmem>>) target_semaphore(%arg16 : memref<!tpu.dma_semaphore, #tpu.memory_space<semaphore_mem>>)
        %dma_start3A_145 = arith.constant 0 : i32
        %dma_start3A_146 = tpu.memref_slice %arg3[%add3A_140, %dma_start3A_145] : memref<131072x64xf32, #tpu.memory_space<hbm>> -> memref<128x64xf32, #tpu.memory_space<hbm>>
        %dma_start3A_147 = arith.constant 0 : i32
        %dma_start3A_148 = tpu.memref_slice %arg3[%add3A_140, %dma_start3A_147] : memref<131072x64xf32, #tpu.memory_space<hbm>> -> memref<128x64xf32, #tpu.memory_space<hbm>>
        tpu.enqueue_dma source(%dma_start3A_148 : memref<128x64xf32, #tpu.memory_space<hbm>>) target(%arg7 : memref<128x64xf32, #tpu.memory_space<vmem>>) target_semaphore(%arg16 : memref<!tpu.dma_semaphore, #tpu.memory_space<semaphore_mem>>)
      } else {
      }
      %mul3A_94 = arith.constant 4096 : i32
      %mul3A_95 = arith.muli %add3A, %mul3A_94 : i32
      %mul3A_96 = arith.constant 128 : i32
      %mul3A_97 = arith.muli %add3A_86, %mul3A_96 : i32
      %add3A_98 = arith.addi %mul3A_95, %mul3A_97 : i32
      %mul3A_99 = arith.constant 4096 : i32
      %mul3A_100 = arith.muli %add3A, %mul3A_99 : i32
      %mul3A_101 = arith.constant 128 : i32
      %mul3A_102 = arith.muli %add3A_86, %mul3A_101 : i32
      %add3A_103 = arith.addi %mul3A_100, %mul3A_102 : i32
      %dma_wait3A_104 = arith.constant 0 : i32
      %dma_wait3A_105 = tpu.memref_slice %arg2[%add3A_98, %dma_wait3A_104] : memref<131072x64xf32, #tpu.memory_space<hbm>> -> memref<128x64xf32, #tpu.memory_space<hbm>>
      %dma_wait3A_106 = arith.constant 0 : i32
      %dma_wait3A_107 = tpu.memref_slice %arg2[%add3A_98, %dma_wait3A_106] : memref<131072x64xf32, #tpu.memory_space<hbm>> -> memref<128x64xf32, #tpu.memory_space<hbm>>
      tpu.wait_dma2 semaphore(%arg17 : memref<!tpu.dma_semaphore, #tpu.memory_space<semaphore_mem>>) src(%dma_wait3A_107 : memref<128x64xf32, #tpu.memory_space<hbm>>) dst(%arg9 : memref<128x64xf32, #tpu.memory_space<vmem>>)
      %dma_wait3A_108 = arith.constant 0 : i32
      %dma_wait3A_109 = tpu.memref_slice %arg3[%add3A_103, %dma_wait3A_108] : memref<131072x64xf32, #tpu.memory_space<hbm>> -> memref<128x64xf32, #tpu.memory_space<hbm>>
      %dma_wait3A_110 = arith.constant 0 : i32
      %dma_wait3A_111 = tpu.memref_slice %arg3[%add3A_103, %dma_wait3A_110] : memref<131072x64xf32, #tpu.memory_space<hbm>> -> memref<128x64xf32, #tpu.memory_space<hbm>>
      tpu.wait_dma2 semaphore(%arg17 : memref<!tpu.dma_semaphore, #tpu.memory_space<semaphore_mem>>) src(%dma_wait3A_111 : memref<128x64xf32, #tpu.memory_space<hbm>>) dst(%arg10 : memref<128x64xf32, #tpu.memory_space<vmem>>)
      %ge3A_112 = arith.constant 2 : i32
      %ge3A_113 = arith.cmpi sge, %add3A_86, %ge3A_112 : i32
      %convert_element_type3A_114 = arith.extui %ge3A_113 : i1 to i32
      %cond3A_115 = arith.constant 0 : i32
      %cond3A_116 = arith.cmpi ne, %convert_element_type3A_114, %cond3A_115 : i32
      scf.if %cond3A_116 {
        %mul3A_129 = arith.constant 4096 : i32
        %mul3A_130 = arith.muli %add3A, %mul3A_129 : i32
        %mul3A_131 = arith.constant 128 : i32
        %mul3A_132 = arith.muli %add3A_86, %mul3A_131 : i32
        %add3A_133 = arith.addi %mul3A_130, %mul3A_132 : i32
        %dma_wait3A_134 = arith.constant 0 : i32
        %dma_wait3A_135 = tpu.memref_slice %arg5[%add3A_133, %dma_wait3A_134] : memref<131072x128xf32, #tpu.memory_space<hbm>> -> memref<128x128xf32, #tpu.memory_space<hbm>>
        %dma_wait3A_136 = arith.constant 0 : i32
        %dma_wait3A_137 = tpu.memref_slice %arg5[%add3A_133, %dma_wait3A_136] : memref<131072x128xf32, #tpu.memory_space<hbm>> -> memref<128x128xf32, #tpu.memory_space<hbm>>
        tpu.wait_dma2 semaphore(%arg19 : memref<!tpu.dma_semaphore, #tpu.memory_space<semaphore_mem>>) src(%arg11 : memref<128x128xf32, #tpu.memory_space<vmem>>) dst(%dma_wait3A_137 : memref<128x128xf32, #tpu.memory_space<hbm>>)
      } else {
      }
      %parallel_loop3A_117 = arith.constant 0 : i32
      %parallel_loop3A_118 = arith.constant 128 : i32
      %parallel_loop3A_119 = arith.constant 1 : i32
      scf.for %parallel_loop3A_129 = %parallel_loop3A_117 to %parallel_loop3A_118 step %parallel_loop3A_119  : i32 {
        %parallel_loop3A_130 = arith.constant 64 : i32
        %parallel_loop3A_131 = arith.muli %parallel_loop3A_129, %parallel_loop3A_130 : i32
        %parallel_loop3A_132 = arith.index_cast %parallel_loop3A_129 : i32 to index
        %parallel_loop3A_133 = arith.constant 0 : index
        %parallel_loop3A_134 = tpu.vector_load %arg9[%parallel_loop3A_132, %parallel_loop3A_133] {strides = array<i32>} : memref<128x64xf32, #tpu.memory_space<vmem>>, vector<16xf32>,
        %parallel_loop3A_135 = arith.index_cast %parallel_loop3A_129 : i32 to index
        %parallel_loop3A_136 = arith.constant 16 : index
        %parallel_loop3A_137 = tpu.vector_load %arg9[%parallel_loop3A_135, %parallel_loop3A_136] {strides = array<i32>} : memref<128x64xf32, #tpu.memory_space<vmem>>, vector<16xf32>,
        %parallel_loop3A_138 = arith.index_cast %parallel_loop3A_129 : i32 to index
        %parallel_loop3A_139 = arith.constant 32 : index
        %parallel_loop3A_140 = tpu.vector_load %arg9[%parallel_loop3A_138, %parallel_loop3A_139] {strides = array<i32>} : memref<128x64xf32, #tpu.memory_space<vmem>>, vector<16xf32>,
        %parallel_loop3A_141 = arith.index_cast %parallel_loop3A_129 : i32 to index
        %parallel_loop3A_142 = arith.constant 48 : index
        %parallel_loop3A_143 = tpu.vector_load %arg9[%parallel_loop3A_141, %parallel_loop3A_142] {strides = array<i32>} : memref<128x64xf32, #tpu.memory_space<vmem>>, vector<16xf32>,
        %parallel_loop3A_144 = arith.index_cast %parallel_loop3A_129 : i32 to index
        %parallel_loop3A_145 = arith.constant 0 : index
        %parallel_loop3A_146 = tpu.vector_load %arg10[%parallel_loop3A_144, %parallel_loop3A_145] {strides = array<i32>} : memref<128x64xf32, #tpu.memory_space<vmem>>, vector<16xf32>,
        %parallel_loop3A_147 = arith.index_cast %parallel_loop3A_129 : i32 to index
        %parallel_loop3A_148 = arith.constant 16 : index
        %parallel_loop3A_149 = tpu.vector_load %arg10[%parallel_loop3A_147, %parallel_loop3A_148] {strides = array<i32>} : memref<128x64xf32, #tpu.memory_space<vmem>>, vector<16xf32>,
        %parallel_loop3A_150 = arith.index_cast %parallel_loop3A_129 : i32 to index
        %parallel_loop3A_151 = arith.constant 32 : index
        %parallel_loop3A_152 = tpu.vector_load %arg10[%parallel_loop3A_150, %parallel_loop3A_151] {strides = array<i32>} : memref<128x64xf32, #tpu.memory_space<vmem>>, vector<16xf32>,
        %parallel_loop3A_153 = arith.index_cast %parallel_loop3A_129 : i32 to index
        %parallel_loop3A_154 = arith.constant 48 : index
        %parallel_loop3A_155 = tpu.vector_load %arg10[%parallel_loop3A_153, %parallel_loop3A_154] {strides = array<i32>} : memref<128x64xf32, #tpu.memory_space<vmem>>, vector<16xf32>,
        %parallel_loop3A_156 = arith.constant 1 : i32
        %parallel_loop3A_157 = vector.broadcast %parallel_loop3A_156 : i32 to vector<16xi32>
        %parallel_loop3A_158 = arith.cmpi sge, %iota3A, %parallel_loop3A_157 : vector<16xi32>
        %parallel_loop3A_159 = arith.constant 9.99999974E-6 : f32
        %parallel_loop3A_160 = vector.broadcast %parallel_loop3A_159 : f32 to vector<16xf32>
        %parallel_loop3A_161 = arith.addf %parallel_loop3A_146, %parallel_loop3A_160 : vector<16xf32>
        %parallel_loop3A_162 = arith.constant 0.000000e+00 : f32
        %parallel_loop3A_163 = vector.broadcast %parallel_loop3A_162 : f32 to vector<16xf32>
        %parallel_loop3A_164 = arith.select %parallel_loop3A_158, %parallel_loop3A_161, %parallel_loop3A_163 : vector<16xi1>, vector<16xf32>
        %parallel_loop3A_165 = arith.constant 9.99999974E-6 : f32
        %parallel_loop3A_166 = vector.broadcast %parallel_loop3A_165 : f32 to vector<16xf32>
        %parallel_loop3A_167 = arith.addf %parallel_loop3A_149, %parallel_loop3A_166 : vector<16xf32>
        %parallel_loop3A_168 = arith.constant 9.99999974E-6 : f32
        %parallel_loop3A_169 = vector.broadcast %parallel_loop3A_168 : f32 to vector<16xf32>
        %parallel_loop3A_170 = arith.addf %parallel_loop3A_152, %parallel_loop3A_169 : vector<16xf32>
        %parallel_loop3A_171 = arith.constant 14 : i32
        %parallel_loop3A_172 = vector.broadcast %parallel_loop3A_171 : i32 to vector<16xi32>
        %parallel_loop3A_173 = arith.cmpi sle, %iota3A, %parallel_loop3A_172 : vector<16xi32>
        %parallel_loop3A_174 = arith.constant 9.99999974E-6 : f32
        %parallel_loop3A_175 = vector.broadcast %parallel_loop3A_174 : f32 to vector<16xf32>
        %parallel_loop3A_176 = arith.addf %parallel_loop3A_155, %parallel_loop3A_175 : vector<16xf32>
        %parallel_loop3A_177 = arith.constant 0.000000e+00 : f32
        %parallel_loop3A_178 = vector.broadcast %parallel_loop3A_177 : f32 to vector<16xf32>
        %parallel_loop3A_179 = arith.select %parallel_loop3A_173, %parallel_loop3A_176, %parallel_loop3A_178 : vector<16xi1>, vector<16xf32>
        %parallel_loop3A_180 = arith.constant true
        %parallel_loop3A_181 = vector.broadcast %parallel_loop3A_180 : i1 to vector<16xi1>
        %parallel_loop3A_182 = tpu.scan <sum>, %parallel_loop3A_164 masked %parallel_loop3A_181 : vector<16xf32>, vector<16xi1> -> vector<16xf32>
        %parallel_loop3A_183 = arith.constant true
        %parallel_loop3A_184 = vector.broadcast %parallel_loop3A_183 : i1 to vector<16xi1>
        %parallel_loop3A_185 = tpu.scan <sum>, %parallel_loop3A_167 masked %parallel_loop3A_184 : vector<16xf32>, vector<16xi1> -> vector<16xf32>
        %parallel_loop3A_186 = vector.extract_strided_slice %parallel_loop3A_182 {offsets = [15], sizes = [1], strides = [1]} : vector<16xf32> to vector<1xf32>
        %parallel_loop3A_187 = vector.extract %parallel_loop3A_186[0] : f32 from vector<1xf32>
        %parallel_loop3A_188 = vector.broadcast %parallel_loop3A_187 : f32 to vector<16xf32>
        %parallel_loop3A_189 = arith.addf %parallel_loop3A_185, %parallel_loop3A_188 : vector<16xf32>
        %parallel_loop3A_190 = arith.constant true
        %parallel_loop3A_191 = vector.broadcast %parallel_loop3A_190 : i1 to vector<16xi1>
        %parallel_loop3A_192 = tpu.scan <sum>, %parallel_loop3A_170 masked %parallel_loop3A_191 : vector<16xf32>, vector<16xi1> -> vector<16xf32>
        %parallel_loop3A_193 = vector.extract_strided_slice %parallel_loop3A_189 {offsets = [15], sizes = [1], strides = [1]} : vector<16xf32> to vector<1xf32>
        %parallel_loop3A_194 = vector.extract %parallel_loop3A_193[0] : f32 from vector<1xf32>
        %parallel_loop3A_195 = vector.broadcast %parallel_loop3A_194 : f32 to vector<16xf32>
        %parallel_loop3A_196 = arith.addf %parallel_loop3A_192, %parallel_loop3A_195 : vector<16xf32>
        %parallel_loop3A_197 = arith.constant true
        %parallel_loop3A_198 = vector.broadcast %parallel_loop3A_197 : i1 to vector<16xi1>
        %parallel_loop3A_199 = tpu.scan <sum>, %parallel_loop3A_179 masked %parallel_loop3A_198 : vector<16xf32>, vector<16xi1> -> vector<16xf32>
        %parallel_loop3A_200 = vector.extract_strided_slice %parallel_loop3A_196 {offsets = [15], sizes = [1], strides = [1]} : vector<16xf32> to vector<1xf32>
        %parallel_loop3A_201 = vector.extract %parallel_loop3A_200[0] : f32 from vector<1xf32>
        %parallel_loop3A_202 = vector.broadcast %parallel_loop3A_201 : f32 to vector<16xf32>
        %parallel_loop3A_203 = arith.addf %parallel_loop3A_199, %parallel_loop3A_202 : vector<16xf32>
        %parallel_loop3A_204 = vector.extract_strided_slice %parallel_loop3A_203 {offsets = [15], sizes = [1], strides = [1]} : vector<16xf32> to vector<1xf32>
        %parallel_loop3A_205 = vector.extract %parallel_loop3A_204[0] : f32 from vector<1xf32>
        %parallel_loop3A_206 = vector.broadcast %parallel_loop3A_205 : f32 to vector<16xf32>
        %parallel_loop3A_207 = arith.constant 1.000000e+00 : f32
        %parallel_loop3A_208 = vector.broadcast %parallel_loop3A_207 : f32 to vector<16xf32>
        %parallel_loop3A_209 = arith.divf %parallel_loop3A_208, %parallel_loop3A_206 : vector<16xf32>
        %parallel_loop3A_210 = arith.index_cast %parallel_loop3A_131 : i32 to index
        %parallel_loop3A_211 = tpu.vector_load %arg12[%parallel_loop3A_210] {strides = array<i32>} : memref<8192xf32, #tpu.memory_space<vmem>>, vector<16xf32>,
        tpu.vector_store %arg12[%parallel_loop3A_210], %parallel_loop3A_182 {strides = array<i32>} : memref<8192xf32, #tpu.memory_space<vmem>>, vector<16xf32>,
        %parallel_loop3A_212 = arith.constant 16 : i32
        %parallel_loop3A_213 = arith.addi %parallel_loop3A_131, %parallel_loop3A_212 : i32
        %parallel_loop3A_214 = arith.index_cast %parallel_loop3A_213 : i32 to index
        %parallel_loop3A_215 = tpu.vector_load %arg12[%parallel_loop3A_214] {strides = array<i32>} : memref<8192xf32, #tpu.memory_space<vmem>>, vector<16xf32>,
        tpu.vector_store %arg12[%parallel_loop3A_214], %parallel_loop3A_189 {strides = array<i32>} : memref<8192xf32, #tpu.memory_space<vmem>>, vector<16xf32>,
        %parallel_loop3A_216 = arith.constant 32 : i32
        %parallel_loop3A_217 = arith.addi %parallel_loop3A_131, %parallel_loop3A_216 : i32
        %parallel_loop3A_218 = arith.index_cast %parallel_loop3A_217 : i32 to index
        %parallel_loop3A_219 = tpu.vector_load %arg12[%parallel_loop3A_218] {strides = array<i32>} : memref<8192xf32, #tpu.memory_space<vmem>>, vector<16xf32>,
        tpu.vector_store %arg12[%parallel_loop3A_218], %parallel_loop3A_196 {strides = array<i32>} : memref<8192xf32, #tpu.memory_space<vmem>>, vector<16xf32>,
        %parallel_loop3A_220 = arith.constant 15 : i32
        %parallel_loop3A_221 = vector.broadcast %parallel_loop3A_220 : i32 to vector<16xi32>
        %parallel_loop3A_222 = arith.cmpi sge, %iota3A, %parallel_loop3A_221 : vector<16xi32>
        %parallel_loop3A_223 = arith.constant 0x7F800000 : f32
        %parallel_loop3A_224 = vector.broadcast %parallel_loop3A_223 : f32 to vector<16xf32>
        %parallel_loop3A_225 = arith.select %parallel_loop3A_222, %parallel_loop3A_224, %parallel_loop3A_203 : vector<16xi1>, vector<16xf32>
        %parallel_loop3A_226 = arith.constant 48 : i32
        %parallel_loop3A_227 = arith.addi %parallel_loop3A_131, %parallel_loop3A_226 : i32
        %parallel_loop3A_228 = arith.index_cast %parallel_loop3A_227 : i32 to index
        %parallel_loop3A_229 = tpu.vector_load %arg12[%parallel_loop3A_228] {strides = array<i32>} : memref<8192xf32, #tpu.memory_space<vmem>>, vector<16xf32>,
        tpu.vector_store %arg12[%parallel_loop3A_228], %parallel_loop3A_225 {strides = array<i32>} : memref<8192xf32, #tpu.memory_space<vmem>>, vector<16xf32>,
        %parallel_loop3A_230 = arith.constant 1 : i32
        %parallel_loop3A_231 = vector.broadcast %parallel_loop3A_230 : i32 to vector<16xi32>
        %parallel_loop3A_232 = arith.addi %iota3A, %parallel_loop3A_231 : vector<16xi32>
        %parallel_loop3A_233 = arith.constant 15 : i32
        %parallel_loop3A_234 = vector.broadcast %parallel_loop3A_233 : i32 to vector<16xi32>
        %parallel_loop3A_235 = arith.minsi %parallel_loop3A_232, %parallel_loop3A_234 : vector<16xi32>
        %parallel_loop3A_236 = vector.shape_cast %parallel_loop3A_235 : vector<16xi32> to vector<16x1xi32>
        %parallel_loop3A_237 = vector.shape_cast %parallel_loop3A_236 : vector<16x1xi32> to vector<16xi32>
        %parallel_loop3A_238 = tpu.dynamic_gather %parallel_loop3A_134[%parallel_loop3A_237] in [0] : vector<16xf32>, vector<16xi32> -> vector<16xf32>
        %parallel_loop3A_239 = arith.constant 15 : i32
        %parallel_loop3A_240 = vector.broadcast %parallel_loop3A_239 : i32 to vector<16xi32>
        %parallel_loop3A_241 = arith.cmpi sge, %iota3A, %parallel_loop3A_240 : vector<16xi32>
        %parallel_loop3A_242 = vector.extract_strided_slice %parallel_loop3A_137 {offsets = [0], sizes = [1], strides = [1]} : vector<16xf32> to vector<1xf32>
        %parallel_loop3A_243 = vector.extract %parallel_loop3A_242[0] : f32 from vector<1xf32>
        %parallel_loop3A_244 = vector.broadcast %parallel_loop3A_243 : f32 to vector<16xf32>
        %parallel_loop3A_245 = arith.select %parallel_loop3A_241, %parallel_loop3A_244, %parallel_loop3A_238 : vector<16xi1>, vector<16xf32>
        %parallel_loop3A_246 = arith.subf %parallel_loop3A_134, %parallel_loop3A_245 : vector<16xf32>
        %parallel_loop3A_247 = arith.constant 5.000000e-01 : f32
        %parallel_loop3A_248 = vector.broadcast %parallel_loop3A_247 : f32 to vector<16xf32>
        %parallel_loop3A_249 = arith.mulf %parallel_loop3A_248, %parallel_loop3A_246 : vector<16xf32>
        %parallel_loop3A_250 = arith.addf %parallel_loop3A_245, %parallel_loop3A_249 : vector<16xf32>
        %parallel_loop3A_251 = arith.constant 0 : i32
        %parallel_loop3A_252 = arith.addi %parallel_loop3A_131, %parallel_loop3A_251 : i32
        %parallel_loop3A_253 = arith.index_cast %parallel_loop3A_252 : i32 to index
        %parallel_loop3A_254 = tpu.vector_load %arg13[%parallel_loop3A_253] {strides = array<i32>} : memref<8192xf32, #tpu.memory_space<vmem>>, vector<16xf32>,
        tpu.vector_store %arg13[%parallel_loop3A_253], %parallel_loop3A_250 {strides = array<i32>} : memref<8192xf32, #tpu.memory_space<vmem>>, vector<16xf32>,
        %parallel_loop3A_255 = vector.shape_cast %parallel_loop3A_235 : vector<16xi32> to vector<16x1xi32>
        %parallel_loop3A_256 = vector.shape_cast %parallel_loop3A_255 : vector<16x1xi32> to vector<16xi32>
        %parallel_loop3A_257 = tpu.dynamic_gather %parallel_loop3A_137[%parallel_loop3A_256] in [0] : vector<16xf32>, vector<16xi32> -> vector<16xf32>
        %parallel_loop3A_258 = arith.constant 15 : i32
        %parallel_loop3A_259 = vector.broadcast %parallel_loop3A_258 : i32 to vector<16xi32>
        %parallel_loop3A_260 = arith.cmpi sge, %iota3A, %parallel_loop3A_259 : vector<16xi32>
        %parallel_loop3A_261 = vector.extract_strided_slice %parallel_loop3A_140 {offsets = [0], sizes = [1], strides = [1]} : vector<16xf32> to vector<1xf32>
        %parallel_loop3A_262 = vector.extract %parallel_loop3A_261[0] : f32 from vector<1xf32>
        %parallel_loop3A_263 = vector.broadcast %parallel_loop3A_262 : f32 to vector<16xf32>
        %parallel_loop3A_264 = arith.select %parallel_loop3A_260, %parallel_loop3A_263, %parallel_loop3A_257 : vector<16xi1>, vector<16xf32>
        %parallel_loop3A_265 = arith.subf %parallel_loop3A_137, %parallel_loop3A_264 : vector<16xf32>
        %parallel_loop3A_266 = arith.constant 5.000000e-01 : f32
        %parallel_loop3A_267 = vector.broadcast %parallel_loop3A_266 : f32 to vector<16xf32>
        %parallel_loop3A_268 = arith.mulf %parallel_loop3A_267, %parallel_loop3A_265 : vector<16xf32>
        %parallel_loop3A_269 = arith.addf %parallel_loop3A_264, %parallel_loop3A_268 : vector<16xf32>
        %parallel_loop3A_270 = arith.constant 16 : i32
        %parallel_loop3A_271 = arith.addi %parallel_loop3A_131, %parallel_loop3A_270 : i32
        %parallel_loop3A_272 = arith.index_cast %parallel_loop3A_271 : i32 to index
        %parallel_loop3A_273 = tpu.vector_load %arg13[%parallel_loop3A_272] {strides = array<i32>} : memref<8192xf32, #tpu.memory_space<vmem>>, vector<16xf32>,
        tpu.vector_store %arg13[%parallel_loop3A_272], %parallel_loop3A_269 {strides = array<i32>} : memref<8192xf32, #tpu.memory_space<vmem>>, vector<16xf32>,
        %parallel_loop3A_274 = vector.shape_cast %parallel_loop3A_235 : vector<16xi32> to vector<16x1xi32>
        %parallel_loop3A_275 = vector.shape_cast %parallel_loop3A_274 : vector<16x1xi32> to vector<16xi32>
        %parallel_loop3A_276 = tpu.dynamic_gather %parallel_loop3A_140[%parallel_loop3A_275] in [0] : vector<16xf32>, vector<16xi32> -> vector<16xf32>
        %parallel_loop3A_277 = arith.constant 15 : i32
        %parallel_loop3A_278 = vector.broadcast %parallel_loop3A_277 : i32 to vector<16xi32>
        %parallel_loop3A_279 = arith.cmpi sge, %iota3A, %parallel_loop3A_278 : vector<16xi32>
        %parallel_loop3A_280 = vector.extract_strided_slice %parallel_loop3A_143 {offsets = [0], sizes = [1], strides = [1]} : vector<16xf32> to vector<1xf32>
        %parallel_loop3A_281 = vector.extract %parallel_loop3A_280[0] : f32 from vector<1xf32>
        %parallel_loop3A_282 = vector.broadcast %parallel_loop3A_281 : f32 to vector<16xf32>
        %parallel_loop3A_283 = arith.select %parallel_loop3A_279, %parallel_loop3A_282, %parallel_loop3A_276 : vector<16xi1>, vector<16xf32>
        %parallel_loop3A_284 = arith.subf %parallel_loop3A_140, %parallel_loop3A_283 : vector<16xf32>
        %parallel_loop3A_285 = arith.constant 5.000000e-01 : f32
        %parallel_loop3A_286 = vector.broadcast %parallel_loop3A_285 : f32 to vector<16xf32>
        %parallel_loop3A_287 = arith.mulf %parallel_loop3A_286, %parallel_loop3A_284 : vector<16xf32>
        %parallel_loop3A_288 = arith.addf %parallel_loop3A_283, %parallel_loop3A_287 : vector<16xf32>
        %parallel_loop3A_289 = arith.constant 32 : i32
        %parallel_loop3A_290 = arith.addi %parallel_loop3A_131, %parallel_loop3A_289 : i32
        %parallel_loop3A_291 = arith.index_cast %parallel_loop3A_290 : i32 to index
        %parallel_loop3A_292 = tpu.vector_load %arg13[%parallel_loop3A_291] {strides = array<i32>} : memref<8192xf32, #tpu.memory_space<vmem>>, vector<16xf32>,
        tpu.vector_store %arg13[%parallel_loop3A_291], %parallel_loop3A_288 {strides = array<i32>} : memref<8192xf32, #tpu.memory_space<vmem>>, vector<16xf32>,
        %parallel_loop3A_293 = vector.shape_cast %parallel_loop3A_235 : vector<16xi32> to vector<16x1xi32>
        %parallel_loop3A_294 = vector.shape_cast %parallel_loop3A_293 : vector<16x1xi32> to vector<16xi32>
        %parallel_loop3A_295 = tpu.dynamic_gather %parallel_loop3A_143[%parallel_loop3A_294] in [0] : vector<16xf32>, vector<16xi32> -> vector<16xf32>
        %parallel_loop3A_296 = arith.subf %parallel_loop3A_143, %parallel_loop3A_295 : vector<16xf32>
        %parallel_loop3A_297 = arith.constant 5.000000e-01 : f32
        %parallel_loop3A_298 = vector.broadcast %parallel_loop3A_297 : f32 to vector<16xf32>
        %parallel_loop3A_299 = arith.mulf %parallel_loop3A_298, %parallel_loop3A_296 : vector<16xf32>
        %parallel_loop3A_300 = arith.addf %parallel_loop3A_295, %parallel_loop3A_299 : vector<16xf32>
        %parallel_loop3A_301 = arith.constant 48 : i32
        %parallel_loop3A_302 = arith.addi %parallel_loop3A_131, %parallel_loop3A_301 : i32
        %parallel_loop3A_303 = arith.index_cast %parallel_loop3A_302 : i32 to index
        %parallel_loop3A_304 = tpu.vector_load %arg13[%parallel_loop3A_303] {strides = array<i32>} : memref<8192xf32, #tpu.memory_space<vmem>>, vector<16xf32>,
        tpu.vector_store %arg13[%parallel_loop3A_303], %parallel_loop3A_300 {strides = array<i32>} : memref<8192xf32, #tpu.memory_space<vmem>>, vector<16xf32>,
        %parallel_loop3A_305 = vector.broadcast %parallel_loop3A_131 : i32 to vector<16xi32>
        %parallel_loop3A_306 = arith.constant 0 : i32
        %parallel_loop3A_307 = vector.broadcast %parallel_loop3A_306 : i32 to vector<16xi32>
        %parallel_loop3A_308 = arith.constant 1 : i32
        %parallel_loop3A_309 = vector.broadcast %parallel_loop3A_308 : i32 to vector<16xi32>
        %parallel_loop3A_310 = arith.constant 6.300000e+01 : f32
        %parallel_loop3A_311 = vector.broadcast %parallel_loop3A_310 : f32 to vector<16xf32>
        %parallel_loop3A_312 = arith.mulf %parallel_loop3A_209, %parallel_loop3A_311 : vector<16xf32>
        %parallel_loop3A_313 = arith.constant 0 : i32
        %parallel_loop3A_314 = arith.addi %parallel_loop3A_131, %parallel_loop3A_313 : i32
        %parallel_loop3A_315 = arith.index_cast %parallel_loop3A_314 : i32 to index
        %parallel_loop3A_316 = tpu.vector_load %arg14[%parallel_loop3A_315] {strides = array<i32>} : memref<8192xi32, #tpu.memory_space<vmem>>, vector<16xi32>,
        tpu.vector_store %arg14[%parallel_loop3A_315], %parallel_loop3A_307 {strides = array<i32>} : memref<8192xi32, #tpu.memory_space<vmem>>, vector<16xi32>,
        %parallel_loop3A_317 = arith.constant 16 : i32
        %parallel_loop3A_318 = arith.addi %parallel_loop3A_131, %parallel_loop3A_317 : i32
        %parallel_loop3A_319 = arith.index_cast %parallel_loop3A_318 : i32 to index
        %parallel_loop3A_320 = tpu.vector_load %arg14[%parallel_loop3A_319] {strides = array<i32>} : memref<8192xi32, #tpu.memory_space<vmem>>, vector<16xi32>,
        tpu.vector_store %arg14[%parallel_loop3A_319], %parallel_loop3A_307 {strides = array<i32>} : memref<8192xi32, #tpu.memory_space<vmem>>, vector<16xi32>,
        %parallel_loop3A_321 = arith.constant 32 : i32
        %parallel_loop3A_322 = arith.addi %parallel_loop3A_131, %parallel_loop3A_321 : i32
        %parallel_loop3A_323 = arith.index_cast %parallel_loop3A_322 : i32 to index
        %parallel_loop3A_324 = tpu.vector_load %arg14[%parallel_loop3A_323] {strides = array<i32>} : memref<8192xi32, #tpu.memory_space<vmem>>, vector<16xi32>,
        tpu.vector_store %arg14[%parallel_loop3A_323], %parallel_loop3A_307 {strides = array<i32>} : memref<8192xi32, #tpu.memory_space<vmem>>, vector<16xi32>,
        %parallel_loop3A_325 = arith.constant 48 : i32
        %parallel_loop3A_326 = arith.addi %parallel_loop3A_131, %parallel_loop3A_325 : i32
        %parallel_loop3A_327 = arith.index_cast %parallel_loop3A_326 : i32 to index
        %parallel_loop3A_328 = tpu.vector_load %arg14[%parallel_loop3A_327] {strides = array<i32>} : memref<8192xi32, #tpu.memory_space<vmem>>, vector<16xi32>,
        tpu.vector_store %arg14[%parallel_loop3A_327], %parallel_loop3A_307 {strides = array<i32>} : memref<8192xi32, #tpu.memory_space<vmem>>, vector<16xi32>,
        %parallel_loop3A_329 = arith.mulf %parallel_loop3A_182, %parallel_loop3A_312 : vector<16xf32>
        %parallel_loop3A_330 = arith.fptosi %parallel_loop3A_329 : vector<16xf32> to vector<16xi32>
        %parallel_loop3A_331 = arith.sitofp %parallel_loop3A_330 : vector<16xi32> to vector<16xf32>
        %parallel_loop3A_332 = arith.cmpf olt, %parallel_loop3A_331, %parallel_loop3A_329 : vector<16xf32>
        %parallel_loop3A_333 = arith.extui %parallel_loop3A_332 : vector<16xi1> to vector<16xi32>
        %parallel_loop3A_334 = arith.addi %parallel_loop3A_330, %parallel_loop3A_333 : vector<16xi32>
        %parallel_loop3A_335 = arith.constant 63 : i32
        %parallel_loop3A_336 = vector.broadcast %parallel_loop3A_335 : i32 to vector<16xi32>
        %parallel_loop3A_337 = arith.cmpi sle, %parallel_loop3A_334, %parallel_loop3A_336 : vector<16xi32>
        %parallel_loop3A_338 = arith.constant 1 : i32
        %parallel_loop3A_339 = vector.broadcast %parallel_loop3A_338 : i32 to vector<16xi32>
        %parallel_loop3A_340 = arith.cmpi sge, %iota3A, %parallel_loop3A_339 : vector<16xi32>
        %parallel_loop3A_341 = arith.andi %parallel_loop3A_337, %parallel_loop3A_340 : vector<16xi1>
        %parallel_loop3A_342 = arith.addi %parallel_loop3A_305, %parallel_loop3A_334 : vector<16xi32>
        tpu.vector_store_idx %arg14[%parallel_loop3A_342], %parallel_loop3A_309 masked %parallel_loop3A_341 {add = true} : memref<8192xi32, #tpu.memory_space<vmem>>[vector<16xi32>], vector<16xi32>, vector<16xi1>
        %parallel_loop3A_343 = arith.mulf %parallel_loop3A_189, %parallel_loop3A_312 : vector<16xf32>
        %parallel_loop3A_344 = arith.fptosi %parallel_loop3A_343 : vector<16xf32> to vector<16xi32>
        %parallel_loop3A_345 = arith.sitofp %parallel_loop3A_344 : vector<16xi32> to vector<16xf32>
        %parallel_loop3A_346 = arith.cmpf olt, %parallel_loop3A_345, %parallel_loop3A_343 : vector<16xf32>
        %parallel_loop3A_347 = arith.extui %parallel_loop3A_346 : vector<16xi1> to vector<16xi32>
        %parallel_loop3A_348 = arith.addi %parallel_loop3A_344, %parallel_loop3A_347 : vector<16xi32>
        %parallel_loop3A_349 = arith.constant 63 : i32
        %parallel_loop3A_350 = vector.broadcast %parallel_loop3A_349 : i32 to vector<16xi32>
        %parallel_loop3A_351 = arith.cmpi sle, %parallel_loop3A_348, %parallel_loop3A_350 : vector<16xi32>
        %parallel_loop3A_352 = arith.addi %parallel_loop3A_305, %parallel_loop3A_348 : vector<16xi32>
        tpu.vector_store_idx %arg14[%parallel_loop3A_352], %parallel_loop3A_309 masked %parallel_loop3A_351 {add = true} : memref<8192xi32, #tpu.memory_space<vmem>>[vector<16xi32>], vector<16xi32>, vector<16xi1>
        %parallel_loop3A_353 = arith.mulf %parallel_loop3A_196, %parallel_loop3A_312 : vector<16xf32>
        %parallel_loop3A_354 = arith.fptosi %parallel_loop3A_353 : vector<16xf32> to vector<16xi32>
        %parallel_loop3A_355 = arith.sitofp %parallel_loop3A_354 : vector<16xi32> to vector<16xf32>
        %parallel_loop3A_356 = arith.cmpf olt, %parallel_loop3A_355, %parallel_loop3A_353 : vector<16xf32>
        %parallel_loop3A_357 = arith.extui %parallel_loop3A_356 : vector<16xi1> to vector<16xi32>
        %parallel_loop3A_358 = arith.addi %parallel_loop3A_354, %parallel_loop3A_357 : vector<16xi32>
        %parallel_loop3A_359 = arith.constant 63 : i32
        %parallel_loop3A_360 = vector.broadcast %parallel_loop3A_359 : i32 to vector<16xi32>
        %parallel_loop3A_361 = arith.cmpi sle, %parallel_loop3A_358, %parallel_loop3A_360 : vector<16xi32>
        %parallel_loop3A_362 = arith.addi %parallel_loop3A_305, %parallel_loop3A_358 : vector<16xi32>
        tpu.vector_store_idx %arg14[%parallel_loop3A_362], %parallel_loop3A_309 masked %parallel_loop3A_361 {add = true} : memref<8192xi32, #tpu.memory_space<vmem>>[vector<16xi32>], vector<16xi32>, vector<16xi1>
        %parallel_loop3A_363 = arith.mulf %parallel_loop3A_203, %parallel_loop3A_312 : vector<16xf32>
        %parallel_loop3A_364 = arith.fptosi %parallel_loop3A_363 : vector<16xf32> to vector<16xi32>
        %parallel_loop3A_365 = arith.sitofp %parallel_loop3A_364 : vector<16xi32> to vector<16xf32>
        %parallel_loop3A_366 = arith.cmpf olt, %parallel_loop3A_365, %parallel_loop3A_363 : vector<16xf32>
        %parallel_loop3A_367 = arith.extui %parallel_loop3A_366 : vector<16xi1> to vector<16xi32>
        %parallel_loop3A_368 = arith.addi %parallel_loop3A_364, %parallel_loop3A_367 : vector<16xi32>
        %parallel_loop3A_369 = arith.constant 63 : i32
        %parallel_loop3A_370 = vector.broadcast %parallel_loop3A_369 : i32 to vector<16xi32>
        %parallel_loop3A_371 = arith.cmpi sle, %parallel_loop3A_368, %parallel_loop3A_370 : vector<16xi32>
        %parallel_loop3A_372 = arith.constant 14 : i32
        %parallel_loop3A_373 = vector.broadcast %parallel_loop3A_372 : i32 to vector<16xi32>
        %parallel_loop3A_374 = arith.cmpi sle, %iota3A, %parallel_loop3A_373 : vector<16xi32>
        %parallel_loop3A_375 = arith.andi %parallel_loop3A_371, %parallel_loop3A_374 : vector<16xi1>
        %parallel_loop3A_376 = arith.addi %parallel_loop3A_305, %parallel_loop3A_368 : vector<16xi32>
        tpu.vector_store_idx %arg14[%parallel_loop3A_376], %parallel_loop3A_309 masked %parallel_loop3A_375 {add = true} : memref<8192xi32, #tpu.memory_space<vmem>>[vector<16xi32>], vector<16xi32>, vector<16xi1>
        %parallel_loop3A_377 = arith.index_cast %parallel_loop3A_131 : i32 to index
        %parallel_loop3A_378 = tpu.vector_load %arg14[%parallel_loop3A_377] {strides = array<i32>} : memref<8192xi32, #tpu.memory_space<vmem>>, vector<16xi32>,
        %parallel_loop3A_379 = arith.constant true
        %parallel_loop3A_380 = vector.broadcast %parallel_loop3A_379 : i1 to vector<16xi1>
        %parallel_loop3A_381 = tpu.scan <sum>, %parallel_loop3A_378 masked %parallel_loop3A_380 : vector<16xi32>, vector<16xi1> -> vector<16xi32>
        %parallel_loop3A_382 = arith.constant 16 : i32
        %parallel_loop3A_383 = arith.addi %parallel_loop3A_131, %parallel_loop3A_382 : i32
        %parallel_loop3A_384 = arith.index_cast %parallel_loop3A_383 : i32 to index
        %parallel_loop3A_385 = tpu.vector_load %arg14[%parallel_loop3A_384] {strides = array<i32>} : memref<8192xi32, #tpu.memory_space<vmem>>, vector<16xi32>,
        %parallel_loop3A_386 = arith.constant true
        %parallel_loop3A_387 = vector.broadcast %parallel_loop3A_386 : i1 to vector<16xi1>
        %parallel_loop3A_388 = tpu.scan <sum>, %parallel_loop3A_385 masked %parallel_loop3A_387 : vector<16xi32>, vector<16xi1> -> vector<16xi32>
        %parallel_loop3A_389 = vector.extract_strided_slice %parallel_loop3A_381 {offsets = [15], sizes = [1], strides = [1]} : vector<16xi32> to vector<1xi32>
        %parallel_loop3A_390 = vector.extract %parallel_loop3A_389[0] : i32 from vector<1xi32>
        %parallel_loop3A_391 = vector.broadcast %parallel_loop3A_390 : i32 to vector<16xi32>
        %parallel_loop3A_392 = arith.addi %parallel_loop3A_388, %parallel_loop3A_391 : vector<16xi32>
        %parallel_loop3A_393 = arith.constant 32 : i32
        %parallel_loop3A_394 = arith.addi %parallel_loop3A_131, %parallel_loop3A_393 : i32
        %parallel_loop3A_395 = arith.index_cast %parallel_loop3A_394 : i32 to index
        %parallel_loop3A_396 = tpu.vector_load %arg14[%parallel_loop3A_395] {strides = array<i32>} : memref<8192xi32, #tpu.memory_space<vmem>>, vector<16xi32>,
        %parallel_loop3A_397 = arith.constant true
        %parallel_loop3A_398 = vector.broadcast %parallel_loop3A_397 : i1 to vector<16xi1>
        %parallel_loop3A_399 = tpu.scan <sum>, %parallel_loop3A_396 masked %parallel_loop3A_398 : vector<16xi32>, vector<16xi1> -> vector<16xi32>
        %parallel_loop3A_400 = vector.extract_strided_slice %parallel_loop3A_392 {offsets = [15], sizes = [1], strides = [1]} : vector<16xi32> to vector<1xi32>
        %parallel_loop3A_401 = vector.extract %parallel_loop3A_400[0] : i32 from vector<1xi32>
        %parallel_loop3A_402 = vector.broadcast %parallel_loop3A_401 : i32 to vector<16xi32>
        %parallel_loop3A_403 = arith.addi %parallel_loop3A_399, %parallel_loop3A_402 : vector<16xi32>
        %parallel_loop3A_404 = arith.constant 48 : i32
        %parallel_loop3A_405 = arith.addi %parallel_loop3A_131, %parallel_loop3A_404 : i32
        %parallel_loop3A_406 = arith.index_cast %parallel_loop3A_405 : i32 to index
        %parallel_loop3A_407 = tpu.vector_load %arg14[%parallel_loop3A_406] {strides = array<i32>} : memref<8192xi32, #tpu.memory_space<vmem>>, vector<16xi32>,
        %parallel_loop3A_408 = arith.constant true
        %parallel_loop3A_409 = vector.broadcast %parallel_loop3A_408 : i1 to vector<16xi1>
        %parallel_loop3A_410 = tpu.scan <sum>, %parallel_loop3A_407 masked %parallel_loop3A_409 : vector<16xi32>, vector<16xi1> -> vector<16xi32>
        %parallel_loop3A_411 = vector.extract_strided_slice %parallel_loop3A_403 {offsets = [15], sizes = [1], strides = [1]} : vector<16xi32> to vector<1xi32>
        %parallel_loop3A_412 = vector.extract %parallel_loop3A_411[0] : i32 from vector<1xi32>
        %parallel_loop3A_413 = vector.broadcast %parallel_loop3A_412 : i32 to vector<16xi32>
        %parallel_loop3A_414 = arith.addi %parallel_loop3A_410, %parallel_loop3A_413 : vector<16xi32>
        %parallel_loop3A_415 = arith.addi %parallel_loop3A_381, %parallel_loop3A_305 : vector<16xi32>
        %parallel_loop3A_416 = arith.addi %parallel_loop3A_392, %parallel_loop3A_305 : vector<16xi32>
        %parallel_loop3A_417 = arith.addi %parallel_loop3A_403, %parallel_loop3A_305 : vector<16xi32>
        %parallel_loop3A_418 = arith.addi %parallel_loop3A_414, %parallel_loop3A_305 : vector<16xi32>
        %parallel_loop3A_419 = vector.broadcast %parallel_loop3A_205 : f32 to vector<16xf32>
        %parallel_loop3A_420 = arith.mulf %get3A_1, %parallel_loop3A_419 : vector<16xf32>
        %parallel_loop3A_421 = arith.constant 1 : i32
        %parallel_loop3A_422 = vector.broadcast %parallel_loop3A_421 : i32 to vector<16xi32>
        %parallel_loop3A_423 = arith.addi %parallel_loop3A_415, %parallel_loop3A_422 : vector<16xi32>
        %parallel_loop3A_424 = tpu.vector_load_idx %arg12[%parallel_loop3A_415] : memref<8192xf32, #tpu.memory_space<vmem>>[vector<16xi32>], vector<16xf32>,
        %parallel_loop3A_425 = tpu.vector_load_idx %arg12[%parallel_loop3A_423] : memref<8192xf32, #tpu.memory_space<vmem>>[vector<16xi32>], vector<16xf32>,
        %parallel_loop3A_426 = tpu.vector_load_idx %arg13[%parallel_loop3A_415] : memref<8192xf32, #tpu.memory_space<vmem>>[vector<16xi32>], vector<16xf32>,
        %parallel_loop3A_427 = tpu.vector_load_idx %arg13[%parallel_loop3A_423] : memref<8192xf32, #tpu.memory_space<vmem>>[vector<16xi32>], vector<16xf32>,
        %parallel_loop3A_428 = arith.subf %parallel_loop3A_425, %parallel_loop3A_424 : vector<16xf32>
        %parallel_loop3A_429 = arith.mulf %parallel_loop3A_428, %parallel_loop3A_209 : vector<16xf32>
        %parallel_loop3A_430 = arith.subf %parallel_loop3A_420, %parallel_loop3A_424 : vector<16xf32>
        %parallel_loop3A_431 = arith.mulf %parallel_loop3A_430, %parallel_loop3A_209 : vector<16xf32>
        %parallel_loop3A_432 = arith.constant 9.99999974E-6 : f32
        %parallel_loop3A_433 = vector.broadcast %parallel_loop3A_432 : f32 to vector<16xf32>
        %parallel_loop3A_434 = arith.cmpf olt, %parallel_loop3A_429, %parallel_loop3A_433 : vector<16xf32>
        %parallel_loop3A_435 = arith.divf %parallel_loop3A_431, %parallel_loop3A_429 : vector<16xf32>
        %parallel_loop3A_436 = arith.select %parallel_loop3A_434, %parallel_loop3A_431, %parallel_loop3A_435 : vector<16xi1>, vector<16xf32>
        %parallel_loop3A_437 = arith.subf %parallel_loop3A_427, %parallel_loop3A_426 : vector<16xf32>
        %parallel_loop3A_438 = arith.mulf %parallel_loop3A_436, %parallel_loop3A_437 : vector<16xf32>
        %parallel_loop3A_439 = arith.addf %parallel_loop3A_426, %parallel_loop3A_438 : vector<16xf32>
        %parallel_loop3A_440 = vector.broadcast %parallel_loop3A_205 : f32 to vector<16xf32>
        %parallel_loop3A_441 = arith.mulf %get3A_3, %parallel_loop3A_440 : vector<16xf32>
        %parallel_loop3A_442 = arith.constant 1 : i32
        %parallel_loop3A_443 = vector.broadcast %parallel_loop3A_442 : i32 to vector<16xi32>
        %parallel_loop3A_444 = arith.addi %parallel_loop3A_416, %parallel_loop3A_443 : vector<16xi32>
        %parallel_loop3A_445 = tpu.vector_load_idx %arg12[%parallel_loop3A_416] : memref<8192xf32, #tpu.memory_space<vmem>>[vector<16xi32>], vector<16xf32>,
        %parallel_loop3A_446 = tpu.vector_load_idx %arg12[%parallel_loop3A_444] : memref<8192xf32, #tpu.memory_space<vmem>>[vector<16xi32>], vector<16xf32>,
        %parallel_loop3A_447 = tpu.vector_load_idx %arg13[%parallel_loop3A_416] : memref<8192xf32, #tpu.memory_space<vmem>>[vector<16xi32>], vector<16xf32>,
        %parallel_loop3A_448 = tpu.vector_load_idx %arg13[%parallel_loop3A_444] : memref<8192xf32, #tpu.memory_space<vmem>>[vector<16xi32>], vector<16xf32>,
        %parallel_loop3A_449 = arith.subf %parallel_loop3A_446, %parallel_loop3A_445 : vector<16xf32>
        %parallel_loop3A_450 = arith.mulf %parallel_loop3A_449, %parallel_loop3A_209 : vector<16xf32>
        %parallel_loop3A_451 = arith.subf %parallel_loop3A_441, %parallel_loop3A_445 : vector<16xf32>
        %parallel_loop3A_452 = arith.mulf %parallel_loop3A_451, %parallel_loop3A_209 : vector<16xf32>
        %parallel_loop3A_453 = arith.constant 9.99999974E-6 : f32
        %parallel_loop3A_454 = vector.broadcast %parallel_loop3A_453 : f32 to vector<16xf32>
        %parallel_loop3A_455 = arith.cmpf olt, %parallel_loop3A_450, %parallel_loop3A_454 : vector<16xf32>
        %parallel_loop3A_456 = arith.divf %parallel_loop3A_452, %parallel_loop3A_450 : vector<16xf32>
        %parallel_loop3A_457 = arith.select %parallel_loop3A_455, %parallel_loop3A_452, %parallel_loop3A_456 : vector<16xi1>, vector<16xf32>
        %parallel_loop3A_458 = arith.subf %parallel_loop3A_448, %parallel_loop3A_447 : vector<16xf32>
        %parallel_loop3A_459 = arith.mulf %parallel_loop3A_457, %parallel_loop3A_458 : vector<16xf32>
        %parallel_loop3A_460 = arith.addf %parallel_loop3A_447, %parallel_loop3A_459 : vector<16xf32>
        %parallel_loop3A_461 = vector.broadcast %parallel_loop3A_205 : f32 to vector<16xf32>
        %parallel_loop3A_462 = arith.mulf %get3A_5, %parallel_loop3A_461 : vector<16xf32>
        %parallel_loop3A_463 = arith.constant 1 : i32
        %parallel_loop3A_464 = vector.broadcast %parallel_loop3A_463 : i32 to vector<16xi32>
        %parallel_loop3A_465 = arith.addi %parallel_loop3A_417, %parallel_loop3A_464 : vector<16xi32>
        %parallel_loop3A_466 = tpu.vector_load_idx %arg12[%parallel_loop3A_417] : memref<8192xf32, #tpu.memory_space<vmem>>[vector<16xi32>], vector<16xf32>,
        %parallel_loop3A_467 = tpu.vector_load_idx %arg12[%parallel_loop3A_465] : memref<8192xf32, #tpu.memory_space<vmem>>[vector<16xi32>], vector<16xf32>,
        %parallel_loop3A_468 = tpu.vector_load_idx %arg13[%parallel_loop3A_417] : memref<8192xf32, #tpu.memory_space<vmem>>[vector<16xi32>], vector<16xf32>,
        %parallel_loop3A_469 = tpu.vector_load_idx %arg13[%parallel_loop3A_465] : memref<8192xf32, #tpu.memory_space<vmem>>[vector<16xi32>], vector<16xf32>,
        %parallel_loop3A_470 = arith.subf %parallel_loop3A_467, %parallel_loop3A_466 : vector<16xf32>
        %parallel_loop3A_471 = arith.mulf %parallel_loop3A_470, %parallel_loop3A_209 : vector<16xf32>
        %parallel_loop3A_472 = arith.subf %parallel_loop3A_462, %parallel_loop3A_466 : vector<16xf32>
        %parallel_loop3A_473 = arith.mulf %parallel_loop3A_472, %parallel_loop3A_209 : vector<16xf32>
        %parallel_loop3A_474 = arith.constant 9.99999974E-6 : f32
        %parallel_loop3A_475 = vector.broadcast %parallel_loop3A_474 : f32 to vector<16xf32>
        %parallel_loop3A_476 = arith.cmpf olt, %parallel_loop3A_471, %parallel_loop3A_475 : vector<16xf32>
        %parallel_loop3A_477 = arith.divf %parallel_loop3A_473, %parallel_loop3A_471 : vector<16xf32>
        %parallel_loop3A_478 = arith.select %parallel_loop3A_476, %parallel_loop3A_473, %parallel_loop3A_477 : vector<16xi1>, vector<16xf32>
        %parallel_loop3A_479 = arith.subf %parallel_loop3A_469, %parallel_loop3A_468 : vector<16xf32>
        %parallel_loop3A_480 = arith.mulf %parallel_loop3A_478, %parallel_loop3A_479 : vector<16xf32>
        %parallel_loop3A_481 = arith.addf %parallel_loop3A_468, %parallel_loop3A_480 : vector<16xf32>
        %parallel_loop3A_482 = vector.broadcast %parallel_loop3A_205 : f32 to vector<16xf32>
        %parallel_loop3A_483 = arith.mulf %get3A_7, %parallel_loop3A_482 : vector<16xf32>
        %parallel_loop3A_484 = arith.constant 1 : i32
        %parallel_loop3A_485 = vector.broadcast %parallel_loop3A_484 : i32 to vector<16xi32>
        %parallel_loop3A_486 = arith.addi %parallel_loop3A_418, %parallel_loop3A_485 : vector<16xi32>
        %parallel_loop3A_487 = tpu.vector_load_idx %arg12[%parallel_loop3A_418] : memref<8192xf32, #tpu.memory_space<vmem>>[vector<16xi32>], vector<16xf32>,
        %parallel_loop3A_488 = tpu.vector_load_idx %arg12[%parallel_loop3A_486] : memref<8192xf32, #tpu.memory_space<vmem>>[vector<16xi32>], vector<16xf32>,
        %parallel_loop3A_489 = tpu.vector_load_idx %arg13[%parallel_loop3A_418] : memref<8192xf32, #tpu.memory_space<vmem>>[vector<16xi32>], vector<16xf32>,
        %parallel_loop3A_490 = tpu.vector_load_idx %arg13[%parallel_loop3A_486] : memref<8192xf32, #tpu.memory_space<vmem>>[vector<16xi32>], vector<16xf32>,
        %parallel_loop3A_491 = arith.subf %parallel_loop3A_488, %parallel_loop3A_487 : vector<16xf32>
        %parallel_loop3A_492 = arith.mulf %parallel_loop3A_491, %parallel_loop3A_209 : vector<16xf32>
        %parallel_loop3A_493 = arith.subf %parallel_loop3A_483, %parallel_loop3A_487 : vector<16xf32>
        %parallel_loop3A_494 = arith.mulf %parallel_loop3A_493, %parallel_loop3A_209 : vector<16xf32>
        %parallel_loop3A_495 = arith.constant 9.99999974E-6 : f32
        %parallel_loop3A_496 = vector.broadcast %parallel_loop3A_495 : f32 to vector<16xf32>
        %parallel_loop3A_497 = arith.cmpf olt, %parallel_loop3A_492, %parallel_loop3A_496 : vector<16xf32>
        %parallel_loop3A_498 = arith.divf %parallel_loop3A_494, %parallel_loop3A_492 : vector<16xf32>
        %parallel_loop3A_499 = arith.select %parallel_loop3A_497, %parallel_loop3A_494, %parallel_loop3A_498 : vector<16xi1>, vector<16xf32>
        %parallel_loop3A_500 = arith.subf %parallel_loop3A_490, %parallel_loop3A_489 : vector<16xf32>
        %parallel_loop3A_501 = arith.mulf %parallel_loop3A_499, %parallel_loop3A_500 : vector<16xf32>
        %parallel_loop3A_502 = arith.addf %parallel_loop3A_489, %parallel_loop3A_501 : vector<16xf32>
        %parallel_loop3A_503 = arith.constant dense<true> : vector<16xi1>
        %parallel_loop3A_504, %parallel_loop3A_505, %parallel_loop3A_506 = tpu.sort %parallel_loop3A_134, %parallel_loop3A_134 masked %parallel_loop3A_503 : (vector<16xf32>, vector<16xf32>, vector<16xi1>) -> (vector<16xi1>, vector<16xf32>, vector<16xf32>)
        %parallel_loop3A_507 = arith.constant dense<true> : vector<16xi1>
        %parallel_loop3A_508, %parallel_loop3A_509, %parallel_loop3A_510 = tpu.sort %parallel_loop3A_137, %parallel_loop3A_137 masked %parallel_loop3A_507 : (vector<16xf32>, vector<16xf32>, vector<16xi1>) -> (vector<16xi1>, vector<16xf32>, vector<16xf32>)
        %parallel_loop3A_511 = arith.constant dense<true> : vector<16xi1>
        %parallel_loop3A_512, %parallel_loop3A_513, %parallel_loop3A_514 = tpu.sort %parallel_loop3A_140, %parallel_loop3A_140 masked %parallel_loop3A_511 : (vector<16xf32>, vector<16xf32>, vector<16xi1>) -> (vector<16xi1>, vector<16xf32>, vector<16xf32>)
        %parallel_loop3A_515 = arith.constant dense<true> : vector<16xi1>
        %parallel_loop3A_516, %parallel_loop3A_517, %parallel_loop3A_518 = tpu.sort %parallel_loop3A_143, %parallel_loop3A_143 masked %parallel_loop3A_515 : (vector<16xf32>, vector<16xf32>, vector<16xi1>) -> (vector<16xi1>, vector<16xf32>, vector<16xf32>)
        %parallel_loop3A_519 = arith.constant dense<true> : vector<16xi1>
        %parallel_loop3A_520, %parallel_loop3A_521, %parallel_loop3A_522 = tpu.sort %parallel_loop3A_439, %parallel_loop3A_439 masked %parallel_loop3A_519 : (vector<16xf32>, vector<16xf32>, vector<16xi1>) -> (vector<16xi1>, vector<16xf32>, vector<16xf32>)
        %parallel_loop3A_523 = arith.constant dense<true> : vector<16xi1>
        %parallel_loop3A_524, %parallel_loop3A_525, %parallel_loop3A_526 = tpu.sort %parallel_loop3A_460, %parallel_loop3A_460 masked %parallel_loop3A_523 : (vector<16xf32>, vector<16xf32>, vector<16xi1>) -> (vector<16xi1>, vector<16xf32>, vector<16xf32>)
        %parallel_loop3A_527 = arith.constant dense<true> : vector<16xi1>
        %parallel_loop3A_528, %parallel_loop3A_529, %parallel_loop3A_530 = tpu.sort %parallel_loop3A_481, %parallel_loop3A_481 masked %parallel_loop3A_527 : (vector<16xf32>, vector<16xf32>, vector<16xi1>) -> (vector<16xi1>, vector<16xf32>, vector<16xf32>)
        %parallel_loop3A_531 = arith.constant dense<true> : vector<16xi1>
        %parallel_loop3A_532, %parallel_loop3A_533, %parallel_loop3A_534 = tpu.sort %parallel_loop3A_502, %parallel_loop3A_502 masked %parallel_loop3A_531 : (vector<16xf32>, vector<16xf32>, vector<16xi1>) -> (vector<16xi1>, vector<16xf32>, vector<16xf32>)
        %parallel_loop3A_535 = arith.constant 15 : i32
        %parallel_loop3A_536 = vector.broadcast %parallel_loop3A_535 : i32 to vector<16xi32>
        %parallel_loop3A_537 = tpu.iota {dimensions = array<i32: 0>} : vector<16xi32>
        %parallel_loop3A_538 = arith.subi %parallel_loop3A_536, %parallel_loop3A_537 : vector<16xi32>
        %parallel_loop3A_539 = tpu.dynamic_gather %parallel_loop3A_509[%parallel_loop3A_538] in [0] : vector<16xf32>, vector<16xi32> -> vector<16xf32>
        %parallel_loop3A_540 = arith.minimumf %parallel_loop3A_505, %parallel_loop3A_539 : vector<16xf32>
        %parallel_loop3A_541 = arith.constant dense<true> : vector<16xi1>
        %parallel_loop3A_542, %parallel_loop3A_543, %parallel_loop3A_544 = tpu.sort %parallel_loop3A_540, %parallel_loop3A_540 masked %parallel_loop3A_541 : (vector<16xf32>, vector<16xf32>, vector<16xi1>) -> (vector<16xi1>, vector<16xf32>, vector<16xf32>)
        %parallel_loop3A_545 = arith.maximumf %parallel_loop3A_505, %parallel_loop3A_539 : vector<16xf32>
        %parallel_loop3A_546 = arith.constant dense<true> : vector<16xi1>
        %parallel_loop3A_547, %parallel_loop3A_548, %parallel_loop3A_549 = tpu.sort %parallel_loop3A_545, %parallel_loop3A_545 masked %parallel_loop3A_546 : (vector<16xf32>, vector<16xf32>, vector<16xi1>) -> (vector<16xi1>, vector<16xf32>, vector<16xf32>)
        %parallel_loop3A_550 = arith.constant 15 : i32
        %parallel_loop3A_551 = vector.broadcast %parallel_loop3A_550 : i32 to vector<16xi32>
        %parallel_loop3A_552 = tpu.iota {dimensions = array<i32: 0>} : vector<16xi32>
        %parallel_loop3A_553 = arith.subi %parallel_loop3A_551, %parallel_loop3A_552 : vector<16xi32>
        %parallel_loop3A_554 = tpu.dynamic_gather %parallel_loop3A_517[%parallel_loop3A_553] in [0] : vector<16xf32>, vector<16xi32> -> vector<16xf32>
        %parallel_loop3A_555 = arith.minimumf %parallel_loop3A_513, %parallel_loop3A_554 : vector<16xf32>
        %parallel_loop3A_556 = arith.constant dense<true> : vector<16xi1>
        %parallel_loop3A_557, %parallel_loop3A_558, %parallel_loop3A_559 = tpu.sort %parallel_loop3A_555, %parallel_loop3A_555 masked %parallel_loop3A_556 : (vector<16xf32>, vector<16xf32>, vector<16xi1>) -> (vector<16xi1>, vector<16xf32>, vector<16xf32>)
        %parallel_loop3A_560 = arith.maximumf %parallel_loop3A_513, %parallel_loop3A_554 : vector<16xf32>
        %parallel_loop3A_561 = arith.constant dense<true> : vector<16xi1>
        %parallel_loop3A_562, %parallel_loop3A_563, %parallel_loop3A_564 = tpu.sort %parallel_loop3A_560, %parallel_loop3A_560 masked %parallel_loop3A_561 : (vector<16xf32>, vector<16xf32>, vector<16xi1>) -> (vector<16xi1>, vector<16xf32>, vector<16xf32>)
        %parallel_loop3A_565 = arith.constant 15 : i32
        %parallel_loop3A_566 = vector.broadcast %parallel_loop3A_565 : i32 to vector<16xi32>
        %parallel_loop3A_567 = tpu.iota {dimensions = array<i32: 0>} : vector<16xi32>
        %parallel_loop3A_568 = arith.subi %parallel_loop3A_566, %parallel_loop3A_567 : vector<16xi32>
        %parallel_loop3A_569 = tpu.dynamic_gather %parallel_loop3A_563[%parallel_loop3A_568] in [0] : vector<16xf32>, vector<16xi32> -> vector<16xf32>
        %parallel_loop3A_570 = arith.constant 15 : i32
        %parallel_loop3A_571 = vector.broadcast %parallel_loop3A_570 : i32 to vector<16xi32>
        %parallel_loop3A_572 = tpu.iota {dimensions = array<i32: 0>} : vector<16xi32>
        %parallel_loop3A_573 = arith.subi %parallel_loop3A_571, %parallel_loop3A_572 : vector<16xi32>
        %parallel_loop3A_574 = tpu.dynamic_gather %parallel_loop3A_558[%parallel_loop3A_573] in [0] : vector<16xf32>, vector<16xi32> -> vector<16xf32>
        %parallel_loop3A_575 = arith.minimumf %parallel_loop3A_543, %parallel_loop3A_569 : vector<16xf32>
        %parallel_loop3A_576 = arith.minimumf %parallel_loop3A_548, %parallel_loop3A_574 : vector<16xf32>
        %parallel_loop3A_577 = arith.minimumf %parallel_loop3A_575, %parallel_loop3A_576 : vector<16xf32>
        %parallel_loop3A_578 = arith.constant dense<true> : vector<16xi1>
        %parallel_loop3A_579, %parallel_loop3A_580, %parallel_loop3A_581 = tpu.sort %parallel_loop3A_577, %parallel_loop3A_577 masked %parallel_loop3A_578 : (vector<16xf32>, vector<16xf32>, vector<16xi1>) -> (vector<16xi1>, vector<16xf32>, vector<16xf32>)
        %parallel_loop3A_582 = arith.maximumf %parallel_loop3A_575, %parallel_loop3A_576 : vector<16xf32>
        %parallel_loop3A_583 = arith.constant dense<true> : vector<16xi1>
        %parallel_loop3A_584, %parallel_loop3A_585, %parallel_loop3A_586 = tpu.sort %parallel_loop3A_582, %parallel_loop3A_582 masked %parallel_loop3A_583 : (vector<16xf32>, vector<16xf32>, vector<16xi1>) -> (vector<16xi1>, vector<16xf32>, vector<16xf32>)
        %parallel_loop3A_587 = arith.maximumf %parallel_loop3A_543, %parallel_loop3A_569 : vector<16xf32>
        %parallel_loop3A_588 = arith.maximumf %parallel_loop3A_548, %parallel_loop3A_574 : vector<16xf32>
        %parallel_loop3A_589 = arith.minimumf %parallel_loop3A_587, %parallel_loop3A_588 : vector<16xf32>
        %parallel_loop3A_590 = arith.constant dense<true> : vector<16xi1>
        %parallel_loop3A_591, %parallel_loop3A_592, %parallel_loop3A_593 = tpu.sort %parallel_loop3A_589, %parallel_loop3A_589 masked %parallel_loop3A_590 : (vector<16xf32>, vector<16xf32>, vector<16xi1>) -> (vector<16xi1>, vector<16xf32>, vector<16xf32>)
        %parallel_loop3A_594 = arith.maximumf %parallel_loop3A_587, %parallel_loop3A_588 : vector<16xf32>
        %parallel_loop3A_595 = arith.constant dense<true> : vector<16xi1>
        %parallel_loop3A_596, %parallel_loop3A_597, %parallel_loop3A_598 = tpu.sort %parallel_loop3A_594, %parallel_loop3A_594 masked %parallel_loop3A_595 : (vector<16xf32>, vector<16xf32>, vector<16xi1>) -> (vector<16xi1>, vector<16xf32>, vector<16xf32>)
        %parallel_loop3A_599 = arith.constant 15 : i32
        %parallel_loop3A_600 = vector.broadcast %parallel_loop3A_599 : i32 to vector<16xi32>
        %parallel_loop3A_601 = tpu.iota {dimensions = array<i32: 0>} : vector<16xi32>
        %parallel_loop3A_602 = arith.subi %parallel_loop3A_600, %parallel_loop3A_601 : vector<16xi32>
        %parallel_loop3A_603 = tpu.dynamic_gather %parallel_loop3A_525[%parallel_loop3A_602] in [0] : vector<16xf32>, vector<16xi32> -> vector<16xf32>
        %parallel_loop3A_604 = arith.minimumf %parallel_loop3A_521, %parallel_loop3A_603 : vector<16xf32>
        %parallel_loop3A_605 = arith.constant dense<true> : vector<16xi1>
        %parallel_loop3A_606, %parallel_loop3A_607, %parallel_loop3A_608 = tpu.sort %parallel_loop3A_604, %parallel_loop3A_604 masked %parallel_loop3A_605 : (vector<16xf32>, vector<16xf32>, vector<16xi1>) -> (vector<16xi1>, vector<16xf32>, vector<16xf32>)
        %parallel_loop3A_609 = arith.maximumf %parallel_loop3A_521, %parallel_loop3A_603 : vector<16xf32>
        %parallel_loop3A_610 = arith.constant dense<true> : vector<16xi1>
        %parallel_loop3A_611, %parallel_loop3A_612, %parallel_loop3A_613 = tpu.sort %parallel_loop3A_609, %parallel_loop3A_609 masked %parallel_loop3A_610 : (vector<16xf32>, vector<16xf32>, vector<16xi1>) -> (vector<16xi1>, vector<16xf32>, vector<16xf32>)
        %parallel_loop3A_614 = arith.constant 15 : i32
        %parallel_loop3A_615 = vector.broadcast %parallel_loop3A_614 : i32 to vector<16xi32>
        %parallel_loop3A_616 = tpu.iota {dimensions = array<i32: 0>} : vector<16xi32>
        %parallel_loop3A_617 = arith.subi %parallel_loop3A_615, %parallel_loop3A_616 : vector<16xi32>
        %parallel_loop3A_618 = tpu.dynamic_gather %parallel_loop3A_533[%parallel_loop3A_617] in [0] : vector<16xf32>, vector<16xi32> -> vector<16xf32>
        %parallel_loop3A_619 = arith.minimumf %parallel_loop3A_529, %parallel_loop3A_618 : vector<16xf32>
        %parallel_loop3A_620 = arith.constant dense<true> : vector<16xi1>
        %parallel_loop3A_621, %parallel_loop3A_622, %parallel_loop3A_623 = tpu.sort %parallel_loop3A_619, %parallel_loop3A_619 masked %parallel_loop3A_620 : (vector<16xf32>, vector<16xf32>, vector<16xi1>) -> (vector<16xi1>, vector<16xf32>, vector<16xf32>)
        %parallel_loop3A_624 = arith.maximumf %parallel_loop3A_529, %parallel_loop3A_618 : vector<16xf32>
        %parallel_loop3A_625 = arith.constant dense<true> : vector<16xi1>
        %parallel_loop3A_626, %parallel_loop3A_627, %parallel_loop3A_628 = tpu.sort %parallel_loop3A_624, %parallel_loop3A_624 masked %parallel_loop3A_625 : (vector<16xf32>, vector<16xf32>, vector<16xi1>) -> (vector<16xi1>, vector<16xf32>, vector<16xf32>)
        %parallel_loop3A_629 = arith.constant 15 : i32
        %parallel_loop3A_630 = vector.broadcast %parallel_loop3A_629 : i32 to vector<16xi32>
        %parallel_loop3A_631 = tpu.iota {dimensions = array<i32: 0>} : vector<16xi32>
        %parallel_loop3A_632 = arith.subi %parallel_loop3A_630, %parallel_loop3A_631 : vector<16xi32>
        %parallel_loop3A_633 = tpu.dynamic_gather %parallel_loop3A_627[%parallel_loop3A_632] in [0] : vector<16xf32>, vector<16xi32> -> vector<16xf32>
        %parallel_loop3A_634 = arith.constant 15 : i32
        %parallel_loop3A_635 = vector.broadcast %parallel_loop3A_634 : i32 to vector<16xi32>
        %parallel_loop3A_636 = tpu.iota {dimensions = array<i32: 0>} : vector<16xi32>
        %parallel_loop3A_637 = arith.subi %parallel_loop3A_635, %parallel_loop3A_636 : vector<16xi32>
        %parallel_loop3A_638 = tpu.dynamic_gather %parallel_loop3A_622[%parallel_loop3A_637] in [0] : vector<16xf32>, vector<16xi32> -> vector<16xf32>
        %parallel_loop3A_639 = arith.minimumf %parallel_loop3A_607, %parallel_loop3A_633 : vector<16xf32>
        %parallel_loop3A_640 = arith.minimumf %parallel_loop3A_612, %parallel_loop3A_638 : vector<16xf32>
        %parallel_loop3A_641 = arith.minimumf %parallel_loop3A_639, %parallel_loop3A_640 : vector<16xf32>
        %parallel_loop3A_642 = arith.constant dense<true> : vector<16xi1>
        %parallel_loop3A_643, %parallel_loop3A_644, %parallel_loop3A_645 = tpu.sort %parallel_loop3A_641, %parallel_loop3A_641 masked %parallel_loop3A_642 : (vector<16xf32>, vector<16xf32>, vector<16xi1>) -> (vector<16xi1>, vector<16xf32>, vector<16xf32>)
        %parallel_loop3A_646 = arith.maximumf %parallel_loop3A_639, %parallel_loop3A_640 : vector<16xf32>
        %parallel_loop3A_647 = arith.constant dense<true> : vector<16xi1>
        %parallel_loop3A_648, %parallel_loop3A_649, %parallel_loop3A_650 = tpu.sort %parallel_loop3A_646, %parallel_loop3A_646 masked %parallel_loop3A_647 : (vector<16xf32>, vector<16xf32>, vector<16xi1>) -> (vector<16xi1>, vector<16xf32>, vector<16xf32>)
        %parallel_loop3A_651 = arith.maximumf %parallel_loop3A_607, %parallel_loop3A_633 : vector<16xf32>
        %parallel_loop3A_652 = arith.maximumf %parallel_loop3A_612, %parallel_loop3A_638 : vector<16xf32>
        %parallel_loop3A_653 = arith.minimumf %parallel_loop3A_651, %parallel_loop3A_652 : vector<16xf32>
        %parallel_loop3A_654 = arith.constant dense<true> : vector<16xi1>
        %parallel_loop3A_655, %parallel_loop3A_656, %parallel_loop3A_657 = tpu.sort %parallel_loop3A_653, %parallel_loop3A_653 masked %parallel_loop3A_654 : (vector<16xf32>, vector<16xf32>, vector<16xi1>) -> (vector<16xi1>, vector<16xf32>, vector<16xf32>)
        %parallel_loop3A_658 = arith.maximumf %parallel_loop3A_651, %parallel_loop3A_652 : vector<16xf32>
        %parallel_loop3A_659 = arith.constant dense<true> : vector<16xi1>
        %parallel_loop3A_660, %parallel_loop3A_661, %parallel_loop3A_662 = tpu.sort %parallel_loop3A_658, %parallel_loop3A_658 masked %parallel_loop3A_659 : (vector<16xf32>, vector<16xf32>, vector<16xi1>) -> (vector<16xi1>, vector<16xf32>, vector<16xf32>)
        %parallel_loop3A_663 = arith.constant 15 : i32
        %parallel_loop3A_664 = vector.broadcast %parallel_loop3A_663 : i32 to vector<16xi32>
        %parallel_loop3A_665 = tpu.iota {dimensions = array<i32: 0>} : vector<16xi32>
        %parallel_loop3A_666 = arith.subi %parallel_loop3A_664, %parallel_loop3A_665 : vector<16xi32>
        %parallel_loop3A_667 = tpu.dynamic_gather %parallel_loop3A_661[%parallel_loop3A_666] in [0] : vector<16xf32>, vector<16xi32> -> vector<16xf32>
        %parallel_loop3A_668 = arith.constant 15 : i32
        %parallel_loop3A_669 = vector.broadcast %parallel_loop3A_668 : i32 to vector<16xi32>
        %parallel_loop3A_670 = tpu.iota {dimensions = array<i32: 0>} : vector<16xi32>
        %parallel_loop3A_671 = arith.subi %parallel_loop3A_669, %parallel_loop3A_670 : vector<16xi32>
        %parallel_loop3A_672 = tpu.dynamic_gather %parallel_loop3A_656[%parallel_loop3A_671] in [0] : vector<16xf32>, vector<16xi32> -> vector<16xf32>
        %parallel_loop3A_673 = arith.constant 15 : i32
        %parallel_loop3A_674 = vector.broadcast %parallel_loop3A_673 : i32 to vector<16xi32>
        %parallel_loop3A_675 = tpu.iota {dimensions = array<i32: 0>} : vector<16xi32>
        %parallel_loop3A_676 = arith.subi %parallel_loop3A_674, %parallel_loop3A_675 : vector<16xi32>
        %parallel_loop3A_677 = tpu.dynamic_gather %parallel_loop3A_649[%parallel_loop3A_676] in [0] : vector<16xf32>, vector<16xi32> -> vector<16xf32>
        %parallel_loop3A_678 = arith.constant 15 : i32
        %parallel_loop3A_679 = vector.broadcast %parallel_loop3A_678 : i32 to vector<16xi32>
        %parallel_loop3A_680 = tpu.iota {dimensions = array<i32: 0>} : vector<16xi32>
        %parallel_loop3A_681 = arith.subi %parallel_loop3A_679, %parallel_loop3A_680 : vector<16xi32>
        %parallel_loop3A_682 = tpu.dynamic_gather %parallel_loop3A_644[%parallel_loop3A_681] in [0] : vector<16xf32>, vector<16xi32> -> vector<16xf32>
        %parallel_loop3A_683 = arith.minimumf %parallel_loop3A_580, %parallel_loop3A_667 : vector<16xf32>
        %parallel_loop3A_684 = arith.minimumf %parallel_loop3A_585, %parallel_loop3A_672 : vector<16xf32>
        %parallel_loop3A_685 = arith.minimumf %parallel_loop3A_592, %parallel_loop3A_677 : vector<16xf32>
        %parallel_loop3A_686 = arith.minimumf %parallel_loop3A_597, %parallel_loop3A_682 : vector<16xf32>
        %parallel_loop3A_687 = arith.maximumf %parallel_loop3A_580, %parallel_loop3A_667 : vector<16xf32>
        %parallel_loop3A_688 = arith.maximumf %parallel_loop3A_585, %parallel_loop3A_672 : vector<16xf32>
        %parallel_loop3A_689 = arith.maximumf %parallel_loop3A_592, %parallel_loop3A_677 : vector<16xf32>
        %parallel_loop3A_690 = arith.maximumf %parallel_loop3A_597, %parallel_loop3A_682 : vector<16xf32>
        %parallel_loop3A_691 = arith.minimumf %parallel_loop3A_683, %parallel_loop3A_685 : vector<16xf32>
        %parallel_loop3A_692 = arith.minimumf %parallel_loop3A_684, %parallel_loop3A_686 : vector<16xf32>
        %parallel_loop3A_693 = arith.maximumf %parallel_loop3A_683, %parallel_loop3A_685 : vector<16xf32>
        %parallel_loop3A_694 = arith.maximumf %parallel_loop3A_684, %parallel_loop3A_686 : vector<16xf32>
        %parallel_loop3A_695 = arith.minimumf %parallel_loop3A_691, %parallel_loop3A_692 : vector<16xf32>
        %parallel_loop3A_696 = arith.constant dense<true> : vector<16xi1>
        %parallel_loop3A_697, %parallel_loop3A_698, %parallel_loop3A_699 = tpu.sort %parallel_loop3A_695, %parallel_loop3A_695 masked %parallel_loop3A_696 : (vector<16xf32>, vector<16xf32>, vector<16xi1>) -> (vector<16xi1>, vector<16xf32>, vector<16xf32>)
        %parallel_loop3A_700 = arith.maximumf %parallel_loop3A_691, %parallel_loop3A_692 : vector<16xf32>
        %parallel_loop3A_701 = arith.constant dense<true> : vector<16xi1>
        %parallel_loop3A_702, %parallel_loop3A_703, %parallel_loop3A_704 = tpu.sort %parallel_loop3A_700, %parallel_loop3A_700 masked %parallel_loop3A_701 : (vector<16xf32>, vector<16xf32>, vector<16xi1>) -> (vector<16xi1>, vector<16xf32>, vector<16xf32>)
        %parallel_loop3A_705 = arith.minimumf %parallel_loop3A_693, %parallel_loop3A_694 : vector<16xf32>
        %parallel_loop3A_706 = arith.constant dense<true> : vector<16xi1>
        %parallel_loop3A_707, %parallel_loop3A_708, %parallel_loop3A_709 = tpu.sort %parallel_loop3A_705, %parallel_loop3A_705 masked %parallel_loop3A_706 : (vector<16xf32>, vector<16xf32>, vector<16xi1>) -> (vector<16xi1>, vector<16xf32>, vector<16xf32>)
        %parallel_loop3A_710 = arith.maximumf %parallel_loop3A_693, %parallel_loop3A_694 : vector<16xf32>
        %parallel_loop3A_711 = arith.constant dense<true> : vector<16xi1>
        %parallel_loop3A_712, %parallel_loop3A_713, %parallel_loop3A_714 = tpu.sort %parallel_loop3A_710, %parallel_loop3A_710 masked %parallel_loop3A_711 : (vector<16xf32>, vector<16xf32>, vector<16xi1>) -> (vector<16xi1>, vector<16xf32>, vector<16xf32>)
        %parallel_loop3A_715 = arith.minimumf %parallel_loop3A_687, %parallel_loop3A_689 : vector<16xf32>
        %parallel_loop3A_716 = arith.minimumf %parallel_loop3A_688, %parallel_loop3A_690 : vector<16xf32>
        %parallel_loop3A_717 = arith.maximumf %parallel_loop3A_687, %parallel_loop3A_689 : vector<16xf32>
        %parallel_loop3A_718 = arith.maximumf %parallel_loop3A_688, %parallel_loop3A_690 : vector<16xf32>
        %parallel_loop3A_719 = arith.minimumf %parallel_loop3A_715, %parallel_loop3A_716 : vector<16xf32>
        %parallel_loop3A_720 = arith.constant dense<true> : vector<16xi1>
        %parallel_loop3A_721, %parallel_loop3A_722, %parallel_loop3A_723 = tpu.sort %parallel_loop3A_719, %parallel_loop3A_719 masked %parallel_loop3A_720 : (vector<16xf32>, vector<16xf32>, vector<16xi1>) -> (vector<16xi1>, vector<16xf32>, vector<16xf32>)
        %parallel_loop3A_724 = arith.maximumf %parallel_loop3A_715, %parallel_loop3A_716 : vector<16xf32>
        %parallel_loop3A_725 = arith.constant dense<true> : vector<16xi1>
        %parallel_loop3A_726, %parallel_loop3A_727, %parallel_loop3A_728 = tpu.sort %parallel_loop3A_724, %parallel_loop3A_724 masked %parallel_loop3A_725 : (vector<16xf32>, vector<16xf32>, vector<16xi1>) -> (vector<16xi1>, vector<16xf32>, vector<16xf32>)
        %parallel_loop3A_729 = arith.minimumf %parallel_loop3A_717, %parallel_loop3A_718 : vector<16xf32>
        %parallel_loop3A_730 = arith.constant dense<true> : vector<16xi1>
        %parallel_loop3A_731, %parallel_loop3A_732, %parallel_loop3A_733 = tpu.sort %parallel_loop3A_729, %parallel_loop3A_729 masked %parallel_loop3A_730 : (vector<16xf32>, vector<16xf32>, vector<16xi1>) -> (vector<16xi1>, vector<16xf32>, vector<16xf32>)
        %parallel_loop3A_734 = arith.maximumf %parallel_loop3A_717, %parallel_loop3A_718 : vector<16xf32>
        %parallel_loop3A_735 = arith.constant dense<true> : vector<16xi1>
        %parallel_loop3A_736, %parallel_loop3A_737, %parallel_loop3A_738 = tpu.sort %parallel_loop3A_734, %parallel_loop3A_734 masked %parallel_loop3A_735 : (vector<16xf32>, vector<16xf32>, vector<16xi1>) -> (vector<16xi1>, vector<16xf32>, vector<16xf32>)
        %parallel_loop3A_739 = arith.index_cast %parallel_loop3A_129 : i32 to index
        %parallel_loop3A_740 = arith.constant 0 : index
        %parallel_loop3A_741 = tpu.vector_load %arg11[%parallel_loop3A_739, %parallel_loop3A_740] {strides = array<i32>} : memref<128x128xf32, #tpu.memory_space<vmem>>, vector<16xf32>,
        tpu.vector_store %arg11[%parallel_loop3A_739, %parallel_loop3A_740], %parallel_loop3A_698 {strides = array<i32>} : memref<128x128xf32, #tpu.memory_space<vmem>>, vector<16xf32>,
        %parallel_loop3A_742 = arith.index_cast %parallel_loop3A_129 : i32 to index
        %parallel_loop3A_743 = arith.constant 16 : index
        %parallel_loop3A_744 = tpu.vector_load %arg11[%parallel_loop3A_742, %parallel_loop3A_743] {strides = array<i32>} : memref<128x128xf32, #tpu.memory_space<vmem>>, vector<16xf32>,
        tpu.vector_store %arg11[%parallel_loop3A_742, %parallel_loop3A_743], %parallel_loop3A_703 {strides = array<i32>} : memref<128x128xf32, #tpu.memory_space<vmem>>, vector<16xf32>,
        %parallel_loop3A_745 = arith.index_cast %parallel_loop3A_129 : i32 to index
        %parallel_loop3A_746 = arith.constant 32 : index
        %parallel_loop3A_747 = tpu.vector_load %arg11[%parallel_loop3A_745, %parallel_loop3A_746] {strides = array<i32>} : memref<128x128xf32, #tpu.memory_space<vmem>>, vector<16xf32>,
        tpu.vector_store %arg11[%parallel_loop3A_745, %parallel_loop3A_746], %parallel_loop3A_708 {strides = array<i32>} : memref<128x128xf32, #tpu.memory_space<vmem>>, vector<16xf32>,
        %parallel_loop3A_748 = arith.index_cast %parallel_loop3A_129 : i32 to index
        %parallel_loop3A_749 = arith.constant 48 : index
        %parallel_loop3A_750 = tpu.vector_load %arg11[%parallel_loop3A_748, %parallel_loop3A_749] {strides = array<i32>} : memref<128x128xf32, #tpu.memory_space<vmem>>, vector<16xf32>,
        tpu.vector_store %arg11[%parallel_loop3A_748, %parallel_loop3A_749], %parallel_loop3A_713 {strides = array<i32>} : memref<128x128xf32, #tpu.memory_space<vmem>>, vector<16xf32>,
        %parallel_loop3A_751 = arith.index_cast %parallel_loop3A_129 : i32 to index
        %parallel_loop3A_752 = arith.constant 64 : index
        %parallel_loop3A_753 = tpu.vector_load %arg11[%parallel_loop3A_751, %parallel_loop3A_752] {strides = array<i32>} : memref<128x128xf32, #tpu.memory_space<vmem>>, vector<16xf32>,
        tpu.vector_store %arg11[%parallel_loop3A_751, %parallel_loop3A_752], %parallel_loop3A_722 {strides = array<i32>} : memref<128x128xf32, #tpu.memory_space<vmem>>, vector<16xf32>,
        %parallel_loop3A_754 = arith.index_cast %parallel_loop3A_129 : i32 to index
        %parallel_loop3A_755 = arith.constant 80 : index
        %parallel_loop3A_756 = tpu.vector_load %arg11[%parallel_loop3A_754, %parallel_loop3A_755] {strides = array<i32>} : memref<128x128xf32, #tpu.memory_space<vmem>>, vector<16xf32>,
        tpu.vector_store %arg11[%parallel_loop3A_754, %parallel_loop3A_755], %parallel_loop3A_727 {strides = array<i32>} : memref<128x128xf32, #tpu.memory_space<vmem>>, vector<16xf32>,
        %parallel_loop3A_757 = arith.index_cast %parallel_loop3A_129 : i32 to index
        %parallel_loop3A_758 = arith.constant 96 : index
        %parallel_loop3A_759 = tpu.vector_load %arg11[%parallel_loop3A_757, %parallel_loop3A_758] {strides = array<i32>} : memref<128x128xf32, #tpu.memory_space<vmem>>, vector<16xf32>,
        tpu.vector_store %arg11[%parallel_loop3A_757, %parallel_loop3A_758], %parallel_loop3A_732 {strides = array<i32>} : memref<128x128xf32, #tpu.memory_space<vmem>>, vector<16xf32>,
        %parallel_loop3A_760 = arith.index_cast %parallel_loop3A_129 : i32 to index
        %parallel_loop3A_761 = arith.constant 112 : index
        %parallel_loop3A_762 = tpu.vector_load %arg11[%parallel_loop3A_760, %parallel_loop3A_761] {strides = array<i32>} : memref<128x128xf32, #tpu.memory_space<vmem>>, vector<16xf32>,
        tpu.vector_store %arg11[%parallel_loop3A_760, %parallel_loop3A_761], %parallel_loop3A_737 {strides = array<i32>} : memref<128x128xf32, #tpu.memory_space<vmem>>, vector<16xf32>,
      } {sc.loop_unroll_factor = 2 : i64, sc.parallel_access}
      %mul3A_120 = arith.constant 4096 : i32
      %mul3A_121 = arith.muli %add3A, %mul3A_120 : i32
      %mul3A_122 = arith.constant 128 : i32
      %mul3A_123 = arith.muli %add3A_86, %mul3A_122 : i32
      %add3A_124 = arith.addi %mul3A_121, %mul3A_123 : i32
      %dma_start3A_125 = arith.constant 0 : i32
      %dma_start3A_126 = tpu.memref_slice %arg5[%add3A_124, %dma_start3A_125] : memref<131072x128xf32, #tpu.memory_space<hbm>> -> memref<128x128xf32, #tpu.memory_space<hbm>>
      %dma_start3A_127 = arith.constant 0 : i32
      %dma_start3A_128 = tpu.memref_slice %arg5[%add3A_124, %dma_start3A_127] : memref<131072x128xf32, #tpu.memory_space<hbm>> -> memref<128x128xf32, #tpu.memory_space<hbm>>
      tpu.enqueue_dma source(%arg11 : memref<128x128xf32, #tpu.memory_space<vmem>>) target(%dma_start3A_128 : memref<128x128xf32, #tpu.memory_space<hbm>>) target_semaphore(%arg19 : memref<!tpu.dma_semaphore, #tpu.memory_space<semaphore_mem>>)
    }
    %scan3A_27 = arith.constant 16 : i32
    %mul3A_28 = arith.constant 4096 : i32
    %mul3A_29 = arith.muli %add3A, %mul3A_28 : i32
    %add3A_30 = arith.constant 3840 : i32
    %add3A_31 = arith.addi %mul3A_29, %add3A_30 : i32
    %dma_wait3A = arith.constant 0 : i32
    %dma_wait3A_32 = tpu.memref_slice %arg5[%add3A_31, %dma_wait3A] : memref<131072x128xf32, #tpu.memory_space<hbm>> -> memref<128x128xf32, #tpu.memory_space<hbm>>
    %dma_wait3A_33 = arith.constant 0 : i32
    %dma_wait3A_34 = tpu.memref_slice %arg5[%add3A_31, %dma_wait3A_33] : memref<131072x128xf32, #tpu.memory_space<hbm>> -> memref<128x128xf32, #tpu.memory_space<hbm>>
    tpu.wait_dma2 semaphore(%arg18 : memref<!tpu.dma_semaphore, #tpu.memory_space<semaphore_mem>>) src(%arg8 : memref<128x128xf32, #tpu.memory_space<vmem>>) dst(%dma_wait3A_34 : memref<128x128xf32, #tpu.memory_space<hbm>>)
    %mul3A_35 = arith.constant 4096 : i32
    %mul3A_36 = arith.muli %add3A, %mul3A_35 : i32
    %add3A_37 = arith.constant 3968 : i32
    %add3A_38 = arith.addi %mul3A_36, %add3A_37 : i32
    %dma_wait3A_39 = arith.constant 0 : i32
    %dma_wait3A_40 = tpu.memref_slice %arg5[%add3A_38, %dma_wait3A_39] : memref<131072x128xf32, #tpu.memory_space<hbm>> -> memref<128x128xf32, #tpu.memory_space<hbm>>
    %dma_wait3A_41 = arith.constant 0 : i32
    %dma_wait3A_42 = tpu.memref_slice %arg5[%add3A_38, %dma_wait3A_41] : memref<131072x128xf32, #tpu.memory_space<hbm>> -> memref<128x128xf32, #tpu.memory_space<hbm>>
    tpu.wait_dma2 semaphore(%arg19 : memref<!tpu.dma_semaphore, #tpu.memory_space<semaphore_mem>>) src(%arg11 : memref<128x128xf32, #tpu.memory_space<vmem>>) dst(%dma_wait3A_42 : memref<128x128xf32, #tpu.memory_space<hbm>>)
    return
  }
}

</mosaic_0001>

<sc_bundles>
// kernel: kernel.3.cloned.1.call-start
scs
__scs_entry_jumppad:
0x0: {  	(pc) =	sbr.rel $0x88, $3  }
0x1: {  	(tag) =	ssettag $0x0;
	lr =	simm.s32 $0x1  }
0x2: {  	[smem:$0x3F9F] =	sst lr;
	_ =	strace $0xD0000000  }
0x3: {  	_ = 	snop  }
0x4: {  	_ = 	snop  }
0x5: {  	_ = 	snop  }
0x6: {  	_ = 	snop  }
0x7: {  	_ = 	snop  }
__scs_overlays_trampoline_lowered:
0x8: {  	[smem:$0x3FAE] =	sst s0  }
0x9: {  	[smem:$0x3FAF] =	sst s1  }
0xa: {  	[smem:$0x3FB0] =	sst s2  }
0xb: {  	[smem:$0x3FB1] =	sst s3  }
0xc: {  	[smem:$0x3FB2] =	sst s4  }
0xd: {  	[smem:$0x3FB3] =	sst s5  }
0xe: {  	[smem:$0x3FB4] =	sst s6  }
0xf: {  	[smem:$0x3FB5] =	sst s7  }
0x10: {  	[smem:$0x3FB6] =	sst s8  }
0x11: {  	[smem:$0x3FB7] =	sst s9;
	s0 =	simm.s32 @!p0 $0x0  }
0x12: {  	s1 =	sld [smem:$0x3F9D];
	s0 =	simm.s32 @p0 $0x1  }
0x13: {  	[smem:$0x3FB8] =	sst s0;
	s0 =	simm.s32 @!p1 $0x0  }
0x14: {  	s2 =	sld [smem:$0x3F9C];
	s0 =	simm.s32 @p1 $0x1  }
0x15: {  	[smem:$0x3FB9] =	sst s0;
	s0 =	simm.s32 @!p2 $0x0  }
0x16: {  	s3 =	sld [smem:$0x3FDB];
	s0 =	simm.s32 @p2 $0x1  }
0x17: {  	s4 =	simm.s32 $0x1BF5;
	[smem:$0x3FBB] =	sst s0  }
0x18: {  	s0 =	sld [smem:$0x3F9E];
	_ =	swait.ge [sflag:s4], $0x0  }
0x19: {  	s7 =	sld [smem:$0x3F9F]  }
0x1a: {  	s8 =	sadd.s32 $0xFFFFE003, lr  }
0x1b: {  	s9 =	sadd.s32 $0xFFFFFEF7, lr;
	s5 =	simm.s32 $0xFFFFFFFF;
	p2 =	slt.u32 s8, $0xFFFFF086  }
0x1c: {  	p1 =	slt.u32 s9, $0xF7A;
	s5 =	simm.s32 @!p2 $0x0  }
0x1d: {  	s5 =	simm.s32 @p1 $0x1;
	p0 =	seq.s32 s7, s2  }
0x1e: {  	s7 =	smul.u32 @!p0 $0xF7A, s2;
	p2 =	seq.s32 @!p0 s5, $0x0  }
0x1f: {  	s9 =	smul.u32 $0xF7A, s1;
	s8 =	simm.s32 @!p0 $0x1BF5;
	p2 =	por !p2, p0  }
0x20: {  	[sflag:s8] =	ssyncset.s32 @!p0 $0xFFFFF086;
	s6 =	sadd.s32 @!p0 s3, s7;
	s7 =	simm.s32 @!p0 $0x108  }
0x21: {  	s3 =	sadd.s32 s3, s9;
	s6 =	sadd.s32 @!p0 $0x88, s6;
	s7 =	simm.s32 @p2 $0x1082  }
0x22: {  	[simem:s7], [sflag:s8] =	dma.local @!p0 [hbm:s6], $0xF7A  }
0x23: {  	s9 =	sor.u32 $0xD0000000, s2;
	s6 =	simm.s32 $0x108;
	_ =	swait.ge @!p0 [sflag:s8], $0x0  }
0x24: {  	s3 =	sadd.s32 $0x88, s3;
	s6 =	simm.s32 @!p1 $0x1082;
	[sflag:s4] =	ssyncset.s32 $0xFFFFF086  }
0x25: {  	[simem:s6], [sflag:s4] =	dma.local [hbm:s3], $0xF7A  }
0x26: {  	[smem:$0x3F9F] =	sst s1;
	(tag) =	ssettag s2;
	_ =	strace s9  }
0x27: {  	s1 =	sld [smem:$0x3FAF]  }
0x28: {  	s2 =	sld [smem:$0x3FB0]  }
0x29: {  	s4 =	sld [smem:$0x3FB2]  }
0x2a: {  	p0 =	seq.s32 s5, $0x0;
	s5 =	sld [smem:$0x3FB3]  }
0x2b: {  	s6 =	sld [smem:$0x3FB4]  }
0x2c: {  	s7 =	sld [smem:$0x3FB5]  }
0x2d: {  	s3 =	simm.s32 $0x108;
	s8 =	sld [smem:$0x3FB6]  }
0x2e: {  	s3 =	simm.s32 @!p0 $0x1082;
	s9 =	sld [smem:$0x3FB7]  }
0x2f: {  	lr =	sadd.s32 s0, s3;
	s0 =	sld [smem:$0x3FAE]  }
0x30: {  	s3 =	sld [smem:$0x3FB1]  }
0x31: {  	[smem:$0x3FBA] =	sst s10  }
0x32: {  	s10 =	sld [smem:$0x3FB8];
	_ =	sdelay $0x3  }
0x33: {  	p0 =	seq.s32 s10, $0x1;
	s10 =	sld [smem:$0x3FBA];
	_ =	sdelay $0x3  }
0x34: {  	[smem:$0x3FBA] =	sst s10  }
0x35: {  	s10 =	sld [smem:$0x3FB9];
	_ =	sdelay $0x3  }
0x36: {  	p1 =	seq.s32 s10, $0x1;
	s10 =	sld [smem:$0x3FBA];
	_ =	sdelay $0x3  }
0x37: {  	[smem:$0x3FBA] =	sst s10  }
0x38: {  	s10 =	sld [smem:$0x3FBB]  }
0x39: {  	_ = 	snop;
	(pc) =	sbr.ind lr, $3  }
0x3a: {  	_ = 	snop  }
0x3b: {  	_ = 	snop  }
0x3c: {  	p2 =	seq.s32 s10, $0x1;
	s10 =	sld [smem:$0x3FBA]  }
0x3d: {  	_ =	shalt  }
0x3e: {  	_ =	shalt  }
0x3f: {  	_ =	shalt  }
0x40: {  	_ =	shalt  }
0x41: {  	_ =	shalt  }
0x42: {  	_ =	shalt  }
0x43: {  	_ =	shalt  }
0x44: {  	_ =	shalt  }
0x45: {  	_ =	shalt  }
0x46: {  	_ =	shalt  }
0x47: {  	_ =	shalt  }
0x48: {  	_ =	shalt  }
0x49: {  	_ =	shalt  }
0x4a: {  	_ =	shalt  }
0x4b: {  	_ =	shalt  }
0x4c: {  	_ =	shalt  }
0x4d: {  	_ =	shalt  }
0x4e: {  	_ =	shalt  }
0x4f: {  	_ =	shalt  }
0x50: {  	_ =	shalt  }
0x51: {  	_ =	shalt  }
0x52: {  	_ =	shalt  }
0x53: {  	_ =	shalt  }
0x54: {  	_ =	shalt  }
0x55: {  	_ =	shalt  }
0x56: {  	_ =	shalt  }
0x57: {  	_ =	shalt  }
0x58: {  	_ =	shalt  }
0x59: {  	_ =	shalt  }
0x5a: {  	_ =	shalt  }
0x5b: {  	_ =	shalt  }
0x5c: {  	_ =	shalt  }
0x5d: {  	_ =	shalt  }
0x5e: {  	_ =	shalt  }
0x5f: {  	_ =	shalt  }
0x60: {  	_ =	shalt  }
0x61: {  	_ =	shalt  }
0x62: {  	_ =	shalt  }
0x63: {  	_ =	shalt  }
0x64: {  	_ =	shalt  }
0x65: {  	_ =	shalt  }
0x66: {  	_ =	shalt  }
0x67: {  	_ =	shalt  }
0x68: {  	_ =	shalt  }
0x69: {  	_ =	shalt  }
0x6a: {  	_ =	shalt  }
0x6b: {  	_ =	shalt  }
0x6c: {  	_ =	shalt  }
0x6d: {  	_ =	shalt  }
0x6e: {  	_ =	shalt  }
0x6f: {  	_ =	shalt  }
0x70: {  	_ =	shalt  }
0x71: {  	_ =	shalt  }
0x72: {  	_ =	shalt  }
0x73: {  	_ =	shalt  }
0x74: {  	_ =	shalt  }
0x75: {  	_ =	shalt  }
0x76: {  	_ =	shalt  }
0x77: {  	_ =	shalt  }
0x78: {  	_ =	shalt  }
0x79: {  	_ =	shalt  }
0x7a: {  	_ =	shalt  }
0x7b: {  	_ =	shalt  }
0x7c: {  	_ =	shalt  }
0x7d: {  	_ =	shalt  }
0x7e: {  	_ =	shalt  }
0x7f: {  	_ =	shalt  }
0x80: {  	_ =	shalt  }
0x81: {  	_ =	shalt  }
0x82: {  	_ =	shalt  }
0x83: {  	_ =	shalt  }
0x84: {  	_ =	shalt  }
0x85: {  	_ =	shalt  }
0x86: {  	_ =	shalt  }
0x87: {  	_ =	shalt  }
.Lfunc_end0:
.L_simem_size_0:
called_computation_lowered:
.L_overlay_start_0:
0x88: {  	s2 =	sld [smem:$0x3FD9]  }
0x89: {  	s3 =	sld [smem:$0x3FFE];
	_ =	sdelay $0x1  }
0x8a: {  	s1 =	srdreg.scid  }
0x8b: {  	s0 =	sand.u32 $0x1, s1  }
0x8c: {  	s17 =	sshll.u32 s0, $0xA;
	s2 =	sadd.s32 s3, s2  }
0x8d: {  	s2 =	sadd.s32 s2, s17  }
0x8e: {  	[smem:$0x3FC6] =	sst s2  }
0x8f: {  	_ = 	snop  }
0x90: {  	s2 =	sld [smem:$0x3FD0];
	(tm) =	ssettm $0x1  }
0x91: {  	s18 =	sld [smem:$0x3FFB];
	_ =	sdelay $0x3  }
0x92: {  	_ =	strace s18  }
0x93: {  	s3 =	sld [smem:$0x3FFC];
	_ =	sdelay $0x3  }
0x94: {  	_ =	strace s3  }
0x95: {  	s3 =	sld [smem:$0x3FFD];
	_ =	sdelay $0x3  }
0x96: {  	_ =	strace s3  }
0x97: {  	_ =	strace $0x8FFFFFFF  }
0x98: {  	s19 =	sld [smem:$0x3FDB];
	_ =	sdelay $0x1  }
0x99: {  	s4 =	simm.s32 $_scs_section_size  }
0x9a: {  	s5 =	simm.s32 $_size__tile_overlayer_lowered;
	s6 =	simm.s32 $_tile_overlayer_lowered  }
0x9b: {  	s22 =	simm.s32 $0x1BFF;
	s21 =	sshll.u32 s6, $0x1;
	s3 =	sadd.s32 s4, s19  }
0x9c: {  	s7 =	simm.s32 $0x0;
	s20 =	sshll.u32 s5, $0x1;
	s5 =	sadd.s32 s21, s3  }
0x9d: {  	[timem:s7], [sflag:s22] =	dma.local [hbm:s5], s20  }
0x9e: {  	_ =	swait.ge [sflag:s22], s20  }
0x9f: {  	s4 =	ssub.s32 $0x0, s20;
	[sflag:s22] =	ssyncset.done $0x0  }
0xa0: {  	[sflag:s22] =	ssyncadd.s32 s4;
	_ =	sdelay $0x1  }
0xa1: {  	s23 =	simm.s32 $0x1B8B  }
0xa2: {  	_ =	swait.ge [sflag:s23], $0x1  }
0xa3: {  	[sflag:s23] =	ssyncset.done $0x0  }
0xa4: {  	s25 =	simm.s32 $0x1B8E;
	s24 =	sld [smem:$0x3FFE];
	[sflag:s23] =	ssyncadd.s32 $0xFFFFFFFF  }
0xa5: {  	s26 =	simm.s32 $execute0_lowered;
	[smem:$0x3FD2] =	sst s25  }
0xa6: {  	s5 =	sshll.u32 s26, $0x1;
	_ =	strace $0x80000046;
	[dreg:$0x1] =	wrdreg $0xFFFFFFFF  }
0xa7: {  	s28 =	simm.s32 $_size_execute0_lowered;
	s3 =	sadd.s32 s3, s5;
	[dreg:$0x0] =	wrdreg $0x0  }
0xa8: {  	s5 =	sshll.u32 s28, $0x1;
	[dreg:$0x2] =	wrdreg s3  }
0xa9: {  	[dreg:$0x3] =	wrdreg s5  }
0xaa: {  	[dreg:$0x4] =	wrdreg $0xC0  }
0xab: {  	_ =	task [dreg:s7], $0x5FFFF  }
0xac: {  	[dreg:$0x1] =	wrdreg $0xFFFFFFFF  }
0xad: {  	[dreg:$0x0] =	wrdreg $0x60  }
0xae: {  	[dreg:$0x2] =	wrdreg s24  }
0xaf: {  	[dreg:$0x3] =	wrdreg s2  }
0xb0: {  	[dreg:$0x4] =	wrdreg $0x9  }
0xb1: {  	_ =	task.clear_ibuf [dreg:s7], $0x5FFFF;
	_ =	strace $0x90000046  }
0xb2: {  	s29 =	simm.s32 $0x9;
	_ =	strace $0x80000048  }
0xb3: {  	_ =	swait.ge [sflag:s29], $0x1  }
0xb4: {  	[sflag:s29] =	ssyncadd.s32 $0xFFFFFFFF  }
0xb5: {  	_ =	strace $0x90000048  }
0xb6: {  	_ =	sfence  }
0xb7: {  	s30 =	sld [smem:$0x0];
	_ =	sdelay $0x2  }
0xb8: {  	s31 =	sshll.u32 s1, $0xD;
	s1 =	sshrl.u32 s1, $0x2  }
0xb9: {  	s3 =	sand.u32 $0x4000, s31;
	s1 =	sadd.s32 s1, s30  }
0xba: {  	s0 =	sor.u32 s3, s0;
	s1 =	sshll.u32 s1, $0x11  }
0xbb: {  	s0 =	sor.u32 s1, s0  }
0xbc: {  	s0 =	sadd.s32 $0x8F2B, s0  }
0xbd: {  	[sflag:s0] =	ssyncadd.remote.s32 $0x1  }
0xbe: {  	_ =	sfence.sel $0xFFFF  }
0xbf: {  	[dreg:$0x0] =	wrdreg $0xFFFFFFFF;
	(pc) =	sbr.abs _section_cstart, $3  }
0xc0: {  	[dreg:$0x1] =	wrdreg $0xFFFFFFFF  }
0xc1: {  	_ =	task.clear_ibuf [dreg:s7], $0x2FFFF;
	_ =	strace $0x9FFFFFFF  }
0xc2: {  	(tm) =	ssettm $0x7FFFFFFF  }
0xc3: {  	_ =	shalt  }
tec
execute0_lowered:
.L_overlay_start_1:
0x0: {  	(tag) =	ssettag $0x1  }
0x1: {  	s0 =	rddreg [dreg:$0x0]  }
0x2: {  	s8 =	rddreg [dreg:$0x1];
	s2 =	simm.s32 $0x0  }
0x3: {  	s1 =	srdreg.scid;
	s7 =	stileid.u32;
	v0 =	vimm.s32 $0xFFEDCBA9;
	v1 =	vimm.s32 $0x87654321;
	s18 =	simm.s32 $0x1  }
0x4: {  	s19 =	simm.s32 $0x1C000;
	s20 =	simm.s32 $0x18000;
	s21 =	simm.s32 $0x1A000;
	v0 =	vunpack.c.l.s4.s8 v0;
	v1 =	vunpack.c.l.s4.s8 v1  }
0x5: {  	s22 =	simm.s32 $0x8000;
	s23 =	simm.s32 $0x2;
	s24 =	simm.s32 $0x14000  }
0x6: {  	[smem:$0x7FF] =	sst s2;
	s4 =	sadd.s32 $0x400, s0;
	s5 =	sadd.s32 $0x200400, s0;
	v0 =	vunpack.c.0.s8.s32 v0;
	v1 =	vunpack.c.0.s8.s32 v1  }
0x7: {  	s1 =	sand.u32 $0x1, s1;
	s7 =	sshll.u32 s7, $0x11;
	s0 =	sadd.s32 $0x400400, s0  }
0x8: {  	s17 =	smov.u32 s8;
	s3 =	ssub.s32 $0x2, s1;
	s1 =	sshll.u32 s1, $0x10;
	v0 =	vcombine.low v1, v0  }
0x9: {  	_ =	strace $0x80000047;
	s6 =	sshrl.u32 s3, $0x1;
	s1 =	sor.u32 s1, s7;
	v1 =	vlaneseq.u32  }
0xa: {  	[dreg:$0x3] =	wrdreg s0;
	s29 =	ssub.s32 s3, s6;
	s30 =	sadd.s32 s4, s1;
	v2 =	vand.u32 $0xF, v0;
	v0 =	vmul.u32 $0xFFFFFFFF, v1  }
0xb: {  	s31 =	sadd.s32 s5, s1;
	s9 =	sor.u32 $0x800, s1;
	[dreg:$0x4] =	wrdreg s30  }
0xc: {  	vm0 =	vcmask $0x3F3C;
	v3 =	vimm.s32 $0x0;
	s10 =	sadd.s32 s8, s1;
	[dreg:$0x5] =	wrdreg s31;
	s0 =	smax.u32 s29, $0x1;
	[tilespmem:$0x1FFE0] =	vst v2;
	v4 =	vadd.s32 $0xF, v0  }
0xd: {  	vm1 =	vcmask $0x3F04;
	v5 =	vimm.s32 $0x1;
	vm2 =	vmmov $0x7fff;
	s11 =	sor.u32 $0x1000, s1;
	s3 =	simm.s32 $0x0;
	[dreg:$0x6] =	wrdreg s0;
	[tilespmem:$0x1FFF0] =	vst v4  }
.LBB2_1:
0xe: {  	[dreg:$0x7] =	wrdreg s3  }
0xf: {  	s0 =	rddreg [dreg:$0x3];
	s1 =	simm.s32 $0x1E000;
	s26 =	simm.s32 $0x5  }
0x10: {  	[tilespmem:s1], [sflag:$0x5] =	stream.linear.gather [hbm4b:s0+s2], $0x80, $0x38;
	[tilespmem:$0x1E080] =	vst v63  }
0x11: {  	_ =	swait.ge [sflag:s26], $0x80  }
0x12: {  	[sflag:s26] =	ssyncset.done $0x0  }
0x13: {  	[sflag:s26] =	ssyncadd.s32 $0xFFFFFF80  }
0x14: {  	v6 =	vld [tilespmem:$0x1E000]  }
0x15: {  	v57 =	vld [tilespmem:$0x1E030]  }
0x16: {  	s28 =	rddreg [dreg:$0x4];
	v7 =	vld [tilespmem:$0x1E010]  }
0x17: {  	v8 =	vld [tilespmem:$0x1E020];
	[tilespmem:s2], [sflag:$0x1] =	stream.linear.gather [hbm4b:s28+s2], $0x4000, $0x38  }
0x18: {  	s31 =	simm.s32 $0x4000;
	s30 =	rddreg [dreg:$0x5]  }
0x19: {  	[tilespmem:s31], [sflag:$0x1] =	stream.linear.gather [hbm4b:s30+s2], $0x4000, $0x38;
	[tilespmem:$0x1E080] =	vst v63  }
0x1a: {  	[tilespmem:$0x1FFA0] =	vst v57  }
0x1b: {  	[tilespmem:$0x1FFB0] =	vst v6  }
0x1c: {  	[tilespmem:$0x1FFC0] =	vst v7  }
0x1d: {  	s29 =	simm.s32 $0x0;
	[tilespmem:$0x1FFD0] =	vst v8  }
.LBB2_2:
0x1e: {  	s31 =	sshll.u32 s29, $0xC  }
0x1f: {  	s30 =	sadd.s32 s9, s31  }
0x20: {  	s1 =	simm.s32 $0xC000;
	s0 =	sadd.s32 s4, s30  }
0x21: {  	[tilespmem:s1], [sflag:$0x2] =	stream.linear.gather [hbm4b:s0+s2], $0x4000, $0x38;
	[tilespmem:$0x1E080] =	vst v63  }
0x22: {  	s15 =	simm.s32 $0x10000;
	s14 =	sadd.s32 s5, s30  }
0x23: {  	[tilespmem:s15], [sflag:$0x2] =	stream.linear.gather [hbm4b:s14+s2], $0x4000, $0x38;
	[tilespmem:$0x1E080] =	vst v63  }
0x24: {  	_ =	swait.ge [sflag:s18], $0x4000  }
0x25: {  	[sflag:s18] =	ssyncset.done $0x0  }
0x26: {  	[sflag:s18] =	ssyncadd.s32 $0xFFFFC000  }
0x27: {  	_ =	swait.ge [sflag:s18], $0x4000  }
0x28: {  	p0 =	seq.s32 s29, $0x0;
	[sflag:s18] =	ssyncset.done $0x0  }
0x29: {  	s0 =	simm.s32 @!p0 $0x3;
	[sflag:s18] =	ssyncadd.s32 $0xFFFFC000  }
0x2a: {  	_ =	swait.ge @!p0 [sflag:s0], $0x4000  }
0x2b: {  	[sflag:s0] =	ssyncset.done @!p0 $0x0  }
0x2c: {  	s16 =	simm.s32 $0x4080;
	[sflag:s0] =	ssyncadd.s32 @!p0 $0xFFFFC000  }
0x2d: {  	v0 =	vld [tilespmem:s16+$0x10]  }
0x2e: {  	v9 =	vld [tilespmem:s16+$0x0];
	_ =	sdelay $0x4  }
0x2f: {  	v1 =	vlaneseq.u32;
	v0 =	vadd.f32 $9.999999740e-06, v0;
	v9 =	vadd.f32 $9.999999740e-06, v9  }
0x30: {  	vm3 =	veq.s32 v1, $0x0  }
0x31: {  	v10 =	vld [tilespmem:s16+$0x20];
	(xrf2) =	vadd.scan.msk.f32 $0xffff, v0;
	v0 =	vsel vm3, $0x0, v9  }
0x32: {  	(xrf2) =	vadd.scan.msk.f32 $0xffff, v0;
	v0 =	vld [tilespmem:s16+$0x30];
	_ =	sdelay $0x3  }
0x33: {  	v44 =	vadd.f32 $9.999999740e-06, v10  }
0x34: {  	v0 =	vadd.f32 $9.999999740e-06, v0  }
0x35: {  	vm4 =	veq.s32 v1, $0xF;
	(xrf2) =	vadd.scan.msk.f32 $0xffff, v44  }
0x36: {  	v0 =	vsel vm4, $0x0, v0;
	_ =	sdelay $0x1  }
0x37: {  	v46, _, _ =	vpop (xrf2)  }
0x38: {  	v45 =	vld [tilespmem:s16+$0xFFFFFF80];
	(xrf2) =	vadd.scan.msk.f32 $0xffff, v0;
	v0, _, _ =	vpop (xrf2)  }
0x39: {  	v11 =	vbroadcast v0, $0xF;
	_ =	sdelay $0x1  }
0x3a: {  	v12 =	vld [tilespmem:s16+$0xFFFFFF90];
	v10 =	vadd.f32 v11, v46;
	_ =	sdelay $0x1  }
0x3b: {  	v9 =	vadd.f32 $9.999999740e-06, v45;
	v11 =	vbroadcast v10, $0xF  }
0x3c: {  	v13, _, _ =	vpop (xrf2)  }
0x3d: {  	v9 =	vsel vm3, $0x0, v9;
	v19 =	vadd.f32 v11, v13  }
0x3e: {  	v12 =	vadd.f32 $9.999999740e-06, v12;
	(xrf2) =	vadd.scan.msk.f32 $0xffff, v9  }
0x3f: {  	v47 =	vbroadcast v19, $0xF  }
0x40: {  	(xrf2) =	vadd.scan.msk.f32 $0xffff, v12;
	v48, _, _ =	vpop (xrf2)  }
0x41: {  	s25 =	simm.s32 $0x80;
	v9 =	vadd.f32 v47, v48  }
0x42: {  	v49 =	vld [tilespmem:s25+$0x0]  }
0x43: {  	v14 =	vld [tilespmem:s25+$0x10];
	v15 =	vbroadcast v9, $0xF  }
0x44: {  	v16 =	vld [tilespmem:s16+$0xFFFFFFB0]  }
0x45: {  	v12 =	vld [tilespmem:s25+$0x20];
	(erf) = vrcp.f32 v15  }
0x46: {  	v13 =	vld [tilespmem:s25+$0x30]  }
0x47: {  	v24 =	vld [tilespmem:s16+$0xFFFFFFA0]  }
0x48: {  	v22 =	vperm.xlane v49, v2;
	v23 =	vbroadcast v14, $0x0;
	v17, _, _ =	vpop (xrf2)  }
0x49: {  	v26 =	vadd.f32 $9.999999740e-06, v16;
	v18 =	vbroadcast v17, $0xF  }
0x4a: {  	v22 =	vsel vm0, v23, v22;
	v25 =	vbroadcast v12, $0x0;
	v16 =	vperm.xlane v12, v2;
	v21, _, _ =	vpop (xrf2)  }
0x4b: {  	v20 =	vperm.xlane v13, v2;
	v18 =	vadd.f32 v18, v21;
	v21 =	vperm.xlane v14, v2  }
0x4c: {  	v24 =	vadd.f32 $9.999999740e-06, v24;
	v29 =	vsub.f32 v49, v22;
	v27 =	vbroadcast v13, $0x0  }
0x4d: {  	v26 =	vsel vm4, $0x0, v26;
	v23 =	vsub.f32 v13, v20;
	v21 =	vsel vm0, v25, v21  }
0x4e: {  	v29 =	vmul.f32 $5.000000000e-01, v29;
	v25 =	vsel vm0, v27, v16;
	v30 =	vsub.f32 v14, v21;
	v16 =	vpop (erf)  }
0x4f: {  	v23 =	vmul.f32 $5.000000000e-01, v23;
	v31 =	vsub.f32 v12, v25;
	v32 =	vmul.f32 $6.300000000e+01, v16  }
0x50: {  	v22 =	vadd.f32 v29, v22;
	v28 =	vbroadcast v18, $0xF;
	v30 =	vmul.f32 $5.000000000e-01, v30  }
0x51: {  	(xrf2) =	vadd.scan.msk.f32 $0xffff, v24;
	v27 =	vld [tilespmem:s25+$0xFFFFFF90];
	v20 =	vadd.f32 v23, v20;
	v31 =	vmul.f32 $5.000000000e-01, v31;
	v23 =	vmul.f32 v32, v10  }
0x52: {  	s6 =	simm.s32 $0x18020;
	s3 =	simm.s32 $0x40;
	(xrf2) =	vadd.scan.msk.f32 $0xffff, v26;
	v21 =	vadd.f32 v30, v21;
	v24 =	vmul.f32 v32, v0;
	v26 =	vmul.f32 v32, v19  }
0x53: {  	s13 =	sor.u32 $0x50, s3;
	[tilespmem:s6+$0x20] =	vst v0;
	v25 =	vadd.f32 v31, v25;
	v30 =	vmul.f32 v32, v9;
	v29 =	vtrunc.f32 v23  }
0x54: {  	s12 =	sor.u32 $0x60, s3;
	[tilespmem:s13+$0x18000] =	vst v10;
	v0 =	vsel vm4, $0x7F800000, v9;
	v50 =	vtrunc.f32 v24;
	v31 =	vtrunc.f32 v26  }
0x55: {  	[tilespmem:s12+$0x18000] =	vst v19;
	v51 =	vcvt.f32.s32 v29;
	vm5 =	vgt.f32 v23, v29;
	v23 =	vtrunc.f32 v30  }
0x56: {  	s8 =	sor.u32 $0x70, s3;
	(xrf1) =	vsort.ascd.msk.f32 $0xffff, v27, v27;
	v19 =	vcvt.f32.s32 v50;
	vm6 =	vgt.f32 v24, v50;
	v52 =	vcvt.f32.s32 v31  }
0x57: {  	s7 =	simm.s32 $0x1A020;
	[tilespmem:s8+$0x18000] =	vst v0;
	v0 =	vsel vm6, $0x1, v3;
	vm6 =	vgt.f32 v26, v31;
	v24 =	vcvt.f32.s32 v23  }
0x58: {  	[tilespmem:s7+$0x20] =	vst v22;
	v0 =	vadd.s32 v19, v0;
	v19 =	vsel vm5, $0x1, v3;
	vm5 =	vgt.f32 v30, v23  }
0x59: {  	v22 =	vld [tilespmem:s25+$0xFFFFFFA0];
	[tilespmem:s13+$0x1A000] =	vst v21;
	v21 =	vsel vm6, $0x1, v3;
	vm7 =	vlt.s32 v0, $0x40;
	v23 =	vsel vm5, $0x1, v3  }
0x5a: {  	v26 =	vld [tilespmem:s25+$0xFFFFFFB0];
	[tilespmem:s12+$0x1A000] =	vst v25;
	v10 =	vadd.s32 v51, v19;
	v9 =	vadd.s32 v52, v21;
	vm5 =	vmand vm7, vm1  }
0x5b: {  	s26 =	simm.s32 $0x1C020;
	[tilespmem:s8+$0x1A000] =	vst v20;
	v0 =	vadd.s32 s3, v0;
	vm6 =	vlt.s32 v10, $0x40;
	v19 =	vadd.s32 v24, v23  }
0x5c: {  	v20, _, _ =	vpop (xrf2);
	[tilespmem:s26+$0x20] =	vst v3;
	v10 =	vadd.s32 s3, v10;
	vm7 =	vlt.s32 v9, $0x40;
	vm8 =	vlt.s32 v19, $0x40  }
0x5d: {  	v20 =	vadd.f32 v28, v20;
	[tilespmem:s13+$0x1C000] =	vst v3;
	v9 =	vadd.s32 s3, v9;
	vm8 =	vmand vm8, vm2  }
0x5e: {  	(xrf1) =	vsort.ascd.msk.f32 $0xffff, v22, v22;
	[tilespmem:s12+$0x1C000] =	vst v3;
	v19 =	vadd.s32 s3, v19  }
0x5f: {  	v21 =	vld [tilespmem:s25+$0xFFFFFF80];
	v23 =	vbroadcast v20, $0xF;
	(xrf1) =	vsort.ascd.msk.f32 $0xffff, v26, v26;
	[tilespmem:s8+$0x1C000] =	vst v3  }
0x60: {  	v24, _, _ =	vpop (xrf2);
	[tilespmem:v0+s19+$0x0] =	vst.idx.add.s32.msk vm5, v5  }
0x61: {  	v0 =	vadd.f32 v23, v24;
	[tilespmem:v10+s19+$0x0] =	vst.idx.add.s32.msk vm6, v5  }
0x62: {  	[tilespmem:v9+s19+$0x0] =	vst.idx.add.s32.msk vm7, v5  }
0x63: {  	v10 =	vbroadcast v0, $0xF;
	[tilespmem:v19+s19+$0x0] =	vst.idx.add.s32.msk vm8, v5  }
0x64: {  	v9 =	vld [tilespmem:s26+$0x20]  }
0x65: {  	(xrf1) =	vsort.ascd.msk.f32 $0xffff, v21, v21;
	(erf) = vrcp.f32 v10  }
0x66: {  	v25 =	vperm.xlane v27, v2;
	v28 =	vbroadcast v22, $0x0;
	v19 =	vld [tilespmem:s13+$0x1C000]  }
0x67: {  	v23 =	vperm.xlane v21, v2;
	v24 =	vbroadcast v27, $0x0  }
0x68: {  	v25 =	vsel vm0, v28, v25;
	v28 =	vperm.xlane v26, v2  }
0x69: {  	v29 =	vbroadcast v26, $0x0;
	v23 =	vsel vm0, v24, v23;
	v24 =	vperm.xlane v22, v2;
	v30 =	vld [tilespmem:s12+$0x1C000];
	(xrf0) =	vadd.scan.msk.s32 $0xffff, v9  }
0x6a: {  	v26 =	vsub.f32 v26, v28  }
0x6b: {  	v27 =	vsub.f32 v27, v25;
	v53 =	vsub.f32 v21, v23;
	v21, _, _ =	vpop (xrf1);
	v24 =	vsel vm0, v29, v24;
	v29 =	vld [tilespmem:s8+$0x1C000];
	(xrf0) =	vadd.scan.msk.s32 $0xffff, v19  }
0x6c: {  	v26 =	vmul.f32 $5.000000000e-01, v26;
	v22 =	vsub.f32 v22, v24;
	v19, _, _ =	vpop (xrf1)  }
0x6d: {  	[tilespmem:s6+$0xFFFFFFF0] =	vst v18;
	v27 =	vmul.f32 $5.000000000e-01, v27;
	v54 =	vsel vm4, $0x7F800000, v0;
	v31, _, _ =	vpop (xrf1)  }
0x6e: {  	v26 =	vadd.f32 v26, v28;
	v21 =	vperm.xlane v21, v4;
	v22 =	vmul.f32 $5.000000000e-01, v22;
	(xrf0) =	vadd.scan.msk.s32 $0xffff, v30;
	v39 =	vpop (erf)  }
0x6f: {  	[tilespmem:s6+$0xFFFFFFE0] =	vst v17;
	v25 =	vadd.f32 v27, v25;
	v9 =	vmul.f32 $5.000000000e-01, v53;
	v27 =	vperm.xlane v31, v4;
	v30, _, _ =	vpop (xrf0)  }
0x70: {  	v22 =	vadd.f32 v22, v24;
	v24 =	vmul.f32 $6.300000000e+01, v39;
	(xrf0) =	vadd.scan.msk.s32 $0xffff, v29;
	v31 =	vbroadcast v30, $0xF  }
0x71: {  	[tilespmem:s6+$0x0] =	vst v20;
	v23 =	vadd.f32 v9, v23;
	v28 =	vmin.f32 v19, v27;
	v19 =	vmax.f32 v19, v27;
	v29, _, _ =	vpop (xrf0)  }
0x72: {  	[tilespmem:s6+$0x10] =	vst v54;
	v27 =	vmul.f32 v24, v17;
	v0 =	vmul.f32 v24, v0;
	v29 =	vadd.s32 v31, v29  }
0x73: {  	[tilespmem:s7+$0x0] =	vst v22;
	v33, _, _ =	vpop (xrf1);
	v56 =	vmul.f32 v24, v18;
	v30 =	vadd.s32 s3, v30;
	v55 =	vbroadcast v29, $0xF  }
0x74: {  	(xrf1) =	vsort.ascd.msk.f32 $0xffff, v28, v28;
	v24 =	vmul.f32 v24, v20;
	v28, _, _ =	vpop (xrf0);
	v22 =	vadd.s32 $0x1, v30;
	v31 =	vmin.f32 v33, v21  }
0x75: {  	(xrf1) =	vsort.ascd.msk.f32 $0xffff, v19, v19;
	v21 =	vmax.f32 v33, v21;
	v34 =	vtrunc.f32 v27;
	v19 =	vadd.s32 v28, v55  }
0x76: {  	vm5 =	vgt.f32 v27, v34;
	(xrf1) =	vsort.ascd.msk.f32 $0xffff, v31, v31;
	v28 =	vadd.s32 s3, v29;
	v29, _, _ =	vpop (xrf0);
	v27 =	vbroadcast v19, $0xF  }
0x77: {  	v20 =	vtrunc.f32 v24;
	(xrf1) =	vsort.ascd.msk.f32 $0xffff, v21, v21;
	v21 =	vadd.s32 s3, v29;
	v29 =	vadd.s32 $0x1, v28  }
0x78: {  	v35 =	vcvt.f32.s32 v34;
	v31 =	vtrunc.f32 v56;
	v21 =	vadd.s32 v27, v21  }
0x79: {  	v17 =	vcvt.f32.s32 v20;
	vm6 =	vgt.f32 v24, v20;
	v62 =	vld.idx.msk [tilespmem:v30+s20+$0x0], $0xffff;
	v27 =	vadd.s32 $0x1, v21  }
0x7a: {  	v58 =	vsel vm5, $0x1, v3;
	v18 =	vcvt.f32.s32 v31;
	v19 =	vadd.s32 s3, v19;
	v36 =	vld.idx.msk [tilespmem:v22+s20+$0x0], $0xffff  }
0x7b: {  	vm5 =	vgt.f32 v56, v31;
	v20 =	vadd.s32 v35, v58;
	v31 =	vadd.s32 $0x1, v19;
	v24 =	vld.idx.msk [tilespmem:v28+s20+$0x0], $0xffff  }
0x7c: {  	[tilespmem:s7+$0xFFFFFFE0] =	vst v23;
	v23 =	vsel vm5, $0x1, v3;
	vm5 =	vlt.s32 v20, $0x40;
	v59 =	vld.idx.msk [tilespmem:v29+s20+$0x0], $0xffff  }
0x7d: {  	s28 =	simm.s32 $0x0;
	[tilespmem:s7+$0xFFFFFFF0] =	vst v25;
	v25 =	vsel vm6, $0x1, v3;
	v18 =	vadd.s32 v18, v23;
	vm5 =	vmand vm5, vm1;
	v23 =	vld.idx.msk [tilespmem:v21+s20+$0x0], $0xffff  }
0x7e: {  	[tilespmem:s7+$0x10] =	vst v26;
	v17 =	vadd.s32 v17, v25;
	v20 =	vadd.s32 s28, v20;
	vm6 =	vlt.s32 v18, $0x40;
	v25 =	vld.idx.msk [tilespmem:v27+s20+$0x0], $0xffff  }
0x7f: {  	[tilespmem:s26+$0xFFFFFFE0] =	vst v3;
	v26 =	vtrunc.f32 v0;
	vm7 =	vlt.s32 v17, $0x40;
	v18 =	vadd.s32 s28, v18;
	v60 =	vld.idx.msk [tilespmem:v19+s20+$0x0], $0xffff  }
0x80: {  	[tilespmem:s26+$0xFFFFFFF0] =	vst v3;
	vm15 =	vgt.f32 v0, v26;
	v0 =	vadd.s32 s28, v17;
	v17 =	vld.idx.msk [tilespmem:v31+s20+$0x0], $0xffff  }
0x81: {  	v42 =	vmul.f32 v15, v57;
	[tilespmem:s26+$0x0] =	vst v3;
	v61 =	vcvt.f32.s32 v26  }
0x82: {  	v43 =	vmul.f32 v15, v7;
	[tilespmem:s26+$0x10] =	vst v3;
	v26 =	vsel vm15, $0x1, v3;
	v36 =	vsub.f32 v36, v62  }
0x83: {  	v26 =	vadd.s32 v61, v26;
	[tilespmem:v20+s19+$0x0] =	vst.idx.add.s32.msk vm5, v5;
	v20 =	vsub.f32 v25, v23  }
0x84: {  	v36 =	vmul.f32 v36, v16;
	[tilespmem:v18+s19+$0x0] =	vst.idx.add.s32.msk vm6, v5;
	v18 =	vsub.f32 v59, v24  }
0x85: {  	vm12 =	vlt.s32 v26, $0x40;
	v63, _, _ =	vpop (xrf1);
	[tilespmem:v0+s19+$0x0] =	vst.idx.add.s32.msk vm7, v5;
	v0 =	vsub.f32 v17, v60;
	v17 =	vmul.f32 v20, v16  }
0x86: {  	v30 =	vld.idx.msk [tilespmem:v30+s21+$0x0], $0xffff;
	v34 =	vperm.xlane v63, v4;
	v37, _, _ =	vpop (xrf1);
	v24 =	vsub.f32 v43, v24;
	v18 =	vmul.f32 v18, v16  }
0x87: {  	v22 =	vld.idx.msk [tilespmem:v22+s21+$0x0], $0xffff;
	vm5 =	vmand vm12, vm2;
	v9, _, _ =	vpop (xrf1);
	v25 =	vperm.xlane v37, v4;
	(erf) = vrcp.f32 v17  }
0x88: {  	v26 =	vadd.s32 s28, v26;
	v19 =	vld.idx.msk [tilespmem:v19+s21+$0x0], $0xffff;
	v40, _, _ =	vpop (xrf1);
	v24 =	vmul.f32 v24, v16;
	v0 =	vmul.f32 v0, v16  }
0x89: {  	v21 =	vld.idx.msk [tilespmem:v21+s21+$0x0], $0xffff;
	v38 =	vmin.f32 v40, v34;
	v20 =	vmin.f32 v9, v25;
	(erf) = vrcp.f32 v18  }
0x8a: {  	v27 =	vld.idx.msk [tilespmem:v27+s21+$0x0], $0xffff;
	v32 =	vmax.f32 v40, v34;
	v41 =	vmin.f32 v20, v38;
	(erf) = vrcp.f32 v0  }
0x8b: {  	v23 =	vsub.f32 v42, v23;
	v20 =	vmax.f32 v20, v38;
	(xrf1) =	vsort.ascd.msk.f32 $0xffff, v41, v41;
	(erf) = vrcp.f32 v36  }
0x8c: {  	v31 =	vld.idx.msk [tilespmem:v31+s21+$0x0], $0xffff;
	v25 =	vmax.f32 v9, v25;
	(xrf1) =	vsort.ascd.msk.f32 $0xffff, v20, v20;
	v20 =	vmul.f32 v15, v6  }
0x8d: {  	[tilespmem:v26+s19+$0x0] =	vst.idx.add.s32.msk vm5, v5;
	v37 =	vmin.f32 v25, v32;
	v15 =	vmul.f32 v15, v8  }
0x8e: {  	v28 =	vld.idx.msk [tilespmem:v28+s21+$0x0], $0xffff;
	v25 =	vmax.f32 v25, v32;
	(xrf1) =	vsort.ascd.msk.f32 $0xffff, v37, v37;
	v20 =	vsub.f32 v20, v62  }
0x8f: {  	v29 =	vld.idx.msk [tilespmem:v29+s21+$0x0], $0xffff;
	v23 =	vmul.f32 v23, v16;
	v15 =	vsub.f32 v15, v60;
	(xrf1) =	vsort.ascd.msk.f32 $0xffff, v25, v25  }
0x90: {  	vm5 =	vlt.f32 v17, $9.999999740e-06;
	v17 =	vsub.f32 v27, v21;
	(xrf1) =	vsort.ascd.msk.f32 $0xffff, v14, v14;
	v20 =	vmul.f32 v20, v16;
	v44 =	vpop (erf)  }
0x91: {  	v15 =	vmul.f32 v15, v16;
	v16 =	vsub.f32 v31, v19;
	v31 =	vmul.f32 v44, v23  }
0x92: {  	(xrf1) =	vsort.ascd.msk.f32 $0xffff, v13, v13;
	v45 =	vpop (erf)  }
0x93: {  	v26 =	vld [tilespmem:s26+$0xFFFFFFE0];
	vm6 =	vlt.f32 v18, $9.999999740e-06;
	(xrf1) =	vsort.ascd.msk.f32 $0xffff, v49, v49;
	v25 =	vmul.f32 v45, v24;
	v27 =	vpop (erf);
	v23 =	vsel vm5, v23, v31  }
0x94: {  	(xrf1) =	vsort.ascd.msk.f32 $0xffff, v12, v12;
	v12 =	vld [tilespmem:s26+$0xFFFFFFF0];
	v18 =	vmul.f32 v27, v15;
	vm5 =	vlt.f32 v0, $9.999999740e-06;
	v0 =	vmul.f32 v23, v17;
	v17 =	vpop (erf)  }
0x95: {  	v22 =	vsub.f32 v22, v30;
	v29 =	vsub.f32 v29, v28;
	v13 =	vmul.f32 v17, v20  }
0x96: {  	v14 =	vsel vm6, v24, v25;
	v15 =	vsel vm5, v15, v18;
	vm5 =	vlt.f32 v36, $9.999999740e-06  }
0x97: {  	v14 =	vmul.f32 v14, v29;
	v46 =	vsel vm5, v20, v13  }
0x98: {  	(xrf0) =	vadd.scan.msk.s32 $0xffff, v26;
	v15 =	vmul.f32 v15, v16;
	v0 =	vadd.f32 v0, v21;
	v11 =	vmul.f32 v46, v22  }
0x99: {  	(xrf0) =	vadd.scan.msk.s32 $0xffff, v12;
	v13 =	vadd.f32 v14, v28  }
0x9a: {  	v14 =	vadd.f32 v15, v19;
	(xrf1) =	vsort.ascd.msk.f32 $0xffff, v0, v0;
	v0 =	vadd.f32 v11, v30  }
0x9b: {  	(xrf1) =	vsort.ascd.msk.f32 $0xffff, v13, v13  }
0x9c: {  	v17, _, _ =	vpop (xrf1);
	(xrf1) =	vsort.ascd.msk.f32 $0xffff, v14, v14  }
0x9d: {  	v15, _, _ =	vpop (xrf1)  }
0x9e: {  	(xrf1) =	vsort.ascd.msk.f32 $0xffff, v0, v0;
	v0, _, _ =	vpop (xrf1)  }
0x9f: {  	[tilespmem:$0x1FF40] =	vst v0  }
0xa0: {  	v47, _, _ =	vpop (xrf0);
	v0 =	vld [tilespmem:s26+$0x0]  }
0xa1: {  	v21, _, _ =	vpop (xrf0);
	v12 =	vld [tilespmem:s26+$0x10]  }
0xa2: {  	v16, _, _ =	vpop (xrf1)  }
0xa3: {  	v18, _, _ =	vpop (xrf1)  }
0xa4: {  	v20, _, _ =	vpop (xrf1)  }
0xa5: {  	v18 =	vperm.xlane v18, v4;
	v48 =	vperm.xlane v20, v4;
	v20, _, _ =	vpop (xrf1);
	(xrf0) =	vadd.scan.msk.s32 $0xffff, v0  }
0xa6: {  	v11 =	vbroadcast v47, $0xF;
	(xrf0) =	vadd.scan.msk.s32 $0xffff, v12;
	v12, _, _ =	vpop (xrf1)  }
0xa7: {  	v14 =	vadd.s32 s28, v47;
	v22 =	vmin.f32 v20, v18;
	v25 =	vmin.f32 v12, v48  }
0xa8: {  	v0 =	vadd.s32 v11, v21;
	v26, _, _ =	vpop (xrf1);
	(xrf1) =	vsort.ascd.msk.f32 $0xffff, v22, v22  }
0xa9: {  	v11 =	vmax.f32 v12, v48;
	v12 =	vperm.xlane v26, v4;
	v26, _, _ =	vpop (xrf1);
	(xrf1) =	vsort.ascd.msk.f32 $0xffff, v25, v25  }
0xaa: {  	v25, _, _ =	vpop (xrf1);
	(xrf1) =	vsort.ascd.msk.f32 $0xffff, v11, v11  }
0xab: {  	v20 =	vmax.f32 v20, v18  }
0xac: {  	v23 =	vld.idx.msk [tilespmem:v14+s20+$0x0], $0xffff;
	(xrf1) =	vsort.ascd.msk.f32 $0xffff, v20, v20  }
0xad: {  	v19 =	vadd.s32 $0x1, v14;
	v18 =	vld.idx.msk [tilespmem:v14+s21+$0x0], $0xffff;
	v49 =	vperm.xlane v26, v4;
	v14 =	vmin.f32 v25, v12  }
0xae: {  	s1 =	simm.s32 $0x4180;
	v12 =	vmax.f32 v25, v12;
	v25, _, _ =	vpop (xrf1);
	(xrf1) =	vsort.ascd.msk.f32 $0xffff, v14, v14  }
0xaf: {  	v27 =	vld [tilespmem:s1+$0x0];
	v14 =	vmin.f32 v25, v49;
	(xrf1) =	vsort.ascd.msk.f32 $0xffff, v12, v12  }
0xb0: {  	v11 =	vmax.f32 v25, v49;
	(xrf1) =	vsort.ascd.msk.f32 $0xffff, v14, v14  }
0xb1: {  	v14 =	vld [tilespmem:s1+$0x10];
	(xrf1) =	vsort.ascd.msk.f32 $0xffff, v11, v11  }
0xb2: {  	v21 =	vadd.s32 s28, v0  }
0xb3: {  	v24 =	vadd.s32 $0x1, v21  }
0xb4: {  	v28 =	vld [tilespmem:s1+$0x20];
	v27 =	vadd.f32 $9.999999740e-06, v27;
	v0 =	vbroadcast v0, $0xF;
	v12, _, _ =	vpop (xrf0)  }
0xb5: {  	v29 =	vld [tilespmem:s1+$0x30];
	v25, _, _ =	vpop (xrf0)  }
0xb6: {  	v22 =	vld.idx.msk [tilespmem:v19+s20+$0x0], $0xffff;
	v0 =	vadd.s32 v12, v0;
	v12 =	vadd.f32 $9.999999740e-06, v14;
	v30, _, _ =	vpop (xrf1)  }
0xb7: {  	v20 =	vld.idx.msk [tilespmem:v21+s20+$0x0], $0xffff;
	v31 =	vbroadcast v0, $0xF;
	v51, _, _ =	vpop (xrf1)  }
0xb8: {  	v26 =	vld.idx.msk [tilespmem:v24+s20+$0x0], $0xffff;
	v14 =	vadd.s32 s28, v0;
	v0 =	vadd.s32 s28, v25;
	(xrf2) =	vadd.scan.msk.f32 $0xffff, v12;
	v12 =	vsel vm3, $0x0, v27;
	v27, _, _ =	vpop (xrf1)  }
0xb9: {  	v25 =	vadd.s32 v31, v0;
	(xrf2) =	vadd.scan.msk.f32 $0xffff, v12;
	v12 =	vperm.xlane v51, v4;
	v0 =	vperm.xlane v27, v4  }
0xba: {  	v28 =	vadd.f32 $9.999999740e-06, v28;
	v29 =	vadd.f32 $9.999999740e-06, v29;
	v27, _, _ =	vpop (xrf1)  }
0xbb: {  	v22 =	vsub.f32 v22, v23;
	v53 =	vmin.f32 v27, v12;
	v52 =	vmin.f32 v30, v0  }
0xbc: {  	v41 =	vmul.f32 v10, v57;
	v29 =	vsel vm4, $0x0, v29;
	(xrf2) =	vadd.scan.msk.f32 $0xffff, v28;
	v31, _, _ =	vpop (xrf1);
	v28 =	vmin.f32 v52, v53  }
0xbd: {  	v19 =	vld.idx.msk [tilespmem:v19+s21+$0x0], $0xffff;
	v22 =	vmul.f32 v22, v39;
	v26 =	vsub.f32 v26, v20;
	v13 =	vadd.s32 $0x1, v14;
	v54, _, _ =	vpop (xrf1)  }
0xbe: {  	v24 =	vld.idx.msk [tilespmem:v24+s21+$0x0], $0xffff;
	v12 =	vmax.f32 v27, v12;
	v31 =	vperm.xlane v31, v4;
	v34 =	vperm.xlane v54, v4;
	v55, _, _ =	vpop (xrf1)  }
0xbf: {  	(erf) = vrcp.f32 v22;
	v0 =	vmax.f32 v30, v0;
	v32 =	vmax.f32 v52, v53;
	(xrf1) =	vsort.ascd.msk.f32 $0xffff, v28, v28;
	v28, _, _ =	vpop (xrf1)  }
0xc0: {  	v36 =	vadd.s32 $0x1, v25;
	v56 =	vmin.f32 v55, v34;
	(xrf1) =	vsort.ascd.msk.f32 $0xffff, v32, v32;
	v58 =	vmin.f32 v28, v31  }
0xc1: {  	v50 =	vld [tilespmem:s1+$0xFFFFFF80];
	v59 =	vmax.f32 v55, v34;
	(xrf2) =	vadd.scan.msk.f32 $0xffff, v29;
	v28 =	vmax.f32 v28, v31;
	v29 =	vmin.f32 v56, v58  }
0xc2: {  	v60 =	vmin.f32 v0, v12;
	v31 =	vmin.f32 v59, v28;
	v40 =	vld.idx.msk [tilespmem:v25+s20+$0x0], $0xffff;
	(xrf1) =	vsort.ascd.msk.f32 $0xffff, v29, v29  }
0xc3: {  	s6 =	simm.s32 $0x180;
	v0 =	vmax.f32 v0, v12;
	v28 =	vmax.f32 v59, v28;
	v30, _, _ =	vpop (xrf2);
	v12 =	vld.idx.msk [tilespmem:v13+s20+$0x0], $0xffff;
	(xrf1) =	vsort.ascd.msk.f32 $0xffff, v31, v31  }
0xc4: {  	v26 =	vmul.f32 v26, v39;
	v27 =	vmax.f32 v56, v58;
	v32 =	vld [tilespmem:s6+$0x30];
	v44, _, _ =	vpop (xrf2);
	(xrf1) =	vsort.ascd.msk.f32 $0xffff, v28, v28  }
0xc5: {  	v47 =	vmul.f32 v10, v8;
	v31 =	vld.idx.msk [tilespmem:v36+s20+$0x0], $0xffff;
	(xrf1) =	vsort.ascd.msk.f32 $0xffff, v27, v27;
	v27 =	vbroadcast v44, $0xF  }
0xc6: {  	v61 =	vadd.f32 $9.999999740e-06, v50;
	(erf) = vrcp.f32 v26;
	v33 =	vld [tilespmem:s6+$0x10];
	v28 =	vmul.f32 v10, v6  }
0xc7: {  	v19 =	vsub.f32 v19, v18;
	v29 =	vld [tilespmem:s1+$0xFFFFFF90];
	(xrf1) =	vsort.ascd.msk.f32 $0xffff, v60, v60;
	v46 =	vadd.f32 v27, v30  }
0xc8: {  	vm5 =	vlt.f32 v22, $9.999999740e-06;
	v45 =	vld.idx.msk [tilespmem:v14+s20+$0x0], $0xffff;
	(xrf1) =	vsort.ascd.msk.f32 $0xffff, v0, v0;
	v0 =	vsub.f32 v28, v23  }
0xc9: {  	v23 =	vmul.f32 v10, v7;
	v10 =	vsel vm3, $0x0, v61;
	v27 =	vbroadcast v46, $0xF  }
0xca: {  	vm6 =	vlt.f32 v26, $9.999999740e-06;
	v21 =	vld.idx.msk [tilespmem:v21+s21+$0x0], $0xffff;
	v53 =	vperm.xlane v32, v2;
	v28, _, _ =	vpop (xrf2);
	v22 =	vsub.f32 v31, v40;
	(xrf2) =	vadd.scan.msk.f32 $0xffff, v10  }
0xcb: {  	v55 =	vbroadcast v33, $0x0;
	v30 =	vld [tilespmem:s6+$0x0];
	v0 =	vmul.f32 v0, v39;
	v48 =	vadd.f32 v27, v28  }
0xcc: {  	v62 =	vpop (erf);
	v20 =	vsub.f32 v23, v20;
	v23 =	vadd.f32 $9.999999740e-06, v29;
	v43 =	vmul.f32 v22, v39  }
0xcd: {  	v12 =	vsub.f32 v12, v45;
	v31 =	vld [tilespmem:s1+$0xFFFFFFA0];
	v11 =	vmul.f32 v62, v0;
	v22 =	vbroadcast v48, $0xF  }
0xce: {  	v35 =	vperm.xlane v33, v2;
	v45 =	vsub.f32 v47, v45;
	v29, _, _ =	vpop (xrf2);
	v20 =	vmul.f32 v20, v39;
	(xrf2) =	vadd.scan.msk.f32 $0xffff, v23  }
0xcf: {  	v42 =	vmul.f32 v12, v39;
	v28 =	vpop (erf);
	(erf) = vrcp.f32 v43;
	v49 =	vadd.f32 v22, v29  }
0xd0: {  	v27 =	vld [tilespmem:s1+$0xFFFFFFB0];
	v10, _, _ =	vpop (xrf1);
	v23 =	vsub.f32 v24, v21;
	v54 =	vperm.xlane v30, v2;
	v12 =	vmul.f32 v28, v20  }
0xd1: {  	v0 =	vsel vm5, v0, v11;
	(erf) = vrcp.f32 v42;
	v11, _, _ =	vpop (xrf1);
	v34 =	vbroadcast v49, $0xF  }
0xd2: {  	v50 =	vadd.f32 $9.999999740e-06, v31;
	v31 =	vld [tilespmem:s6+$0x20];
	v0 =	vmul.f32 v0, v19;
	v12 =	vsel vm6, v20, v12;
	v22, _, _ =	vpop (xrf1)  }
0xd3: {  	v54 =	vsel vm0, v55, v54;
	v55 =	vsub.f32 v32, v53;
	v19, _, _ =	vpop (xrf1);
	(erf) = vrcp.f32 v34  }
0xd4: {  	v58 =	vbroadcast v32, $0x0;
	v40 =	vsub.f32 v41, v40;
	v62 =	vsub.f32 v30, v54;
	v37, _, _ =	vpop (xrf2)  }
0xd5: {  	v20 =	vadd.f32 $9.999999740e-06, v27;
	v23 =	vmul.f32 v12, v23;
	v55 =	vmul.f32 $5.000000000e-01, v55;
	v12, _, _ =	vpop (xrf1)  }
0xd6: {  	v0 =	vadd.f32 v0, v18;
	v62 =	vmul.f32 $5.000000000e-01, v62;
	v24 =	vperm.xlane v19, v4;
	v19, _, _ =	vpop (xrf1)  }
0xd7: {  	v51 =	vsel vm4, $0x0, v20;
	v52 =	vadd.f32 v23, v21;
	v56 =	vbroadcast v31, $0x0;
	v29, _, _ =	vpop (xrf1)  }
0xd8: {  	v26 =	vperm.xlane v22, v4;
	v9 =	vperm.xlane v31, v2;
	v53 =	vadd.f32 v55, v53;
	v63, _, _ =	vpop (xrf2)  }
0xd9: {  	(xrf2) =	vadd.scan.msk.f32 $0xffff, v50;
	v50 =	vadd.f32 v62, v54;
	v12 =	vperm.xlane v12, v4;
	v56 =	vsel vm0, v56, v35;
	v59 =	vpop (erf)  }
0xda: {  	v57 =	vsel vm0, v58, v9;
	v27 =	vperm.xlane v19, v4;
	v19 =	vbroadcast v37, $0xF;
	v28, _, _ =	vpop (xrf1)  }
0xdb: {  	v20 =	vmax.f32 v11, v24;
	v58 =	vsub.f32 v33, v56;
	v22 =	vmax.f32 v10, v12;
	v61 =	vpop (erf)  }
0xdc: {  	v23 =	vmax.f32 v29, v27;
	v21 =	vmax.f32 v28, v26;
	v38 =	vadd.f32 v19, v63;
	v35 =	vpop (erf)  }
0xdd: {  	s14 =	simm.s32 $0x180A0;
	(xrf1) =	vsort.ascd.msk.f32 $0xffff, v0, v0;
	v63 =	vsub.f32 v31, v57;
	v47 =	vmul.f32 $5.000000000e-01, v58;
	v0 =	vmul.f32 $6.300000000e+01, v35  }
0xde: {  	[tilespmem:s14+$0x20] =	vst v44;
	v18 =	vmax.f32 v22, v23;
	v19 =	vmax.f32 v20, v21;
	v60 =	vbroadcast v38, $0xF  }
0xdf: {  	v9 =	vld [tilespmem:s6+$0xFFFFFF90];
	(xrf1) =	vsort.ascd.msk.f32 $0xffff, v52, v52;
	v52 =	vmax.f32 v18, v19;
	v58 =	vmul.f32 $5.000000000e-01, v63;
	v62 =	vmul.f32 v0, v46  }
0xe0: {  	s7 =	simm.s32 $0xC0;
	(xrf2) =	vadd.scan.msk.f32 $0xffff, v51;
	v47 =	vadd.f32 v47, v56;
	v51 =	vmul.f32 v0, v44;
	v55 =	vmul.f32 v0, v48  }
0xe1: {  	s15 =	sor.u32 $0x50, s7;
	(xrf1) =	vsort.ascd.msk.f32 $0xffff, v52, v52;
	v52 =	vadd.f32 v58, v57;
	v0 =	vmul.f32 v0, v49;
	v63 =	vtrunc.f32 v62  }
0xe2: {  	s16 =	sor.u32 $0x60, s7;
	[tilespmem:s15+$0x18000] =	vst v46;
	v44 =	vsel vm4, $0x7F800000, v49;
	v49 =	vtrunc.f32 v51;
	v57 =	vtrunc.f32 v55  }
0xe3: {  	[tilespmem:s16+$0x18000] =	vst v48;
	v46 =	vcvt.f32.s32 v63;
	vm5 =	vgt.f32 v62, v63;
	v62 =	vtrunc.f32 v0  }
0xe4: {  	s25 =	sor.u32 $0x70, s7;
	(xrf1) =	vsort.ascd.msk.f32 $0xffff, v9, v9;
	v63 =	vcvt.f32.s32 v49;
	vm6 =	vgt.f32 v51, v49;
	v49 =	vcvt.f32.s32 v57  }
0xe5: {  	s26 =	simm.s32 $0x1A0A0;
	[tilespmem:s25+$0x18000] =	vst v44;
	v56 =	vsel vm6, $0x1, v3;
	vm6 =	vgt.f32 v55, v57;
	v57 =	vcvt.f32.s32 v62  }
0xe6: {  	[tilespmem:s26+$0x20] =	vst v50;
	v58 =	vsel vm5, $0x1, v3;
	vm5 =	vgt.f32 v0, v62;
	v44 =	vadd.s32 v63, v56  }
0xe7: {  	[tilespmem:s15+$0x1A000] =	vst v47;
	v0 =	vld [tilespmem:s6+$0xFFFFFFA0];
	v62 =	vsel vm6, $0x1, v3;
	v63 =	vsel vm5, $0x1, v3;
	vm7 =	vlt.s32 v44, $0x40  }
0xe8: {  	v54 =	vld [tilespmem:s6+$0xFFFFFFB0];
	[tilespmem:s16+$0x1A000] =	vst v52;
	v46 =	vadd.s32 v46, v58;
	v47 =	vadd.s32 v49, v62;
	vm5 =	vmand vm7, vm1  }
0xe9: {  	s28 =	simm.s32 $0x1C0A0;
	v41 =	vld [tilespmem:s6+$0xFFFFFF80];
	[tilespmem:s25+$0x1A000] =	vst v53;
	v44 =	vadd.s32 s7, v44;
	vm6 =	vlt.s32 v46, $0x40;
	v57 =	vadd.s32 v57, v63  }
0xea: {  	v25 =	vld.idx.msk [tilespmem:v25+s21+$0x0], $0xffff;
	[tilespmem:s28+$0x20] =	vst v3;
	v46 =	vadd.s32 s7, v46;
	v58, _, _ =	vpop (xrf2);
	vm7 =	vlt.s32 v47, $0x40;
	vm13 =	vlt.s32 v57, $0x40  }
0xeb: {  	v13 =	vld.idx.msk [tilespmem:v13+s21+$0x0], $0xffff;
	[tilespmem:s15+$0x1C000] =	vst v3;
	v47 =	vadd.s32 s7, v47;
	v49 =	vadd.f32 v60, v58;
	vm8 =	vmand vm13, vm2  }
0xec: {  	v36 =	vld.idx.msk [tilespmem:v36+s21+$0x0], $0xffff;
	v48 =	vadd.s32 s7, v57;
	[tilespmem:s16+$0x1C000] =	vst v3;
	(xrf1) =	vsort.ascd.msk.f32 $0xffff, v0, v0  }
0xed: {  	v45 =	vmul.f32 v45, v39;
	v50 =	vld.idx.msk [tilespmem:v14+s21+$0x0], $0xffff;
	[tilespmem:s25+$0x1C000] =	vst v3;
	(xrf1) =	vsort.ascd.msk.f32 $0xffff, v54, v54;
	v14 =	vbroadcast v49, $0xF  }
0xee: {  	v39 =	vmul.f32 v40, v39;
	v56 =	vperm.xlane v41, v2;
	v62, _, _ =	vpop (xrf2);
	[tilespmem:v44+s19+$0x0] =	vst.idx.add.s32.msk vm5, v5  }
0xef: {  	v63 =	vmul.f32 v61, v45;
	v40 =	vadd.f32 v14, v62;
	[tilespmem:v46+s19+$0x0] =	vst.idx.add.s32.msk vm6, v5  }
0xf0: {  	v61 =	vbroadcast v54, $0x0;
	v57 =	vbroadcast v9, $0x0;
	(xrf1) =	vsort.ascd.msk.f32 $0xffff, v41, v41;
	[tilespmem:v47+s19+$0x0] =	vst.idx.add.s32.msk vm7, v5  }
0xf1: {  	v58 =	vperm.xlane v9, v2;
	v44 =	vsub.f32 v36, v25;
	v36 =	vbroadcast v40, $0xF;
	[tilespmem:v48+s19+$0x0] =	vst.idx.add.s32.msk vm8, v5  }
0xf2: {  	v13 =	vsub.f32 v13, v50;
	v60 =	vperm.xlane v0, v2;
	v14 =	vmul.f32 v59, v39;
	v48 =	vld [tilespmem:s28+$0x20]  }
0xf3: {  	v59 =	vbroadcast v0, $0x0;
	vm5 =	vlt.f32 v43, $9.999999740e-06;
	(erf) = vrcp.f32 v36  }
0xf4: {  	vm6 =	vlt.f32 v42, $9.999999740e-06;
	v14 =	vsel vm5, v39, v14;
	v42 =	vsel vm0, v57, v56;
	v53 =	vld [tilespmem:s15+$0x1C000]  }
0xf5: {  	v51, _, _ =	vpop (xrf1);
	v62 =	vsel vm0, v59, v58;
	v39 =	vsel vm0, v61, v60;
	v47 =	vperm.xlane v54, v2  }
0xf6: {  	v41 =	vsub.f32 v41, v42;
	v43 =	vsel vm6, v45, v63;
	v63, _, _ =	vpop (xrf1);
	v44 =	vmul.f32 v14, v44  }
0xf7: {  	v9 =	vsub.f32 v9, v62;
	v0 =	vsub.f32 v0, v39;
	v1, _, _ =	vpop (xrf1);
	v13 =	vmul.f32 v43, v13;
	v52 =	vld [tilespmem:s16+$0x1C000];
	(xrf0) =	vadd.scan.msk.s32 $0xffff, v48  }
0xf8: {  	v45 =	vperm.xlane v63, v4;
	[tilespmem:$0x1FF90] =	vst v1;
	v41 =	vmul.f32 $5.000000000e-01, v41;
	v25 =	vadd.f32 v44, v25  }
0xf9: {  	v57 =	vsub.f32 v54, v47;
	v9 =	vmul.f32 $5.000000000e-01, v9;
	v58, _, _ =	vpop (xrf1);
	v59 =	vld [tilespmem:s25+$0x1C000];
	v13 =	vadd.f32 v13, v50;
	(xrf0) =	vadd.scan.msk.s32 $0xffff, v53  }
0xfa: {  	v0 =	vmul.f32 $5.000000000e-01, v0;
	v46 =	vperm.xlane v58, v4;
	v56 =	vmin.f32 v51, v45;
	(xrf1) =	vsort.ascd.msk.f32 $0xffff, v25, v25;
	v60, _, _ =	vpop (xrf1)  }
0xfb: {  	v58 =	vmax.f32 v51, v45;
	v61 =	vmul.f32 $5.000000000e-01, v57;
	v9 =	vadd.f32 v9, v62;
	(xrf1) =	vsort.ascd.msk.f32 $0xffff, v13, v13;
	v62, _, _ =	vpop (xrf1)  }
0xfc: {  	v41 =	vadd.f32 v41, v42;
	v0 =	vadd.f32 v0, v39;
	(xrf0) =	vadd.scan.msk.s32 $0xffff, v52;
	v63 =	vperm.xlane v62, v4;
	v25 =	vpop (erf)  }
0xfd: {  	v39 =	vadd.f32 v61, v47;
	(xrf1) =	vsort.ascd.msk.f32 $0xffff, v56, v56;
	v61 =	vsel vm4, $0x7F800000, v40;
	v50 =	vmul.f32 $6.300000000e+01, v25;
	v13, _, _ =	vpop (xrf0)  }
0xfe: {  	v48 =	vmin.f32 v60, v63;
	v42 =	vmax.f32 v60, v63;
	v60, _, _ =	vpop (xrf1);
	(xrf0) =	vadd.scan.msk.s32 $0xffff, v59;
	v57 =	vbroadcast v13, $0xF  }
0xff: {  	v62 =	vmul.f32 v50, v37;
	v56 =	vmin.f32 v60, v46;
	v45 =	vmax.f32 v60, v46;
	v59, _, _ =	vpop (xrf0)  }
0x100: {  	[tilespmem:s14+$0x0] =	vst v49;
	v46 =	vmul.f32 v50, v38;
	v47 =	vmul.f32 v50, v49;
	v63 =	vadd.s32 v57, v59  }
0x101: {  	(xrf1) =	vsort.ascd.msk.f32 $0xffff, v58, v58;
	v13 =	vadd.s32 s7, v13;
	v58 =	vtrunc.f32 v62;
	v57 =	vbroadcast v63, $0xF  }
0x102: {  	(xrf1) =	vsort.ascd.msk.f32 $0xffff, v48, v48;
	v59, _, _ =	vpop (xrf0);
	v60 =	vcvt.f32.s32 v58;
	vm5 =	vgt.f32 v62, v58;
	v43 =	vadd.s32 s7, v63  }
0x103: {  	(xrf1) =	vsort.ascd.msk.f32 $0xffff, v42, v42;
	v63 =	vtrunc.f32 v46;
	v52 =	vsel vm5, $0x1, v3;
	v42 =	vadd.s32 v59, v57  }
0x104: {  	[tilespmem:s14+$0x10] =	vst v61;
	v58 =	vcvt.f32.s32 v63;
	vm5 =	vgt.f32 v46, v63;
	v62, _, _ =	vpop (xrf0);
	v61 =	vbroadcast v42, $0xF  }
0x105: {  	(xrf1) =	vsort.ascd.msk.f32 $0xffff, v56, v56;
	v48 =	vadd.s32 $0x1, v43;
	v46 =	vsel vm5, $0x1, v3;
	v56 =	vadd.s32 s7, v62  }
0x106: {  	[tilespmem:s14+$0xFFFFFFF0] =	vst v38;
	v38 =	vadd.s32 v58, v46;
	v58 =	vld.idx.msk [tilespmem:v13+s20+$0x0], $0xffff;
	v44 =	vadd.s32 v61, v56  }
0x107: {  	(xrf1) =	vsort.ascd.msk.f32 $0xffff, v45, v45;
	v57 =	vtrunc.f32 v47;
	v46 =	vadd.s32 $0x1, v13;
	v13 =	vld.idx.msk [tilespmem:v13+s21+$0x0], $0xffff;
	v45 =	vadd.s32 $0x1, v44  }
0x108: {  	[tilespmem:s14+$0xFFFFFFE0] =	vst v37;
	vm6 =	vgt.f32 v47, v57;
	v47 =	vld.idx.msk [tilespmem:v43+s20+$0x0], $0xffff  }
0x109: {  	[tilespmem:s26+$0xFFFFFFE0] =	vst v41;
	v60 =	vadd.s32 v60, v52;
	v42 =	vadd.s32 s7, v42;
	v43 =	vld.idx.msk [tilespmem:v43+s21+$0x0], $0xffff  }
0x10a: {  	s14 =	simm.s32 $0x80;
	[tilespmem:s26+$0xFFFFFFF0] =	vst v9;
	v40 =	vmul.f32 v50, v40;
	vm5 =	vlt.s32 v60, $0x40;
	v50 =	vld.idx.msk [tilespmem:v48+s20+$0x0], $0xffff  }
0x10b: {  	[tilespmem:s26+$0x0] =	vst v0;
	v41 =	vadd.s32 s14, v60;
	v59 =	vcvt.f32.s32 v57;
	vm5 =	vmand vm5, vm1;
	v52 =	vld.idx.msk [tilespmem:v44+s20+$0x0], $0xffff  }
0x10c: {  	[tilespmem:s26+$0x10] =	vst v39;
	v62 =	vtrunc.f32 v40;
	v49 =	vadd.s32 $0x1, v42;
	v61 =	vsel vm6, $0x1, v3;
	v53 =	vld.idx.msk [tilespmem:v45+s20+$0x0], $0xffff  }
0x10d: {  	[tilespmem:s28+$0xFFFFFFE0] =	vst v3;
	v51, _, _ =	vpop (xrf1);
	v63 =	vcvt.f32.s32 v62;
	vm6 =	vlt.s32 v38, $0x40;
	v9 =	vadd.s32 v59, v61;
	v48 =	vld.idx.msk [tilespmem:v48+s21+$0x0], $0xffff  }
0x10e: {  	[tilespmem:s28+$0xFFFFFFF0] =	vst v3;
	v39, _, _ =	vpop (xrf1);
	vm14 =	vgt.f32 v40, v62;
	v38 =	vadd.s32 s14, v38;
	vm7 =	vlt.s32 v9, $0x40;
	v54 =	vld.idx.msk [tilespmem:v42+s20+$0x0], $0xffff  }
0x10f: {  	[tilespmem:s28+$0x0] =	vst v3;
	v51 =	vperm.xlane v51, v4;
	v0, _, _ =	vpop (xrf1);
	v60 =	vsel vm14, $0x1, v3;
	v9 =	vadd.s32 s14, v9;
	v59 =	vld.idx.msk [tilespmem:v46+s20+$0x0], $0xffff  }
0x110: {  	[tilespmem:s28+$0x10] =	vst v3;
	v37, _, _ =	vpop (xrf1);
	v55 =	vadd.s32 v63, v60;
	v46 =	vld.idx.msk [tilespmem:v46+s21+$0x0], $0xffff  }
0x111: {  	v60 =	vmin.f32 v39, v51;
	v39 =	vmax.f32 v39, v51;
	v40 =	vld.idx.msk [tilespmem:v49+s20+$0x0], $0xffff;
	v61, _, _ =	vpop (xrf1);
	v63 =	vsub.f32 v53, v52  }
0x112: {  	[tilespmem:v41+s19+$0x0] =	vst.idx.add.s32.msk vm5, v5;
	v56 =	vperm.xlane v61, v4;
	v61 =	vsub.f32 v50, v47  }
0x113: {  	vm5 =	vlt.s32 v55, $0x40;
	v55 =	vadd.s32 s14, v55;
	v62, _, _ =	vpop (xrf1);
	[tilespmem:v38+s19+$0x0] =	vst.idx.add.s32.msk vm6, v5;
	v38 =	vmul.f32 v63, v35  }
0x114: {  	vm5 =	vmand vm5, vm2;
	v48 =	vsub.f32 v48, v43;
	v41, _, _ =	vpop (xrf1);
	[tilespmem:v9+s19+$0x0] =	vst.idx.add.s32.msk vm7, v5;
	v9 =	vmul.f32 v61, v35  }
0x115: {  	(xrf1) =	vsort.ascd.msk.f32 $0xffff, v60, v60;
	v57 =	vperm.xlane v62, v4;
	v51, _, _ =	vpop (xrf1);
	v46 =	vsub.f32 v46, v13;
	v1 =	vld [tilespmem:$0x1FFA0];
	(erf) = vrcp.f32 v38  }
0x116: {  	(xrf1) =	vsort.ascd.msk.f32 $0xffff, v39, v39;
	v62 =	vmin.f32 v51, v56;
	v40 =	vsub.f32 v40, v54;
	(erf) = vrcp.f32 v9  }
0x117: {  	v51 =	vmax.f32 v51, v56;
	v53 =	vmin.f32 v41, v57;
	v63 =	vsub.f32 v59, v58  }
0x118: {  	v41 =	vmax.f32 v41, v57;
	v40 =	vmul.f32 v40, v35;
	v60 =	vmin.f32 v53, v62  }
0x119: {  	(xrf1) =	vsort.ascd.msk.f32 $0xffff, v60, v60;
	v60 =	vmul.f32 v34, v7;
	v39 =	vmul.f32 v63, v35  }
0x11a: {  	v42 =	vld.idx.msk [tilespmem:v42+s21+$0x0], $0xffff;
	v50 =	vmax.f32 v53, v62;
	v62 =	vmul.f32 v34, v1;
	(erf) = vrcp.f32 v40  }
0x11b: {  	v44 =	vld.idx.msk [tilespmem:v44+s21+$0x0], $0xffff;
	v61 =	vmin.f32 v41, v51;
	v63 =	vmul.f32 v34, v6;
	(erf) = vrcp.f32 v39  }
0x11c: {  	v45 =	vld.idx.msk [tilespmem:v45+s21+$0x0], $0xffff;
	v41 =	vmax.f32 v41, v51;
	v47 =	vsub.f32 v60, v47;
	v51 =	vsub.f32 v62, v52  }
0x11d: {  	[tilespmem:v55+s19+$0x0] =	vst.idx.add.s32.msk vm5, v5;
	(xrf1) =	vsort.ascd.msk.f32 $0xffff, v50, v50;
	v34 =	vmul.f32 v34, v8  }
0x11e: {  	v49 =	vld.idx.msk [tilespmem:v49+s21+$0x0], $0xffff;
	(xrf1) =	vsort.ascd.msk.f32 $0xffff, v61, v61;
	v47 =	vmul.f32 v47, v35;
	v51 =	vmul.f32 v51, v35;
	v61 =	vpop (erf)  }
0x11f: {  	(xrf1) =	vsort.ascd.msk.f32 $0xffff, v41, v41;
	v50 =	vsub.f32 v63, v58;
	v34 =	vsub.f32 v34, v54;
	v63 =	vpop (erf)  }
0x120: {  	(xrf1) =	vsort.ascd.msk.f32 $0xffff, v33, v33;
	v62 =	vmul.f32 v61, v51;
	v56 =	vmul.f32 v63, v47  }
0x121: {  	vm6 =	vlt.f32 v9, $9.999999740e-06;
	v57 =	vsub.f32 v45, v44;
	vm5 =	vlt.f32 v38, $9.999999740e-06;
	v52 =	vld [tilespmem:s28+$0xFFFFFFE0];
	(xrf1) =	vsort.ascd.msk.f32 $0xffff, v32, v32  }
0x122: {  	v50 =	vmul.f32 v50, v35;
	v34 =	vmul.f32 v34, v35;
	v61 =	vsel vm6, v47, v56  }
0x123: {  	v35 =	vsub.f32 v49, v42;
	v58 =	vpop (erf);
	v60 =	vsel vm5, v51, v62;
	v33 =	vmul.f32 v61, v48  }
0x124: {  	(xrf1) =	vsort.ascd.msk.f32 $0xffff, v30, v30;
	v59 =	vmul.f32 v58, v34;
	v38 =	vmul.f32 v60, v57;
	v62 =	vpop (erf)  }
0x125: {  	(xrf1) =	vsort.ascd.msk.f32 $0xffff, v31, v31;
	v31 =	vld [tilespmem:s28+$0xFFFFFFF0];
	vm5 =	vlt.f32 v40, $9.999999740e-06;
	v63 =	vmul.f32 v62, v50;
	v41 =	vadd.f32 v33, v43;
	v43, _, _ =	vpop (xrf1)  }
0x126: {  	(xrf0) =	vadd.scan.msk.s32 $0xffff, v52;
	v9 =	vsel vm5, v34, v59;
	vm5 =	vlt.f32 v39, $9.999999740e-06;
	v40 =	vadd.f32 v38, v44;
	v44, _, _ =	vpop (xrf1)  }
0x127: {  	v9 =	vmul.f32 v9, v35;
	v30 =	vsel vm5, v50, v63;
	v1, _, _ =	vpop (xrf1)  }
0x128: {  	(xrf1) =	vsort.ascd.msk.f32 $0xffff, v40, v40;
	v30 =	vmul.f32 v30, v46;
	[tilespmem:$0x1FF00] =	vst v1;
	v1 =	vld [tilespmem:$0x1FFA0]  }
0x129: {  	v9 =	vadd.f32 v9, v42;
	v32 =	vperm.xlane v43, v4;
	(xrf1) =	vsort.ascd.msk.f32 $0xffff, v41, v41  }
0x12a: {  	(xrf0) =	vadd.scan.msk.s32 $0xffff, v31;
	v13 =	vadd.f32 v30, v13;
	v30 =	vmin.f32 v10, v12;
	v12 =	vperm.xlane v44, v4  }
0x12b: {  	v29 =	vmin.f32 v29, v27;
	(xrf1) =	vsort.ascd.msk.f32 $0xffff, v9, v9;
	v31 =	vmin.f32 v37, v32  }
0x12c: {  	v46, _, _ =	vpop (xrf0);
	(xrf1) =	vsort.ascd.msk.f32 $0xffff, v13, v13;
	v13 =	vmin.f32 v28, v26;
	v26 =	vmin.f32 v0, v12  }
0x12d: {  	v47 =	vmin.f32 v26, v31;
	v26 =	vmax.f32 v26, v31;
	v27 =	vmul.f32 v36, v1;
	v1, _, _ =	vpop (xrf1)  }
0x12e: {  	v32 =	vmax.f32 v37, v32;
	v0 =	vmax.f32 v0, v12;
	(xrf1) =	vsort.ascd.msk.f32 $0xffff, v47, v47;
	[tilespmem:$0x1FF10] =	vst v1;
	v1, _, _ =	vpop (xrf1)  }
0x12f: {  	v24 =	vmin.f32 v11, v24;
	v37 =	vmin.f32 v0, v32;
	(xrf1) =	vsort.ascd.msk.f32 $0xffff, v26, v26;
	[tilespmem:$0x1FF20] =	vst v1;
	v1, _, _ =	vpop (xrf1)  }
0x130: {  	v20 =	vmin.f32 v20, v21;
	v51 =	vadd.s32 s14, v46;
	v0 =	vmax.f32 v0, v32;
	(xrf1) =	vsort.ascd.msk.f32 $0xffff, v37, v37;
	v45 =	vld [tilespmem:s28+$0x0];
	v26, _, _ =	vpop (xrf1)  }
0x131: {  	v52 =	vmin.f32 v22, v23;
	v22 =	vadd.s32 $0x1, v51;
	(xrf1) =	vsort.ascd.msk.f32 $0xffff, v0, v0;
	v50, _, _ =	vpop (xrf1);
	v0 =	vperm.xlane v26, v4  }
0x132: {  	v31 =	vmin.f32 v30, v29;
	v49 =	vmin.f32 v24, v13;
	v30 =	vmax.f32 v30, v29;
	v29, _, _ =	vpop (xrf1)  }
0x133: {  	v13 =	vmax.f32 v24, v13;
	v24 =	vperm.xlane v50, v4;
	v23 =	vmin.f32 v29, v0  }
0x134: {  	v11 =	vmin.f32 v52, v20;
	v34 =	vmul.f32 v36, v6;
	v53, _, _ =	vpop (xrf1);
	(xrf1) =	vsort.ascd.msk.f32 $0xffff, v23, v23  }
0x135: {  	v33 =	vmul.f32 v36, v7;
	v21 =	vbroadcast v46, $0xF;
	v48 =	vld [tilespmem:s28+$0x10];
	v54 =	vmin.f32 v53, v24;
	(xrf0) =	vadd.scan.msk.s32 $0xffff, v45  }
0x136: {  	v12 =	vmax.f32 v30, v13;
	[tilespmem:$0x1FF30] =	vst v1;
	v26, _, _ =	vpop (xrf0);
	v23 =	vmax.f32 v53, v24;
	(xrf1) =	vsort.ascd.msk.f32 $0xffff, v54, v54  }
0x137: {  	v1 =	vmin.f32 v31, v49;
	v57 =	vld.idx.msk [tilespmem:v51+s20+$0x0], $0xffff;
	v0 =	vmax.f32 v29, v0;
	v55, _, _ =	vpop (xrf1);
	(xrf1) =	vsort.ascd.msk.f32 $0xffff, v23, v23  }
0x138: {  	v21 =	vadd.s32 v21, v26;
	v56, _, _ =	vpop (xrf1);
	(xrf1) =	vsort.ascd.msk.f32 $0xffff, v0, v0;
	v0 =	vld.idx.msk [tilespmem:v22+s20+$0x0], $0xffff;
	[tilespmem:$0x1FF50] =	vst v1  }
0x139: {  	s15 =	simm.s32 $0x4280;
	v29 =	vadd.s32 s14, v21;
	v24 =	vperm.xlane v55, v4;
	v1 =	vmin.f32 v30, v13;
	v60 =	vld.idx.msk [tilespmem:v22+s21+$0x0], $0xffff  }
0x13a: {  	v41 =	vadd.s32 $0x1, v29;
	(xrf0) =	vadd.scan.msk.s32 $0xffff, v48;
	v26, _, _ =	vpop (xrf1);
	v23 =	vperm.xlane v56, v4;
	v62 =	vld [tilespmem:s15+$0x10];
	[tilespmem:$0x1FF60] =	vst v1  }
0x13b: {  	v58 =	vmin.f32 v26, v24;
	v26 =	vmax.f32 v26, v24;
	v1 =	vmax.f32 v52, v20;
	v63 =	vld [tilespmem:s15+$0x0]  }
0x13c: {  	v61 =	vbroadcast v21, $0xF;
	(xrf1) =	vsort.ascd.msk.f32 $0xffff, v58, v58;
	v59, _, _ =	vpop (xrf1);
	v30 =	vld.idx.msk [tilespmem:v51+s21+$0x0], $0xffff;
	[tilespmem:$0x1FF70] =	vst v1;
	v1 =	vmin.f32 v18, v19  }
0x13d: {  	v34 =	vsub.f32 v34, v57;
	(xrf1) =	vsort.ascd.msk.f32 $0xffff, v26, v26;
	v22 =	vmin.f32 v59, v23;
	[tilespmem:$0x1FF80] =	vst v1  }
0x13e: {  	v21 =	vmax.f32 v59, v23;
	v23 =	vmax.f32 v31, v49;
	(xrf1) =	vsort.ascd.msk.f32 $0xffff, v22, v22;
	v31, _, _ =	vpop (xrf0);
	v19 =	vld.idx.msk [tilespmem:v29+s20+$0x0], $0xffff  }
0x13f: {  	v28 =	vmul.f32 v36, v8;
	v51 =	vmul.f32 v34, v25;
	v10, _, _ =	vpop (xrf1);
	v54 =	vld.idx.msk [tilespmem:v41+s20+$0x0], $0xffff;
	(xrf1) =	vsort.ascd.msk.f32 $0xffff, v21, v21  }
0x140: {  	v58 =	vld [tilespmem:s15+$0x20];
	v13 =	vadd.s32 v31, v61;
	v9, _, _ =	vpop (xrf0);
	v0 =	vsub.f32 v0, v57;
	v37 =	vperm.xlane v10, v4  }
0x141: {  	v59 =	vld [tilespmem:s15+$0x30];
	v55, _, _ =	vpop (xrf1);
	v31 =	vbroadcast v13, $0xF;
	v13 =	vadd.s32 s14, v13;
	v32 =	vadd.s32 s14, v9  }
0x142: {  	v50 =	vld [tilespmem:s15+$0xFFFFFF80];
	v56, _, _ =	vpop (xrf1);
	v39 =	vadd.f32 $9.999999740e-06, v62;
	v44 =	vadd.s32 $0x1, v13;
	v0 =	vmul.f32 v0, v25  }
0x143: {  	v1 =	vld [tilespmem:$0x1FF40];
	v38 =	vadd.f32 $9.999999740e-06, v63;
	v49 =	vsub.f32 v60, v30;
	v45 =	vperm.xlane v56, v4;
	v57, _, _ =	vpop (xrf1)  }
0x144: {  	v31 =	vadd.s32 v31, v32;
	v32 =	vperm.xlane v55, v4;
	v46 =	vperm.xlane v57, v4  }
0x145: {  	(xrf2) =	vadd.scan.msk.f32 $0xffff, v39;
	v43 =	vadd.s32 $0x1, v31;
	v33 =	vsub.f32 v33, v19;
	v38 =	vsel vm3, $0x0, v38  }
0x146: {  	v55 =	vld [tilespmem:s15+$0xFFFFFF90];
	vm7 =	vlt.f32 v0, $9.999999740e-06;
	v19 =	vsub.f32 v54, v19;
	v62 =	vadd.f32 $9.999999740e-06, v58;
	(xrf2) =	vadd.scan.msk.f32 $0xffff, v38;
	v39, _, _ =	vpop (xrf1)  }
0x147: {  	v42 =	vadd.f32 $9.999999740e-06, v59;
	(erf) = vrcp.f32 v0;
	v50 =	vadd.f32 $9.999999740e-06, v50;
	v60, _, _ =	vpop (xrf1)  }
0x148: {  	v34 =	vmin.f32 v17, v46;
	v35 =	vmin.f32 v1, v32;
	v38 =	vmul.f32 v33, v25;
	v61, _, _ =	vpop (xrf1)  }
0x149: {  	(xrf2) =	vadd.scan.msk.f32 $0xffff, v62;
	v42 =	vsel vm4, $0x0, v42;
	v47 =	vperm.xlane v60, v4;
	v40 =	vperm.xlane v61, v4;
	v48, _, _ =	vpop (xrf1)  }
0x14a: {  	v33 =	vmin.f32 v15, v45;
	v19 =	vmul.f32 v19, v25;
	(xrf2) =	vadd.scan.msk.f32 $0xffff, v42;
	v42 =	vmax.f32 v17, v46;
	v63, _, _ =	vpop (xrf1)  }
0x14b: {  	v55 =	vadd.f32 $9.999999740e-06, v55;
	v10 =	vmin.f32 v48, v47;
	v9 =	vmin.f32 v39, v40;
	v60, _, _ =	vpop (xrf1)  }
0x14c: {  	v41 =	vld.idx.msk [tilespmem:v41+s21+$0x0], $0xffff;
	(erf) = vrcp.f32 v19;
	v61 =	vmin.f32 v9, v10;
	v54 =	vperm.xlane v60, v4  }
0x14d: {  	v57 =	vld.idx.msk [tilespmem:v43+s20+$0x0], $0xffff;
	v36 =	vperm.xlane v63, v4;
	v0 =	vmax.f32 v9, v10;
	v62, _, _ =	vpop (xrf1);
	(xrf1) =	vsort.ascd.msk.f32 $0xffff, v61, v61  }
0x14e: {  	v39 =	vmax.f32 v39, v40;
	v61 =	vld.idx.msk [tilespmem:v31+s20+$0x0], $0xffff;
	v63, _, _ =	vpop (xrf1);
	v56 =	vmin.f32 v62, v54;
	(xrf1) =	vsort.ascd.msk.f32 $0xffff, v0, v0  }
0x14f: {  	v59, _, _ =	vpop (xrf2);
	v0 =	vld [tilespmem:s15+$0xFFFFFFB0];
	v54 =	vmax.f32 v62, v54;
	v58 =	vmin.f32 v63, v36;
	v52 =	vmax.f32 v63, v36  }
0x150: {  	v21 =	vld.idx.msk [tilespmem:v13+s21+$0x0], $0xffff;
	v36 =	vmin.f32 v16, v37;
	v60, _, _ =	vpop (xrf2);
	v9 =	vmin.f32 v56, v58;
	v10 =	vmin.f32 v54, v52  }
0x151: {  	v17 =	vld.idx.msk [tilespmem:v44+s20+$0x0], $0xffff;
	v52 =	vmax.f32 v54, v52;
	v63 =	vbroadcast v60, $0xF;
	v54 =	vsel vm3, $0x0, v50;
	(xrf1) =	vsort.ascd.msk.f32 $0xffff, v9, v9  }
0x152: {  	v9 =	vld.idx.msk [tilespmem:v13+s20+$0x0], $0xffff;
	(xrf1) =	vsort.ascd.msk.f32 $0xffff, v10, v10;
	v10 =	vmax.f32 v48, v47;
	v48 =	vmax.f32 v56, v58  }
0x153: {  	vm15 =	vlt.f32 v19, $9.999999740e-06;
	v58 =	vadd.f32 v63, v59;
	v56 =	vld.idx.msk [tilespmem:v43+s21+$0x0], $0xffff;
	v47 =	vmax.f32 v16, v37;
	v16, _, _ =	vpop (xrf2);
	(xrf2) =	vadd.scan.msk.f32 $0xffff, v54  }
0x154: {  	v43 =	vmax.f32 v15, v45;
	v15 =	vsub.f32 v57, v61;
	(xrf1) =	vsort.ascd.msk.f32 $0xffff, v52, v52;
	v0 =	vadd.f32 $9.999999740e-06, v0  }
0x155: {  	v45 =	vld.idx.msk [tilespmem:v31+s21+$0x0], $0xffff;
	v27 =	vsub.f32 v27, v61;
	v19 =	vmin.f32 v39, v10;
	(xrf1) =	vsort.ascd.msk.f32 $0xffff, v48, v48  }
0x156: {  	v15 =	vmul.f32 v15, v25;
	(xrf1) =	vsort.ascd.msk.f32 $0xffff, v19, v19;
	v19 =	vbroadcast v58, $0xF;
	v31 =	vsel vm4, $0x0, v0;
	v0 =	vld.idx.msk [tilespmem:v44+s21+$0x0], $0xffff  }
0x157: {  	v53 =	vld [tilespmem:s15+$0xFFFFFFA0];
	v46 =	vmax.f32 v1, v32;
	v17 =	vsub.f32 v17, v9;
	v28 =	vsub.f32 v28, v9  }
0x158: {  	s0 =	simm.s32 $0x280;
	v57 =	vld.idx.msk [tilespmem:v29+s21+$0x0], $0xffff;
	v52 =	vmul.f32 v27, v25;
	(erf) = vrcp.f32 v15;
	v62 =	vadd.f32 v19, v16  }
0x159: {  	v27 =	vld [tilespmem:s0+$0x30];
	vm5 =	vlt.f32 v15, $9.999999740e-06;
	v16 =	vpop (erf);
	v29 =	vmul.f32 v17, v25;
	v44 =	vmul.f32 v28, v25  }
0x15a: {  	v19 =	vmax.f32 v39, v10;
	v25 =	vpop (erf);
	v16 =	vmul.f32 v16, v51;
	v61 =	vbroadcast v62, $0xF  }
0x15b: {  	(xrf1) =	vsort.ascd.msk.f32 $0xffff, v19, v19;
	v17, _, _ =	vpop (xrf2);
	vm6 =	vlt.f32 v29, $9.999999740e-06;
	v48 =	vsub.f32 v0, v21;
	(erf) = vrcp.f32 v29;
	v29 =	vld [tilespmem:s0+$0x10]  }
0x15c: {  	v0 =	vmul.f32 v25, v38;
	(xrf2) =	vadd.scan.msk.f32 $0xffff, v55;
	v15 =	vsel vm7, v51, v16;
	v25 =	vld [tilespmem:s0+$0x20];
	v39 =	vadd.f32 v61, v17  }
0x15d: {  	v59 =	vadd.f32 $9.999999740e-06, v53;
	v16 =	vsub.f32 v41, v57;
	v53, _, _ =	vpop (xrf1);
	v15 =	vmul.f32 v15, v49  }
0x15e: {  	v24 =	vld [tilespmem:s0+$0x0];
	v17 =	vperm.xlane v27, v2;
	v0 =	vsel vm15, v38, v0;
	v49, _, _ =	vpop (xrf2);
	v32 =	vbroadcast v39, $0xF  }
0x15f: {  	v40 =	vmin.f32 v34, v35;
	v54, _, _ =	vpop (xrf1);
	v0 =	vmul.f32 v0, v16;
	v51 =	vbroadcast v49, $0xF  }
0x160: {  	v50 =	vsub.f32 v56, v45;
	v19, _, _ =	vpop (xrf1);
	(erf) = vrcp.f32 v32;
	v37 =	vbroadcast v29, $0x0  }
0x161: {  	v41 =	vmin.f32 v33, v36;
	v20 =	vpop (erf);
	v14 =	vbroadcast v25, $0x0;
	v13 =	vperm.xlane v25, v2  }
0x162: {  	v63 =	vmin.f32 v40, v41;
	v28, _, _ =	vpop (xrf1);
	v55 =	vperm.xlane v19, v4;
	v20 =	vmul.f32 v20, v52  }
0x163: {  	v38 =	vadd.f32 v0, v57;
	v16, _, _ =	vpop (xrf1);
	v57 =	vperm.xlane v28, v4;
	v28 =	vperm.xlane v24, v2  }
0x164: {  	v30 =	vadd.f32 v15, v30;
	v61 =	vperm.xlane v16, v4;
	v0, _, _ =	vpop (xrf1);
	v16 =	vperm.xlane v29, v2  }
0x165: {  	v56 =	vperm.xlane v0, v4;
	v9 =	vmax.f32 v54, v57;
	v28 =	vsel vm0, v37, v28  }
0x166: {  	(xrf1) =	vsort.ascd.msk.f32 $0xffff, v30, v30;
	v0 =	vbroadcast v27, $0x0;
	v10 =	vmax.f32 v53, v61;
	v37, _, _ =	vpop (xrf2);
	v15 =	vsub.f32 v24, v28  }
0x167: {  	v19, _, _ =	vpop (xrf1);
	v16 =	vsel vm0, v14, v16;
	v51 =	vadd.f32 v51, v37;
	v37 =	vsub.f32 v27, v17  }
0x168: {  	(xrf2) =	vadd.scan.msk.f32 $0xffff, v59;
	v59 =	vpop (erf);
	v53 =	vmin.f32 v53, v61;
	v13 =	vsel vm0, v0, v13;
	v14 =	vsub.f32 v29, v16  }
0x169: {  	s3 =	simm.s32 $0x18120;
	(xrf1) =	vsort.ascd.msk.f32 $0xffff, v38, v38;
	v15 =	vmul.f32 $5.000000000e-01, v15;
	v38 =	vsub.f32 v25, v13;
	v37 =	vmul.f32 $5.000000000e-01, v37;
	v22 =	vpop (erf)  }
0x16a: {  	s16 =	simm.s32 $0x140;
	[tilespmem:s3+$0x20] =	vst v60;
	v26 =	vmax.f32 v19, v56;
	v30, _, _ =	vpop (xrf1);
	v14 =	vmul.f32 $5.000000000e-01, v14;
	v0 =	vmul.f32 $6.300000000e+01, v22  }
0x16b: {  	s25 =	sor.u32 $0x50, s16;
	(xrf2) =	vadd.scan.msk.f32 $0xffff, v31;
	v15 =	vadd.f32 v15, v28;
	v28 =	vmax.f32 v30, v55;
	v31 =	vmul.f32 $5.000000000e-01, v38  }
0x16c: {  	s26 =	sor.u32 $0x60, s16;
	[tilespmem:s25+$0x18000] =	vst v58;
	v17 =	vadd.f32 v37, v17;
	v14 =	vadd.f32 v14, v16;
	v38 =	vmul.f32 v0, v60  }
0x16d: {  	[tilespmem:s26+$0x18000] =	vst v62;
	v13 =	vadd.f32 v31, v13;
	v16 =	vmul.f32 v0, v58;
	v60 =	vmul.f32 v0, v62  }
0x16e: {  	s28 =	sor.u32 $0x70, s16;
	(xrf1) =	vsort.ascd.msk.f32 $0xffff, v63, v63;
	v62 =	vsel vm4, $0x7F800000, v39;
	v0 =	vmul.f32 v0, v39;
	v31 =	vtrunc.f32 v38  }
0x16f: {  	s13 =	simm.s32 $0x1A120;
	v37 =	vmax.f32 v10, v26;
	[tilespmem:s28+$0x18000] =	vst v62;
	vm7 =	vgt.f32 v38, v31;
	v63 =	vcvt.f32.s32 v31  }
0x170: {  	[tilespmem:s13+$0x20] =	vst v15;
	v39 =	vtrunc.f32 v0;
	v31 =	vmax.f32 v9, v28;
	v62 =	vsel vm7, $0x1, v3  }
0x171: {  	[tilespmem:s25+$0x1A000] =	vst v14;
	v15 =	vmax.f32 v37, v31;
	v38 =	vadd.s32 v63, v62;
	v63 =	vtrunc.f32 v16  }
0x172: {  	[tilespmem:s26+$0x1A000] =	vst v13;
	vm7 =	vgt.f32 v16, v63;
	v16 =	vtrunc.f32 v60;
	vm12 =	vlt.s32 v38, $0x40  }
0x173: {  	[tilespmem:s28+$0x1A000] =	vst v17;
	v14 =	vcvt.f32.s32 v63;
	v17 =	vadd.s32 s16, v38;
	vm8 =	vmand vm12, vm1  }
0x174: {  	s15 =	simm.s32 $0x1C120;
	vm9 =	vgt.f32 v60, v16;
	v58 =	vsel vm7, $0x1, v3;
	v16 =	vcvt.f32.s32 v16  }
0x175: {  	[tilespmem:s15+$0x20] =	vst v3;
	vm7 =	vgt.f32 v0, v39;
	v0 =	vadd.s32 v14, v58;
	v58 =	vcvt.f32.s32 v39  }
0x176: {  	v13 =	vld [tilespmem:s0+$0xFFFFFF90];
	(xrf1) =	vsort.ascd.msk.f32 $0xffff, v15, v15;
	[tilespmem:s25+$0x1C000] =	vst v3;
	v62 =	vsel vm9, $0x1, v3;
	vm13 =	vlt.s32 v0, $0x40  }
0x177: {  	v63 =	vbroadcast v51, $0xF;
	v60 =	vld [tilespmem:s0+$0xFFFFFFA0];
	[tilespmem:s26+$0x1C000] =	vst v3;
	v0 =	vadd.s32 s16, v0;
	v16 =	vadd.s32 v16, v62  }
0x178: {  	v38 =	vmax.f32 v34, v35;
	v14 =	vld [tilespmem:s0+$0xFFFFFFB0];
	v15 =	vsel vm7, $0x1, v3;
	[tilespmem:s28+$0x1C000] =	vst v3;
	vm7 =	vlt.s32 v16, $0x40  }
0x179: {  	v34 =	vmin.f32 v42, v46;
	v15 =	vadd.s32 v58, v15;
	v16 =	vadd.s32 s16, v16;
	v58, _, _ =	vpop (xrf2);
	[tilespmem:v17+s19+$0x0] =	vst.idx.add.s32.msk vm8, v5  }
0x17a: {  	v35 =	vmax.f32 v43, v47;
	vm14 =	vlt.s32 v15, $0x40;
	v17 =	vld [tilespmem:s0+$0xFFFFFF80];
	v58 =	vadd.f32 v63, v58  }
0x17b: {  	v39 =	vmax.f32 v33, v36;
	v36 =	vmin.f32 v43, v47;
	(xrf1) =	vsort.ascd.msk.f32 $0xffff, v13, v13;
	vm8 =	vmand vm14, vm2  }
0x17c: {  	v15 =	vadd.s32 s16, v15;
	(xrf1) =	vsort.ascd.msk.f32 $0xffff, v60, v60;
	[tilespmem:v0+s19+$0x0] =	vst.idx.add.s32.msk vm13, v5;
	v0 =	vbroadcast v58, $0xF  }
0x17d: {  	v33 =	vmax.f32 v42, v46;
	v62 =	vmul.f32 v59, v44;
	(xrf1) =	vsort.ascd.msk.f32 $0xffff, v14, v14;
	v61, _, _ =	vpop (xrf2)  }
0x17e: {  	v63 =	vbroadcast v13, $0x0;
	v47 =	vbroadcast v14, $0x0;
	[tilespmem:v16+s19+$0x0] =	vst.idx.add.s32.msk vm7, v5;
	v59 =	vadd.f32 v0, v61  }
0x17f: {  	v16 =	vperm.xlane v13, v2;
	v61 =	vsel vm6, v44, v62;
	v0 =	vperm.xlane v17, v2  }
0x180: {  	v43 =	vmin.f32 v54, v57;
	(xrf1) =	vsort.ascd.msk.f32 $0xffff, v17, v17;
	v48 =	vmul.f32 v61, v48;
	v42 =	vbroadcast v59, $0xF  }
0x181: {  	[tilespmem:v15+s19+$0x0] =	vst.idx.add.s32.msk vm8, v5;
	v15 =	vsel vm5, v52, v20;
	v20 =	vbroadcast v60, $0x0;
	v52 =	vperm.xlane v60, v2  }
0x182: {  	v54 =	vld [tilespmem:s15+$0x20];
	v57 =	vsel vm0, v63, v0;
	v0 =	vmin.f32 v19, v56;
	v15 =	vmul.f32 v15, v50  }
0x183: {  	(erf) = vrcp.f32 v42;
	v17 =	vsub.f32 v17, v57;
	v16 =	vsel vm0, v20, v16  }
0x184: {  	v56 =	vld [tilespmem:s25+$0x1C000];
	v20 =	vperm.xlane v14, v2;
	v52 =	vsel vm0, v47, v52;
	v47 =	vmin.f32 v30, v55  }
0x185: {  	[tilespmem:s3+$0xFFFFFFF0] =	vst v51;
	v19, _, _ =	vpop (xrf1);
	v30 =	vsel vm4, $0x7F800000, v59;
	v13 =	vsub.f32 v13, v16;
	v60 =	vsub.f32 v60, v52  }
0x186: {  	[tilespmem:s3+$0xFFFFFFE0] =	vst v49;
	v63 =	vld [tilespmem:s26+$0x1C000];
	v62, _, _ =	vpop (xrf1);
	v15 =	vadd.f32 v15, v45;
	v17 =	vmul.f32 $5.000000000e-01, v17;
	v14 =	vsub.f32 v14, v20  }
0x187: {  	[tilespmem:s3+$0x0] =	vst v58;
	v21 =	vadd.f32 v48, v21;
	v44, _, _ =	vpop (xrf1);
	v13 =	vmul.f32 $5.000000000e-01, v13;
	(xrf0) =	vadd.scan.msk.s32 $0xffff, v54  }
0x188: {  	v46, _, _ =	vpop (xrf1);
	v50 =	vmul.f32 $5.000000000e-01, v60;
	(xrf1) =	vsort.ascd.msk.f32 $0xffff, v15, v15;
	v17 =	vadd.f32 v17, v57;
	v14 =	vmul.f32 $5.000000000e-01, v14  }
0x189: {  	v55 =	vld [tilespmem:s28+$0x1C000];
	[tilespmem:s3+$0x10] =	vst v30;
	v30, _, _ =	vpop (xrf1);
	(xrf0) =	vadd.scan.msk.s32 $0xffff, v56;
	v16 =	vadd.f32 v13, v16;
	v56 =	vperm.xlane v62, v4  }
0x18a: {  	(xrf1) =	vsort.ascd.msk.f32 $0xffff, v21, v21;
	v45, _, _ =	vpop (xrf1);
	v15 =	vadd.f32 v50, v52;
	v14 =	vadd.f32 v14, v20;
	[tilespmem:s13+$0xFFFFFFE0] =	vst v17  }
0x18b: {  	v20 =	vperm.xlane v30, v4;
	(xrf0) =	vadd.scan.msk.s32 $0xffff, v63;
	v13, _, _ =	vpop (xrf1);
	v30 =	vmin.f32 v19, v56;
	[tilespmem:s13+$0xFFFFFFF0] =	vst v16  }
0x18c: {  	v19 =	vmax.f32 v19, v56;
	[tilespmem:s13+$0x0] =	vst v15;
	v60 =	vperm.xlane v13, v4;
	(xrf1) =	vsort.ascd.msk.f32 $0xffff, v30, v30;
	v13 =	vpop (erf)  }
0x18d: {  	[tilespmem:s13+$0x10] =	vst v14;
	(xrf1) =	vsort.ascd.msk.f32 $0xffff, v19, v19;
	v62 =	vmul.f32 $6.300000000e+01, v13;
	v21, _, _ =	vpop (xrf0)  }
0x18e: {  	v61 =	vmin.f32 v45, v60;
	v54 =	vmax.f32 v45, v60;
	(xrf0) =	vadd.scan.msk.s32 $0xffff, v55;
	v63, _, _ =	vpop (xrf1);
	v60 =	vbroadcast v21, $0xF  }
0x18f: {  	v1 =	vld [tilespmem:$0x1FF50];
	v30, _, _ =	vpop (xrf0);
	(xrf1) =	vsort.ascd.msk.f32 $0xffff, v61, v61;
	v21 =	vadd.s32 s16, v21;
	v55 =	vmin.f32 v63, v20;
	v49 =	vmul.f32 v62, v49  }
0x190: {  	[tilespmem:s15+$0xFFFFFFE0] =	vst v3;
	v17 =	vmul.f32 v62, v59;
	v50 =	vmul.f32 v62, v58;
	v19 =	vadd.s32 v60, v30  }
0x191: {  	v20 =	vmax.f32 v63, v20;
	(xrf1) =	vsort.ascd.msk.f32 $0xffff, v54, v54;
	v30 =	vmul.f32 v62, v51;
	v61 =	vbroadcast v19, $0xF  }
0x192: {  	(xrf1) =	vsort.ascd.msk.f32 $0xffff, v55, v55;
	v16 =	vtrunc.f32 v49;
	v63 =	vtrunc.f32 v17;
	v19 =	vadd.s32 s16, v19  }
0x193: {  	v62, _, _ =	vpop (xrf0);
	(xrf1) =	vsort.ascd.msk.f32 $0xffff, v20, v20;
	v52 =	vcvt.f32.s32 v16;
	vm5 =	vgt.f32 v49, v16;
	v15 =	vcvt.f32.s32 v63  }
0x194: {  	v60 =	vtrunc.f32 v30;
	vm6 =	vgt.f32 v17, v63;
	(xrf1) =	vsort.ascd.msk.f32 $0xffff, v1, v1;
	v1 =	vld [tilespmem:$0x1FF60];
	v48 =	vadd.s32 v62, v61  }
0x195: {  	v59, _, _ =	vpop (xrf0);
	v14 =	vsel vm5, $0x1, v3;
	v17 =	vsel vm6, $0x1, v3;
	v16 =	vbroadcast v48, $0xF  }
0x196: {  	vm5 =	vgt.f32 v30, v60;
	v30 =	vadd.s32 $0x1, v19;
	v49 =	vadd.s32 s16, v59  }
0x197: {  	[tilespmem:s15+$0xFFFFFFF0] =	vst v3;
	v61 =	vtrunc.f32 v50;
	v18 =	vadd.s32 v16, v49;
	v16 =	vadd.s32 v15, v17;
	v17 =	vld.idx.msk [tilespmem:v19+s20+$0x0], $0xffff  }
0x198: {  	(xrf1) =	vsort.ascd.msk.f32 $0xffff, v23, v23;
	v62 =	vcvt.f32.s32 v61;
	vm6 =	vgt.f32 v50, v61;
	v50 =	vadd.s32 s16, v48;
	v19 =	vld.idx.msk [tilespmem:v19+s21+$0x0], $0xffff  }
0x199: {  	v45 =	vmin.f32 v53, v0;
	v56 =	vadd.s32 $0x1, v21;
	v63 =	vsel vm6, $0x1, v3;
	v48, _, _ =	vpop (xrf1);
	(xrf1) =	vsort.ascd.msk.f32 $0xffff, v1, v1;
	v1 =	vld [tilespmem:$0x1FF70]  }
0x19a: {  	v51 =	vadd.s32 v62, v63;
	v63 =	vperm.xlane v48, v4;
	v48 =	vmax.f32 v53, v0;
	v53 =	vld.idx.msk [tilespmem:v21+s20+$0x0], $0xffff  }
0x19b: {  	v49 =	vadd.s32 $0x1, v18;
	v59 =	vld.idx.msk [tilespmem:v30+s20+$0x0], $0xffff  }
0x19c: {  	v14 =	vadd.s32 v52, v14;
	v52 =	vadd.s32 $0x1, v50;
	v30 =	vld.idx.msk [tilespmem:v30+s21+$0x0], $0xffff  }
0x19d: {  	s12 =	simm.s32 $0x100;
	v20 =	vcvt.f32.s32 v60;
	v23 =	vsel vm5, $0x1, v3;
	vm5 =	vlt.s32 v14, $0x40;
	v55, _, _ =	vpop (xrf1);
	v60 =	vld.idx.msk [tilespmem:v50+s20+$0x0], $0xffff  }
0x19e: {  	v15 =	vadd.s32 s12, v14;
	v14 =	vmin.f32 v55, v63;
	v55 =	vmax.f32 v55, v63;
	v63 =	vld.idx.msk [tilespmem:v56+s20+$0x0], $0xffff  }
0x19f: {  	v20 =	vadd.s32 v20, v23;
	vm5 =	vmand vm5, vm1;
	v54 =	vld.idx.msk [tilespmem:v18+s20+$0x0], $0xffff  }
0x1a0: {  	vm6 =	vlt.s32 v20, $0x40;
	v57 =	vld.idx.msk [tilespmem:v49+s20+$0x0], $0xffff  }
0x1a1: {  	v58 =	vadd.s32 s12, v20;
	(xrf1) =	vsort.ascd.msk.f32 $0xffff, v12, v12;
	v23, _, _ =	vpop (xrf1);
	v61 =	vld.idx.msk [tilespmem:v52+s20+$0x0], $0xffff  }
0x1a2: {  	[tilespmem:s15+$0x0] =	vst v3;
	vm7 =	vlt.s32 v51, $0x40;
	(xrf1) =	vsort.ascd.msk.f32 $0xffff, v11, v11;
	v20, _, _ =	vpop (xrf1);
	v18 =	vld.idx.msk [tilespmem:v18+s21+$0x0], $0xffff  }
0x1a3: {  	v51 =	vadd.s32 s12, v51;
	(xrf1) =	vsort.ascd.msk.f32 $0xffff, v1, v1;
	v1 =	vld [tilespmem:$0x1FF80];
	v11, _, _ =	vpop (xrf1)  }
0x1a4: {  	v40 =	vmax.f32 v40, v41;
	[tilespmem:s15+$0x10] =	vst v3;
	v49 =	vld.idx.msk [tilespmem:v49+s21+$0x0], $0xffff;
	v0 =	vperm.xlane v11, v4  }
0x1a5: {  	vm15 =	vlt.s32 v16, $0x40;
	v11, _, _ =	vpop (xrf1);
	[tilespmem:v15+s19+$0x0] =	vst.idx.add.s32.msk vm5, v5;
	v15 =	vsub.f32 v59, v17;
	v57 =	vsub.f32 v57, v54  }
0x1a6: {  	v16 =	vadd.s32 s12, v16;
	v30 =	vsub.f32 v30, v19;
	v62 =	vperm.xlane v11, v4;
	[tilespmem:v58+s19+$0x0] =	vst.idx.add.s32.msk vm6, v5  }
0x1a7: {  	v59, _, _ =	vpop (xrf1);
	v61 =	vsub.f32 v61, v60;
	v15 =	vmul.f32 v15, v22;
	v41 =	vmul.f32 v57, v22  }
0x1a8: {  	vm5 =	vmand vm15, vm2;
	v11, _, _ =	vpop (xrf1);
	[tilespmem:v51+s19+$0x0] =	vst.idx.add.s32.msk vm7, v5;
	v58 =	vmin.f32 v59, v62;
	v51 =	vmax.f32 v59, v62  }
0x1a9: {  	v59 =	vmin.f32 v11, v0;
	(xrf1) =	vsort.ascd.msk.f32 $0xffff, v1, v1;
	v1 =	vld [tilespmem:$0x1FFA0];
	v61 =	vmul.f32 v61, v22;
	(erf) = vrcp.f32 v41  }
0x1aa: {  	v0 =	vmax.f32 v11, v0;
	v11 =	vmin.f32 v58, v59;
	(erf) = vrcp.f32 v15  }
0x1ab: {  	v49 =	vsub.f32 v49, v18;
	(xrf1) =	vsort.ascd.msk.f32 $0xffff, v14, v14;
	v14 =	vsub.f32 v63, v53;
	(erf) = vrcp.f32 v61  }
0x1ac: {  	v63 =	vmul.f32 v32, v6;
	(xrf1) =	vsort.ascd.msk.f32 $0xffff, v55, v55;
	v55 =	vmax.f32 v58, v59  }
0x1ad: {  	v58 =	vmin.f32 v51, v0;
	v0 =	vmax.f32 v51, v0;
	v14 =	vmul.f32 v14, v22  }
0x1ae: {  	v50 =	vld.idx.msk [tilespmem:v50+s21+$0x0], $0xffff;
	(xrf1) =	vsort.ascd.msk.f32 $0xffff, v11, v11;
	v11 =	vmul.f32 v32, v7;
	v62 =	vmul.f32 v32, v1  }
0x1af: {  	[tilespmem:v16+s19+$0x0] =	vst.idx.add.s32.msk vm5, v5;
	v53 =	vsub.f32 v63, v53;
	vm5 =	vlt.f32 v41, $9.999999740e-06;
	v32 =	vmul.f32 v32, v8  }
0x1b0: {  	(xrf1) =	vsort.ascd.msk.f32 $0xffff, v55, v55;
	v41 =	vmin.f32 v38, v39;
	v51 =	vsub.f32 v62, v54;
	(erf) = vrcp.f32 v14  }
0x1b1: {  	v52 =	vld.idx.msk [tilespmem:v52+s21+$0x0], $0xffff;
	v59, _, _ =	vpop (xrf1);
	v17 =	vsub.f32 v11, v17;
	(xrf1) =	vsort.ascd.msk.f32 $0xffff, v58, v58;
	v32 =	vsub.f32 v32, v60  }
0x1b2: {  	vm6 =	vlt.f32 v15, $9.999999740e-06;
	v16 =	vmul.f32 v53, v22;
	v15 =	vld [tilespmem:s15+$0xFFFFFFE0];
	(xrf1) =	vsort.ascd.msk.f32 $0xffff, v0, v0;
	v51 =	vmul.f32 v51, v22;
	v60 =	vpop (erf)  }
0x1b3: {  	v0 =	vld.idx.msk [tilespmem:v21+s21+$0x0], $0xffff;
	v17 =	vmul.f32 v17, v22;
	(xrf1) =	vsort.ascd.msk.f32 $0xffff, v40, v40;
	v21 =	vmul.f32 v32, v22;
	v62 =	vpop (erf)  }
0x1b4: {  	v58 =	vmin.f32 v9, v28;
	(xrf1) =	vsort.ascd.msk.f32 $0xffff, v29, v29;
	v22 =	vmul.f32 v60, v51;
	v29 =	vpop (erf)  }
0x1b5: {  	v63, _, _ =	vpop (xrf1);
	v11 =	vld.idx.msk [tilespmem:v56+s21+$0x0], $0xffff;
	v40 =	vmax.f32 v38, v39;
	v32 =	vmul.f32 v62, v17;
	v29 =	vmul.f32 v29, v21  }
0x1b6: {  	v53, _, _ =	vpop (xrf1);
	(xrf1) =	vsort.ascd.msk.f32 $0xffff, v27, v27;
	v27 =	vsub.f32 v52, v50;
	v22 =	vsel vm5, v51, v22  }
0x1b7: {  	v55, _, _ =	vpop (xrf1);
	vm5 =	vlt.f32 v61, $9.999999740e-06;
	v17 =	vsel vm6, v17, v32;
	v22 =	vmul.f32 v22, v49  }
0x1b8: {  	v39 =	vmax.f32 v34, v36;
	v56, _, _ =	vpop (xrf1);
	(xrf0) =	vadd.scan.msk.s32 $0xffff, v15;
	v17 =	vmul.f32 v17, v30;
	v21 =	vsel vm5, v21, v29  }
0x1b9: {  	(xrf1) =	vsort.ascd.msk.f32 $0xffff, v24, v24;
	vm5 =	vlt.f32 v14, $9.999999740e-06;
	v15 =	vmul.f32 v21, v27;
	v14 =	vadd.f32 v22, v18;
	v29 =	vpop (erf)  }
0x1ba: {  	v38 =	vmin.f32 v33, v35;
	v24 =	vld [tilespmem:s15+$0xFFFFFFF0];
	v18, _, _ =	vpop (xrf1);
	v22 =	vsub.f32 v11, v0;
	v21 =	vmul.f32 v29, v16  }
0x1bb: {  	s7 =	simm.s32 $0x8180;
	v17 =	vadd.f32 v17, v19;
	v57, _, _ =	vpop (xrf1);
	(xrf1) =	vsort.ascd.msk.f32 $0xffff, v25, v25;
	v15 =	vadd.f32 v15, v50  }
0x1bc: {  	s6 =	simm.s32 $0x8080;
	v2 =	vld [tilespmem:$0x1FF90];
	[tilespmem:s7+$0x70] =	vst v46;
	v30 =	vmin.f32 v43, v47;
	v19, _, _ =	vpop (xrf1);
	(xrf1) =	vsort.ascd.msk.f32 $0xffff, v14, v14;
	v16 =	vsel vm5, v16, v21  }
0x1bd: {  	[tilespmem:s6+$0xFFFFFF80] =	vst v44;
	v43 =	vmax.f32 v43, v47;
	(xrf1) =	vsort.ascd.msk.f32 $0xffff, v17, v17;
	v14, _, _ =	vpop (xrf1);
	v16 =	vmul.f32 v16, v22  }
0x1be: {  	[tilespmem:s6+$0x0] =	vst v59;
	v27 =	vmul.f32 v42, v7;
	v17 =	vperm.xlane v19, v4;
	(xrf1) =	vsort.ascd.msk.f32 $0xffff, v15, v15;
	v25, _, _ =	vpop (xrf1)  }
0x1bf: {  	v22 =	vmul.f32 v42, v8;
	v14 =	vperm.xlane v14, v4;
	v15, _, _ =	vpop (xrf0);
	(xrf0) =	vadd.scan.msk.s32 $0xffff, v24;
	v0 =	vadd.f32 v16, v0  }
0x1c0: {  	[tilespmem:s6+$0x10] =	vst v63;
	v28 =	vmin.f32 v20, v17;
	v17 =	vmax.f32 v20, v17;
	v16 =	vmin.f32 v10, v26;
	v26, _, _ =	vpop (xrf1)  }
0x1c1: {  	v19 =	vmin.f32 v23, v14;
	v59 =	vadd.s32 s12, v15;
	v14 =	vmax.f32 v23, v14;
	v24, _, _ =	vpop (xrf1);
	(xrf1) =	vsort.ascd.msk.f32 $0xffff, v0, v0  }
0x1c2: {  	v61 =	vld [tilespmem:s15+$0x0];
	[tilespmem:s6+$0x50] =	vst v18;
	v60 =	vmin.f32 v19, v28;
	v18 =	vmax.f32 v19, v28;
	v0 =	vadd.s32 $0x1, v59;
	v23, _, _ =	vpop (xrf1)  }
0x1c3: {  	[tilespmem:s6+$0x30] =	vst v55;
	v19 =	vmin.f32 v14, v17;
	v14 =	vmax.f32 v14, v17;
	(xrf1) =	vsort.ascd.msk.f32 $0xffff, v60, v60;
	v8, _, _ =	vpop (xrf1)  }
0x1c4: {  	v55 =	vmin.f32 v45, v30;
	v29 =	vmul.f32 v42, v6;
	v63 =	vbroadcast v15, $0xF;
	(xrf1) =	vsort.ascd.msk.f32 $0xffff, v18, v18;
	v15, _, _ =	vpop (xrf1)  }
0x1c5: {  	[tilespmem:s6+$0x70] =	vst v2;
	v62 =	vld [tilespmem:s15+$0x10];
	v21 =	vmul.f32 v42, v1;
	v42 =	vmin.f32 v34, v36;
	(xrf1) =	vsort.ascd.msk.f32 $0xffff, v19, v19;
	v10, _, _ =	vpop (xrf0)  }
0x1c6: {  	v20 =	vmin.f32 v48, v43;
	v36 =	vld.idx.msk [tilespmem:v59+s20+$0x0], $0xffff;
	v9 =	vperm.xlane v15, v4;
	(xrf1) =	vsort.ascd.msk.f32 $0xffff, v14, v14;
	v14, _, _ =	vpop (xrf1)  }
0x1c7: {  	[tilespmem:s6+$0x20] =	vst v53;
	(xrf0) =	vadd.scan.msk.s32 $0xffff, v61;
	v17 =	vmax.f32 v48, v43;
	v18 =	vmax.f32 v45, v30;
	v30 =	vld.idx.msk [tilespmem:v0+s20+$0x0], $0xffff;
	v48, _, _ =	vpop (xrf1)  }
0x1c8: {  	v28 =	vmax.f32 v33, v35;
	v35 =	vadd.s32 v63, v10;
	v43 =	vld.idx.msk [tilespmem:v0+s21+$0x0], $0xffff;
	v0 =	vmin.f32 v48, v9  }
0x1c9: {  	[tilespmem:s6+$0x40] =	vst v56;
	v54 =	vmax.f32 v16, v58;
	v11 =	vperm.xlane v14, v4;
	v32 =	vadd.s32 s12, v35  }
0x1ca: {  	v19 =	vmin.f32 v16, v58;
	(xrf0) =	vadd.scan.msk.s32 $0xffff, v62;
	v16 =	vmin.f32 v37, v31;
	v50, _, _ =	vpop (xrf1);
	v31 =	vadd.s32 $0x1, v32  }
0x1cb: {  	[tilespmem:s6+$0x60] =	vst v57;
	v51 =	vmin.f32 v50, v11;
	(xrf1) =	vsort.ascd.msk.f32 $0xffff, v0, v0;
	v0, _, _ =	vpop (xrf1)  }
0x1cc: {  	[tilespmem:s6+$0xFFFFFF90] =	vst v8;
	v52 =	vmax.f32 v50, v11;
	(xrf1) =	vsort.ascd.msk.f32 $0xffff, v51, v51;
	v53 =	vperm.xlane v0, v4;
	v0, _, _ =	vpop (xrf1)  }
0x1cd: {  	v56 =	vbroadcast v35, $0xF;
	v33 =	vmax.f32 v48, v9;
	(xrf1) =	vsort.ascd.msk.f32 $0xffff, v52, v52;
	v35 =	vsub.f32 v30, v36;
	v57, _, _ =	vpop (xrf1)  }
0x1ce: {  	v30 =	vld.idx.msk [tilespmem:v59+s21+$0x0], $0xffff;
	(xrf1) =	vsort.ascd.msk.f32 $0xffff, v33, v33;
	v58 =	vperm.xlane v0, v4;
	v0, _, _ =	vpop (xrf0);
	v59 =	vmin.f32 v57, v53  }
0x1cf: {  	v45 =	vld.idx.msk [tilespmem:v31+s20+$0x0], $0xffff;
	v60 =	vadd.s32 v0, v56;
	v46 =	vmax.f32 v57, v53;
	(xrf1) =	vsort.ascd.msk.f32 $0xffff, v59, v59;
	v61, _, _ =	vpop (xrf1)  }
0x1d0: {  	v31 =	vld.idx.msk [tilespmem:v31+s21+$0x0], $0xffff;
	v63, _, _ =	vpop (xrf0);
	v37 =	vbroadcast v60, $0xF;
	v33 =	vadd.s32 s12, v60;
	(xrf1) =	vsort.ascd.msk.f32 $0xffff, v46, v46;
	v62 =	vmin.f32 v61, v58  }
0x1d1: {  	s8 =	simm.s32 $0x8180;
	s14 =	simm.s32 $0x4;
	s25 =	simm.s32 $0x4380;
	v0 =	vld.idx.msk [tilespmem:v32+s20+$0x0], $0xffff;
	v46 =	vadd.s32 s12, v63;
	v34 =	vadd.s32 $0x1, v33;
	v47 =	vmax.f32 v61, v58;
	v44, _, _ =	vpop (xrf1);
	(xrf1) =	vsort.ascd.msk.f32 $0xffff, v62, v62  }
.LBB2_3:
0x1d2: {  	v48 =	vld [tilespmem:s25+$0x10]  }
0x1d3: {  	v59 =	vld [tilespmem:s25+$0xFFFFFF80]  }
0x1d4: {  	v50 =	vld [tilespmem:s25+$0x0]  }
0x1d5: {  	v53 =	vld [tilespmem:s25+$0xFFFFFFA0]  }
0x1d6: {  	v1 =	vld [tilespmem:$0x1FF10]  }
0x1d7: {  	[tilespmem:$0x1FEB0] =	vst v54;
	v49 =	vadd.s32 v37, v46;
	v11 =	vmul.f32 v35, v13;
	v29 =	vsub.f32 v29, v36;
	v3 =	vld [tilespmem:$0x1FF20]  }
0x1d8: {  	(xrf1) =	vsort.ascd.msk.f32 $0xffff, v47, v47;
	v35 =	vsub.f32 v43, v30;
	v54 =	vperm.xlane v44, v4;
	v6 =	vld [tilespmem:$0x1FF30];
	v43 =	vadd.s32 $0x1, v49;
	v58, _, _ =	vpop (xrf1)  }
0x1d9: {  	v2 =	vld [tilespmem:$0x1FF00];
	vm5 =	vlt.f32 v11, $9.999999740e-06;
	v37 =	vmul.f32 v29, v13;
	(erf) = vrcp.f32 v11;
	v60, _, _ =	vpop (xrf1)  }
0x1da: {  	v57 =	vld [tilespmem:s25+$0x30];
	v52 =	vperm.xlane v58, v4;
	v51 =	vperm.xlane v60, v4;
	v61, _, _ =	vpop (xrf1);
	v27 =	vsub.f32 v27, v0  }
0x1db: {  	v62 =	vld [tilespmem:s25+$0xFFFFFF90];
	(xrf1) =	vsort.ascd.msk.f32 $0xffff, v41, v41;
	v45 =	vsub.f32 v45, v0;
	v29 =	vperm.xlane v61, v4;
	v63 =	vadd.f32 $9.999999740e-06, v48  }
0x1dc: {  	[tilespmem:$0x1FEA0] =	vst v55;
	v55 =	vld [tilespmem:s25+$0xFFFFFFB0];
	v47 =	vadd.f32 $9.999999740e-06, v59;
	v50 =	vadd.f32 $9.999999740e-06, v50;
	v59 =	vmin.f32 v3, v52  }
0x1dd: {  	(xrf1) =	vsort.ascd.msk.f32 $0xffff, v40, v40;
	v48 =	vld [tilespmem:s25+$0x20];
	v46 =	vmin.f32 v6, v54;
	v44 =	vadd.f32 $9.999999740e-06, v53;
	v52 =	vmax.f32 v3, v52  }
0x1de: {  	v12 =	vmax.f32 v6, v54;
	v36 =	vmin.f32 v1, v51;
	v27 =	vmul.f32 v27, v13;
	v58, _, _ =	vpop (xrf1)  }
0x1df: {  	v9 =	vadd.f32 $9.999999740e-06, v57;
	v56 =	vmul.f32 v45, v13;
	v41 =	vld.idx.msk [tilespmem:v43+s20+$0x0], $0xffff;
	v0 =	vmin.f32 v2, v29;
	(xrf2) =	vadd.scan.msk.f32 $0xffff, v63;
	v60, _, _ =	vpop (xrf1)  }
0x1e0: {  	v45 =	vadd.f32 $9.999999740e-06, v62;
	v40 =	vmax.f32 v2, v29;
	v10 =	vsel vm3, $0x0, v50;
	(xrf1) =	vsort.ascd.msk.f32 $0xffff, v42, v42;
	v42 =	vld.idx.msk [tilespmem:v49+s20+$0x0], $0xffff;
	v29, _, _ =	vpop (xrf1)  }
0x1e1: {  	v11 =	vld.idx.msk [tilespmem:v43+s21+$0x0], $0xffff;
	v50 =	vadd.f32 $9.999999740e-06, v55;
	(xrf2) =	vadd.scan.msk.f32 $0xffff, v10;
	v53 =	vperm.xlane v60, v4;
	v29 =	vperm.xlane v29, v4;
	v55, _, _ =	vpop (xrf1)  }
0x1e2: {  	v62 =	vmax.f32 v1, v51;
	v47 =	vsel vm3, $0x0, v47;
	v10 =	vld.idx.msk [tilespmem:v34+s20+$0x0], $0xffff;
	v7 =	vadd.f32 $9.999999740e-06, v48;
	v61, _, _ =	vpop (xrf1)  }
0x1e3: {  	v9 =	vsel vm4, $0x0, v9;
	v60 =	vld.idx.msk [tilespmem:v33+s20+$0x0], $0xffff;
	v8 =	vmin.f32 v55, v53;
	v57 =	vpop (erf);
	v51 =	vmin.f32 v58, v29  }
0x1e4: {  	v48, _, _ =	vpop (xrf1);
	(xrf2) =	vadd.scan.msk.f32 $0xffff, v7;
	v61 =	vperm.xlane v61, v4;
	v7 =	vmax.f32 v40, v52;
	v1 =	vmin.f32 v51, v8  }
0x1e5: {  	v43 =	vld.idx.msk [tilespmem:v49+s21+$0x0], $0xffff;
	v63 =	vperm.xlane v48, v4;
	v5, _, _ =	vpop (xrf1);
	v2 =	vmax.f32 v51, v8;
	v41 =	vsub.f32 v41, v42  }
0x1e6: {  	(erf) = vrcp.f32 v56;
	v21 =	vsub.f32 v21, v42;
	v42 =	vmin.f32 v36, v46;
	(xrf1) =	vsort.ascd.msk.f32 $0xffff, v1, v1;
	v48, _, _ =	vpop (xrf1)  }
0x1e7: {  	vm6 =	vlt.f32 v56, $9.999999740e-06;
	v51 =	vmin.f32 v5, v63;
	v54 =	vmin.f32 v48, v61;
	(xrf1) =	vsort.ascd.msk.f32 $0xffff, v2, v2  }
0x1e8: {  	(xrf2) =	vadd.scan.msk.f32 $0xffff, v9;
	v5 =	vmax.f32 v5, v63;
	v48 =	vmax.f32 v48, v61;
	v9 =	vmin.f32 v51, v54  }
0x1e9: {  	v10 =	vsub.f32 v10, v60;
	v61 =	vsel vm4, $0x0, v50;
	v50 =	vmin.f32 v5, v48;
	v49, _, _ =	vpop (xrf1);
	(xrf1) =	vsort.ascd.msk.f32 $0xffff, v9, v9  }
0x1ea: {  	v1 =	vmax.f32 v5, v48;
	v48 =	vmax.f32 v55, v53;
	v51 =	vmax.f32 v51, v54;
	v63, _, _ =	vpop (xrf2)  }
0x1eb: {  	v34 =	vld.idx.msk [tilespmem:v34+s21+$0x0], $0xffff;
	v54 =	vmul.f32 v41, v13;
	v9 =	vmax.f32 v58, v29;
	v29, _, _ =	vpop (xrf2);
	(xrf1) =	vsort.ascd.msk.f32 $0xffff, v50, v50  }
0x1ec: {  	v41 =	vmin.f32 v0, v59;
	v0 =	vmax.f32 v0, v59;
	v58 =	vbroadcast v29, $0xF;
	(xrf1) =	vsort.ascd.msk.f32 $0xffff, v1, v1  }
0x1ed: {  	v22 =	vsub.f32 v22, v60;
	[tilespmem:$0x1FEC0] =	vst v0;
	v5, _, _ =	vpop (xrf1);
	v56 =	vmin.f32 v9, v48;
	(xrf1) =	vsort.ascd.msk.f32 $0xffff, v51, v51  }
0x1ee: {  	v50 =	vld.idx.msk [tilespmem:v33+s21+$0x0], $0xffff;
	v1 =	vmax.f32 v9, v48;
	v53 =	vadd.f32 v58, v63;
	(xrf1) =	vsort.ascd.msk.f32 $0xffff, v56, v56;
	v60, _, _ =	vpop (xrf1)  }
0x1ef: {  	v2 =	vmul.f32 v57, v37;
	v48 =	vld.idx.msk [tilespmem:v32+s21+$0x0], $0xffff;
	(xrf1) =	vsort.ascd.msk.f32 $0xffff, v1, v1;
	[tilespmem:s6+$0xFFFFFFC0] =	vst v60;
	v60 =	vpop (erf);
	(erf) = vrcp.f32 v54  }
0x1f0: {  	v36 =	vmax.f32 v36, v46;
	v6 =	vmul.f32 v22, v13;
	[tilespmem:s6+$0xFFFFFFB0] =	vst v5;
	v5 =	vbroadcast v53, $0xF  }
0x1f1: {  	vm7 =	vlt.f32 v54, $9.999999740e-06;
	[tilespmem:s6+$0xFFFFFFA0] =	vst v49;
	v32 =	vmov v19;
	v63, _, _ =	vpop (xrf2);
	v1 =	vmov v25  }
0x1f2: {  	v19 =	vmov v17;
	v58 =	vmul.f32 v21, v13;
	v21, _, _ =	vpop (xrf2);
	(xrf2) =	vadd.scan.msk.f32 $0xffff, v47;
	v55 =	vadd.f32 v5, v63  }
0x1f3: {  	v56 =	vmul.f32 v10, v13;
	v13 =	vsub.f32 v11, v43;
	v10 =	vmin.f32 v41, v42;
	(xrf2) =	vadd.scan.msk.f32 $0xffff, v45  }
0x1f4: {  	s0 =	sadd.s32 $0x100, s0;
	[tilespmem:$0x1FF00] =	vst v1;
	v5 =	vsel vm5, v37, v2;
	(xrf2) =	vadd.scan.msk.f32 $0xffff, v44;
	v1 =	vmovc v26;
	v25 =	vbroadcast v55, $0xF  }
0x1f5: {  	v22 =	vsub.f32 v31, v48;
	v0 =	vmul.f32 v5, v35;
	v5 =	vmul.f32 v60, v27;
	(xrf2) =	vadd.scan.msk.f32 $0xffff, v61;
	v61 =	vld [tilespmem:s0+$0xFFFFFFB0];
	v63, _, _ =	vpop (xrf1)  }
0x1f6: {  	vm8 =	vlt.f32 v56, $9.999999740e-06;
	(erf) = vrcp.f32 v56;
	v9, _, _ =	vpop (xrf1);
	v56 =	vadd.f32 v25, v21  }
0x1f7: {  	[tilespmem:$0x1FF10] =	vst v1;
	v0 =	vadd.f32 v0, v30;
	v5 =	vsel vm6, v27, v5;
	v1 =	vmov v24;
	v21, _, _ =	vpop (xrf1)  }
0x1f8: {  	v5 =	vmul.f32 v5, v22;
	[tilespmem:$0x1FF20] =	vst v1;
	v1 =	vmin.f32 v40, v52;
	v40 =	vbroadcast v56, $0xF;
	v33 =	vpop (erf)  }
0x1f9: {  	v51 =	vsub.f32 v34, v50;
	v34 =	vmin.f32 v62, v12;
	v2 =	vmax.f32 v62, v12;
	v22, _, _ =	vpop (xrf1)  }
0x1fa: {  	[tilespmem:$0x1FEF0] =	vst v2;
	v26 =	vld [tilespmem:s0+$0x10];
	v2 =	vadd.f32 v5, v48;
	v15 =	vbroadcast v61, $0x0;
	(erf) = vrcp.f32 v40;
	v12, _, _ =	vpop (xrf1)  }
0x1fb: {  	v17 =	vimm.s32 $0x0;
	v25 =	vld [tilespmem:s0+$0x30];
	v11 =	vperm.xlane v22, v4;
	(xrf1) =	vsort.ascd.msk.f32 $0xffff, v0, v0;
	v22 =	vperm.xlane v21, v4;
	v0, _, _ =	vpop (xrf1)  }
0x1fc: {  	[tilespmem:$0x1FED0] =	vst v1;
	v1 =	vmov v23;
	v23 =	vld [tilespmem:s0+$0x20];
	v3 =	vperm.xlane v12, v4;
	v0 =	vperm.xlane v0, v4;
	v5, _, _ =	vpop (xrf1)  }
0x1fd: {  	v62 =	vmul.f32 v33, v58;
	v33 =	vmov v16;
	v16 =	vld [tilespmem:$0x1FFE0];
	v45 =	vmax.f32 v9, v11;
	v27, _, _ =	vpop (xrf1)  }
0x1fe: {  	[tilespmem:$0x1FEE0] =	vst v7;
	v31 =	vld [tilespmem:s0+$0x0];
	v52, _, _ =	vpop (xrf2);
	v44 =	vmax.f32 v63, v3;
	v47 =	vmax.f32 v5, v0;
	v48 =	vmax.f32 v27, v22  }
0x1ff: {  	v57 =	vpop (erf);
	[tilespmem:$0x1FF30] =	vst v1;
	(xrf1) =	vsort.ascd.msk.f32 $0xffff, v2, v2;
	v35 =	vmax.f32 v44, v47;
	v37 =	vmax.f32 v45, v48  }
0x200: {  	v59 =	vbroadcast v52, $0xF;
	v57 =	vmul.f32 v57, v6;
	(xrf1) =	vsort.ascd.msk.f32 $0xffff, v10, v10;
	v54 =	vmax.f32 v35, v37  }
0x201: {  	v58 =	vsel vm7, v58, v62;
	v46 =	vmin.f32 v63, v3;
	v3 =	vbroadcast v26, $0x0;
	(xrf1) =	vsort.ascd.msk.f32 $0xffff, v54, v54  }
0x202: {  	v21 =	vld [tilespmem:s0+$0xFFFFFF90];
	v8, _, _ =	vpop (xrf2);
	v49 =	vmin.f32 v9, v11;
	v7 =	vperm.xlane v25, v16;
	v1 =	vbroadcast v23, $0x0;
	(xrf1) =	vsort.ascd.msk.f32 $0xffff, v39, v39  }
0x203: {  	v60 =	vld [tilespmem:s0+$0xFFFFFFA0];
	v54 =	vadd.f32 v59, v8;
	v8 =	vperm.xlane v31, v16;
	(xrf1) =	vsort.ascd.msk.f32 $0xffff, v38, v38;
	v38 =	vbroadcast v25, $0x0  }
0x204: {  	v4 =	vperm.xlane v23, v16;
	v59 =	vsel vm8, v6, v57;
	v39 =	vperm.xlane v26, v16  }
0x205: {  	v57 =	vsub.f32 v25, v7;
	v6 =	vbroadcast v54, $0xF;
	v3 =	vsel vm0, v3, v8  }
0x206: {  	v2, _, _ =	vpop (xrf2);
	v9 =	vsub.f32 v31, v3;
	v1 =	vsel vm0, v1, v39;
	v10 =	vsel vm0, v38, v4  }
0x207: {  	v63 =	vld [tilespmem:s0+$0xFFFFFF80];
	v8 =	vmul.f32 $5.000000000e-01, v57;
	(xrf1) =	vsort.ascd.msk.f32 $0xffff, v21, v21;
	v39 =	vsub.f32 v26, v1;
	v4 =	vsub.f32 v23, v10;
	v38 =	vpop (erf)  }
0x208: {  	(xrf1) =	vsort.ascd.msk.f32 $0xffff, v60, v60;
	v57 =	vadd.f32 v6, v2;
	v2 =	vmul.f32 $5.000000000e-01, v9;
	v6 =	vmul.f32 $6.300000000e+01, v38  }
0x209: {  	(xrf1) =	vsort.ascd.msk.f32 $0xffff, v61, v61;
	v9 =	vmul.f32 $5.000000000e-01, v39;
	v39 =	vmin.f32 v5, v0;
	v12 =	vmul.f32 $5.000000000e-01, v4  }
0x20a: {  	s3 =	sadd.s32 $0x80, s3;
	v2 =	vadd.f32 v2, v3;
	v3 =	vadd.f32 v8, v7;
	v5 =	vmul.f32 v6, v53  }
0x20b: {  	s12 =	sadd.s32 $0x80, s12;
	[tilespmem:s3+$0x20] =	vst v29;
	v1 =	vadd.f32 v9, v1;
	v7 =	vmul.f32 v6, v29;
	v8 =	vmul.f32 v6, v55  }
0x20c: {  	s26 =	sadd.s32 $0x40, s12;
	(xrf1) =	vsort.ascd.msk.f32 $0xffff, v63, v63;
	v9 =	vadd.f32 v12, v10;
	v6 =	vmul.f32 v6, v56;
	v10 =	vtrunc.f32 v5  }
0x20d: {  	s16 =	sor.u32 $0x50, s26;
	v62, _, _ =	vpop (xrf1);
	(xrf1) =	vsort.ascd.msk.f32 $0xffff, v28, v28;
	v4 =	vsel vm4, $0x7F800000, v56;
	v28 =	vtrunc.f32 v7;
	v29 =	vtrunc.f32 v8  }
0x20e: {  	s1 =	sor.u32 $0x60, s26;
	[tilespmem:s16+$0x18000] =	vst v53;
	v0, _, _ =	vpop (xrf1);
	v14 =	vcvt.f32.s32 v10;
	vm5 =	vgt.f32 v5, v10;
	v5 =	vtrunc.f32 v6  }
0x20f: {  	s28 =	sor.u32 $0x70, s26;
	[tilespmem:s1+$0x18000] =	vst v55;
	v53, _, _ =	vpop (xrf1);
	v10 =	vcvt.f32.s32 v28;
	vm6 =	vgt.f32 v7, v28;
	v7 =	vcvt.f32.s32 v29  }
0x210: {  	s7 =	sadd.s32 $0x100, s7;
	[tilespmem:s28+$0x18000] =	vst v4;
	v28 =	vsel vm6, $0x1, v17;
	vm6 =	vgt.f32 v8, v29;
	v8 =	vcvt.f32.s32 v5;
	v12, _, _ =	vpop (xrf1)  }
0x211: {  	s13 =	sadd.s32 $0x80, s13;
	v29 =	vbroadcast v60, $0x0;
	[tilespmem:s7+$0x70] =	vst v12;
	v12 =	vperm.xlane v63, v16  }
0x212: {  	[tilespmem:s13+$0x20] =	vst v2;
	v2 =	vadd.s32 v10, v28;
	v10 =	vsel vm5, $0x1, v17;
	vm5 =	vgt.f32 v6, v5  }
0x213: {  	[tilespmem:s16+$0x1A000] =	vst v1;
	vm7 =	vlt.s32 v2, $0x40;
	v1 =	vsel vm6, $0x1, v17;
	v5 =	vsel vm5, $0x1, v17  }
0x214: {  	v2 =	vadd.s32 s26, v2;
	[tilespmem:s1+$0x1A000] =	vst v9;
	vm5 =	vmand vm7, vm1;
	v9 =	vadd.s32 v14, v10  }
0x215: {  	v1 =	vadd.s32 v7, v1;
	v14 =	vbroadcast v21, $0x0;
	vm6 =	vlt.s32 v9, $0x40  }
0x216: {  	[tilespmem:s28+$0x1A000] =	vst v3;
	v3 =	vadd.s32 v8, v5;
	v5 =	vadd.s32 s26, v9;
	v9 =	vbroadcast v57, $0xF  }
0x217: {  	s15 =	sadd.s32 $0x80, s15;
	v11, _, _ =	vpop (xrf2);
	vm7 =	vlt.s32 v1, $0x40;
	vm14 =	vlt.s32 v3, $0x40;
	v12 =	vsel vm0, v14, v12  }
0x218: {  	[tilespmem:s15+$0x20] =	vst v17;
	v14 =	vperm.xlane v60, v16;
	v9 =	vadd.f32 v9, v11;
	v11 =	vperm.xlane v21, v16  }
0x219: {  	v4 =	vimm.s32 $0x1;
	v1 =	vadd.s32 s26, v1;
	[tilespmem:s16+$0x1C000] =	vst v17;
	vm8 =	vmand vm14, vm2  }
0x21a: {  	[tilespmem:s1+$0x1C000] =	vst v17;
	v14 =	vsel vm0, v15, v14;
	v11 =	vsel vm0, v29, v11;
	v29 =	vperm.xlane v61, v16;
	v16 =	vld [tilespmem:$0x1FFA0]  }
0x21b: {  	v3 =	vadd.s32 s26, v3;
	[tilespmem:s28+$0x1C000] =	vst v17;
	v15 =	vsub.f32 v60, v14;
	v60 =	vmin.f32 v27, v22;
	v22 =	vld [tilespmem:$0x1FFD0]  }
0x21c: {  	[tilespmem:v2+s19+$0x0] =	vst.idx.add.s32.msk vm5, v4  }
0x21d: {  	[tilespmem:v5+s19+$0x0] =	vst.idx.add.s32.msk vm6, v4  }
0x21e: {  	[tilespmem:v1+s19+$0x0] =	vst.idx.add.s32.msk vm7, v4  }
0x21f: {  	v63 =	vsub.f32 v63, v12;
	v1 =	vsub.f32 v21, v11;
	v21 =	vld [tilespmem:$0x1FFC0]  }
0x220: {  	v2 =	vbroadcast v9, $0xF;
	v5 =	vsel vm4, $0x7F800000, v9;
	[tilespmem:v3+s19+$0x0] =	vst.idx.add.s32.msk vm8, v4  }
0x221: {  	[tilespmem:s3+$0x10] =	vst v5;
	v5 =	vsub.f32 v61, v29;
	v3 =	vmul.f32 $5.000000000e-01, v63;
	v63 =	vld [tilespmem:$0x1FFB0]  }
0x222: {  	[tilespmem:s3+$0xFFFFFFE0] =	vst v52;
	(erf) = vrcp.f32 v2;
	v61 =	vld [tilespmem:s15+$0x20]  }
0x223: {  	[tilespmem:s3+$0xFFFFFFF0] =	vst v54;
	v30 =	vmul.f32 v2, v16;
	v5 =	vmul.f32 $5.000000000e-01, v5;
	v3 =	vadd.f32 v3, v12  }
0x224: {  	[tilespmem:s3+$0x0] =	vst v57;
	v56, _, _ =	vpop (xrf1);
	v1 =	vmul.f32 $5.000000000e-01, v1;
	v27 =	vmul.f32 v2, v22;
	v12 =	vld [tilespmem:s16+$0x1C000]  }
0x225: {  	v55, _, _ =	vpop (xrf1);
	v24 =	vmul.f32 v2, v21;
	[tilespmem:s13+$0xFFFFFFE0] =	vst v3;
	v3 =	vadd.f32 v5, v29;
	v5 =	vmul.f32 v59, v51;
	v51 =	vld [tilespmem:$0x1FFF0]  }
0x226: {  	v6, _, _ =	vpop (xrf1);
	v1 =	vadd.f32 v1, v11;
	v29 =	vmul.f32 v2, v63;
	v2 =	vmul.f32 v58, v13;
	v13 =	vld [tilespmem:$0x1FFF0]  }
0x227: {  	v7, _, _ =	vpop (xrf1);
	(xrf0) =	vadd.scan.msk.s32 $0xffff, v61;
	v61 =	vld [tilespmem:$0x1FFF0]  }
0x228: {  	v8, _, _ =	vpop (xrf1);
	v15 =	vmul.f32 $5.000000000e-01, v15;
	[tilespmem:s13+$0xFFFFFFF0] =	vst v1;
	v1 =	vld [tilespmem:s1+$0x1C000]  }
0x229: {  	v10, _, _ =	vpop (xrf1);
	[tilespmem:s13+$0x10] =	vst v3;
	v3 =	vld [tilespmem:s28+$0x1C000];
	v2 =	vadd.f32 v2, v43  }
0x22a: {  	v28, _, _ =	vpop (xrf1);
	v11 =	vadd.f32 v15, v14;
	v5 =	vadd.f32 v5, v50;
	(xrf0) =	vadd.scan.msk.s32 $0xffff, v12  }
0x22b: {  	v8 =	vperm.xlane v8, v51;
	(xrf1) =	vsort.ascd.msk.f32 $0xffff, v2, v2;
	v0 =	vperm.xlane v0, v13;
	v13 =	vpop (erf)  }
0x22c: {  	v58 =	vmovc v16;
	[tilespmem:s13+$0x0] =	vst v11;
	(xrf1) =	vsort.ascd.msk.f32 $0xffff, v5, v5;
	v6 =	vperm.xlane v6, v61;
	v2 =	vmul.f32 $6.300000000e+01, v13  }
0x22d: {  	(xrf0) =	vadd.scan.msk.s32 $0xffff, v1;
	v12 =	vmin.f32 v7, v8;
	v7 =	vmax.f32 v7, v8;
	v59 =	vmin.f32 v62, v0  }
0x22e: {  	v0 =	vmax.f32 v62, v0;
	v62, _, _ =	vpop (xrf0);
	(xrf0) =	vadd.scan.msk.s32 $0xffff, v3;
	v1 =	vmul.f32 v2, v52;
	v61 =	vmul.f32 v2, v9  }
0x22f: {  	v5 =	vmin.f32 v10, v6;
	(xrf1) =	vsort.ascd.msk.f32 $0xffff, v59, v59;
	v52 =	vmul.f32 v2, v54;
	v54 =	vbroadcast v62, $0xF  }
0x230: {  	v16 =	vld [tilespmem:$0x1FEA0];
	v6 =	vmax.f32 v10, v6;
	v2 =	vmul.f32 v2, v57;
	v14, _, _ =	vpop (xrf0);
	(xrf1) =	vsort.ascd.msk.f32 $0xffff, v0, v0;
	v3 =	vtrunc.f32 v1  }
0x231: {  	v15 =	vtrunc.f32 v61;
	v11 =	vadd.s32 v54, v14;
	(xrf1) =	vsort.ascd.msk.f32 $0xffff, v12, v12;
	v0 =	vcvt.f32.s32 v3  }
0x232: {  	vm5 =	vgt.f32 v1, v3;
	v3 =	vbroadcast v11, $0xF;
	(xrf1) =	vsort.ascd.msk.f32 $0xffff, v7, v7;
	v11 =	vadd.s32 s26, v11  }
0x233: {  	v12 =	vtrunc.f32 v2;
	v1 =	vcvt.f32.s32 v15;
	vm6 =	vgt.f32 v61, v15;
	(xrf1) =	vsort.ascd.msk.f32 $0xffff, v5, v5  }
0x234: {  	v7 =	vtrunc.f32 v52;
	v14 =	vsel vm6, $0x1, v17;
	v10 =	vadd.s32 $0x1, v11;
	(xrf1) =	vsort.ascd.msk.f32 $0xffff, v6, v6  }
0x235: {  	v5, _, _ =	vpop (xrf0);
	v57 =	vsel vm5, $0x1, v17;
	vm5 =	vgt.f32 v52, v7;
	v1 =	vadd.s32 v1, v14;
	v14 =	vld [tilespmem:$0x1FEB0];
	(xrf1) =	vsort.ascd.msk.f32 $0xffff, v16, v16  }
0x236: {  	vm6 =	vgt.f32 v2, v12;
	v3 =	vadd.s32 v5, v3;
	v16 =	vld [tilespmem:$0x1FFF0];
	(xrf1) =	vsort.ascd.msk.f32 $0xffff, v18, v18  }
0x237: {  	v5 =	vcvt.f32.s32 v7;
	v15, _, _ =	vpop (xrf0);
	v59 =	vsel vm6, $0x1, v17;
	v6 =	vbroadcast v3, $0xF;
	(xrf1) =	vsort.ascd.msk.f32 $0xffff, v20, v20;
	v20 =	vld.idx.msk [tilespmem:v11+s20+$0x0], $0xffff  }
0x238: {  	[tilespmem:s15+$0xFFFFFFE0] =	vst v17;
	v7 =	vadd.s32 s26, v15;
	v15 =	vcvt.f32.s32 v12;
	v3 =	vadd.s32 s26, v3;
	v11 =	vld.idx.msk [tilespmem:v11+s21+$0x0], $0xffff  }
0x239: {  	[tilespmem:s15+$0xFFFFFFF0] =	vst v17;
	v51 =	vadd.s32 $0x1, v3;
	v2 =	vadd.s32 v6, v7;
	v7 =	vsel vm5, $0x1, v17;
	v9 =	vld.idx.msk [tilespmem:v10+s20+$0x0], $0xffff  }
0x23a: {  	[tilespmem:s15+$0x0] =	vst v17;
	v0 =	vadd.s32 v0, v57;
	v5 =	vadd.s32 v5, v7;
	v7 =	vadd.s32 v15, v59;
	v15 =	vld [tilespmem:$0x1FFF0]  }
0x23b: {  	[tilespmem:s15+$0x10] =	vst v17;
	vm5 =	vlt.s32 v0, $0x40;
	v6 =	vadd.s32 $0x1, v2;
	v59 =	vld [tilespmem:$0x1FFF0]  }
0x23c: {  	[tilespmem:s8+$0xFFFFFF80] =	vst v53;
	v8 =	vadd.s32 s26, v62;
	vm7 =	vmand vm5, vm1;
	v10 =	vld.idx.msk [tilespmem:v10+s21+$0x0], $0xffff  }
0x23d: {  	[tilespmem:s6+$0xFFFFFFD0] =	vst v56;
	v0 =	vadd.s32 s12, v0;
	(xrf1) =	vsort.ascd.msk.f32 $0xffff, v19, v19;
	vm15 =	vlt.s32 v5, $0x40;
	v56 =	vld.idx.msk [tilespmem:v3+s20+$0x0], $0xffff  }
0x23e: {  	[tilespmem:s6+$0xFFFFFFE0] =	vst v55;
	vm6 =	vlt.s32 v1, $0x40;
	v12, _, _ =	vpop (xrf1);
	(xrf1) =	vsort.ascd.msk.f32 $0xffff, v32, v32;
	v5 =	vadd.s32 s12, v5;
	v55 =	vld.idx.msk [tilespmem:v51+s20+$0x0], $0xffff  }
0x23f: {  	v53 =	vadd.s32 $0x1, v8;
	vm5 =	vmand vm6, vm2;
	vm6 =	vlt.s32 v7, $0x40;
	v61, _, _ =	vpop (xrf1);
	(xrf1) =	vsort.ascd.msk.f32 $0xffff, v14, v14;
	v54 =	vld.idx.msk [tilespmem:v2+s20+$0x0], $0xffff  }
0x240: {  	v7 =	vadd.s32 s12, v7;
	v18, _, _ =	vpop (xrf1);
	(xrf1) =	vsort.ascd.msk.f32 $0xffff, v33, v33;
	v62 =	vld.idx.msk [tilespmem:v6+s20+$0x0], $0xffff  }
0x241: {  	v43 =	vmin.f32 v46, v39;
	v12 =	vperm.xlane v12, v15;
	v15 =	vmax.f32 v46, v39;
	v46 =	vld.idx.msk [tilespmem:v8+s20+$0x0], $0xffff  }
0x242: {  	v42 =	vmax.f32 v41, v42;
	v50 =	vmin.f32 v49, v60;
	v1 =	vadd.s32 s12, v1;
	v19, _, _ =	vpop (xrf1);
	[tilespmem:v0+s19+$0x0] =	vst.idx.add.s32.msk vm7, v4  }
0x243: {  	v17 =	vmax.f32 v49, v60;
	v9 =	vsub.f32 v9, v20;
	v14, _, _ =	vpop (xrf1);
	[tilespmem:v5+s19+$0x0] =	vst.idx.add.s32.msk vm15, v4  }
0x244: {  	v10 =	vsub.f32 v10, v11;
	v39 =	vperm.xlane v14, v16;
	v33, _, _ =	vpop (xrf1);
	v16 =	vmin.f32 v45, v48;
	v45 =	vld.idx.msk [tilespmem:v53+s20+$0x0], $0xffff  }
0x245: {  	v60 =	vmin.f32 v61, v12;
	v14 =	vmin.f32 v44, v47;
	[tilespmem:v7+s19+$0x0] =	vst.idx.add.s32.msk vm6, v4;
	v47, _, _ =	vpop (xrf1)  }
0x246: {  	v12 =	vmax.f32 v61, v12;
	v9 =	vmul.f32 v9, v38;
	[tilespmem:s6+$0xFFFFFFF0] =	vst v28;
	v0, _, _ =	vpop (xrf1);
	v61 =	vsub.f32 v62, v54  }
0x247: {  	v44 =	vperm.xlane v33, v59;
	v59 =	vsub.f32 v55, v56;
	[tilespmem:v1+s19+$0x0] =	vst.idx.add.s32.msk vm5, v4;
	v52, _, _ =	vpop (xrf1)  }
0x248: {  	v1 =	vmul.f32 v40, v22;
	v62, _, _ =	vpop (xrf1);
	v49 =	vmul.f32 v61, v38;
	(xrf1) =	vsort.ascd.msk.f32 $0xffff, v60, v60  }
0x249: {  	v5 =	vmin.f32 v47, v44;
	v7 =	vmin.f32 v0, v39;
	v0 =	vmax.f32 v0, v39  }
0x24a: {  	s6 =	smov.u32 s8;
	v39 =	vld.idx.msk [tilespmem:v53+s21+$0x0], $0xffff;
	v53 =	vmul.f32 v59, v38;
	v60, _, _ =	vpop (xrf1);
	v45 =	vsub.f32 v45, v46;
	(erf) = vrcp.f32 v49  }
0x24b: {  	v8 =	vld.idx.msk [tilespmem:v8+s21+$0x0], $0xffff;
	v44 =	vmax.f32 v47, v44;
	v61 =	vmin.f32 v5, v7;
	[tilespmem:s6+$0x0] =	vst v52;
	v47, _, _ =	vpop (xrf1);
	(erf) = vrcp.f32 v9  }
0x24c: {  	v5 =	vmax.f32 v5, v7;
	v55, _, _ =	vpop (xrf1);
	(xrf1) =	vsort.ascd.msk.f32 $0xffff, v12, v12;
	v7 =	vmul.f32 v45, v38;
	(erf) = vrcp.f32 v53  }
0x24d: {  	v59 =	vmul.f32 v40, v58;
	v3 =	vld.idx.msk [tilespmem:v3+s21+$0x0], $0xffff;
	[tilespmem:s6+$0x10] =	vst v62;
	v12, _, _ =	vpop (xrf1);
	(xrf1) =	vsort.ascd.msk.f32 $0xffff, v61, v61  }
0x24e: {  	v1 =	vsub.f32 v1, v56;
	v57 =	vld.idx.msk [tilespmem:v51+s21+$0x0], $0xffff;
	(erf) = vrcp.f32 v7;
	v28, _, _ =	vpop (xrf1);
	(xrf1) =	vsort.ascd.msk.f32 $0xffff, v5, v5  }
0x24f: {  	v62 =	vmin.f32 v44, v0;
	v2 =	vld.idx.msk [tilespmem:v2+s21+$0x0], $0xffff;
	[tilespmem:s6+$0x20] =	vst v60;
	v60 =	vmul.f32 v40, v21  }
0x250: {  	v0 =	vmax.f32 v44, v0;
	v6 =	vld.idx.msk [tilespmem:v6+s21+$0x0], $0xffff;
	v61 =	vsub.f32 v59, v54;
	(xrf1) =	vsort.ascd.msk.f32 $0xffff, v62, v62  }
0x251: {  	vm6 =	vlt.f32 v9, $9.999999740e-06;
	v1 =	vmul.f32 v1, v38;
	v20 =	vsub.f32 v60, v20;
	v62 =	vld [tilespmem:s15+$0xFFFFFFE0];
	(xrf1) =	vsort.ascd.msk.f32 $0xffff, v0, v0  }
0x252: {  	v22 =	vmovc v27;
	v27 =	vmovc v24;
	vm5 =	vlt.f32 v49, $9.999999740e-06;
	v5 =	vmul.f32 v40, v63;
	v40 =	vmul.f32 v61, v38  }
0x253: {  	v39 =	vsub.f32 v39, v8;
	v20 =	vmul.f32 v20, v38;
	v48 =	vsub.f32 v57, v3;
	v33 =	vpop (erf)  }
0x254: {  	[tilespmem:s6+$0x40] =	vst v55;
	v5 =	vsub.f32 v5, v46;
	(xrf1) =	vsort.ascd.msk.f32 $0xffff, v42, v42;
	v51 =	vmul.f32 v33, v40;
	v52 =	vpop (erf)  }
0x255: {  	[tilespmem:s6+$0x60] =	vst v28;
	v6 =	vsub.f32 v6, v2;
	(xrf1) =	vsort.ascd.msk.f32 $0xffff, v26, v26;
	v28 =	vmul.f32 v52, v20;
	v54 =	vpop (erf)  }
0x256: {  	v5 =	vmul.f32 v5, v38;
	(xrf0) =	vadd.scan.msk.s32 $0xffff, v62;
	v55 =	vmul.f32 v54, v1;
	v40 =	vsel vm5, v40, v51;
	v56, _, _ =	vpop (xrf1)  }
0x257: {  	v4 =	vld [tilespmem:$0x1FFF0];
	vm5 =	vlt.f32 v53, $9.999999740e-06;
	v26 =	vpop (erf);
	(xrf1) =	vsort.ascd.msk.f32 $0xffff, v25, v25;
	v20 =	vsel vm6, v20, v28;
	v24 =	vmul.f32 v40, v6  }
0x258: {  	v0 =	vld [tilespmem:s15+$0xFFFFFFF0];
	v26 =	vmul.f32 v26, v5;
	v10 =	vmul.f32 v20, v10;
	v1 =	vsel vm5, v1, v55  }
0x259: {  	(xrf1) =	vsort.ascd.msk.f32 $0xffff, v31, v31;
	vm5 =	vlt.f32 v7, $9.999999740e-06;
	v1 =	vmul.f32 v1, v48;
	v2 =	vadd.f32 v24, v2  }
0x25a: {  	v6, _, _ =	vpop (xrf1);
	v5 =	vsel vm5, v5, v26;
	(xrf1) =	vsort.ascd.msk.f32 $0xffff, v23, v23;
	v7 =	vadd.f32 v10, v11  }
0x25b: {  	v5 =	vmul.f32 v5, v39;
	v25, _, _ =	vpop (xrf1);
	v57 =	vadd.f32 v1, v3;
	(xrf1) =	vsort.ascd.msk.f32 $0xffff, v2, v2  }
0x25c: {  	v2 =	vperm.xlane v6, v4;
	v3 =	vperm.xlane v56, v4;
	v26, _, _ =	vpop (xrf1);
	(xrf1) =	vsort.ascd.msk.f32 $0xffff, v7, v7  }
0x25d: {  	v5 =	vadd.f32 v5, v8;
	v1, _, _ =	vpop (xrf0);
	(xrf0) =	vadd.scan.msk.s32 $0xffff, v0  }
0x25e: {  	v6 =	vmin.f32 v18, v2;
	v7 =	vmin.f32 v19, v3;
	v24, _, _ =	vpop (xrf1);
	(xrf1) =	vsort.ascd.msk.f32 $0xffff, v57, v57  }
0x25f: {  	v0 =	vmin.f32 v6, v7;
	v23, _, _ =	vpop (xrf1);
	(xrf1) =	vsort.ascd.msk.f32 $0xffff, v5, v5  }
0x260: {  	(xrf1) =	vsort.ascd.msk.f32 $0xffff, v0, v0;
	v0 =	vld [tilespmem:$0x1FED0];
	_ =	sdelay $0x2  }
0x261: {  	v32 =	vld [tilespmem:$0x1FEC0];
	v2 =	vmax.f32 v18, v2;
	v3 =	vmax.f32 v19, v3;
	v59 =	vbroadcast v1, $0xF  }
0x262: {  	v6 =	vmax.f32 v6, v7;
	v7 =	vmin.f32 v2, v3;
	v2 =	vmax.f32 v2, v3;
	v3 =	vld [tilespmem:$0x1FEF0]  }
0x263: {  	v1 =	vadd.s32 s12, v1;
	v42 =	vmin.f32 v0, v34;
	v39 =	vmax.f32 v0, v34;
	v0 =	vld [tilespmem:$0x1FEE0]  }
0x264: {  	v5 =	vadd.s32 $0x1, v1;
	_ =	sdelay $0x1  }
0x265: {  	v63 =	vld [tilespmem:s15+$0x0]  }
0x266: {  	v41 =	vmin.f32 v32, v36;
	v21 =	vmov v30;
	v54 =	vmax.f32 v14, v16  }
0x267: {  	[tilespmem:s6+$0x50] =	vst v12;
	v12 =	vld [tilespmem:s15+$0x10];
	(xrf1) =	vsort.ascd.msk.f32 $0xffff, v6, v6;
	v38 =	vmin.f32 v0, v3;
	v28 =	vmax.f32 v0, v3;
	v0, _, _ =	vpop (xrf1)  }
0x268: {  	v55 =	vmin.f32 v43, v50;
	v18 =	vmax.f32 v43, v50;
	(xrf1) =	vsort.ascd.msk.f32 $0xffff, v7, v7;
	v43 =	vld.idx.msk [tilespmem:v5+s21+$0x0], $0xffff;
	v3, _, _ =	vpop (xrf1)  }
0x269: {  	v40 =	vmax.f32 v32, v36;
	v20 =	vmin.f32 v15, v17;
	(xrf1) =	vsort.ascd.msk.f32 $0xffff, v2, v2;
	v2 =	vld.idx.msk [tilespmem:v5+s20+$0x0], $0xffff;
	v5, _, _ =	vpop (xrf0)  }
0x26a: {  	v17 =	vmax.f32 v15, v17;
	v36 =	vld.idx.msk [tilespmem:v1+s20+$0x0], $0xffff;
	(xrf0) =	vadd.scan.msk.s32 $0xffff, v63;
	[tilespmem:s6+$0xFFFFFF90] =	vst v0;
	v6, _, _ =	vpop (xrf1);
	v3 =	vperm.xlane v3, v4  }
0x26b: {  	v19 =	vmin.f32 v14, v16;
	v0 =	vadd.s32 v59, v5;
	v30 =	vld.idx.msk [tilespmem:v1+s21+$0x0], $0xffff;
	v1 =	vperm.xlane v6, v4;
	v5, _, _ =	vpop (xrf1)  }
0x26c: {  	(xrf0) =	vadd.scan.msk.s32 $0xffff, v12;
	v6 =	vbroadcast v0, $0xF;
	v32 =	vadd.s32 s12, v0;
	v0 =	vmin.f32 v5, v3;
	v7, _, _ =	vpop (xrf1)  }
0x26d: {  	s14 =	sadd.s32 $0x2, s14;
	v16 =	vmin.f32 v35, v37;
	v60 =	vadd.s32 $0x1, v32;
	v61 =	vmin.f32 v7, v1;
	v62, _, _ =	vpop (xrf1);
	(xrf1) =	vsort.ascd.msk.f32 $0xffff, v0, v0  }
0x26e: {  	p1 =	slt.u32 s14, $0x7E;
	v63 =	vmax.f32 v7, v1;
	v1 =	vperm.xlane v62, v4;
	v7, _, _ =	vpop (xrf1);
	(xrf1) =	vsort.ascd.msk.f32 $0xffff, v61, v61  }
.Ltmp0:
0x26f: {  	v35 =	vsub.f32 v2, v36;
	v2 =	vmax.f32 v5, v3;
	v3, _, _ =	vpop (xrf1);
	(xrf1) =	vsort.ascd.msk.f32 $0xffff, v63, v63;
	(pc) =	sbr.rel @p1 .LBB2_3-.Ltmp0, $4  }
0x270: {  	[tilespmem:s6+$0x30] =	vst v47;
	v5 =	vperm.xlane v7, v4;
	v0, _, _ =	vpop (xrf0);
	v7 =	vmin.f32 v3, v1;
	(xrf1) =	vsort.ascd.msk.f32 $0xffff, v2, v2  }
0x271: {  	v2 =	vadd.s32 v0, v6;
	v0 =	vld.idx.msk [tilespmem:v32+s20+$0x0], $0xffff;
	v1 =	vmax.f32 v3, v1;
	v3, _, _ =	vpop (xrf1);
	(xrf1) =	vsort.ascd.msk.f32 $0xffff, v7, v7  }
0x272: {  	v6, _, _ =	vpop (xrf0);
	v37 =	vbroadcast v2, $0xF;
	v33 =	vadd.s32 s12, v2;
	v45 =	vld.idx.msk [tilespmem:v60+s20+$0x0], $0xffff;
	v2 =	vmin.f32 v3, v5;
	(xrf1) =	vsort.ascd.msk.f32 $0xffff, v1, v1  }
0x273: {  	s25 =	sadd.s32 $0x100, s25;
	s8 =	smov.u32 s7;
	v46 =	vadd.s32 s12, v6;
	v31 =	vld.idx.msk [tilespmem:v60+s21+$0x0], $0xffff;
	v47 =	vmax.f32 v3, v5;
	v44, _, _ =	vpop (xrf1);
	v34 =	vadd.s32 $0x1, v33;
	(xrf1) =	vsort.ascd.msk.f32 $0xffff, v2, v2  }
0x274: {  	_ = 	snop  }
0x275: {  	(xrf1) =	vsort.ascd.msk.f32 $0xffff, v47, v47;
	_ =	sdelay $0x2  }
0x276: {  	v1, _, _ =	vpop (xrf1)  }
0x277: {  	v2, _, _ =	vpop (xrf1)  }
0x278: {  	v3, _, _ =	vpop (xrf1)  }
0x279: {  	v5, _, _ =	vpop (xrf1)  }
0x27a: {  	v6, _, _ =	vpop (xrf1)  }
0x27b: {  	v8, _, _ =	vpop (xrf1)  }
0x27c: {  	v6 =	vperm.xlane v6, v4;
	v9, _, _ =	vpop (xrf1)  }
0x27d: {  	v7 =	vadd.s32 v37, v46;
	v10 =	vmul.f32 v35, v13;
	v8 =	vperm.xlane v8, v4;
	v12, _, _ =	vpop (xrf1)  }
0x27e: {  	v63 =	vsub.f32 v45, v0;
	(xrf1) =	vsort.ascd.msk.f32 $0xffff, v41, v41;
	v15 =	vmin.f32 v9, v6;
	v60, _, _ =	vpop (xrf1)  }
0x27f: {  	(xrf1) =	vsort.ascd.msk.f32 $0xffff, v40, v40;
	v14 =	vmin.f32 v5, v8;
	v35 =	vperm.xlane v60, v4  }
0x280: {  	v11 =	vadd.s32 $0x1, v7;
	(xrf1) =	vsort.ascd.msk.f32 $0xffff, v42, v42;
	v12 =	vperm.xlane v12, v4;
	v61 =	vmin.f32 v14, v15;
	v62, _, _ =	vpop (xrf1)  }
0x281: {  	v14 =	vmax.f32 v14, v15;
	(xrf1) =	vsort.ascd.msk.f32 $0xffff, v61, v61;
	v15, _, _ =	vpop (xrf1);
	v48 =	vmin.f32 v62, v35  }
0x282: {  	(erf) = vrcp.f32 v10;
	v49 =	vmin.f32 v15, v12;
	(xrf1) =	vsort.ascd.msk.f32 $0xffff, v14, v14;
	v35 =	vmax.f32 v62, v35  }
0x283: {  	v12 =	vmax.f32 v15, v12;
	v15 =	vmul.f32 v63, v13;
	v50 =	vmin.f32 v48, v49  }
0x284: {  	v46 =	vld.idx.msk [tilespmem:v7+s20+$0x0], $0xffff;
	v6 =	vmax.f32 v9, v6;
	v40 =	vmin.f32 v35, v12;
	(xrf1) =	vsort.ascd.msk.f32 $0xffff, v50, v50  }
0x285: {  	v14 =	vld.idx.msk [tilespmem:v11+s20+$0x0], $0xffff;
	v52 =	vmax.f32 v35, v12;
	(erf) = vrcp.f32 v15;
	(xrf1) =	vsort.ascd.msk.f32 $0xffff, v40, v40  }
0x286: {  	v5 =	vmax.f32 v5, v8;
	v53 =	vmax.f32 v48, v49;
	(xrf1) =	vsort.ascd.msk.f32 $0xffff, v52, v52  }
0x287: {  	v51 =	vld.idx.msk [tilespmem:v34+s20+$0x0], $0xffff;
	v12 =	vmin.f32 v5, v6;
	(xrf1) =	vsort.ascd.msk.f32 $0xffff, v53, v53  }
0x288: {  	v56 =	vld.idx.msk [tilespmem:v33+s20+$0x0], $0xffff;
	v5 =	vmax.f32 v5, v6;
	v6 =	vsub.f32 v29, v36;
	(xrf1) =	vsort.ascd.msk.f32 $0xffff, v12, v12  }
0x289: {  	v0 =	vsub.f32 v27, v0;
	v36 =	vperm.xlane v1, v4  }
0x28a: {  	v57 =	vld.idx.msk [tilespmem:v32+s21+$0x0], $0xffff;
	v1 =	vmul.f32 v6, v13;
	v6 =	vsub.f32 v14, v46;
	(xrf1) =	vsort.ascd.msk.f32 $0xffff, v5, v5  }
0x28b: {  	vm3 =	vlt.f32 v10, $9.999999740e-06;
	v0 =	vmul.f32 v0, v13;
	v7 =	vld.idx.msk [tilespmem:v7+s21+$0x0], $0xffff;
	v35 =	vperm.xlane v2, v4;
	v2 =	vpop (erf)  }
0x28c: {  	v41 =	vperm.xlane v44, v4;
	v21 =	vsub.f32 v21, v46;
	v11 =	vld.idx.msk [tilespmem:v11+s21+$0x0], $0xffff;
	v27, _, _ =	vpop (xrf1);
	v6 =	vmul.f32 v6, v13  }
0x28d: {  	v40 =	vperm.xlane v3, v4;
	v3 =	vsub.f32 v51, v56;
	v51 =	vld [tilespmem:$0x1FF00];
	v2 =	vmul.f32 v2, v1;
	v29, _, _ =	vpop (xrf1)  }
0x28e: {  	v8 =	vsub.f32 v22, v56;
	v52 =	vld [tilespmem:$0x1FF20];
	v5 =	vsub.f32 v43, v30;
	v14 =	vpop (erf);
	(erf) = vrcp.f32 v6  }
0x28f: {  	v50 =	vld [tilespmem:$0x1FF10];
	v3 =	vmul.f32 v3, v13;
	v1 =	vsel vm3, v1, v2;
	v2 =	vsub.f32 v31, v57;
	v32, _, _ =	vpop (xrf1)  }
0x290: {  	vm4 =	vlt.f32 v15, $9.999999740e-06;
	v53 =	vld [tilespmem:$0x1FF30];
	v1 =	vmul.f32 v1, v5;
	v14 =	vmul.f32 v14, v0;
	v15, _, _ =	vpop (xrf1)  }
0x291: {  	v59 =	vmul.f32 v21, v13;
	(erf) = vrcp.f32 v3;
	v42, _, _ =	vpop (xrf1)  }
0x292: {  	v8 =	vmul.f32 v8, v13;
	v1 =	vadd.f32 v1, v30;
	v0 =	vsel vm4, v0, v14;
	v5, _, _ =	vpop (xrf1)  }
0x293: {  	v10 =	vmin.f32 v51, v40;
	v12 =	vmin.f32 v52, v36;
	v0 =	vmul.f32 v0, v2;
	v2, _, _ =	vpop (xrf1)  }
0x294: {  	v11 =	vsub.f32 v11, v7;
	v37 =	vmin.f32 v50, v35;
	v44 =	vmin.f32 v10, v12;
	v13, _, _ =	vpop (xrf1)  }
0x295: {  	(xrf1) =	vsort.ascd.msk.f32 $0xffff, v1, v1;
	v14 =	vmin.f32 v53, v41;
	v0 =	vadd.f32 v0, v57;
	v61, _, _ =	vpop (xrf1)  }
0x296: {  	v62 =	vld.idx.msk [tilespmem:v34+s21+$0x0], $0xffff;
	v60 =	vmin.f32 v37, v14;
	v2 =	vperm.xlane v2, v4;
	v46 =	vperm.xlane v13, v4;
	v1, _, _ =	vpop (xrf1)  }
0x297: {  	v63 =	vld.idx.msk [tilespmem:v33+s21+$0x0], $0xffff;
	v5 =	vperm.xlane v5, v4;
	(xrf1) =	vsort.ascd.msk.f32 $0xffff, v0, v0;
	v9 =	vperm.xlane v61, v4;
	v13 =	vpop (erf)  }
0x298: {  	v48 =	vmin.f32 v44, v60;
	v0 =	vmax.f32 v42, v2;
	v47, _, _ =	vpop (xrf1);
	v22 =	vmax.f32 v15, v46  }
0x299: {  	v49 =	vmul.f32 v13, v59;
	v31 =	vmax.f32 v1, v9;
	v30 =	vmax.f32 v47, v5  }
0x29a: {  	vm3 =	vlt.f32 v6, $9.999999740e-06;
	(xrf1) =	vsort.ascd.msk.f32 $0xffff, v48, v48;
	v6 =	vpop (erf);
	v13 =	vmax.f32 v22, v31;
	v21 =	vmax.f32 v0, v30  }
0x29b: {  	v6 =	vmul.f32 v6, v8;
	v43 =	vsel vm3, v59, v49;
	v56 =	vmax.f32 v13, v21  }
0x29c: {  	vm3 =	vlt.f32 v3, $9.999999740e-06;
	v3 =	vsub.f32 v62, v63;
	v11 =	vmul.f32 v43, v11;
	(xrf1) =	vsort.ascd.msk.f32 $0xffff, v56, v56  }
0x29d: {  	v6 =	vsel vm3, v8, v6;
	(xrf1) =	vsort.ascd.msk.f32 $0xffff, v39, v39  }
0x29e: {  	v3 =	vmul.f32 v6, v3;
	v6 =	vadd.f32 v11, v7;
	(xrf1) =	vsort.ascd.msk.f32 $0xffff, v38, v38  }
0x29f: {  	(xrf1) =	vsort.ascd.msk.f32 $0xffff, v28, v28  }
0x2a0: {  	v3 =	vadd.f32 v3, v63;
	(xrf1) =	vsort.ascd.msk.f32 $0xffff, v6, v6;
	_ =	sdelay $0x1  }
0x2a1: {  	(xrf1) =	vsort.ascd.msk.f32 $0xffff, v3, v3;
	_ =	sdelay $0x1  }
0x2a2: {  	v3, _, _ =	vpop (xrf1)  }
0x2a3: {  	v6, _, _ =	vpop (xrf1)  }
0x2a4: {  	v6 =	vperm.xlane v6, v4;
	_ =	sdelay $0x1  }
0x2a5: {  	v7 =	vmin.f32 v3, v6;
	v3 =	vmax.f32 v3, v6  }
0x2a6: {  	v8, _, _ =	vpop (xrf1);
	(xrf1) =	vsort.ascd.msk.f32 $0xffff, v7, v7  }
0x2a7: {  	(xrf1) =	vsort.ascd.msk.f32 $0xffff, v3, v3;
	v6, _, _ =	vpop (xrf1)  }
0x2a8: {  	(xrf1) =	vsort.ascd.msk.f32 $0xffff, v55, v55;
	v3, _, _ =	vpop (xrf1)  }
0x2a9: {  	(xrf1) =	vsort.ascd.msk.f32 $0xffff, v18, v18;
	v7, _, _ =	vpop (xrf1)  }
0x2aa: {  	(xrf1) =	vsort.ascd.msk.f32 $0xffff, v20, v20;
	v11, _, _ =	vpop (xrf1)  }
0x2ab: {  	(xrf1) =	vsort.ascd.msk.f32 $0xffff, v17, v17;
	v17, _, _ =	vpop (xrf1)  }
0x2ac: {  	(xrf1) =	vsort.ascd.msk.f32 $0xffff, v19, v19;
	v17 =	vperm.xlane v17, v4  }
0x2ad: {  	v18, _, _ =	vpop (xrf1);
	(xrf1) =	vsort.ascd.msk.f32 $0xffff, v54, v54  }
0x2ae: {  	(xrf1) =	vsort.ascd.msk.f32 $0xffff, v16, v16;
	v16 =	vmin.f32 v18, v17  }
0x2af: {  	v17 =	vmax.f32 v18, v17;
	(xrf1) =	vsort.ascd.msk.f32 $0xffff, v16, v16  }
0x2b0: {  	(xrf1) =	vsort.ascd.msk.f32 $0xffff, v17, v17;
	_ =	sdelay $0x3  }
0x2b1: {  	v16, _, _ =	vpop (xrf1)  }
0x2b2: {  	v17, _, _ =	vpop (xrf1)  }
0x2b3: {  	v18, _, _ =	vpop (xrf1)  }
0x2b4: {  	v19, _, _ =	vpop (xrf1)  }
0x2b5: {  	v20, _, _ =	vpop (xrf1)  }
0x2b6: {  	v28, _, _ =	vpop (xrf1)  }
0x2b7: {  	v33, _, _ =	vpop (xrf1)  }
0x2b8: {  	v34, _, _ =	vpop (xrf1)  }
0x2b9: {  	v38, _, _ =	vpop (xrf1)  }
0x2ba: {  	v57, _, _ =	vpop (xrf1)  }
0x2bb: {  	v59, _, _ =	vpop (xrf1)  }
0x2bc: {  	v39 =	vperm.xlane v57, v4;
	v43 =	vperm.xlane v59, v4;
	_ =	sdelay $0x1  }
0x2bd: {  	v44 =	vmax.f32 v44, v60;
	v61 =	vmin.f32 v17, v39;
	v60 =	vmin.f32 v16, v43  }
0x2be: {  	(xrf1) =	vsort.ascd.msk.f32 $0xffff, v44, v44;
	v17 =	vmax.f32 v17, v39;
	v62 =	vmin.f32 v60, v61  }
0x2bf: {  	v16 =	vmax.f32 v16, v43;
	v63 =	vmax.f32 v60, v61;
	(xrf1) =	vsort.ascd.msk.f32 $0xffff, v62, v62  }
0x2c0: {  	v45 =	vmin.f32 v16, v17;
	(xrf1) =	vsort.ascd.msk.f32 $0xffff, v63, v63  }
0x2c1: {  	v16 =	vmax.f32 v16, v17;
	(xrf1) =	vsort.ascd.msk.f32 $0xffff, v45, v45  }
0x2c2: {  	(xrf1) =	vsort.ascd.msk.f32 $0xffff, v16, v16;
	_ =	sdelay $0x8  }
0x2c3: {  	v10 =	vmax.f32 v10, v12  }
0x2c4: {  	v14 =	vmax.f32 v37, v14;
	v48 =	vmax.f32 v52, v36;
	v2 =	vmin.f32 v42, v2;
	v12, _, _ =	vpop (xrf1)  }
0x2c5: {  	v15 =	vmin.f32 v15, v46;
	v1 =	vmin.f32 v1, v9;
	v5 =	vmin.f32 v47, v5;
	v52, _, _ =	vpop (xrf1)  }
0x2c6: {  	s0 =	sadd.s32 $0x100, s7;
	v49 =	vmax.f32 v53, v41;
	v55 =	vmin.f32 v10, v14;
	v10 =	vmax.f32 v10, v14;
	v53, _, _ =	vpop (xrf1)  }
0x2c7: {  	[tilespmem:s0+$0x70] =	vst v6;
	v6 =	vmin.f32 v15, v1;
	v17 =	vmax.f32 v50, v35;
	v16 =	vmax.f32 v51, v40;
	v54, _, _ =	vpop (xrf1)  }
0x2c8: {  	v51 =	vmin.f32 v17, v49;
	v40 =	vperm.xlane v52, v4;
	v35 =	vperm.xlane v53, v4;
	v56, _, _ =	vpop (xrf1)  }
0x2c9: {  	v50 =	vmin.f32 v16, v48;
	v9 =	vperm.xlane v54, v4;
	v14 =	vperm.xlane v56, v4  }
0x2ca: {  	[tilespmem:s6+$0xFFFFFFA0] =	vst v27;
	(xrf1) =	vsort.ascd.msk.f32 $0xffff, v55, v55;
	v27 =	vmin.f32 v50, v51;
	v60 =	vmin.f32 v23, v40  }
0x2cb: {  	[tilespmem:s6+$0xFFFFFFB0] =	vst v29;
	v59 =	vmin.f32 v24, v35;
	v57 =	vmin.f32 v26, v9;
	v29 =	vmin.f32 v25, v14  }
0x2cc: {  	(xrf1) =	vsort.ascd.msk.f32 $0xffff, v10, v10;
	v62 =	vmin.f32 v57, v60;
	v61 =	vmin.f32 v29, v59  }
0x2cd: {  	v17 =	vmax.f32 v17, v49;
	(xrf1) =	vsort.ascd.msk.f32 $0xffff, v27, v27;
	v27 =	vmin.f32 v61, v62  }
0x2ce: {  	v16 =	vmax.f32 v16, v48;
	v39 =	vmax.f32 v50, v51;
	(xrf1) =	vsort.ascd.msk.f32 $0xffff, v27, v27  }
0x2cf: {  	[tilespmem:s6+$0xFFFFFFD0] =	vst v3;
	v63 =	vmin.f32 v2, v5;
	v3 =	vmin.f32 v16, v17;
	(xrf1) =	vsort.ascd.msk.f32 $0xffff, v39, v39  }
0x2d0: {  	[tilespmem:s6+$0xFFFFFFC0] =	vst v32;
	v2 =	vmax.f32 v2, v5;
	v5 =	vmax.f32 v16, v17;
	(xrf1) =	vsort.ascd.msk.f32 $0xffff, v3, v3  }
0x2d1: {  	[tilespmem:s6+$0xFFFFFFE0] =	vst v7;
	v7 =	vmin.f32 v6, v63;
	(xrf1) =	vsort.ascd.msk.f32 $0xffff, v5, v5  }
0x2d2: {  	[tilespmem:s8+$0xFFFFFF80] =	vst v8;
	v1 =	vmax.f32 v15, v1;
	v5 =	vmax.f32 v6, v63;
	(xrf1) =	vsort.ascd.msk.f32 $0xffff, v7, v7  }
0x2d3: {  	v0 =	vmin.f32 v0, v30;
	[tilespmem:s6+$0xFFFFFFF0] =	vst v11;
	v6 =	vmin.f32 v1, v2;
	(xrf1) =	vsort.ascd.msk.f32 $0xffff, v5, v5  }
0x2d4: {  	[tilespmem:s8+$0x0] =	vst v18;
	v3 =	vmin.f32 v22, v31;
	v1 =	vmax.f32 v1, v2;
	(xrf1) =	vsort.ascd.msk.f32 $0xffff, v6, v6  }
0x2d5: {  	[tilespmem:s8+$0x10] =	vst v19;
	v2 =	vmin.f32 v3, v0;
	(xrf1) =	vsort.ascd.msk.f32 $0xffff, v1, v1  }
0x2d6: {  	[tilespmem:s8+$0x20] =	vst v20;
	v0 =	vmax.f32 v3, v0;
	(xrf1) =	vsort.ascd.msk.f32 $0xffff, v2, v2  }
0x2d7: {  	[tilespmem:s8+$0x30] =	vst v28;
	v3 =	vmin.f32 v13, v21;
	v7 =	vmax.f32 v29, v59;
	(xrf1) =	vsort.ascd.msk.f32 $0xffff, v0, v0  }
0x2d8: {  	[tilespmem:s8+$0x40] =	vst v33;
	v5 =	vmax.f32 v25, v14;
	(xrf1) =	vsort.ascd.msk.f32 $0xffff, v3, v3;
	v3 =	vmax.f32 v61, v62  }
0x2d9: {  	[tilespmem:s8+$0x50] =	vst v34;
	v6 =	vmax.f32 v24, v35;
	v1 =	vmax.f32 v26, v9;
	v2 =	vmax.f32 v23, v40  }
0x2da: {  	[tilespmem:s8+$0x60] =	vst v38;
	v42, _, _ =	vpop (xrf1);
	v43 =	vmin.f32 v5, v6;
	v0 =	vmax.f32 v57, v60;
	v45 =	vmin.f32 v1, v2  }
0x2db: {  	[tilespmem:s8+$0xFFFFFF90] =	vst v12;
	v44 =	vmin.f32 v7, v0;
	v0 =	vmax.f32 v7, v0;
	(xrf1) =	vsort.ascd.msk.f32 $0xffff, v3, v3;
	v3, _, _ =	vpop (xrf1)  }
0x2dc: {  	(xrf1) =	vsort.ascd.msk.f32 $0xffff, v44, v44;
	v7, _, _ =	vpop (xrf1);
	[tilespmem:s8+$0xFFFFFFB0] =	vst v3;
	v3 =	vmax.f32 v5, v6;
	v5 =	vmin.f32 v43, v45  }
0x2dd: {  	[tilespmem:s8+$0xFFFFFFA0] =	vst v42;
	(xrf1) =	vsort.ascd.msk.f32 $0xffff, v0, v0;
	v0 =	vmax.f32 v1, v2;
	v2 =	vmax.f32 v43, v45;
	v1, _, _ =	vpop (xrf1)  }
0x2de: {  	(xrf1) =	vsort.ascd.msk.f32 $0xffff, v5, v5;
	[tilespmem:s0+$0xFFFFFF80] =	vst v1;
	v1 =	vmin.f32 v3, v0  }
0x2df: {  	[tilespmem:s8+$0xFFFFFFC0] =	vst v7;
	(xrf1) =	vsort.ascd.msk.f32 $0xffff, v2, v2;
	v0 =	vmax.f32 v3, v0;
	v5, _, _ =	vpop (xrf1)  }
0x2e0: {  	v2, _, _ =	vpop (xrf1);
	[tilespmem:s8+$0xFFFFFFD0] =	vst v5;
	(xrf1) =	vsort.ascd.msk.f32 $0xffff, v1, v1  }
0x2e1: {  	v1, _, _ =	vpop (xrf1);
	[tilespmem:s8+$0xFFFFFFE0] =	vst v2;
	(xrf1) =	vsort.ascd.msk.f32 $0xffff, v0, v0  }
0x2e2: {  	v0, _, _ =	vpop (xrf1);
	[tilespmem:s8+$0xFFFFFFF0] =	vst v1  }
0x2e3: {  	v1, _, _ =	vpop (xrf1);
	[tilespmem:s0+$0x0] =	vst v0  }
0x2e4: {  	v0, _, _ =	vpop (xrf1);
	[tilespmem:s0+$0x10] =	vst v1  }
0x2e5: {  	v1, _, _ =	vpop (xrf1);
	[tilespmem:s0+$0x20] =	vst v0  }
0x2e6: {  	v0, _, _ =	vpop (xrf1);
	[tilespmem:s0+$0x30] =	vst v1  }
0x2e7: {  	v1, _, _ =	vpop (xrf1);
	[tilespmem:s0+$0x40] =	vst v0  }
0x2e8: {  	v0, _, _ =	vpop (xrf1);
	[tilespmem:s0+$0x50] =	vst v1  }
0x2e9: {  	[tilespmem:s0+$0x60] =	vst v0;
	v0, _, _ =	vpop (xrf1)  }
0x2ea: {  	[tilespmem:s0+$0xFFFFFF90] =	vst v0;
	v0, _, _ =	vpop (xrf1)  }
0x2eb: {  	v1, _, _ =	vpop (xrf1);
	[tilespmem:s0+$0xFFFFFFA0] =	vst v0  }
0x2ec: {  	v0, _, _ =	vpop (xrf1);
	[tilespmem:s0+$0xFFFFFFB0] =	vst v1  }
0x2ed: {  	[tilespmem:s0+$0xFFFFFFC0] =	vst v0;
	v0, _, _ =	vpop (xrf1)  }
0x2ee: {  	v1, _, _ =	vpop (xrf1);
	[tilespmem:s0+$0xFFFFFFD0] =	vst v0  }
0x2ef: {  	p1 =	seq.s32 s29, $0xF;
	v0, _, _ =	vpop (xrf1);
	[tilespmem:s0+$0xFFFFFFE0] =	vst v1  }
0x2f0: {  	s13 =	sadd.s32 s31, s10;
	[tilespmem:s0+$0xFFFFFFF0] =	vst v0;
	s0 =	sadd.s32 @!p1 s31, s11  }
0x2f1: {  	[hbm4b:s13+s2] =	stream.linear.scatter [tilespmem:s22], [sflag:$0x3], $0x4000, $0x38;
	[tilespmem:$0x1E080] =	vst v63  }
0x2f2: {  	s3 =	simm.s32 @!p1 $0x0;
	s1 =	sadd.s32 @!p1 s4, s0  }
0x2f3: {  	[tilespmem:s3], [sflag:$0x1] =	stream.linear.gather @!p1 [hbm4b:s1+s3], $0x4000, $0x38;
	[tilespmem:$0x1E080] =	vst v63  }
0x2f4: {  	s0 =	sadd.s32 @!p1 s5, s0;
	s1 =	simm.s32 @!p1 $0x4000  }
0x2f5: {  	[tilespmem:s1], [sflag:$0x1] =	stream.linear.gather @!p1 [hbm4b:s0+s3], $0x4000, $0x38;
	[tilespmem:$0x1E080] =	vst v63  }
0x2f6: {  	_ =	swait.ge [sflag:s23], $0x4000  }
0x2f7: {  	[sflag:s23] =	ssyncset.done $0x0  }
0x2f8: {  	[sflag:s23] =	ssyncadd.s32 $0xFFFFC000  }
0x2f9: {  	_ =	swait.ge [sflag:s23], $0x4000  }
0x2fa: {  	[sflag:s23] =	ssyncset.done $0x0  }
0x2fb: {  	s0 =	simm.s32 @!p0 $0x4;
	[sflag:s23] =	ssyncadd.s32 $0xFFFFC000  }
0x2fc: {  	_ =	swait.ge @!p0 [sflag:s0], $0x4000  }
0x2fd: {  	[sflag:s0] =	ssyncset.done @!p0 $0x0  }
0x2fe: {  	s14 =	simm.s32 $0x10080;
	[sflag:s0] =	ssyncadd.s32 @!p0 $0xFFFFC000  }
0x2ff: {  	v0 =	vld [tilespmem:s14+$0x10]  }
0x300: {  	v1 =	vld [tilespmem:s14+$0x0];
	_ =	sdelay $0x4  }
0x301: {  	v3 =	vlaneseq.u32;
	v0 =	vadd.f32 $9.999999740e-06, v0;
	v1 =	vadd.f32 $9.999999740e-06, v1  }
0x302: {  	vm3 =	veq.s32 v3, $0x0  }
0x303: {  	v2 =	vld [tilespmem:s14+$0x20];
	(xrf2) =	vadd.scan.msk.f32 $0xffff, v0;
	v0 =	vsel vm3, $0x0, v1  }
0x304: {  	(xrf2) =	vadd.scan.msk.f32 $0xffff, v0;
	v0 =	vld [tilespmem:s14+$0x30];
	_ =	sdelay $0x3  }
0x305: {  	v1 =	vadd.f32 $9.999999740e-06, v2  }
0x306: {  	v0 =	vadd.f32 $9.999999740e-06, v0  }
0x307: {  	vm4 =	veq.s32 v3, $0xF;
	(xrf2) =	vadd.scan.msk.f32 $0xffff, v1  }
0x308: {  	v0 =	vsel vm4, $0x0, v0;
	_ =	sdelay $0x1  }
0x309: {  	v1 =	vld [tilespmem:s14+$0xFFFFFF80];
	v2, _, _ =	vpop (xrf2)  }
0x30a: {  	(xrf2) =	vadd.scan.msk.f32 $0xffff, v0;
	v0, _, _ =	vpop (xrf2)  }
0x30b: {  	v5 =	vld [tilespmem:s14+$0xFFFFFF90];
	v3 =	vbroadcast v0, $0xF;
	_ =	sdelay $0x1  }
0x30c: {  	v2 =	vadd.f32 v3, v2  }
0x30d: {  	v1 =	vadd.f32 $9.999999740e-06, v1  }
0x30e: {  	v3 =	vbroadcast v2, $0xF  }
0x30f: {  	v5 =	vadd.f32 $9.999999740e-06, v5;
	v1 =	vsel vm3, $0x0, v1;
	v6, _, _ =	vpop (xrf2)  }
0x310: {  	(xrf2) =	vadd.scan.msk.f32 $0xffff, v1;
	v3 =	vadd.f32 v3, v6;
	_ =	sdelay $0x1  }
0x311: {  	(xrf2) =	vadd.scan.msk.f32 $0xffff, v5;
	v1 =	vbroadcast v3, $0xF  }
0x312: {  	s15 =	simm.s32 $0xC080;
	v35 =	vld [tilespmem:$0x1FFE0];
	v5, _, _ =	vpop (xrf2)  }
0x313: {  	v46 =	vld [tilespmem:s15+$0x0];
	v1 =	vadd.f32 v1, v5  }
0x314: {  	v13 =	vld [tilespmem:s15+$0x30]  }
0x315: {  	v14 =	vld [tilespmem:s15+$0x10];
	v15 =	vbroadcast v1, $0xF  }
0x316: {  	v12 =	vld [tilespmem:s15+$0x20]  }
0x317: {  	(erf) = vrcp.f32 v15;
	_ =	sdelay $0x1  }
0x318: {  	v7 =	vperm.xlane v13, v35;
	v49 =	vperm.xlane v46, v35;
	v17, _, _ =	vpop (xrf2)  }
0x319: {  	v19 =	vld [tilespmem:s14+$0xFFFFFFA0];
	v50 =	vbroadcast v14, $0x0;
	v6 =	vbroadcast v17, $0xF  }
0x31a: {  	v16 =	vperm.xlane v12, v35;
	v20 =	vbroadcast v13, $0x0;
	v5 =	vld [tilespmem:s14+$0xFFFFFFB0];
	v48, _, _ =	vpop (xrf2)  }
0x31b: {  	v51 =	vbroadcast v12, $0x0;
	v18 =	vadd.f32 v6, v48;
	v6 =	vperm.xlane v14, v35  }
0x31c: {  	v9 =	vsel vm0, v50, v49;
	v52 =	vsub.f32 v13, v7;
	v53 =	vsel vm0, v20, v16  }
0x31d: {  	v22 =	vsub.f32 v46, v9;
	v24 =	vsub.f32 v12, v53;
	v6 =	vsel vm0, v51, v6  }
0x31e: {  	v19 =	vadd.f32 $9.999999740e-06, v19;
	v10 =	vmul.f32 $5.000000000e-01, v52;
	v23 =	vsub.f32 v14, v6  }
0x31f: {  	v22 =	vmul.f32 $5.000000000e-01, v22;
	v24 =	vmul.f32 $5.000000000e-01, v24;
	v5 =	vadd.f32 $9.999999740e-06, v5;
	v16 =	vpop (erf)  }
0x320: {  	v60 =	vimm.s32 $0x0;
	v23 =	vmul.f32 $5.000000000e-01, v23;
	v25 =	vmul.f32 $6.300000000e+01, v16  }
0x321: {  	v7 =	vadd.f32 v10, v7;
	(xrf2) =	vadd.scan.msk.f32 $0xffff, v19;
	v21 =	vbroadcast v18, $0xF;
	v5 =	vsel vm4, $0x0, v5  }
0x322: {  	(xrf2) =	vadd.scan.msk.f32 $0xffff, v5;
	v5 =	vadd.f32 v23, v6;
	v54 =	vmul.f32 v25, v2;
	v6 =	vmul.f32 v25, v0  }
0x323: {  	s16 =	simm.s32 $0x18020;
	s25 =	simm.s32 $0x40;
	v9 =	vadd.f32 v22, v9;
	v19 =	vmul.f32 v25, v3;
	v23 =	vmul.f32 v25, v1  }
0x324: {  	s13 =	sor.u32 $0x50, s25;
	[tilespmem:s16+$0x20] =	vst v0;
	v0 =	vsel vm4, $0x7F800000, v1;
	v22 =	vtrunc.f32 v54;
	v1 =	vtrunc.f32 v6  }
0x325: {  	s12 =	sor.u32 $0x60, s25;
	v20 =	vld [tilespmem:s15+$0xFFFFFF90];
	v8 =	vadd.f32 v24, v53;
	[tilespmem:s13+$0x18000] =	vst v2;
	v24 =	vtrunc.f32 v19;
	v55 =	vtrunc.f32 v23  }
0x326: {  	s26 =	sor.u32 $0x70, s25;
	[tilespmem:s12+$0x18000] =	vst v3;
	v2 =	vcvt.f32.s32 v22;
	v3 =	vcvt.f32.s32 v1;
	vm6 =	vgt.f32 v6, v1  }
0x327: {  	s28 =	simm.s32 $0x1A020;
	[tilespmem:s26+$0x18000] =	vst v0;
	vm5 =	vgt.f32 v54, v22;
	v1 =	vcvt.f32.s32 v24;
	v0 =	vsel vm6, $0x1, v60  }
0x328: {  	[tilespmem:s28+$0x20] =	vst v9;
	v6 =	vcvt.f32.s32 v55;
	vm6 =	vgt.f32 v19, v24;
	v0 =	vadd.s32 v3, v0  }
0x329: {  	v56 =	vld [tilespmem:s15+$0xFFFFFFA0];
	[tilespmem:s13+$0x1A000] =	vst v5;
	v3 =	vsel vm5, $0x1, v60;
	vm5 =	vgt.f32 v23, v55;
	v5 =	vsel vm6, $0x1, v60  }
0x32a: {  	(xrf1) =	vsort.ascd.msk.f32 $0xffff, v20, v20;
	v19 =	vld [tilespmem:s15+$0xFFFFFFB0];
	vm7 =	vlt.s32 v0, $0x40;
	v10 =	vsel vm5, $0x1, v60;
	v2 =	vadd.s32 v2, v3  }
0x32b: {  	[tilespmem:s12+$0x1A000] =	vst v8;
	v1 =	vadd.s32 v1, v5;
	v0 =	vadd.s32 s25, v0;
	vm5 =	vmand vm7, vm1  }
0x32c: {  	s31 =	simm.s32 $0x1C020;
	[tilespmem:s26+$0x1A000] =	vst v7;
	vm6 =	vlt.s32 v2, $0x40;
	v3 =	vadd.s32 v6, v10;
	v2 =	vadd.s32 s25, v2;
	v5, _, _ =	vpop (xrf2)  }
0x32d: {  	[tilespmem:s31+$0x20] =	vst v60;
	vm7 =	vlt.s32 v1, $0x40;
	vm8 =	vlt.s32 v3, $0x40;
	v5 =	vadd.f32 v21, v5  }
0x32e: {  	(xrf1) =	vsort.ascd.msk.f32 $0xffff, v56, v56;
	[tilespmem:s13+$0x1C000] =	vst v60;
	v1 =	vadd.s32 s25, v1;
	vm8 =	vmand vm8, vm2  }
0x32f: {  	v6 =	vld [tilespmem:s15+$0xFFFFFF80];
	[tilespmem:s12+$0x1C000] =	vst v60;
	v3 =	vadd.s32 s25, v3;
	(xrf1) =	vsort.ascd.msk.f32 $0xffff, v19, v19;
	v7 =	vbroadcast v5, $0xF  }
0x330: {  	[tilespmem:s26+$0x1C000] =	vst v60;
	v57, _, _ =	vpop (xrf2);
	v21 =	vimm.s32 $0x1  }
0x331: {  	[tilespmem:v0+s19+$0x0] =	vst.idx.add.s32.msk vm5, v21;
	v0 =	vadd.f32 v7, v57  }
0x332: {  	[tilespmem:v2+s19+$0x0] =	vst.idx.add.s32.msk vm6, v21  }
0x333: {  	[tilespmem:v1+s19+$0x0] =	vst.idx.add.s32.msk vm7, v21;
	v59 =	vbroadcast v0, $0xF  }
0x334: {  	(xrf1) =	vsort.ascd.msk.f32 $0xffff, v6, v6;
	v7 =	vbroadcast v20, $0x0;
	[tilespmem:v3+s19+$0x0] =	vst.idx.add.s32.msk vm8, v21  }
0x335: {  	v3 =	vperm.xlane v6, v35;
	v1 =	vld [tilespmem:s31+$0x20];
	(erf) = vrcp.f32 v59;
	_ =	sdelay $0x1  }
0x336: {  	v22 =	vbroadcast v19, $0x0;
	v2 =	vld [tilespmem:s13+$0x1C000];
	v3 =	vsel vm0, v7, v3;
	v7 =	vperm.xlane v56, v35  }
0x337: {  	v48 =	vperm.xlane v20, v35;
	v21 =	vbroadcast v56, $0x0  }
0x338: {  	v6 =	vsub.f32 v6, v3;
	v7 =	vsel vm0, v22, v7  }
0x339: {  	v23 =	vld [tilespmem:s12+$0x1C000];
	v9 =	vsub.f32 v56, v7;
	(xrf0) =	vadd.scan.msk.s32 $0xffff, v1;
	v1 =	vsel vm0, v21, v48;
	v21 =	vperm.xlane v19, v35  }
0x33a: {  	v49, _, _ =	vpop (xrf1);
	v20 =	vsub.f32 v20, v1  }
0x33b: {  	v6 =	vmul.f32 $5.000000000e-01, v6;
	(xrf0) =	vadd.scan.msk.s32 $0xffff, v2;
	v2, _, _ =	vpop (xrf1);
	v19 =	vsub.f32 v19, v21  }
0x33c: {  	v22 =	vld [tilespmem:s26+$0x1C000];
	v24, _, _ =	vpop (xrf1);
	v20 =	vmul.f32 $5.000000000e-01, v20  }
0x33d: {  	v26 =	vmul.f32 $5.000000000e-01, v9;
	v3 =	vadd.f32 v6, v3;
	v9 =	vpop (erf);
	v6 =	vmul.f32 $5.000000000e-01, v19  }
0x33e: {  	[tilespmem:s16+$0xFFFFFFF0] =	vst v18;
	(xrf0) =	vadd.scan.msk.s32 $0xffff, v23;
	v19 =	vperm.xlane v24, v4;
	v23 =	vmul.f32 $6.300000000e+01, v9  }
0x33f: {  	v8 =	vperm.xlane v49, v4;
	[tilespmem:s16+$0xFFFFFFE0] =	vst v17;
	v1 =	vadd.f32 v20, v1;
	v6 =	vadd.f32 v6, v21  }
0x340: {  	[tilespmem:s16+$0x0] =	vst v5;
	v21 =	vmin.f32 v2, v19;
	v2 =	vmax.f32 v2, v19;
	v20, _, _ =	vpop (xrf0);
	v19 =	vmul.f32 v23, v17  }
0x341: {  	v25 =	vsel vm4, $0x7F800000, v0;
	v7 =	vadd.f32 v26, v7;
	v26, _, _ =	vpop (xrf1);
	(xrf0) =	vadd.scan.msk.s32 $0xffff, v22;
	v24 =	vbroadcast v20, $0xF  }
0x342: {  	[tilespmem:s16+$0x10] =	vst v25;
	v0 =	vmul.f32 v23, v0;
	v22, _, _ =	vpop (xrf0);
	v20 =	vadd.s32 s25, v20;
	v27 =	vtrunc.f32 v19  }
0x343: {  	[tilespmem:s28+$0x0] =	vst v7;
	v7 =	vadd.s32 $0x1, v20;
	v22 =	vadd.s32 v24, v22;
	v24 =	vmin.f32 v26, v8  }
0x344: {  	(xrf1) =	vsort.ascd.msk.f32 $0xffff, v21, v21;
	v8 =	vmax.f32 v26, v8;
	v26 =	vmul.f32 v23, v18;
	v25 =	vbroadcast v22, $0xF  }
0x345: {  	(xrf1) =	vsort.ascd.msk.f32 $0xffff, v2, v2;
	v21, _, _ =	vpop (xrf0);
	v23 =	vmul.f32 v23, v5;
	v28 =	vcvt.f32.s32 v27  }
0x346: {  	vm5 =	vgt.f32 v19, v27;
	(xrf1) =	vsort.ascd.msk.f32 $0xffff, v24, v24;
	v24 =	vtrunc.f32 v26;
	v2 =	vadd.s32 v21, v25  }
0x347: {  	[tilespmem:s28+$0xFFFFFFE0] =	vst v3;
	v21 =	vadd.s32 s25, v22;
	v22, _, _ =	vpop (xrf0);
	v25 =	vsel vm5, $0x1, v60;
	v19 =	vbroadcast v2, $0xF  }
0x348: {  	(xrf1) =	vsort.ascd.msk.f32 $0xffff, v8, v8;
	v50 =	vadd.s32 s25, v22;
	v22 =	vadd.s32 $0x1, v21;
	v3 =	vadd.s32 v28, v25;
	v28 =	vld.idx.msk [tilespmem:v20+s20+$0x0], $0xffff  }
0x349: {  	v5 =	vtrunc.f32 v23;
	v18 =	vcvt.f32.s32 v24;
	v29 =	vld.idx.msk [tilespmem:v7+s20+$0x0], $0xffff;
	v8 =	vadd.s32 v19, v50  }
0x34a: {  	vm5 =	vgt.f32 v26, v24;
	v17 =	vcvt.f32.s32 v5;
	v20 =	vld.idx.msk [tilespmem:v20+s21+$0x0], $0xffff;
	v19 =	vadd.s32 $0x1, v8  }
0x34b: {  	vm6 =	vgt.f32 v23, v5;
	v2 =	vadd.s32 s25, v2;
	v5 =	vsel vm5, $0x1, v60;
	v7 =	vld.idx.msk [tilespmem:v7+s21+$0x0], $0xffff  }
0x34c: {  	[tilespmem:s28+$0xFFFFFFF0] =	vst v1;
	v1 =	vsel vm6, $0x1, v60;
	v24 =	vadd.s32 $0x1, v2;
	vm5 =	vlt.s32 v3, $0x40;
	v23 =	vld.idx.msk [tilespmem:v21+s20+$0x0], $0xffff  }
0x34d: {  	s13 =	simm.s32 $0x0;
	v5 =	vadd.s32 v18, v5;
	v1 =	vadd.s32 v17, v1;
	vm5 =	vmand vm5, vm1;
	v25 =	vld.idx.msk [tilespmem:v22+s20+$0x0], $0xffff  }
0x34e: {  	[tilespmem:s28+$0x10] =	vst v6;
	v3 =	vadd.s32 s13, v3;
	v17 =	vtrunc.f32 v0;
	vm6 =	vlt.s32 v5, $0x40;
	v18 =	vld.idx.msk [tilespmem:v8+s20+$0x0], $0xffff  }
0x34f: {  	[tilespmem:s31+$0xFFFFFFE0] =	vst v60;
	vm7 =	vlt.s32 v1, $0x40;
	v5 =	vadd.s32 s13, v5;
	v27 =	vcvt.f32.s32 v17;
	v6 =	vld.idx.msk [tilespmem:v19+s20+$0x0], $0xffff  }
0x350: {  	[tilespmem:s31+$0xFFFFFFF0] =	vst v60;
	vm15 =	vgt.f32 v0, v17;
	v0 =	vadd.s32 s13, v1;
	v26 =	vld.idx.msk [tilespmem:v2+s20+$0x0], $0xffff  }
0x351: {  	[tilespmem:s31+$0x0] =	vst v60;
	v1 =	vld.idx.msk [tilespmem:v24+s20+$0x0], $0xffff  }
0x352: {  	v47 =	vimm.s32 $0x1;
	[tilespmem:s31+$0x10] =	vst v60;
	v17 =	vsel vm15, $0x1, v60;
	v21 =	vld.idx.msk [tilespmem:v21+s21+$0x0], $0xffff  }
0x353: {  	v17 =	vadd.s32 v27, v17;
	v29 =	vsub.f32 v29, v28;
	v27, _, _ =	vpop (xrf1);
	[tilespmem:v3+s19+$0x0] =	vst.idx.add.s32.msk vm5, v47  }
0x354: {  	v30, _, _ =	vpop (xrf1);
	[tilespmem:v5+s19+$0x0] =	vst.idx.add.s32.msk vm6, v47;
	v5 =	vsub.f32 v25, v23;
	v3 =	vsub.f32 v6, v18  }
0x355: {  	vm12 =	vlt.s32 v17, $0x40;
	v27 =	vperm.xlane v27, v4;
	[tilespmem:v0+s19+$0x0] =	vst.idx.add.s32.msk vm7, v47;
	v6 =	vperm.xlane v30, v4;
	v30, _, _ =	vpop (xrf1)  }
0x356: {  	v2 =	vld.idx.msk [tilespmem:v2+s21+$0x0], $0xffff;
	v0 =	vsub.f32 v1, v26;
	v5 =	vmul.f32 v5, v16;
	v25, _, _ =	vpop (xrf1);
	v1 =	vmul.f32 v3, v16  }
0x357: {  	v62 =	vld [tilespmem:$0x1FFB0];
	v3 =	vmin.f32 v30, v6;
	v31 =	vmin.f32 v25, v27;
	v25 =	vmax.f32 v25, v27  }
0x358: {  	v27 =	vmin.f32 v3, v31;
	v3 =	vmax.f32 v3, v31;
	v31 =	vld [tilespmem:$0x1FFC0];
	(erf) = vrcp.f32 v1  }
0x359: {  	v17 =	vadd.s32 s13, v17;
	vm5 =	vmand vm12, vm2;
	v63 =	vld [tilespmem:$0x1FFD0];
	v0 =	vmul.f32 v0, v16  }
0x35a: {  	v29 =	vmul.f32 v29, v16;
	v8 =	vld.idx.msk [tilespmem:v8+s21+$0x0], $0xffff;
	v6 =	vmax.f32 v30, v6;
	(erf) = vrcp.f32 v5  }
0x35b: {  	v19 =	vld.idx.msk [tilespmem:v19+s21+$0x0], $0xffff;
	v30 =	vmin.f32 v6, v25;
	(erf) = vrcp.f32 v0  }
0x35c: {  	v6 =	vmax.f32 v6, v25;
	v25 =	vmul.f32 v15, v58;
	(xrf1) =	vsort.ascd.msk.f32 $0xffff, v27, v27;
	(erf) = vrcp.f32 v29  }
0x35d: {  	v24 =	vld.idx.msk [tilespmem:v24+s21+$0x0], $0xffff;
	(xrf1) =	vsort.ascd.msk.f32 $0xffff, v3, v3;
	v3 =	vmul.f32 v15, v62;
	v27 =	vmul.f32 v15, v31  }
0x35e: {  	v22 =	vld.idx.msk [tilespmem:v22+s21+$0x0], $0xffff;
	v18 =	vsub.f32 v25, v18;
	v15 =	vmul.f32 v15, v63  }
0x35f: {  	[tilespmem:v17+s19+$0x0] =	vst.idx.add.s32.msk vm5, v47;
	vm5 =	vlt.f32 v1, $9.999999740e-06;
	v3 =	vsub.f32 v3, v28;
	v17 =	vsub.f32 v27, v23  }
0x360: {  	v1 =	vsub.f32 v19, v8;
	v18 =	vmul.f32 v18, v16;
	v15 =	vsub.f32 v15, v26  }
0x361: {  	(xrf1) =	vsort.ascd.msk.f32 $0xffff, v30, v30;
	v3 =	vmul.f32 v3, v16;
	v17 =	vmul.f32 v17, v16;
	v25 =	vpop (erf)  }
0x362: {  	v15 =	vmul.f32 v15, v16;
	v16 =	vsub.f32 v24, v2;
	v24 =	vmul.f32 v25, v18  }
0x363: {  	v7 =	vsub.f32 v7, v20;
	v22 =	vsub.f32 v22, v21;
	(xrf1) =	vsort.ascd.msk.f32 $0xffff, v6, v6;
	v25 =	vpop (erf)  }
0x364: {  	vm6 =	vlt.f32 v5, $9.999999740e-06;
	(xrf1) =	vsort.ascd.msk.f32 $0xffff, v14, v14;
	v23 =	vld [tilespmem:s31+$0xFFFFFFE0];
	v6 =	vmul.f32 v25, v17;
	v19 =	vpop (erf);
	v18 =	vsel vm5, v18, v24  }
0x365: {  	(xrf1) =	vsort.ascd.msk.f32 $0xffff, v13, v13;
	v5 =	vmul.f32 v19, v15;
	vm5 =	vlt.f32 v0, $9.999999740e-06;
	v0 =	vmul.f32 v18, v1;
	v1 =	vpop (erf)  }
0x366: {  	(xrf1) =	vsort.ascd.msk.f32 $0xffff, v46, v46;
	v6 =	vsel vm6, v17, v6;
	v1 =	vmul.f32 v1, v3  }
0x367: {  	(xrf1) =	vsort.ascd.msk.f32 $0xffff, v12, v12;
	v6 =	vmul.f32 v6, v22;
	v5 =	vsel vm5, v15, v5;
	vm5 =	vlt.f32 v29, $9.999999740e-06  }
0x368: {  	v5 =	vmul.f32 v5, v16;
	v0 =	vadd.f32 v0, v8;
	v1 =	vsel vm5, v3, v1  }
0x369: {  	(xrf0) =	vadd.scan.msk.s32 $0xffff, v23;
	v3 =	vadd.f32 v6, v21;
	v1 =	vmul.f32 v1, v7  }
0x36a: {  	v6 =	vld [tilespmem:s31+$0xFFFFFFF0];
	v2 =	vadd.f32 v5, v2;
	(xrf1) =	vsort.ascd.msk.f32 $0xffff, v0, v0  }
0x36b: {  	(xrf1) =	vsort.ascd.msk.f32 $0xffff, v3, v3;
	v0 =	vadd.f32 v1, v20  }
0x36c: {  	(xrf1) =	vsort.ascd.msk.f32 $0xffff, v2, v2  }
0x36d: {  	v17, _, _ =	vpop (xrf1)  }
0x36e: {  	v15, _, _ =	vpop (xrf1);
	(xrf1) =	vsort.ascd.msk.f32 $0xffff, v0, v0  }
0x36f: {  	(xrf0) =	vadd.scan.msk.s32 $0xffff, v6;
	v0, _, _ =	vpop (xrf1)  }
0x370: {  	[tilespmem:$0x1FE70] =	vst v0  }
0x371: {  	v1, _, _ =	vpop (xrf0);
	v0 =	vld [tilespmem:s31+$0x0]  }
0x372: {  	v16, _, _ =	vpop (xrf1);
	v2 =	vld [tilespmem:s31+$0x10]  }
0x373: {  	v5, _, _ =	vpop (xrf1)  }
0x374: {  	v3 =	vadd.s32 s13, v1;
	v1 =	vbroadcast v1, $0xF;
	v7, _, _ =	vpop (xrf1)  }
0x375: {  	v5 =	vperm.xlane v5, v4;
	v51, _, _ =	vpop (xrf0)  }
0x376: {  	(xrf0) =	vadd.scan.msk.s32 $0xffff, v0;
	v0 =	vadd.s32 v1, v51;
	v1 =	vperm.xlane v7, v4;
	v7, _, _ =	vpop (xrf1)  }
0x377: {  	v52 =	vmin.f32 v7, v5;
	(xrf0) =	vadd.scan.msk.s32 $0xffff, v2;
	v2, _, _ =	vpop (xrf1)  }
0x378: {  	v8 =	vadd.s32 s13, v0;
	v18 =	vmin.f32 v2, v1;
	v19, _, _ =	vpop (xrf1);
	(xrf1) =	vsort.ascd.msk.f32 $0xffff, v52, v52  }
0x379: {  	v14 =	vadd.s32 $0x1, v8;
	v1 =	vmax.f32 v2, v1;
	v2 =	vperm.xlane v19, v4;
	v19, _, _ =	vpop (xrf1);
	(xrf1) =	vsort.ascd.msk.f32 $0xffff, v18, v18  }
0x37a: {  	v12 =	vld.idx.msk [tilespmem:v3+s20+$0x0], $0xffff;
	v5 =	vmax.f32 v7, v5;
	v7, _, _ =	vpop (xrf1);
	(xrf1) =	vsort.ascd.msk.f32 $0xffff, v1, v1  }
0x37b: {  	v6 =	vadd.s32 $0x1, v3;
	v18 =	vld.idx.msk [tilespmem:v3+s21+$0x0], $0xffff;
	v3 =	vmin.f32 v7, v2;
	(xrf1) =	vsort.ascd.msk.f32 $0xffff, v5, v5  }
0x37c: {  	v2 =	vmax.f32 v7, v2;
	(xrf1) =	vsort.ascd.msk.f32 $0xffff, v3, v3  }
0x37d: {  	v1 =	vperm.xlane v19, v4;
	(xrf1) =	vsort.ascd.msk.f32 $0xffff, v2, v2  }
0x37e: {  	v7, _, _ =	vpop (xrf1);
	v3 =	vld.idx.msk [tilespmem:v14+s20+$0x0], $0xffff  }
0x37f: {  	s14 =	simm.s32 $0x10180;
	v19 =	vmin.f32 v7, v1;
	v20 =	vld.idx.msk [tilespmem:v14+s21+$0x0], $0xffff  }
0x380: {  	v1 =	vmax.f32 v7, v1;
	v14 =	vld [tilespmem:s14+$0x10];
	(xrf1) =	vsort.ascd.msk.f32 $0xffff, v19, v19  }
0x381: {  	v19 =	vld [tilespmem:s14+$0x0];
	(xrf1) =	vsort.ascd.msk.f32 $0xffff, v1, v1;
	_ =	sdelay $0x2  }
0x382: {  	v0 =	vbroadcast v0, $0xF;
	v2, _, _ =	vpop (xrf0)  }
0x383: {  	v21 =	vld [tilespmem:s14+$0x20];
	v7, _, _ =	vpop (xrf0)  }
0x384: {  	v0 =	vadd.s32 v2, v0;
	v2 =	vadd.f32 $9.999999740e-06, v14;
	v19 =	vadd.f32 $9.999999740e-06, v19;
	v23, _, _ =	vpop (xrf1)  }
0x385: {  	v22 =	vld [tilespmem:s14+$0x30];
	v24 =	vbroadcast v0, $0xF;
	v26, _, _ =	vpop (xrf1)  }
0x386: {  	v53 =	vld.idx.msk [tilespmem:v6+s20+$0x0], $0xffff;
	v14 =	vadd.s32 s13, v0;
	v0 =	vadd.s32 s13, v7;
	(xrf2) =	vadd.scan.msk.f32 $0xffff, v2;
	v2 =	vsel vm3, $0x0, v19;
	v7, _, _ =	vpop (xrf1)  }
0x387: {  	v25 =	vadd.s32 v24, v0;
	(xrf2) =	vadd.scan.msk.f32 $0xffff, v2;
	v2 =	vperm.xlane v26, v4;
	v0 =	vperm.xlane v7, v4;
	v7, _, _ =	vpop (xrf1)  }
0x388: {  	v5 =	vld.idx.msk [tilespmem:v8+s20+$0x0], $0xffff;
	v19 =	vadd.f32 $9.999999740e-06, v21;
	v21, _, _ =	vpop (xrf1)  }
0x389: {  	v6 =	vld.idx.msk [tilespmem:v6+s21+$0x0], $0xffff;
	v26 =	vmin.f32 v7, v2;
	v24 =	vmin.f32 v23, v0;
	v27, _, _ =	vpop (xrf1)  }
0x38a: {  	v1 =	vld [tilespmem:s14+$0xFFFFFF80];
	(xrf2) =	vadd.scan.msk.f32 $0xffff, v19;
	v19 =	vmin.f32 v24, v26  }
0x38b: {  	v22 =	vadd.f32 $9.999999740e-06, v22;
	v11 =	vsub.f32 v53, v12;
	v36 =	vadd.s32 $0x1, v25  }
0x38c: {  	v21 =	vperm.xlane v21, v4;
	v27 =	vperm.xlane v27, v4;
	v28, _, _ =	vpop (xrf1)  }
0x38d: {  	v22 =	vsel vm4, $0x0, v22;
	v11 =	vmul.f32 v11, v9;
	v3 =	vsub.f32 v3, v5;
	(xrf1) =	vsort.ascd.msk.f32 $0xffff, v19, v19;
	v19, _, _ =	vpop (xrf1)  }
0x38e: {  	v24 =	vmax.f32 v24, v26;
	v26 =	vmin.f32 v28, v27;
	v29 =	vmin.f32 v19, v21  }
0x38f: {  	v3 =	vmul.f32 v3, v9;
	v0 =	vmax.f32 v23, v0;
	(xrf2) =	vadd.scan.msk.f32 $0xffff, v22;
	v22 =	vmin.f32 v26, v29  }
0x390: {  	v23 =	vld.idx.msk [tilespmem:v36+s20+$0x0], $0xffff;
	(xrf1) =	vsort.ascd.msk.f32 $0xffff, v24, v24;
	v24 =	vmax.f32 v28, v27;
	v19 =	vmax.f32 v19, v21  }
0x391: {  	v39 =	vadd.s32 $0x1, v14;
	(erf) = vrcp.f32 v11;
	v40 =	vld.idx.msk [tilespmem:v25+s20+$0x0], $0xffff;
	v21 =	vmin.f32 v24, v19;
	(xrf1) =	vsort.ascd.msk.f32 $0xffff, v22, v22  }
0x392: {  	s15 =	simm.s32 $0xC180;
	v41 =	vmul.f32 v59, v58;
	v45 =	vld.idx.msk [tilespmem:v14+s20+$0x0], $0xffff;
	v19 =	vmax.f32 v24, v19;
	(xrf1) =	vsort.ascd.msk.f32 $0xffff, v21, v21;
	v22, _, _ =	vpop (xrf2)  }
0x393: {  	v2 =	vmax.f32 v7, v2;
	v33 =	vld [tilespmem:s15+$0x10];
	(erf) = vrcp.f32 v3;
	v7 =	vmax.f32 v26, v29;
	(xrf1) =	vsort.ascd.msk.f32 $0xffff, v19, v19;
	v44, _, _ =	vpop (xrf2)  }
0x394: {  	v46 =	vmul.f32 v59, v63;
	vm5 =	vlt.f32 v11, $9.999999740e-06;
	v21 =	vld [tilespmem:s14+$0xFFFFFF90];
	(xrf1) =	vsort.ascd.msk.f32 $0xffff, v7, v7;
	v7 =	vbroadcast v44, $0xF  }
0x395: {  	v1 =	vadd.f32 $9.999999740e-06, v1;
	v32 =	vld [tilespmem:s15+$0x30];
	v24 =	vmin.f32 v0, v2;
	v19 =	vmul.f32 v59, v62  }
0x396: {  	v0 =	vmax.f32 v0, v2;
	v2 =	vld.idx.msk [tilespmem:v39+s20+$0x0], $0xffff;
	(xrf1) =	vsort.ascd.msk.f32 $0xffff, v24, v24;
	v7 =	vadd.f32 v7, v22  }
0x397: {  	v1 =	vsel vm3, $0x0, v1;
	(xrf1) =	vsort.ascd.msk.f32 $0xffff, v0, v0;
	v0 =	vsub.f32 v19, v12;
	v12 =	vmul.f32 v59, v31  }
0x398: {  	v13 =	vmovc v31;
	v55 =	vsub.f32 v23, v40;
	v57 =	vbroadcast v33, $0x0;
	v19 =	vbroadcast v7, $0xF  }
0x399: {  	v8 =	vld.idx.msk [tilespmem:v8+s21+$0x0], $0xffff;
	(xrf2) =	vadd.scan.msk.f32 $0xffff, v1;
	v0 =	vmul.f32 v0, v9;
	v5 =	vsub.f32 v12, v5;
	v12 =	vadd.f32 $9.999999740e-06, v21;
	v21, _, _ =	vpop (xrf2)  }
0x39a: {  	v10 =	vbroadcast v32, $0x0;
	v43 =	vmul.f32 v55, v9;
	v54 =	vpop (erf);
	v47 =	vadd.f32 v19, v21  }
0x39b: {  	v2 =	vsub.f32 v2, v45;
	v22, _, _ =	vpop (xrf2);
	v5 =	vmul.f32 v5, v9;
	v19 =	vmul.f32 v54, v0  }
0x39c: {  	vm6 =	vlt.f32 v3, $9.999999740e-06;
	(erf) = vrcp.f32 v43;
	(xrf2) =	vadd.scan.msk.f32 $0xffff, v12;
	v21 =	vpop (erf);
	v3 =	vbroadcast v47, $0xF  }
0x39d: {  	v6 =	vsub.f32 v6, v18;
	v31 =	vld [tilespmem:s15+$0x20];
	v42 =	vmul.f32 v2, v9;
	v59, _, _ =	vpop (xrf1);
	v2 =	vmul.f32 v21, v5  }
0x39e: {  	v30 =	vld [tilespmem:s15+$0x0];
	v12 =	vsub.f32 v20, v8;
	v11, _, _ =	vpop (xrf1);
	v0 =	vsel vm5, v0, v19;
	v3 =	vadd.f32 v3, v22  }
0x39f: {  	v23 =	vld [tilespmem:s14+$0xFFFFFFA0];
	(erf) = vrcp.f32 v42;
	v0 =	vmul.f32 v0, v6;
	v2 =	vsel vm6, v5, v2;
	v19, _, _ =	vpop (xrf1)  }
0x3a0: {  	v1 =	vld [tilespmem:s14+$0xFFFFFFB0];
	v2 =	vmul.f32 v2, v12;
	v5, _, _ =	vpop (xrf1);
	v34 =	vbroadcast v3, $0xF  }
0x3a1: {  	v0 =	vadd.f32 v0, v18;
	v26 =	vperm.xlane v19, v4;
	v18 =	vmovc v35;
	v24 =	vperm.xlane v5, v4  }
0x3a2: {  	v6, _, _ =	vpop (xrf1);
	v2 =	vadd.f32 v2, v8;
	v8 =	vbroadcast v31, $0x0;
	(erf) = vrcp.f32 v34  }
0x3a3: {  	v45 =	vsub.f32 v46, v45;
	v37, _, _ =	vpop (xrf2);
	v50 =	vperm.xlane v31, v18;
	v12 =	vperm.xlane v6, v4  }
0x3a4: {  	v48 =	vadd.f32 $9.999999740e-06, v23;
	v5, _, _ =	vpop (xrf1);
	v6 =	vperm.xlane v32, v35;
	v35 =	vperm.xlane v30, v35  }
0x3a5: {  	v1 =	vadd.f32 $9.999999740e-06, v1;
	v27 =	vperm.xlane v5, v4;
	v29, _, _ =	vpop (xrf1);
	v5 =	vbroadcast v37, $0xF  }
0x3a6: {  	v20 =	vmax.f32 v11, v24;
	v22 =	vmax.f32 v59, v12;
	v56, _, _ =	vpop (xrf2);
	v49 =	vsel vm0, v57, v35  }
0x3a7: {  	v28, _, _ =	vpop (xrf1);
	v54 =	vsub.f32 v32, v6;
	v38 =	vadd.f32 v5, v56;
	v5 =	vperm.xlane v33, v18  }
0x3a8: {  	v23 =	vmax.f32 v29, v27;
	v21 =	vmax.f32 v28, v26;
	v56 =	vsub.f32 v30, v49  }
0x3a9: {  	v52 =	vpop (erf);
	v61 =	vmax.f32 v22, v23;
	v19 =	vmax.f32 v20, v21;
	v5 =	vsel vm0, v8, v5  }
0x3aa: {  	v55 =	vpop (erf);
	(xrf1) =	vsort.ascd.msk.f32 $0xffff, v0, v0;
	v54 =	vmul.f32 $5.000000000e-01, v54;
	v8 =	vsel vm0, v10, v50;
	v10 =	vsub.f32 v33, v5  }
0x3ab: {  	(xrf1) =	vsort.ascd.msk.f32 $0xffff, v2, v2;
	v53 =	vbroadcast v38, $0xF;
	v2 =	vmax.f32 v61, v19;
	v51 =	vsub.f32 v31, v8;
	v35 =	vpop (erf)  }
0x3ac: {  	v1 =	vsel vm4, $0x0, v1;
	(xrf1) =	vsort.ascd.msk.f32 $0xffff, v2, v2;
	v2 =	vmul.f32 $5.000000000e-01, v10;
	v57 =	vmul.f32 $6.300000000e+01, v35  }
0x3ad: {  	(xrf2) =	vadd.scan.msk.f32 $0xffff, v48;
	v56 =	vmul.f32 $5.000000000e-01, v56;
	v6 =	vadd.f32 v54, v6;
	v10 =	vmul.f32 $5.000000000e-01, v51  }
0x3ae: {  	(xrf2) =	vadd.scan.msk.f32 $0xffff, v1;
	v1 =	vadd.f32 v2, v5;
	v54 =	vmul.f32 v57, v7;
	v2 =	vmul.f32 v57, v44  }
0x3af: {  	s16 =	simm.s32 $0xC0;
	s25 =	simm.s32 $0x180A0;
	v0 =	vld [tilespmem:s15+$0xFFFFFF90];
	v48 =	vadd.f32 v56, v49;
	v5 =	vmul.f32 v57, v47;
	v50 =	vmul.f32 v57, v3  }
0x3b0: {  	s26 =	sor.u32 $0x50, s16;
	[tilespmem:s25+$0x20] =	vst v44;
	v8 =	vadd.f32 v10, v8;
	v56 =	vtrunc.f32 v54;
	v57 =	vtrunc.f32 v2  }
0x3b1: {  	s28 =	sor.u32 $0x60, s16;
	[tilespmem:s26+$0x18000] =	vst v7;
	v3 =	vsel vm4, $0x7F800000, v3;
	v10 =	vtrunc.f32 v5;
	v7 =	vcvt.f32.s32 v56  }
0x3b2: {  	s31 =	sor.u32 $0x70, s16;
	[tilespmem:s28+$0x18000] =	vst v47;
	vm5 =	vgt.f32 v54, v56;
	v54 =	vtrunc.f32 v50;
	vm6 =	vgt.f32 v2, v57  }
0x3b3: {  	[tilespmem:s31+$0x18000] =	vst v3;
	v56 =	vcvt.f32.s32 v57;
	v2 =	vcvt.f32.s32 v10;
	v3 =	vsel vm6, $0x1, v60  }
0x3b4: {  	s0 =	simm.s32 $0x1A0A0;
	(xrf1) =	vsort.ascd.msk.f32 $0xffff, v0, v0;
	vm6 =	vgt.f32 v5, v10;
	v5 =	vcvt.f32.s32 v54;
	v57 =	vsel vm5, $0x1, v60  }
0x3b5: {  	v46 =	vld [tilespmem:s15+$0xFFFFFFA0];
	[tilespmem:s0+$0x20] =	vst v48;
	vm5 =	vgt.f32 v50, v54;
	v54 =	vsub.f32 v41, v40;
	v3 =	vadd.s32 v56, v3  }
0x3b6: {  	v48 =	vld [tilespmem:s15+$0xFFFFFFB0];
	[tilespmem:s26+$0x1A000] =	vst v1;
	v1 =	vsel vm6, $0x1, v60;
	v10 =	vsel vm5, $0x1, v60;
	vm7 =	vlt.s32 v3, $0x40  }
0x3b7: {  	[tilespmem:s28+$0x1A000] =	vst v8;
	v40 =	vld.idx.msk [tilespmem:v14+s21+$0x0], $0xffff;
	v7 =	vadd.s32 v7, v57;
	v1 =	vadd.s32 v2, v1;
	vm5 =	vmand vm7, vm1  }
0x3b8: {  	s14 =	simm.s32 $0x1C0A0;
	[tilespmem:s31+$0x1A000] =	vst v6;
	v6 =	vld.idx.msk [tilespmem:v25+s21+$0x0], $0xffff;
	v3 =	vadd.s32 s16, v3;
	vm6 =	vlt.s32 v7, $0x40;
	v5 =	vadd.s32 v5, v10  }
0x3b9: {  	v51, _, _ =	vpop (xrf2);
	v56 =	vld [tilespmem:s15+$0xFFFFFF80];
	[tilespmem:s14+$0x20] =	vst v60;
	v7 =	vadd.s32 s16, v7;
	vm7 =	vlt.s32 v1, $0x40;
	vm13 =	vlt.s32 v5, $0x40  }
0x3ba: {  	v8 =	vadd.f32 v53, v51;
	v25 =	vld.idx.msk [tilespmem:v39+s21+$0x0], $0xffff;
	[tilespmem:s26+$0x1C000] =	vst v60;
	v1 =	vadd.s32 s16, v1;
	vm8 =	vmand vm13, vm2  }
0x3bb: {  	v49 =	vperm.xlane v0, v18;
	(xrf1) =	vsort.ascd.msk.f32 $0xffff, v46, v46;
	v5 =	vadd.s32 s16, v5;
	[tilespmem:s28+$0x1C000] =	vst v60  }
0x3bc: {  	v47 =	vimm.s32 $0x1;
	v2 =	vld.idx.msk [tilespmem:v36+s21+$0x0], $0xffff;
	v14 =	vbroadcast v8, $0xF;
	(xrf1) =	vsort.ascd.msk.f32 $0xffff, v48, v48;
	[tilespmem:s31+$0x1C000] =	vst v60  }
0x3bd: {  	v57 =	vmul.f32 v45, v9;
	v45, _, _ =	vpop (xrf2);
	v9 =	vmul.f32 v54, v9;
	[tilespmem:v3+s19+$0x0] =	vst.idx.add.s32.msk vm5, v47  }
0x3be: {  	v51 =	vbroadcast v46, $0x0;
	(xrf1) =	vsort.ascd.msk.f32 $0xffff, v56, v56;
	v3 =	vadd.f32 v14, v45;
	[tilespmem:v7+s19+$0x0] =	vst.idx.add.s32.msk vm6, v47  }
0x3bf: {  	v53 =	vbroadcast v48, $0x0;
	v25 =	vsub.f32 v25, v40;
	v14 =	vmul.f32 v55, v57;
	[tilespmem:v1+s19+$0x0] =	vst.idx.add.s32.msk vm7, v47  }
0x3c0: {  	vm5 =	vlt.f32 v43, $9.999999740e-06;
	v7 =	vmul.f32 v52, v9;
	v36 =	vbroadcast v3, $0xF;
	[tilespmem:v5+s19+$0x0] =	vst.idx.add.s32.msk vm8, v47  }
0x3c1: {  	vm6 =	vlt.f32 v42, $9.999999740e-06;
	v52 =	vperm.xlane v46, v18;
	v1 =	vsub.f32 v2, v6;
	v50 =	vld [tilespmem:s14+$0x20]  }
0x3c2: {  	v2 =	vperm.xlane v56, v18;
	v41 =	vsel vm6, v57, v14;
	(erf) = vrcp.f32 v36  }
0x3c3: {  	v5 =	vbroadcast v0, $0x0;
	v7 =	vsel vm5, v9, v7;
	v9 =	vsel vm0, v53, v52;
	v54 =	vld [tilespmem:s26+$0x1C000]  }
0x3c4: {  	v44, _, _ =	vpop (xrf1);
	v25 =	vmul.f32 v41, v25;
	v46 =	vsub.f32 v46, v9  }
0x3c5: {  	v55, _, _ =	vpop (xrf1);
	v1 =	vmul.f32 v7, v1;
	v2 =	vsel vm0, v5, v2;
	v5 =	vsel vm0, v51, v49  }
0x3c6: {  	v42 =	vperm.xlane v48, v18;
	v7 =	vld [tilespmem:s28+$0x1C000];
	v14, _, _ =	vpop (xrf1);
	v40 =	vadd.f32 v25, v40;
	v0 =	vsub.f32 v0, v5;
	(xrf0) =	vadd.scan.msk.s32 $0xffff, v50  }
0x3c7: {  	[tilespmem:$0x1FE90] =	vst v14;
	v39 =	vsub.f32 v56, v2;
	v1 =	vadd.f32 v1, v6  }
0x3c8: {  	v57, _, _ =	vpop (xrf1);
	v56 =	vsub.f32 v48, v42;
	v46 =	vmul.f32 $5.000000000e-01, v46;
	v6 =	vld [tilespmem:s31+$0x1C000];
	v0 =	vmul.f32 $5.000000000e-01, v0;
	(xrf0) =	vadd.scan.msk.s32 $0xffff, v54  }
0x3c9: {  	v51 =	vsel vm4, $0x7F800000, v3;
	v52, _, _ =	vpop (xrf1);
	v39 =	vmul.f32 $5.000000000e-01, v39;
	(xrf1) =	vsort.ascd.msk.f32 $0xffff, v1, v1;
	v54 =	vperm.xlane v55, v4  }
0x3ca: {  	v53 =	vmul.f32 $5.000000000e-01, v56;
	v1 =	vadd.f32 v46, v9;
	(xrf1) =	vsort.ascd.msk.f32 $0xffff, v40, v40;
	v0 =	vadd.f32 v0, v5;
	v5, _, _ =	vpop (xrf1)  }
0x3cb: {  	v2 =	vadd.f32 v39, v2;
	v5 =	vperm.xlane v5, v4;
	(xrf0) =	vadd.scan.msk.s32 $0xffff, v7;
	v55 =	vmin.f32 v44, v54;
	v25 =	vpop (erf)  }
0x3cc: {  	v9 =	vadd.f32 v53, v42;
	v7 =	vperm.xlane v57, v4;
	(xrf1) =	vsort.ascd.msk.f32 $0xffff, v55, v55;
	v57 =	vmul.f32 $6.300000000e+01, v25;
	v40, _, _ =	vpop (xrf0)  }
0x3cd: {  	v50, _, _ =	vpop (xrf1);
	v56 =	vmin.f32 v52, v5;
	v5 =	vmax.f32 v52, v5;
	(xrf0) =	vadd.scan.msk.s32 $0xffff, v6;
	v48 =	vbroadcast v40, $0xF  }
0x3ce: {  	v53 =	vmin.f32 v50, v7;
	v6 =	vmax.f32 v44, v54;
	v49, _, _ =	vpop (xrf0);
	v52 =	vmul.f32 v57, v37  }
0x3cf: {  	[tilespmem:s25+$0x10] =	vst v51;
	(xrf1) =	vsort.ascd.msk.f32 $0xffff, v6, v6;
	v3 =	vmul.f32 v57, v3;
	v6 =	vadd.s32 v48, v49  }
0x3d0: {  	v7 =	vmax.f32 v50, v7;
	v55 =	vmul.f32 v57, v38;
	(xrf1) =	vsort.ascd.msk.f32 $0xffff, v56, v56;
	v54 =	vbroadcast v6, $0xF  }
0x3d1: {  	v57 =	vmul.f32 v57, v8;
	v40 =	vadd.s32 s16, v40;
	v56 =	vtrunc.f32 v52;
	(xrf1) =	vsort.ascd.msk.f32 $0xffff, v5, v5;
	v5, _, _ =	vpop (xrf0)  }
0x3d2: {  	[tilespmem:s25+$0x0] =	vst v8;
	v51 =	vtrunc.f32 v55;
	v6 =	vadd.s32 s16, v6;
	v5 =	vadd.s32 v5, v54  }
0x3d3: {  	v48 =	vcvt.f32.s32 v56;
	vm5 =	vgt.f32 v52, v56;
	(xrf1) =	vsort.ascd.msk.f32 $0xffff, v53, v53;
	v50, _, _ =	vpop (xrf0);
	v49 =	vbroadcast v5, $0xF  }
0x3d4: {  	v52 =	vtrunc.f32 v57;
	(xrf1) =	vsort.ascd.msk.f32 $0xffff, v7, v7;
	v42 =	vadd.s32 $0x1, v6;
	v7 =	vadd.s32 s16, v50  }
0x3d5: {  	[tilespmem:s25+$0xFFFFFFF0] =	vst v38;
	v46 =	vsel vm5, $0x1, v60;
	vm5 =	vgt.f32 v55, v51;
	v7 =	vadd.s32 v49, v7  }
0x3d6: {  	[tilespmem:s25+$0xFFFFFFE0] =	vst v37;
	vm6 =	vgt.f32 v57, v52;
	v54 =	vcvt.f32.s32 v52;
	v52 =	vld.idx.msk [tilespmem:v40+s20+$0x0], $0xffff;
	v39 =	vadd.s32 $0x1, v7  }
0x3d7: {  	[tilespmem:s0+$0xFFFFFFE0] =	vst v2;
	v53 =	vcvt.f32.s32 v51;
	v2 =	vadd.s32 v48, v46;
	v55 =	vsel vm5, $0x1, v60;
	v41 =	vld.idx.msk [tilespmem:v6+s20+$0x0], $0xffff  }
0x3d8: {  	[tilespmem:s0+$0xFFFFFFF0] =	vst v0;
	v0 =	vsel vm6, $0x1, v60;
	v5 =	vadd.s32 s16, v5;
	vm5 =	vlt.s32 v2, $0x40;
	v6 =	vld.idx.msk [tilespmem:v6+s21+$0x0], $0xffff  }
0x3d9: {  	s15 =	simm.s32 $0x80;
	[tilespmem:s0+$0x0] =	vst v1;
	v8 =	vadd.s32 v53, v55;
	v43 =	vadd.s32 $0x1, v5;
	vm5 =	vmand vm5, vm1;
	v44 =	vld.idx.msk [tilespmem:v42+s20+$0x0], $0xffff  }
0x3da: {  	[tilespmem:s0+$0x10] =	vst v9;
	v2 =	vadd.s32 s15, v2;
	v37 =	vadd.s32 v54, v0;
	vm6 =	vlt.s32 v8, $0x40;
	v45 =	vld.idx.msk [tilespmem:v7+s20+$0x0], $0xffff  }
0x3db: {  	[tilespmem:s14+$0xFFFFFFE0] =	vst v60;
	v56 =	vtrunc.f32 v3;
	v8 =	vadd.s32 s15, v8;
	vm7 =	vlt.s32 v37, $0x40;
	v46 =	vld.idx.msk [tilespmem:v39+s20+$0x0], $0xffff  }
0x3dc: {  	[tilespmem:s14+$0xFFFFFFF0] =	vst v60;
	vm14 =	vgt.f32 v3, v56;
	v3 =	vadd.s32 s15, v37;
	v42 =	vld.idx.msk [tilespmem:v42+s21+$0x0], $0xffff  }
0x3dd: {  	[tilespmem:s14+$0x0] =	vst v60;
	v38 =	vadd.s32 $0x1, v40;
	v48 =	vld.idx.msk [tilespmem:v5+s20+$0x0], $0xffff  }
0x3de: {  	v10 =	vimm.s32 $0x1;
	[tilespmem:s14+$0x10] =	vst v60;
	v47 =	vld.idx.msk [tilespmem:v43+s20+$0x0], $0xffff  }
0x3df: {  	v57 =	vsel vm14, $0x1, v60;
	v1, _, _ =	vpop (xrf1);
	[tilespmem:v2+s19+$0x0] =	vst.idx.add.s32.msk vm5, v10  }
0x3e0: {  	v9, _, _ =	vpop (xrf1);
	v1 =	vperm.xlane v1, v4;
	v49 =	vcvt.f32.s32 v56;
	[tilespmem:v8+s19+$0x0] =	vst.idx.add.s32.msk vm6, v10;
	v60 =	vsub.f32 v46, v45  }
0x3e1: {  	v0, _, _ =	vpop (xrf1);
	[tilespmem:v3+s19+$0x0] =	vst.idx.add.s32.msk vm7, v10;
	v3 =	vsub.f32 v44, v41  }
0x3e2: {  	v53 =	vld.idx.msk [tilespmem:v38+s20+$0x0], $0xffff;
	v54 =	vmin.f32 v9, v1;
	v49 =	vadd.s32 v49, v57;
	v37, _, _ =	vpop (xrf1);
	v8 =	vmul.f32 v60, v35  }
0x3e3: {  	v1 =	vmax.f32 v9, v1;
	vm5 =	vlt.s32 v49, $0x40;
	v56, _, _ =	vpop (xrf1);
	v3 =	vmul.f32 v3, v35  }
0x3e4: {  	v50 =	vperm.xlane v56, v4;
	v57, _, _ =	vpop (xrf1);
	v47 =	vsub.f32 v47, v48;
	(erf) = vrcp.f32 v8  }
0x3e5: {  	(xrf1) =	vsort.ascd.msk.f32 $0xffff, v54, v54;
	v49 =	vadd.s32 s15, v49;
	v51 =	vperm.xlane v57, v4;
	v2, _, _ =	vpop (xrf1);
	(erf) = vrcp.f32 v3  }
0x3e6: {  	(xrf1) =	vsort.ascd.msk.f32 $0xffff, v1, v1;
	vm5 =	vmand vm5, vm2;
	v42 =	vsub.f32 v42, v6;
	v55, _, _ =	vpop (xrf1);
	v47 =	vmul.f32 v47, v35  }
0x3e7: {  	v40 =	vld.idx.msk [tilespmem:v40+s21+$0x0], $0xffff;
	v56 =	vmin.f32 v2, v51;
	v57 =	vmin.f32 v55, v50;
	v60 =	vsub.f32 v53, v52  }
0x3e8: {  	v5 =	vld.idx.msk [tilespmem:v5+s21+$0x0], $0xffff;
	v2 =	vmax.f32 v2, v51;
	v9 =	vmax.f32 v55, v50;
	(erf) = vrcp.f32 v47  }
0x3e9: {  	v7 =	vld.idx.msk [tilespmem:v7+s21+$0x0], $0xffff;
	v44 =	vmax.f32 v56, v57;
	v1 =	vmul.f32 v60, v35;
	v60 =	vmul.f32 v34, v13  }
0x3ea: {  	v39 =	vld.idx.msk [tilespmem:v39+s21+$0x0], $0xffff;
	v54 =	vmin.f32 v2, v9;
	v53 =	vmin.f32 v56, v57;
	v56 =	vmul.f32 v34, v58  }
0x3eb: {  	v55 =	vld.idx.msk [tilespmem:v43+s21+$0x0], $0xffff;
	v2 =	vmax.f32 v2, v9;
	v57 =	vmul.f32 v34, v62;
	v41 =	vsub.f32 v60, v41  }
0x3ec: {  	(xrf1) =	vsort.ascd.msk.f32 $0xffff, v53, v53;
	v34 =	vmul.f32 v34, v63;
	v43 =	vsub.f32 v56, v45;
	(erf) = vrcp.f32 v1  }
0x3ed: {  	v38 =	vld.idx.msk [tilespmem:v38+s21+$0x0], $0xffff;
	(xrf1) =	vsort.ascd.msk.f32 $0xffff, v44, v44;
	v44 =	vsub.f32 v57, v52;
	v41 =	vmul.f32 v41, v35;
	v52 =	vpop (erf)  }
0x3ee: {  	vm6 =	vlt.f32 v3, $9.999999740e-06;
	(xrf1) =	vsort.ascd.msk.f32 $0xffff, v54, v54;
	v34 =	vsub.f32 v34, v48;
	v43 =	vmul.f32 v43, v35;
	v54 =	vpop (erf)  }
0x3ef: {  	[tilespmem:v49+s19+$0x0] =	vst.idx.add.s32.msk vm5, v10;
	vm5 =	vlt.f32 v8, $9.999999740e-06;
	(xrf1) =	vsort.ascd.msk.f32 $0xffff, v2, v2;
	v2 =	vmul.f32 v54, v41  }
0x3f0: {  	v9 =	vsub.f32 v55, v5;
	v34 =	vmul.f32 v34, v35;
	v53 =	vmul.f32 v52, v43  }
0x3f1: {  	v55 =	vsub.f32 v39, v7;
	v44 =	vmul.f32 v44, v35;
	v56 =	vpop (erf);
	v2 =	vsel vm6, v41, v2  }
0x3f2: {  	v3 =	vmul.f32 v56, v34;
	v35 =	vsel vm5, v43, v53;
	v2 =	vmul.f32 v2, v42  }
0x3f3: {  	v38 =	vsub.f32 v38, v40;
	(xrf1) =	vsort.ascd.msk.f32 $0xffff, v33, v33;
	vm5 =	vlt.f32 v47, $9.999999740e-06;
	v8 =	vmul.f32 v35, v55  }
0x3f4: {  	v51 =	vld [tilespmem:s14+$0xFFFFFFE0];
	(xrf1) =	vsort.ascd.msk.f32 $0xffff, v32, v32;
	v3 =	vsel vm5, v34, v3;
	v2 =	vadd.f32 v2, v6  }
0x3f5: {  	(xrf1) =	vsort.ascd.msk.f32 $0xffff, v30, v30;
	v57 =	vpop (erf);
	vm5 =	vlt.f32 v1, $9.999999740e-06;
	v1 =	vmul.f32 v3, v9;
	v3 =	vadd.f32 v8, v7  }
0x3f6: {  	(xrf1) =	vsort.ascd.msk.f32 $0xffff, v31, v31;
	v60 =	vmul.f32 v57, v44  }
0x3f7: {  	v6 =	vld [tilespmem:s14+$0xFFFFFFF0];
	(xrf1) =	vsort.ascd.msk.f32 $0xffff, v3, v3  }
0x3f8: {  	v7 =	vsel vm5, v44, v60;
	v1 =	vadd.f32 v1, v5;
	(xrf1) =	vsort.ascd.msk.f32 $0xffff, v2, v2;
	v2, _, _ =	vpop (xrf1)  }
0x3f9: {  	(xrf0) =	vadd.scan.msk.s32 $0xffff, v51;
	v7 =	vmul.f32 v7, v38;
	v38, _, _ =	vpop (xrf1)  }
0x3fa: {  	(xrf1) =	vsort.ascd.msk.f32 $0xffff, v1, v1;
	v39, _, _ =	vpop (xrf1)  }
0x3fb: {  	v3 =	vadd.f32 v7, v40;
	v2 =	vperm.xlane v2, v4;
	v8 =	vperm.xlane v38, v4;
	v40, _, _ =	vpop (xrf1)  }
0x3fc: {  	v5 =	vmin.f32 v11, v24;
	(xrf0) =	vadd.scan.msk.s32 $0xffff, v6;
	[tilespmem:$0x1FE30] =	vst v39;
	v6, _, _ =	vpop (xrf1)  }
0x3fd: {  	(xrf1) =	vsort.ascd.msk.f32 $0xffff, v3, v3;
	v24 =	vmin.f32 v37, v2;
	[tilespmem:$0x1FE50] =	vst v6;
	v6 =	vmin.f32 v0, v8  }
0x3fe: {  	v20 =	vmin.f32 v20, v21;
	[tilespmem:$0x1FE40] =	vst v40;
	v42 =	vmin.f32 v6, v24;
	v6 =	vmax.f32 v6, v24  }
0x3ff: {  	v7 =	vmin.f32 v29, v27;
	v29, _, _ =	vpop (xrf0);
	v3 =	vmin.f32 v28, v26;
	v2 =	vmax.f32 v37, v2;
	v26 =	vld [tilespmem:s14+$0x0]  }
0x400: {  	v45 =	vmin.f32 v5, v3;
	v0 =	vmax.f32 v0, v8;
	v43, _, _ =	vpop (xrf1);
	v30 =	vld [tilespmem:s14+$0x10];
	(xrf1) =	vsort.ascd.msk.f32 $0xffff, v42, v42  }
0x401: {  	v3 =	vmax.f32 v5, v3;
	v5 =	vadd.s32 s15, v29;
	v24 =	vmin.f32 v0, v2;
	(xrf1) =	vsort.ascd.msk.f32 $0xffff, v6, v6;
	v6, _, _ =	vpop (xrf1)  }
0x402: {  	v46 =	vmin.f32 v22, v23;
	v22 =	vadd.s32 $0x1, v5;
	v0 =	vmax.f32 v0, v2;
	(xrf1) =	vsort.ascd.msk.f32 $0xffff, v24, v24;
	v2, _, _ =	vpop (xrf1)  }
0x403: {  	v1 =	vmin.f32 v59, v12;
	(xrf1) =	vsort.ascd.msk.f32 $0xffff, v0, v0;
	v0 =	vperm.xlane v6, v4;
	v6, _, _ =	vpop (xrf0)  }
0x404: {  	v44 =	vmin.f32 v1, v7;
	v1 =	vmax.f32 v1, v7;
	(xrf0) =	vadd.scan.msk.s32 $0xffff, v26;
	v2 =	vperm.xlane v2, v4;
	v7, _, _ =	vpop (xrf1)  }
0x405: {  	v31 =	vmul.f32 v36, v13;
	v41 =	vmul.f32 v36, v62;
	v23 =	vmin.f32 v7, v0;
	(xrf0) =	vadd.scan.msk.s32 $0xffff, v30;
	v24, _, _ =	vpop (xrf1)  }
0x406: {  	v21 =	vbroadcast v29, $0xF;
	[tilespmem:$0x1FE60] =	vst v43;
	v26 =	vmin.f32 v24, v2;
	v29, _, _ =	vpop (xrf1);
	(xrf1) =	vsort.ascd.msk.f32 $0xffff, v23, v23  }
0x407: {  	s16 =	simm.s32 $0x10280;
	v47 =	vld.idx.msk [tilespmem:v22+s21+$0x0], $0xffff;
	v2 =	vmax.f32 v24, v2;
	v23 =	vperm.xlane v29, v4;
	v24, _, _ =	vpop (xrf1);
	(xrf1) =	vsort.ascd.msk.f32 $0xffff, v26, v26  }
0x408: {  	v48 =	vld [tilespmem:s16+$0x10];
	v6 =	vadd.s32 v21, v6;
	v0 =	vmax.f32 v7, v0;
	v7, _, _ =	vpop (xrf1);
	(xrf1) =	vsort.ascd.msk.f32 $0xffff, v2, v2  }
0x409: {  	v50 =	vld [tilespmem:s16+$0x0];
	v21 =	vperm.xlane v24, v4;
	v24 =	vmin.f32 v7, v23;
	(xrf1) =	vsort.ascd.msk.f32 $0xffff, v0, v0  }
0x40a: {  	v30 =	vld.idx.msk [tilespmem:v5+s21+$0x0], $0xffff;
	v29 =	vadd.s32 s15, v6;
	v7 =	vmax.f32 v7, v23;
	(xrf1) =	vsort.ascd.msk.f32 $0xffff, v24, v24  }
0x40b: {  	v27 =	vmul.f32 v36, v58;
	v6 =	vbroadcast v6, $0xF;
	v2 =	vld.idx.msk [tilespmem:v5+s20+$0x0], $0xffff;
	v23, _, _ =	vpop (xrf1);
	(xrf1) =	vsort.ascd.msk.f32 $0xffff, v7, v7  }
0x40c: {  	v0 =	vld.idx.msk [tilespmem:v22+s20+$0x0], $0xffff;
	v22 =	vmin.f32 v23, v21;
	v21 =	vmax.f32 v23, v21;
	v23 =	vmin.f32 v1, v3  }
0x40d: {  	v7 =	vadd.s32 $0x1, v29;
	(xrf1) =	vsort.ascd.msk.f32 $0xffff, v22, v22;
	v22 =	vmax.f32 v1, v3;
	v3 =	vmin.f32 v61, v19  }
0x40e: {  	v9 =	vld [tilespmem:$0x1FE70];
	v28 =	vmul.f32 v36, v63;
	v53 =	vadd.f32 $9.999999740e-06, v48;
	v33 =	vadd.f32 $9.999999740e-06, v50;
	[tilespmem:$0x1FE80] =	vst v3  }
0x40f: {  	v26 =	vmax.f32 v44, v45;
	v24 =	vmin.f32 v44, v45;
	v49, _, _ =	vpop (xrf0);
	v38 =	vsub.f32 v47, v30;
	v3 =	vld.idx.msk [tilespmem:v29+s20+$0x0], $0xffff  }
0x410: {  	v33 =	vsel vm3, $0x0, v33;
	v1 =	vadd.s32 v49, v6;
	v6, _, _ =	vpop (xrf0);
	(xrf1) =	vsort.ascd.msk.f32 $0xffff, v21, v21;
	v21 =	vmin.f32 v46, v20;
	v55 =	vld [tilespmem:s16+$0x20]  }
0x411: {  	v5 =	vbroadcast v1, $0xF;
	v0 =	vsub.f32 v0, v2;
	v6 =	vadd.s32 s15, v6;
	v56 =	vld [tilespmem:s16+$0x30]  }
0x412: {  	v20 =	vmax.f32 v46, v20;
	v1 =	vadd.s32 s15, v1;
	v2 =	vsub.f32 v41, v2;
	v19 =	vld.idx.msk [tilespmem:v7+s20+$0x0], $0xffff  }
0x413: {  	v51, _, _ =	vpop (xrf1);
	v37 =	vadd.s32 $0x1, v1;
	v63 =	vld [tilespmem:s16+$0xFFFFFF90];
	v5 =	vadd.s32 v5, v6;
	v0 =	vmul.f32 v0, v25  }
0x414: {  	v8 =	vperm.xlane v51, v4;
	v2 =	vmul.f32 v2, v25;
	v6, _, _ =	vpop (xrf1);
	v39 =	vadd.s32 $0x1, v5  }
0x415: {  	v52, _, _ =	vpop (xrf1);
	v6 =	vperm.xlane v6, v4;
	vm7 =	vlt.f32 v0, $9.999999740e-06;
	(erf) = vrcp.f32 v0  }
0x416: {  	v32 =	vperm.xlane v52, v4;
	v54, _, _ =	vpop (xrf1);
	v31 =	vsub.f32 v31, v3;
	v58 =	vadd.f32 $9.999999740e-06, v55  }
0x417: {  	(xrf2) =	vadd.scan.msk.f32 $0xffff, v53;
	v41, _, _ =	vpop (xrf1);
	v42 =	vperm.xlane v54, v4;
	v40 =	vadd.f32 $9.999999740e-06, v56;
	v3 =	vsub.f32 v19, v3  }
0x418: {  	(xrf2) =	vadd.scan.msk.f32 $0xffff, v33;
	v35 =	vmin.f32 v9, v6;
	v49 =	vadd.f32 $9.999999740e-06, v63;
	v57, _, _ =	vpop (xrf1);
	v55 =	vld.idx.msk [tilespmem:v5+s20+$0x0], $0xffff;
	v19 =	vmul.f32 v31, v25  }
0x419: {  	v33 =	vmin.f32 v15, v32;
	v43 =	vperm.xlane v57, v4;
	(xrf2) =	vadd.scan.msk.f32 $0xffff, v58;
	v3 =	vmul.f32 v3, v25  }
0x41a: {  	v45 =	vld [tilespmem:s16+$0xFFFFFF80];
	v34 =	vmin.f32 v17, v42;
	v40 =	vsel vm4, $0x0, v40;
	v42 =	vmax.f32 v17, v42;
	v31, _, _ =	vpop (xrf1)  }
0x41b: {  	v31 =	vperm.xlane v31, v4;
	v44, _, _ =	vpop (xrf1);
	(erf) = vrcp.f32 v3;
	vm15 =	vlt.f32 v3, $9.999999740e-06  }
0x41c: {  	v59, _, _ =	vpop (xrf1);
	v61 =	vmin.f32 v44, v43;
	v54 =	vmax.f32 v44, v43;
	v43 =	vmax.f32 v15, v32  }
0x41d: {  	v27 =	vsub.f32 v27, v55;
	v60 =	vmin.f32 v41, v31;
	v62, _, _ =	vpop (xrf1);
	v36 =	vperm.xlane v59, v4  }
0x41e: {  	v31 =	vmax.f32 v41, v31;
	v56 =	vmin.f32 v60, v61;
	v48 =	vperm.xlane v62, v4;
	v57, _, _ =	vpop (xrf1)  }
0x41f: {  	v7 =	vld.idx.msk [tilespmem:v7+s21+$0x0], $0xffff;
	(xrf2) =	vadd.scan.msk.f32 $0xffff, v40;
	v0 =	vmax.f32 v60, v61;
	v62 =	vadd.f32 $9.999999740e-06, v45;
	v3 =	vmin.f32 v31, v54;
	v58, _, _ =	vpop (xrf1)  }
0x420: {  	v51 =	vld.idx.msk [tilespmem:v39+s20+$0x0], $0xffff;
	(xrf1) =	vsort.ascd.msk.f32 $0xffff, v56, v56;
	v50 =	vmin.f32 v57, v48;
	v52 =	vmin.f32 v58, v36  }
0x421: {  	v17 =	vld.idx.msk [tilespmem:v37+s20+$0x0], $0xffff;
	v15 =	vmax.f32 v31, v54;
	(xrf1) =	vsort.ascd.msk.f32 $0xffff, v0, v0;
	v60, _, _ =	vpop (xrf2);
	v59 =	vmin.f32 v50, v52  }
0x422: {  	v47 =	vld [tilespmem:s16+$0xFFFFFFA0];
	v48 =	vmax.f32 v57, v48;
	v46 =	vmax.f32 v58, v36;
	v40 =	vsel vm3, $0x0, v62;
	v58, _, _ =	vpop (xrf2);
	(xrf1) =	vsort.ascd.msk.f32 $0xffff, v59, v59  }
0x423: {  	v0 =	vld [tilespmem:s16+$0xFFFFFFB0];
	v36 =	vmin.f32 v16, v8;
	v61 =	vmin.f32 v48, v46;
	v11 =	vbroadcast v58, $0xF;
	v62, _, _ =	vpop (xrf2);
	(xrf2) =	vadd.scan.msk.f32 $0xffff, v40  }
0x424: {  	s0 =	simm.s32 $0xC280;
	v63 =	vmax.f32 v48, v46;
	v48 =	vld.idx.msk [tilespmem:v1+s20+$0x0], $0xffff;
	(xrf1) =	vsort.ascd.msk.f32 $0xffff, v61, v61;
	v61 =	vmax.f32 v50, v52  }
0x425: {  	v52 =	vmul.f32 v27, v25;
	v27 =	vld [tilespmem:s0+$0x30];
	(xrf1) =	vsort.ascd.msk.f32 $0xffff, v63, v63;
	v59 =	vadd.f32 v11, v60  }
0x426: {  	v39 =	vld.idx.msk [tilespmem:v39+s21+$0x0], $0xffff;
	v46 =	vmax.f32 v9, v6;
	v41 =	vmin.f32 v33, v36;
	(xrf1) =	vsort.ascd.msk.f32 $0xffff, v61, v61  }
0x427: {  	v45 =	vld.idx.msk [tilespmem:v5+s21+$0x0], $0xffff;
	v60 =	vadd.f32 $9.999999740e-06, v47;
	v63 =	vpop (erf);
	(xrf1) =	vsort.ascd.msk.f32 $0xffff, v3, v3;
	v3 =	vsub.f32 v51, v55;
	v5 =	vbroadcast v59, $0xF  }
0x428: {  	v14 =	vld.idx.msk [tilespmem:v1+s21+$0x0], $0xffff;
	v47 =	vmax.f32 v16, v8;
	v0 =	vadd.f32 $9.999999740e-06, v0;
	v8 =	vmul.f32 v63, v2  }
0x429: {  	v16 =	vld.idx.msk [tilespmem:v29+s21+$0x0], $0xffff;
	v1 =	vmul.f32 v3, v25;
	v3 =	vsub.f32 v17, v48;
	v5 =	vadd.f32 v5, v62  }
0x42a: {  	v12 =	vmovc v13;
	v13 =	vsel vm4, $0x0, v0;
	v0 =	vld.idx.msk [tilespmem:v37+s21+$0x0], $0xffff;
	v17 =	vsub.f32 v28, v48;
	v9 =	vbroadcast v27, $0x0  }
0x42b: {  	v40 =	vmin.f32 v34, v35;
	v3 =	vmul.f32 v3, v25;
	v29 =	vbroadcast v5, $0xF  }
0x42c: {  	v50 =	vsub.f32 v39, v45;
	v28, _, _ =	vpop (xrf2);
	v44 =	vmul.f32 v17, v25;
	(erf) = vrcp.f32 v1;
	v25 =	vld [tilespmem:s0+$0x20]  }
0x42d: {  	(xrf1) =	vsort.ascd.msk.f32 $0xffff, v15, v15;
	vm5 =	vlt.f32 v1, $9.999999740e-06;
	v1 =	vsel vm7, v2, v8;
	v31 =	vadd.f32 v29, v28  }
0x42e: {  	(xrf2) =	vadd.scan.msk.f32 $0xffff, v49;
	v2 =	vsub.f32 v7, v16;
	v1 =	vmul.f32 v1, v38;
	v38 =	vperm.xlane v27, v18;
	v17 =	vpop (erf);
	v29 =	vld [tilespmem:s0+$0x10]  }
0x42f: {  	v48 =	vsub.f32 v0, v14;
	v49, _, _ =	vpop (xrf2);
	v0 =	vmul.f32 v17, v19;
	v32 =	vbroadcast v31, $0xF  }
0x430: {  	(erf) = vrcp.f32 v3;
	v53, _, _ =	vpop (xrf1);
	v17 =	vld [tilespmem:s0+$0x0];
	v1 =	vadd.f32 v1, v30;
	v28 =	vbroadcast v49, $0xF  }
0x431: {  	v54, _, _ =	vpop (xrf1);
	v0 =	vsel vm15, v19, v0;
	v39 =	vbroadcast v25, $0x0;
	(erf) = vrcp.f32 v32  }
0x432: {  	vm6 =	vlt.f32 v3, $9.999999740e-06;
	v11 =	vperm.xlane v25, v18;
	v7, _, _ =	vpop (xrf1);
	v0 =	vmul.f32 v0, v2  }
0x433: {  	v30 =	vmin.f32 v40, v41;
	(xrf1) =	vsort.ascd.msk.f32 $0xffff, v1, v1;
	v3, _, _ =	vpop (xrf1);
	v55 =	vperm.xlane v7, v4;
	v7 =	vbroadcast v29, $0x0  }
0x434: {  	v37 =	vperm.xlane v29, v18;
	v1 =	vsel vm0, v9, v11;
	v2, _, _ =	vpop (xrf1);
	v57 =	vperm.xlane v3, v4  }
0x435: {  	v8 =	vadd.f32 v0, v16;
	v3 =	vperm.xlane v17, v18;
	v63 =	vsub.f32 v25, v1;
	v61 =	vpop (erf)  }
0x436: {  	v2 =	vperm.xlane v2, v4;
	v39 =	vsel vm0, v39, v37;
	v0, _, _ =	vpop (xrf1);
	v16 =	vmax.f32 v54, v57  }
0x437: {  	v3 =	vsel vm0, v7, v3;
	v62 =	vsub.f32 v29, v39;
	(xrf1) =	vsort.ascd.msk.f32 $0xffff, v8, v8;
	v11 =	vmul.f32 $5.000000000e-01, v63;
	v6, _, _ =	vpop (xrf1)  }
0x438: {  	v56 =	vperm.xlane v0, v4;
	v15 =	vmax.f32 v53, v2;
	v7, _, _ =	vpop (xrf2);
	v0 =	vsub.f32 v17, v3  }
0x439: {  	(xrf2) =	vadd.scan.msk.f32 $0xffff, v60;
	v60 =	vpop (erf);
	v53 =	vmin.f32 v53, v2;
	v51 =	vadd.f32 v28, v7;
	v7 =	vsub.f32 v27, v38  }
0x43a: {  	(xrf2) =	vadd.scan.msk.f32 $0xffff, v13;
	v13 =	vmul.f32 $5.000000000e-01, v62;
	v1 =	vadd.f32 v11, v1;
	v0 =	vmul.f32 $5.000000000e-01, v0;
	v37 =	vpop (erf)  }
0x43b: {  	s3 =	simm.s32 $0x18120;
	s25 =	simm.s32 $0x140;
	(xrf1) =	vsort.ascd.msk.f32 $0xffff, v30, v30;
	v19 =	vmax.f32 v6, v56;
	v7 =	vmul.f32 $5.000000000e-01, v7;
	v28 =	vmul.f32 $6.300000000e+01, v37  }
0x43c: {  	s26 =	sor.u32 $0x50, s25;
	[tilespmem:s3+$0x20] =	vst v58;
	v8, _, _ =	vpop (xrf1);
	v13 =	vadd.f32 v13, v39;
	v30 =	vmax.f32 v15, v19;
	v0 =	vadd.f32 v0, v3  }
0x43d: {  	s28 =	sor.u32 $0x60, s25;
	[tilespmem:s26+$0x18000] =	vst v59;
	v3 =	vmax.f32 v8, v55;
	v7 =	vadd.f32 v7, v38;
	v9 =	vmul.f32 v28, v58  }
0x43e: {  	s31 =	sor.u32 $0x70, s25;
	[tilespmem:s28+$0x18000] =	vst v5;
	v39 =	vmul.f32 v28, v59;
	v58 =	vmul.f32 v28, v5;
	v5 =	vsel vm4, $0x7F800000, v31  }
0x43f: {  	s13 =	simm.s32 $0x1A120;
	v28 =	vmul.f32 v28, v31;
	v31 =	vmax.f32 v16, v3;
	[tilespmem:s31+$0x18000] =	vst v5;
	v11 =	vtrunc.f32 v9  }
0x440: {  	[tilespmem:s13+$0x20] =	vst v0;
	v0 =	vmax.f32 v30, v31;
	v63 =	vtrunc.f32 v39;
	vm7 =	vgt.f32 v9, v11  }
0x441: {  	v62 =	vcvt.f32.s32 v11;
	v9 =	vimm.s32 $0x0;
	v11 =	vtrunc.f32 v58  }
0x442: {  	[tilespmem:s26+$0x1A000] =	vst v13;
	v13 =	vcvt.f32.s32 v63;
	v5 =	vsel vm7, $0x1, v9;
	vm7 =	vgt.f32 v39, v63  }
0x443: {  	vm9 =	vgt.f32 v58, v11;
	v39 =	vcvt.f32.s32 v11;
	v5 =	vadd.s32 v62, v5  }
0x444: {  	v62 =	vtrunc.f32 v28;
	v63 =	vsel vm7, $0x1, v9;
	v11 =	vsel vm9, $0x1, v9  }
0x445: {  	(xrf1) =	vsort.ascd.msk.f32 $0xffff, v0, v0;
	vm12 =	vlt.s32 v5, $0x40;
	v5 =	vadd.s32 s25, v5;
	vm7 =	vgt.f32 v28, v62  }
0x446: {  	[tilespmem:s28+$0x1A000] =	vst v1;
	v13 =	vadd.s32 v13, v63;
	v38 =	vcvt.f32.s32 v62;
	vm8 =	vmand vm12, vm1  }
0x447: {  	s15 =	simm.s32 $0x1C120;
	v1 =	vld [tilespmem:s0+$0xFFFFFF90];
	[tilespmem:s31+$0x1A000] =	vst v7;
	v39 =	vadd.s32 v39, v11;
	v62 =	vbroadcast v51, $0xF;
	vm13 =	vlt.s32 v13, $0x40  }
0x448: {  	v7 =	vld [tilespmem:s0+$0xFFFFFFA0];
	[tilespmem:s15+$0x20] =	vst v9;
	v0 =	vsel vm7, $0x1, v9;
	v13 =	vadd.s32 s25, v13;
	vm7 =	vlt.s32 v39, $0x40  }
0x449: {  	v28 =	vld [tilespmem:s0+$0xFFFFFFB0];
	[tilespmem:s26+$0x1C000] =	vst v9;
	v59 =	vadd.s32 s25, v39;
	v39 =	vmax.f32 v33, v36;
	v36 =	vmin.f32 v43, v47  }
0x44a: {  	v33 =	vmax.f32 v42, v46;
	[tilespmem:s28+$0x1C000] =	vst v9;
	v0 =	vadd.s32 v38, v0;
	v38 =	vmax.f32 v34, v35  }
0x44b: {  	v63, _, _ =	vpop (xrf2);
	v34 =	vmin.f32 v42, v46;
	v35 =	vmax.f32 v43, v47;
	[tilespmem:s31+$0x1C000] =	vst v9;
	vm14 =	vlt.s32 v0, $0x40  }
0x44c: {  	(xrf1) =	vsort.ascd.msk.f32 $0xffff, v1, v1;
	v58 =	vadd.f32 v62, v63;
	[tilespmem:v5+s19+$0x0] =	vst.idx.add.s32.msk vm8, v10;
	vm8 =	vmand vm14, vm2  }
0x44d: {  	v46 =	vmul.f32 v61, v52;
	v47 =	vmul.f32 v60, v44;
	v0 =	vadd.s32 s25, v0;
	(xrf1) =	vsort.ascd.msk.f32 $0xffff, v7, v7;
	v5 =	vld [tilespmem:s0+$0xFFFFFF80]  }
0x44e: {  	v43 =	vmin.f32 v54, v57;
	(xrf1) =	vsort.ascd.msk.f32 $0xffff, v28, v28;
	[tilespmem:v13+s19+$0x0] =	vst.idx.add.s32.msk vm13, v10;
	v13 =	vbroadcast v58, $0xF  }
0x44f: {  	v2, _, _ =	vpop (xrf2);
	v9 =	vbroadcast v1, $0x0;
	v54 =	vperm.xlane v1, v18;
	v52 =	vsel vm5, v52, v46  }
0x450: {  	v57 =	vperm.xlane v7, v18;
	v61 =	vsel vm6, v44, v47;
	v2 =	vadd.f32 v13, v2  }
0x451: {  	v46 =	vbroadcast v7, $0x0;
	v47 =	vmin.f32 v8, v55;
	v63 =	vperm.xlane v28, v18;
	[tilespmem:v59+s19+$0x0] =	vst.idx.add.s32.msk vm7, v10  }
0x452: {  	v8 =	vmul.f32 v52, v50;
	(xrf1) =	vsort.ascd.msk.f32 $0xffff, v5, v5;
	v42 =	vbroadcast v2, $0xF;
	[tilespmem:v0+s19+$0x0] =	vst.idx.add.s32.msk vm8, v10  }
0x453: {  	v48 =	vmul.f32 v61, v48;
	v54 =	vsel vm0, v46, v54;
	v13 =	vperm.xlane v5, v18;
	v59 =	vld [tilespmem:s15+$0x20]  }
0x454: {  	v1 =	vsub.f32 v1, v54;
	v8 =	vadd.f32 v8, v45;
	(erf) = vrcp.f32 v42  }
0x455: {  	[tilespmem:s3+$0x0] =	vst v58;
	v14 =	vadd.f32 v48, v14;
	v13 =	vsel vm0, v9, v13;
	v9 =	vbroadcast v28, $0x0  }
0x456: {  	[tilespmem:s3+$0xFFFFFFF0] =	vst v51;
	v0 =	vmin.f32 v6, v56;
	v6, _, _ =	vpop (xrf1);
	v56 =	vld [tilespmem:s26+$0x1C000];
	v28 =	vsub.f32 v28, v63;
	v5 =	vsub.f32 v5, v13  }
0x457: {  	v1 =	vmul.f32 $5.000000000e-01, v1;
	(xrf1) =	vsort.ascd.msk.f32 $0xffff, v8, v8;
	v62, _, _ =	vpop (xrf1);
	v60 =	vld [tilespmem:s28+$0x1C000];
	v57 =	vsel vm0, v9, v57;
	v9 =	vsel vm4, $0x7F800000, v2  }
0x458: {  	v44, _, _ =	vpop (xrf1);
	v28 =	vmul.f32 $5.000000000e-01, v28;
	v5 =	vmul.f32 $5.000000000e-01, v5;
	v7 =	vsub.f32 v7, v57;
	(xrf0) =	vadd.scan.msk.s32 $0xffff, v59  }
0x459: {  	v1 =	vadd.f32 v1, v54;
	(xrf1) =	vsort.ascd.msk.f32 $0xffff, v14, v14;
	v55 =	vperm.xlane v62, v4;
	v46, _, _ =	vpop (xrf1);
	[tilespmem:s3+$0x10] =	vst v9  }
0x45a: {  	v8 =	vadd.f32 v28, v63;
	v9 =	vld [tilespmem:$0x1FFA0];
	[tilespmem:s3+$0xFFFFFFE0] =	vst v49;
	v5 =	vadd.f32 v5, v13;
	v13, _, _ =	vpop (xrf1);
	v7 =	vmul.f32 $5.000000000e-01, v7  }
0x45b: {  	[tilespmem:s13+$0xFFFFFFF0] =	vst v1;
	v45, _, _ =	vpop (xrf1);
	(xrf0) =	vadd.scan.msk.s32 $0xffff, v56;
	v28 =	vperm.xlane v13, v4  }
0x45c: {  	v50 =	vld [tilespmem:s31+$0x1C000];
	[tilespmem:s13+$0x10] =	vst v8;
	v59, _, _ =	vpop (xrf1);
	v7 =	vadd.f32 v7, v57;
	(xrf0) =	vadd.scan.msk.s32 $0xffff, v60;
	v60 =	vmin.f32 v6, v55  }
0x45d: {  	v6 =	vmax.f32 v6, v55;
	[tilespmem:s13+$0xFFFFFFE0] =	vst v5;
	v54 =	vperm.xlane v59, v4;
	(xrf1) =	vsort.ascd.msk.f32 $0xffff, v60, v60;
	v13 =	vpop (erf)  }
0x45e: {  	v11 =	vimm.s32 $0x0;
	(xrf1) =	vsort.ascd.msk.f32 $0xffff, v6, v6;
	[tilespmem:s13+$0x0] =	vst v7;
	v62 =	vmul.f32 $6.300000000e+01, v13;
	v14, _, _ =	vpop (xrf0)  }
0x45f: {  	v61 =	vmin.f32 v45, v54;
	v54 =	vmax.f32 v45, v54;
	[tilespmem:s15+$0xFFFFFFE0] =	vst v11;
	v59 =	vbroadcast v14, $0xF  }
0x460: {  	v45 =	vmin.f32 v53, v0;
	[tilespmem:s15+$0xFFFFFFF0] =	vst v11;
	v63, _, _ =	vpop (xrf1);
	v49 =	vmul.f32 v62, v49;
	v2 =	vmul.f32 v62, v2  }
0x461: {  	(xrf0) =	vadd.scan.msk.s32 $0xffff, v50;
	v60, _, _ =	vpop (xrf0);
	v50 =	vmin.f32 v63, v28;
	v6 =	vmax.f32 v63, v28;
	v28 =	vmul.f32 v62, v51  }
0x462: {  	[tilespmem:s15+$0x0] =	vst v11;
	v51 =	vmul.f32 v62, v58;
	v5 =	vadd.s32 v59, v60;
	v1 =	vtrunc.f32 v49  }
0x463: {  	(xrf1) =	vsort.ascd.msk.f32 $0xffff, v61, v61;
	v14 =	vadd.s32 s25, v14;
	v63 =	vtrunc.f32 v2;
	v48 =	vbroadcast v5, $0xF  }
0x464: {  	(xrf1) =	vsort.ascd.msk.f32 $0xffff, v54, v54;
	v62 =	vcvt.f32.s32 v1;
	vm5 =	vgt.f32 v49, v1;
	v1 =	vcvt.f32.s32 v63  }
0x465: {  	v61, _, _ =	vpop (xrf0);
	(xrf1) =	vsort.ascd.msk.f32 $0xffff, v50, v50;
	v58 =	vtrunc.f32 v28;
	v5 =	vadd.s32 s25, v5;
	v59 =	vtrunc.f32 v51  }
0x466: {  	vm6 =	vgt.f32 v2, v63;
	(xrf1) =	vsort.ascd.msk.f32 $0xffff, v6, v6;
	v6 =	vsel vm5, $0x1, v11;
	v48 =	vadd.s32 v61, v48  }
0x467: {  	v60 =	vcvt.f32.s32 v58;
	(xrf1) =	vsort.ascd.msk.f32 $0xffff, v24, v24;
	v24 =	vadd.s32 $0x1, v5;
	v57, _, _ =	vpop (xrf0);
	v7 =	vbroadcast v48, $0xF  }
0x468: {  	vm5 =	vgt.f32 v28, v58;
	(xrf1) =	vsort.ascd.msk.f32 $0xffff, v26, v26;
	v26 =	vcvt.f32.s32 v59;
	v49 =	vadd.s32 s25, v57  }
0x469: {  	v18 =	vld [tilespmem:$0x1FE80];
	v6 =	vadd.s32 v62, v6;
	v28 =	vadd.s32 s25, v48;
	v2 =	vadd.s32 v7, v49  }
0x46a: {  	(xrf1) =	vsort.ascd.msk.f32 $0xffff, v23, v23;
	v48 =	vmax.f32 v53, v0;
	v53 =	vld.idx.msk [tilespmem:v14+s20+$0x0], $0xffff;
	v7 =	vsel vm6, $0x1, v11;
	v8 =	vadd.s32 $0x1, v2  }
0x46b: {  	v23 =	vsel vm5, $0x1, v11;
	vm5 =	vlt.s32 v6, $0x40;
	(xrf1) =	vsort.ascd.msk.f32 $0xffff, v22, v22;
	v1 =	vadd.s32 v1, v7;
	v7 =	vld.idx.msk [tilespmem:v5+s20+$0x0], $0xffff  }
0x46c: {  	s12 =	simm.s32 $0x100;
	v61, _, _ =	vpop (xrf1);
	v50 =	vadd.s32 $0x1, v28;
	vm5 =	vmand vm5, vm1;
	vm6 =	vgt.f32 v51, v59;
	(xrf1) =	vsort.ascd.msk.f32 $0xffff, v21, v21;
	v21 =	vld.idx.msk [tilespmem:v24+s20+$0x0], $0xffff  }
0x46d: {  	v6 =	vadd.s32 s12, v6;
	v49 =	vadd.s32 v60, v23;
	v62 =	vsel vm6, $0x1, v11;
	v5 =	vld.idx.msk [tilespmem:v5+s21+$0x0], $0xffff  }
0x46e: {  	v52 =	vadd.s32 $0x1, v14;
	vm6 =	vlt.s32 v49, $0x40;
	v26 =	vadd.s32 v26, v62;
	v51 =	vld.idx.msk [tilespmem:v2+s20+$0x0], $0xffff  }
0x46f: {  	v22, _, _ =	vpop (xrf1);
	v49 =	vadd.s32 s12, v49;
	vm7 =	vlt.s32 v26, $0x40;
	v54 =	vld.idx.msk [tilespmem:v8+s20+$0x0], $0xffff  }
0x470: {  	(xrf1) =	vsort.ascd.msk.f32 $0xffff, v20, v20;
	v23, _, _ =	vpop (xrf1);
	v55 =	vld.idx.msk [tilespmem:v28+s20+$0x0], $0xffff;
	v26 =	vadd.s32 s12, v26  }
0x471: {  	[tilespmem:s15+$0x10] =	vst v11;
	v60 =	vperm.xlane v61, v4;
	(xrf1) =	vsort.ascd.msk.f32 $0xffff, v18, v18;
	v20, _, _ =	vpop (xrf1);
	v18 =	vld.idx.msk [tilespmem:v50+s20+$0x0], $0xffff  }
0x472: {  	v63, _, _ =	vpop (xrf1);
	[tilespmem:v6+s19+$0x0] =	vst.idx.add.s32.msk vm5, v10  }
0x473: {  	v40 =	vmax.f32 v40, v41;
	v62 =	vmin.f32 v22, v60;
	v0 =	vperm.xlane v63, v4;
	v61, _, _ =	vpop (xrf1);
	v63 =	vld.idx.msk [tilespmem:v52+s20+$0x0], $0xffff  }
0x474: {  	v6 =	vsub.f32 v21, v7;
	[tilespmem:v49+s19+$0x0] =	vst.idx.add.s32.msk vm6, v10;
	v21, _, _ =	vpop (xrf1);
	v54 =	vsub.f32 v54, v51  }
0x475: {  	v22 =	vmax.f32 v22, v60;
	v56 =	vperm.xlane v61, v4;
	v11, _, _ =	vpop (xrf1);
	[tilespmem:v26+s19+$0x0] =	vst.idx.add.s32.msk vm7, v10  }
0x476: {  	v26 =	vmin.f32 v11, v0;
	v0 =	vmax.f32 v11, v0;
	v11 =	vld [tilespmem:$0x1FFB0];
	v41 =	vmul.f32 v54, v37  }
0x477: {  	v24 =	vld.idx.msk [tilespmem:v24+s21+$0x0], $0xffff;
	vm15 =	vlt.s32 v1, $0x40;
	v1 =	vadd.s32 s12, v1;
	v18 =	vsub.f32 v18, v55  }
0x478: {  	v6 =	vmul.f32 v6, v37;
	(xrf1) =	vsort.ascd.msk.f32 $0xffff, v62, v62;
	v60 =	vmin.f32 v21, v56;
	(erf) = vrcp.f32 v41  }
0x479: {  	vm5 =	vmand vm15, vm2;
	(xrf1) =	vsort.ascd.msk.f32 $0xffff, v22, v22;
	v18 =	vmul.f32 v18, v37;
	v62 =	vmin.f32 v60, v26  }
0x47a: {  	v21 =	vmax.f32 v21, v56;
	v61 =	vsub.f32 v63, v53;
	(xrf1) =	vsort.ascd.msk.f32 $0xffff, v62, v62;
	v62 =	vld [tilespmem:$0x1FFD0];
	(erf) = vrcp.f32 v6  }
0x47b: {  	v22 =	vmax.f32 v60, v26;
	v60 =	vmul.f32 v32, v11;
	(erf) = vrcp.f32 v18  }
0x47c: {  	v63 =	vmin.f32 v21, v0;
	v0 =	vmax.f32 v21, v0;
	v21 =	vmul.f32 v32, v9  }
0x47d: {  	v28 =	vld.idx.msk [tilespmem:v28+s21+$0x0], $0xffff;
	v26 =	vmul.f32 v61, v37;
	(xrf1) =	vsort.ascd.msk.f32 $0xffff, v22, v22;
	v22 =	vsub.f32 v60, v53  }
0x47e: {  	v2 =	vld.idx.msk [tilespmem:v2+s21+$0x0], $0xffff;
	v61 =	vmul.f32 v32, v12;
	v21 =	vsub.f32 v21, v51  }
0x47f: {  	v8 =	vld.idx.msk [tilespmem:v8+s21+$0x0], $0xffff;
	v24 =	vsub.f32 v24, v5;
	v32 =	vmul.f32 v32, v62;
	(erf) = vrcp.f32 v26  }
0x480: {  	[tilespmem:v1+s19+$0x0] =	vst.idx.add.s32.msk vm5, v10;
	v7 =	vsub.f32 v61, v7;
	v21 =	vmul.f32 v21, v37  }
0x481: {  	v50 =	vld.idx.msk [tilespmem:v50+s21+$0x0], $0xffff;
	(xrf1) =	vsort.ascd.msk.f32 $0xffff, v63, v63;
	v32 =	vsub.f32 v32, v55;
	v1 =	vmul.f32 v22, v37;
	v22 =	vpop (erf)  }
0x482: {  	v63, _, _ =	vpop (xrf1);
	(xrf1) =	vsort.ascd.msk.f32 $0xffff, v0, v0;
	v0 =	vld.idx.msk [tilespmem:v14+s21+$0x0], $0xffff;
	v7 =	vmul.f32 v7, v37;
	v22 =	vmul.f32 v22, v21  }
0x483: {  	vm6 =	vlt.f32 v6, $9.999999740e-06;
	vm5 =	vlt.f32 v41, $9.999999740e-06;
	(xrf1) =	vsort.ascd.msk.f32 $0xffff, v40, v40;
	v6 =	vld [tilespmem:s15+$0xFFFFFFE0];
	v14 =	vmul.f32 v32, v37;
	v10 =	vpop (erf)  }
0x484: {  	(xrf1) =	vsort.ascd.msk.f32 $0xffff, v29, v29;
	v32 =	vmul.f32 v10, v7;
	v29 =	vpop (erf);
	v21 =	vsel vm5, v21, v22;
	v22 =	vld.idx.msk [tilespmem:v52+s21+$0x0], $0xffff  }
0x485: {  	v8 =	vsub.f32 v8, v2;
	v29 =	vmul.f32 v29, v14  }
0x486: {  	v53, _, _ =	vpop (xrf1);
	(xrf1) =	vsort.ascd.msk.f32 $0xffff, v27, v27;
	vm5 =	vlt.f32 v18, $9.999999740e-06;
	v7 =	vsel vm6, v7, v32  }
0x487: {  	v54, _, _ =	vpop (xrf1);
	v8 =	vmul.f32 v21, v8;
	v21 =	vsub.f32 v50, v28;
	v14 =	vsel vm5, v14, v29  }
0x488: {  	(xrf1) =	vsort.ascd.msk.f32 $0xffff, v17, v17;
	v7 =	vmul.f32 v7, v24;
	v24 =	vpop (erf)  }
0x489: {  	(xrf0) =	vadd.scan.msk.s32 $0xffff, v6;
	v18, _, _ =	vpop (xrf1);
	v6 =	vmul.f32 v14, v21;
	v21 =	vmul.f32 v24, v1;
	v17 =	vsub.f32 v22, v0  }
0x48a: {  	v3 =	vmin.f32 v16, v3;
	vm5 =	vlt.f32 v26, $9.999999740e-06;
	v2 =	vadd.f32 v8, v2;
	v14, _, _ =	vpop (xrf1)  }
0x48b: {  	v41 =	vmin.f32 v38, v39;
	v24 =	vld [tilespmem:s15+$0xFFFFFFF0];
	v1 =	vsel vm5, v1, v21;
	v6 =	vadd.f32 v6, v28;
	v56, _, _ =	vpop (xrf1)  }
0x48c: {  	s6 =	simm.s32 $0x14080;
	v10 =	vld [tilespmem:$0x1FE90];
	v5 =	vadd.f32 v7, v5;
	v7, _, _ =	vpop (xrf1);
	(xrf1) =	vsort.ascd.msk.f32 $0xffff, v25, v25;
	v1 =	vmul.f32 v1, v17  }
0x48d: {  	s7 =	simm.s32 $0x14180;
	v40 =	vmax.f32 v38, v39;
	v39 =	vmax.f32 v34, v36;
	[tilespmem:s6+$0x40] =	vst v14;
	v14 =	vld [tilespmem:s15+$0x0];
	v17, _, _ =	vpop (xrf1);
	(xrf1) =	vsort.ascd.msk.f32 $0xffff, v2, v2  }
0x48e: {  	[tilespmem:s7+$0x70] =	vst v46;
	v0 =	vadd.f32 v1, v0;
	v2, _, _ =	vpop (xrf1);
	(xrf1) =	vsort.ascd.msk.f32 $0xffff, v5, v5;
	v5 =	vperm.xlane v17, v4  }
0x48f: {  	[tilespmem:s6+$0xFFFFFF80] =	vst v44;
	v1 =	vmin.f32 v15, v19;
	v2 =	vperm.xlane v2, v4;
	(xrf1) =	vsort.ascd.msk.f32 $0xffff, v6, v6;
	v6, _, _ =	vpop (xrf0)  }
0x490: {  	v25, _, _ =	vpop (xrf1);
	(xrf0) =	vadd.scan.msk.s32 $0xffff, v24;
	v16 =	vmin.f32 v20, v5;
	v57 =	vadd.s32 s12, v6;
	v5 =	vmax.f32 v20, v5  }
0x491: {  	(xrf1) =	vsort.ascd.msk.f32 $0xffff, v0, v0;
	v26, _, _ =	vpop (xrf1);
	v15 =	vmin.f32 v23, v2;
	v0 =	vadd.s32 $0x1, v57;
	v2 =	vmax.f32 v23, v2  }
0x492: {  	(xrf0) =	vadd.scan.msk.s32 $0xffff, v14;
	v24, _, _ =	vpop (xrf1);
	v17 =	vmin.f32 v15, v16;
	v58 =	vmax.f32 v15, v16;
	v15 =	vmin.f32 v2, v5  }
0x493: {  	v27 =	vmul.f32 v42, v12;
	v55 =	vmin.f32 v43, v47;
	[tilespmem:s6+$0x0] =	vst v63;
	v23, _, _ =	vpop (xrf1);
	(xrf1) =	vsort.ascd.msk.f32 $0xffff, v17, v17  }
0x494: {  	v43 =	vmax.f32 v43, v47;
	[tilespmem:s6+$0x10] =	vst v53;
	v29 =	vmul.f32 v42, v11;
	v59, _, _ =	vpop (xrf1);
	(xrf1) =	vsort.ascd.msk.f32 $0xffff, v58, v58  }
0x495: {  	[tilespmem:s6+$0x20] =	vst v54;
	v21 =	vmul.f32 v42, v9;
	v2 =	vmax.f32 v2, v5;
	v5 =	vld [tilespmem:s15+$0x10];
	(xrf1) =	vsort.ascd.msk.f32 $0xffff, v15, v15;
	v15, _, _ =	vpop (xrf1)  }
0x496: {  	v22 =	vmul.f32 v42, v62;
	v42 =	vmin.f32 v34, v36;
	v36 =	vld.idx.msk [tilespmem:v57+s20+$0x0], $0xffff;
	v16, _, _ =	vpop (xrf1);
	v60 =	vperm.xlane v15, v4  }
0x497: {  	v54 =	vmin.f32 v48, v43;
	[tilespmem:s6+$0x60] =	vst v7;
	v6 =	vbroadcast v6, $0xF;
	(xrf1) =	vsort.ascd.msk.f32 $0xffff, v2, v2;
	v2 =	vld.idx.msk [tilespmem:v0+s20+$0x0], $0xffff;
	v62, _, _ =	vpop (xrf1)  }
0x498: {  	v19 =	vmax.f32 v48, v43;
	v61, _, _ =	vpop (xrf0);
	v43 =	vld.idx.msk [tilespmem:v0+s21+$0x0], $0xffff;
	v7 =	vperm.xlane v16, v4;
	v0 =	vmin.f32 v62, v60  }
0x499: {  	v38 =	vmin.f32 v33, v35;
	v53 =	vmax.f32 v45, v55;
	[tilespmem:s6+$0x30] =	vst v18;
	v6 =	vadd.s32 v6, v61;
	v63, _, _ =	vpop (xrf0)  }
0x49a: {  	v18 =	vmax.f32 v1, v3;
	v17 =	vmin.f32 v1, v3;
	v32 =	vadd.s32 s12, v6;
	(xrf0) =	vadd.scan.msk.s32 $0xffff, v5;
	v1, _, _ =	vpop (xrf1)  }
0x49b: {  	v28 =	vmax.f32 v33, v35;
	v3 =	vadd.s32 $0x1, v32;
	(xrf1) =	vsort.ascd.msk.f32 $0xffff, v0, v0;
	v5 =	vmin.f32 v1, v7;
	v0, _, _ =	vpop (xrf1)  }
0x49c: {  	v1 =	vmax.f32 v1, v7;
	(xrf1) =	vsort.ascd.msk.f32 $0xffff, v5, v5;
	v5 =	vbroadcast v6, $0xF;
	v0 =	vperm.xlane v0, v4;
	v7, _, _ =	vpop (xrf1)  }
0x49d: {  	[tilespmem:s6+$0x70] =	vst v10;
	v35 =	vsub.f32 v2, v36;
	v2 =	vmax.f32 v62, v60;
	(xrf1) =	vsort.ascd.msk.f32 $0xffff, v1, v1;
	v6, _, _ =	vpop (xrf1)  }
0x49e: {  	[tilespmem:s6+$0x50] =	vst v56;
	(xrf1) =	vsort.ascd.msk.f32 $0xffff, v2, v2;
	v2 =	vadd.s32 v63, v5;
	v5 =	vmax.f32 v6, v0  }
0x49f: {  	v16 =	vmin.f32 v30, v31;
	v30 =	vld.idx.msk [tilespmem:v57+s21+$0x0], $0xffff;
	v1 =	vperm.xlane v7, v4;
	v7 =	vmin.f32 v6, v0  }
0x4a0: {  	v20 =	vmin.f32 v45, v55;
	[tilespmem:s6+$0xFFFFFF90] =	vst v59;
	v44 =	vld.idx.msk [tilespmem:v32+s20+$0x0], $0xffff;
	v6, _, _ =	vpop (xrf1);
	(xrf1) =	vsort.ascd.msk.f32 $0xffff, v7, v7  }
0x4a1: {  	v31 =	vld.idx.msk [tilespmem:v3+s21+$0x0], $0xffff;
	v37 =	vbroadcast v2, $0xF;
	v33 =	vadd.s32 s12, v2;
	v2 =	vmin.f32 v6, v1;
	(xrf1) =	vsort.ascd.msk.f32 $0xffff, v5, v5;
	v5, _, _ =	vpop (xrf0)  }
0x4a2: {  	s8 =	simm.s32 $0x14180;
	s14 =	simm.s32 $0x4;
	s25 =	simm.s32 $0x10380;
	v0 =	vld.idx.msk [tilespmem:v3+s20+$0x0], $0xffff;
	v47 =	vmax.f32 v6, v1;
	v34 =	vadd.s32 $0x1, v33;
	(xrf1) =	vsort.ascd.msk.f32 $0xffff, v2, v2;
	v45, _, _ =	vpop (xrf1);
	v46 =	vadd.s32 s12, v5  }
.LBB2_5:
0x4a3: {  	v1 =	vld [tilespmem:s25+$0x10]  }
0x4a4: {  	v6 =	vld [tilespmem:s25+$0xFFFFFF80]  }
0x4a5: {  	v58 =	vld [tilespmem:s25+$0x0]  }
0x4a6: {  	v60 =	vld [tilespmem:s25+$0xFFFFFF90]  }
0x4a7: {  	v2 =	vadd.s32 v37, v46;
	v48 =	vld [tilespmem:s25+$0xFFFFFFA0]  }
0x4a8: {  	v3 =	vmul.f32 v35, v13;
	(xrf1) =	vsort.ascd.msk.f32 $0xffff, v47, v47;
	v7 =	vsub.f32 v29, v36;
	v63 =	vld [tilespmem:$0x1FE50]  }
0x4a9: {  	v35 =	vsub.f32 v43, v30;
	v49 =	vperm.xlane v45, v4;
	v12 =	vld [tilespmem:$0x1FE60];
	v8 =	vadd.s32 $0x1, v2;
	v5, _, _ =	vpop (xrf1)  }
0x4aa: {  	[tilespmem:$0x1FDD0] =	vst v54;
	v54 =	vld.idx.msk [tilespmem:v33+s20+$0x0], $0xffff;
	vm5 =	vlt.f32 v3, $9.999999740e-06;
	v37 =	vmul.f32 v7, v13;
	v29, _, _ =	vpop (xrf1);
	v5 =	vperm.xlane v5, v4  }
0x4ab: {  	v9 =	vld [tilespmem:$0x1FE40];
	(erf) = vrcp.f32 v3;
	v29 =	vperm.xlane v29, v4;
	v59, _, _ =	vpop (xrf1);
	(xrf1) =	vsort.ascd.msk.f32 $0xffff, v41, v41;
	v7 =	vsub.f32 v27, v44  }
0x4ac: {  	v10 =	vld [tilespmem:$0x1FE30];
	v62 =	vsub.f32 v0, v44;
	v61 =	vperm.xlane v59, v4;
	v11 =	vadd.f32 $9.999999740e-06, v1  }
0x4ad: {  	v50 =	vld [tilespmem:s25+$0xFFFFFFB0];
	(xrf1) =	vsort.ascd.msk.f32 $0xffff, v40, v40;
	v6 =	vadd.f32 $9.999999740e-06, v6;
	v14 =	vadd.f32 $9.999999740e-06, v58;
	v52 =	vmin.f32 v63, v5  }
0x4ae: {  	v46 =	vmin.f32 v12, v49;
	v45 =	vadd.f32 $9.999999740e-06, v60;
	v27 =	vmul.f32 v7, v13;
	v7 =	vld [tilespmem:s25+$0x20]  }
0x4af: {  	v3 =	vld [tilespmem:s25+$0x30];
	v44 =	vadd.f32 $9.999999740e-06, v48;
	v5 =	vmax.f32 v63, v5;
	v12 =	vmax.f32 v12, v49;
	v1, _, _ =	vpop (xrf1)  }
0x4b0: {  	v22 =	vsub.f32 v22, v54;
	v36 =	vmin.f32 v9, v29;
	v51 =	vmul.f32 v62, v13;
	(xrf2) =	vadd.scan.msk.f32 $0xffff, v11;
	v59, _, _ =	vpop (xrf1)  }
0x4b1: {  	[tilespmem:$0x1FDC0] =	vst v53;
	v43 =	vld.idx.msk [tilespmem:v2+s21+$0x0], $0xffff;
	v0 =	vmin.f32 v10, v61;
	v40 =	vmax.f32 v10, v61;
	v60 =	vsel vm3, $0x0, v14;
	v61, _, _ =	vpop (xrf1)  }
0x4b2: {  	v47 =	vadd.f32 $9.999999740e-06, v50;
	v41 =	vld.idx.msk [tilespmem:v8+s20+$0x0], $0xffff;
	(xrf2) =	vadd.scan.msk.f32 $0xffff, v60;
	v50 =	vperm.xlane v59, v4;
	v48 =	vperm.xlane v61, v4;
	v53, _, _ =	vpop (xrf1)  }
0x4b3: {  	v56 =	vmax.f32 v9, v29;
	v6 =	vsel vm3, $0x0, v6;
	v10 =	vld.idx.msk [tilespmem:v34+s20+$0x0], $0xffff;
	v55 =	vadd.f32 $9.999999740e-06, v7;
	v62, _, _ =	vpop (xrf1)  }
0x4b4: {  	v3 =	vadd.f32 $9.999999740e-06, v3;
	(xrf1) =	vsort.ascd.msk.f32 $0xffff, v42, v42;
	v60 =	vmin.f32 v53, v50;
	v63 =	vmin.f32 v1, v48;
	v29, _, _ =	vpop (xrf1)  }
0x4b5: {  	v15 =	vperm.xlane v62, v4;
	(xrf2) =	vadd.scan.msk.f32 $0xffff, v55;
	v14 =	vmin.f32 v63, v60;
	v29 =	vperm.xlane v29, v4;
	v57, _, _ =	vpop (xrf1)  }
0x4b6: {  	v47 =	vsel vm4, $0x0, v47;
	v42 =	vld.idx.msk [tilespmem:v2+s20+$0x0], $0xffff;
	v3 =	vsel vm4, $0x0, v3;
	v2 =	vmax.f32 v63, v60;
	(xrf1) =	vsort.ascd.msk.f32 $0xffff, v14, v14;
	v7, _, _ =	vpop (xrf1)  }
0x4b7: {  	v49 =	vpop (erf);
	(erf) = vrcp.f32 v51;
	v61 =	vmin.f32 v57, v29;
	v62 =	vmin.f32 v7, v15;
	(xrf1) =	vsort.ascd.msk.f32 $0xffff, v2, v2  }
0x4b8: {  	(xrf2) =	vadd.scan.msk.f32 $0xffff, v3;
	v3 =	vmax.f32 v57, v29;
	v7 =	vmax.f32 v7, v15;
	v2 =	vmin.f32 v61, v62  }
0x4b9: {  	vm6 =	vlt.f32 v51, $9.999999740e-06;
	v59 =	vmin.f32 v40, v5;
	v29 =	vmin.f32 v3, v7;
	v55, _, _ =	vpop (xrf1);
	(xrf1) =	vsort.ascd.msk.f32 $0xffff, v2, v2  }
0x4ba: {  	v51 =	vmov v26;
	v1 =	vmax.f32 v1, v48;
	v14 =	vmax.f32 v3, v7;
	v63, _, _ =	vpop (xrf2);
	(xrf1) =	vsort.ascd.msk.f32 $0xffff, v29, v29  }
0x4bb: {  	v3 =	vld.idx.msk [tilespmem:v34+s21+$0x0], $0xffff;
	v7 =	vmax.f32 v53, v50;
	v9 =	vmax.f32 v61, v62;
	v2, _, _ =	vpop (xrf1);
	(xrf1) =	vsort.ascd.msk.f32 $0xffff, v14, v14  }
0x4bc: {  	v10 =	vsub.f32 v10, v54;
	v50 =	vld.idx.msk [tilespmem:v33+s21+$0x0], $0xffff;
	v60 =	vmin.f32 v1, v7;
	v29, _, _ =	vpop (xrf2);
	(xrf1) =	vsort.ascd.msk.f32 $0xffff, v9, v9  }
0x4bd: {  	v54 =	vmovc v24;
	v24 =	vmov v18;
	v61 =	vbroadcast v29, $0xF;
	v14 =	vmax.f32 v1, v7;
	(xrf1) =	vsort.ascd.msk.f32 $0xffff, v60, v60  }
0x4be: {  	v18 =	vmovc v17;
	v17 =	vimm.s32 $0x0;
	v41 =	vsub.f32 v41, v42;
	v21 =	vsub.f32 v21, v42;
	(xrf1) =	vsort.ascd.msk.f32 $0xffff, v14, v14  }
0x4bf: {  	[tilespmem:$0x1FE40] =	vst v51;
	v42 =	vmin.f32 v36, v46;
	v36 =	vmax.f32 v36, v46;
	v53 =	vadd.f32 v61, v63  }
0x4c0: {  	v11 =	vmul.f32 v41, v13;
	v41 =	vmin.f32 v0, v52;
	v0 =	vmax.f32 v0, v52;
	v7 =	vld.idx.msk [tilespmem:v32+s21+$0x0], $0xffff  }
0x4c1: {  	v8 =	vld.idx.msk [tilespmem:v8+s21+$0x0], $0xffff;
	v33 =	vmul.f32 v49, v37;
	[tilespmem:s6+$0xFFFFFFB0] =	vst v2;
	v51 =	vsub.f32 v3, v50;
	v3 =	vpop (erf);
	v2 =	vbroadcast v53, $0xF  }
0x4c2: {  	v57 =	vmul.f32 v22, v13;
	v58 =	vmul.f32 v21, v13;
	v49 =	vmov v25;
	[tilespmem:$0x1FDE0] =	vst v0;
	v62, _, _ =	vpop (xrf2)  }
0x4c3: {  	v34 =	vmov v16;
	[tilespmem:s6+$0xFFFFFFA0] =	vst v55;
	v1, _, _ =	vpop (xrf1);
	v55 =	vadd.f32 v2, v62;
	v2 =	vsel vm5, v37, v33  }
0x4c4: {  	[tilespmem:s6+$0xFFFFFFC0] =	vst v1;
	v1, _, _ =	vpop (xrf2);
	(xrf2) =	vadd.scan.msk.f32 $0xffff, v6;
	v0 =	vmul.f32 v2, v35;
	v2 =	vmul.f32 v3, v27  }
0x4c5: {  	v63 =	vmul.f32 v10, v13;
	v52 =	vsub.f32 v31, v7;
	(xrf2) =	vadd.scan.msk.f32 $0xffff, v45;
	v6, _, _ =	vpop (xrf1);
	v14 =	vbroadcast v55, $0xF  }
0x4c6: {  	[tilespmem:$0x1FE30] =	vst v49;
	(erf) = vrcp.f32 v11;
	v49, _, _ =	vpop (xrf1);
	v0 =	vadd.f32 v0, v30;
	v2 =	vsel vm6, v27, v2  }
0x4c7: {  	v13 =	vsub.f32 v8, v43;
	v1 =	vadd.f32 v14, v1;
	v2 =	vmul.f32 v2, v52;
	v3, _, _ =	vpop (xrf1)  }
0x4c8: {  	s0 =	sadd.s32 $0x100, s0;
	v61 =	vmax.f32 v40, v5;
	vm8 =	vlt.f32 v63, $9.999999740e-06;
	(erf) = vrcp.f32 v63;
	v60, _, _ =	vpop (xrf1)  }
0x4c9: {  	[tilespmem:$0x1FDF0] =	vst v59;
	v62 =	vmax.f32 v56, v12;
	v63 =	vmov v23;
	v23 =	vld [tilespmem:s0+$0x20];
	v40 =	vbroadcast v1, $0xF;
	v5, _, _ =	vpop (xrf1)  }
0x4ca: {  	v25 =	vld [tilespmem:s0+$0x30];
	vm7 =	vlt.f32 v11, $9.999999740e-06;
	v22 =	vperm.xlane v3, v4;
	v8 =	vperm.xlane v60, v4;
	(xrf1) =	vsort.ascd.msk.f32 $0xffff, v0, v0;
	v0, _, _ =	vpop (xrf1)  }
0x4cb: {  	v16 =	vld [tilespmem:$0x1FFE0];
	(xrf2) =	vadd.scan.msk.f32 $0xffff, v44;
	v10 =	vadd.f32 v2, v7;
	v5 =	vperm.xlane v5, v4;
	v0 =	vperm.xlane v0, v4;
	v2, _, _ =	vpop (xrf1)  }
0x4cc: {  	[tilespmem:$0x1FE50] =	vst v54;
	v33 =	vld [tilespmem:s0+$0x0];
	v7 =	vmin.f32 v41, v42;
	(erf) = vrcp.f32 v40;
	v45 =	vmax.f32 v49, v8;
	v27, _, _ =	vpop (xrf1)  }
0x4cd: {  	v26 =	vld [tilespmem:s0+$0x10];
	(xrf2) =	vadd.scan.msk.f32 $0xffff, v47;
	v44 =	vmax.f32 v6, v5;
	v47 =	vmax.f32 v2, v0;
	v48 =	vmax.f32 v27, v22  }
0x4ce: {  	v32 =	vbroadcast v23, $0x0;
	v52, _, _ =	vpop (xrf2);
	(xrf1) =	vsort.ascd.msk.f32 $0xffff, v10, v10;
	v35 =	vmax.f32 v44, v47;
	v37 =	vmax.f32 v45, v48  }
0x4cf: {  	v3 =	vbroadcast v52, $0xF;
	v11, _, _ =	vpop (xrf2);
	v46 =	vmin.f32 v6, v5;
	(xrf1) =	vsort.ascd.msk.f32 $0xffff, v7, v7;
	v6 =	vmax.f32 v35, v37  }
0x4d0: {  	v49 =	vmin.f32 v49, v8;
	v8 =	vperm.xlane v25, v16;
	v4 =	vbroadcast v25, $0x0;
	v5 =	vpop (erf);
	(xrf1) =	vsort.ascd.msk.f32 $0xffff, v6, v6  }
0x4d1: {  	[tilespmem:$0x1FE10] =	vst v61;
	v54 =	vadd.f32 v3, v11;
	v3 =	vperm.xlane v33, v16;
	v5 =	vmul.f32 v5, v58;
	v7 =	vpop (erf)  }
0x4d2: {  	s3 =	sadd.s32 $0x80, s3;
	v21 =	vld [tilespmem:s0+$0xFFFFFF90];
	v14 =	vmin.f32 v56, v12;
	v7 =	vmul.f32 v7, v57;
	v6 =	vbroadcast v26, $0x0;
	(xrf1) =	vsort.ascd.msk.f32 $0xffff, v39, v39  }
0x4d3: {  	[tilespmem:s3+$0x20] =	vst v29;
	v60 =	vld [tilespmem:s0+$0xFFFFFFA0];
	v39 =	vperm.xlane v26, v16;
	v58 =	vsel vm7, v58, v5;
	v5 =	vperm.xlane v23, v16  }
0x4d4: {  	[tilespmem:$0x1FE20] =	vst v62;
	v59 =	vsel vm8, v57, v7;
	v3 =	vsel vm0, v6, v3;
	v6 =	vsub.f32 v25, v8  }
0x4d5: {  	v61 =	vld [tilespmem:s0+$0xFFFFFFB0];
	[tilespmem:$0x1FE60] =	vst v63;
	v62, _, _ =	vpop (xrf2);
	v7 =	vbroadcast v54, $0xF;
	v9 =	vsub.f32 v33, v3;
	v56 =	vsel vm0, v32, v39  }
0x4d6: {  	s12 =	sadd.s32 $0x80, s12;
	v63 =	vld [tilespmem:s0+$0xFFFFFF80];
	(xrf1) =	vsort.ascd.msk.f32 $0xffff, v38, v38;
	v38 =	vpop (erf);
	v5 =	vsel vm0, v4, v5;
	v39 =	vsub.f32 v26, v56;
	v6 =	vmul.f32 $5.000000000e-01, v6  }
0x4d7: {  	s26 =	sadd.s32 $0x40, s12;
	(xrf1) =	vsort.ascd.msk.f32 $0xffff, v21, v21;
	v57 =	vadd.f32 v7, v62;
	v7 =	vmul.f32 $5.000000000e-01, v9;
	v9 =	vmul.f32 $6.300000000e+01, v38  }
0x4d8: {  	s16 =	sor.u32 $0x50, s26;
	(xrf1) =	vsort.ascd.msk.f32 $0xffff, v60, v60;
	v32 =	vsub.f32 v23, v5;
	v12 =	vmul.f32 $5.000000000e-01, v39;
	v39 =	vmin.f32 v2, v0  }
0x4d9: {  	s1 =	sor.u32 $0x60, s26;
	[tilespmem:s16+$0x18000] =	vst v53;
	v2 =	vadd.f32 v7, v3;
	v3 =	vadd.f32 v6, v8;
	v6 =	vmul.f32 v9, v53  }
0x4da: {  	[tilespmem:s1+$0x18000] =	vst v55;
	v15 =	vbroadcast v61, $0x0;
	(xrf1) =	vsort.ascd.msk.f32 $0xffff, v61, v61;
	v10 =	vmul.f32 $5.000000000e-01, v32  }
0x4db: {  	(xrf1) =	vsort.ascd.msk.f32 $0xffff, v63, v63;
	v62, _, _ =	vpop (xrf1);
	v32 =	vmul.f32 v9, v29;
	v7 =	vadd.f32 v12, v56;
	v56 =	vtrunc.f32 v6  }
0x4dc: {  	[tilespmem:$0x1FE00] =	vst v14;
	v0, _, _ =	vpop (xrf1);
	v12 =	vmul.f32 v9, v55;
	v5 =	vadd.f32 v10, v5;
	v9 =	vmul.f32 v9, v1  }
0x4dd: {  	s28 =	sor.u32 $0x70, s26;
	(xrf1) =	vsort.ascd.msk.f32 $0xffff, v28, v28;
	v1 =	vsel vm4, $0x7F800000, v1;
	v28 =	vtrunc.f32 v32;
	v53, _, _ =	vpop (xrf1);
	v14 =	vcvt.f32.s32 v56  }
0x4de: {  	s7 =	sadd.s32 $0x100, s7;
	[tilespmem:s28+$0x18000] =	vst v1;
	vm5 =	vgt.f32 v6, v56;
	v1 =	vcvt.f32.s32 v28;
	vm6 =	vgt.f32 v32, v28;
	v56, _, _ =	vpop (xrf1)  }
0x4df: {  	s13 =	sadd.s32 $0x80, s13;
	v29 =	vtrunc.f32 v12;
	v6 =	vtrunc.f32 v9;
	v28 =	vsel vm6, $0x1, v17;
	[tilespmem:s7+$0x70] =	vst v56  }
0x4e0: {  	v32 =	vcvt.f32.s32 v29;
	vm6 =	vgt.f32 v12, v29;
	v1 =	vadd.s32 v1, v28;
	[tilespmem:s13+$0x20] =	vst v2  }
0x4e1: {  	vm7 =	vlt.s32 v1, $0x40;
	v2 =	vsel vm5, $0x1, v17;
	vm5 =	vgt.f32 v9, v6;
	[tilespmem:s16+$0x1A000] =	vst v7  }
0x4e2: {  	v12 =	vcvt.f32.s32 v6;
	v7 =	vsel vm5, $0x1, v17;
	vm5 =	vmand vm7, vm1;
	[tilespmem:s1+$0x1A000] =	vst v5  }
0x4e3: {  	s15 =	sadd.s32 $0x80, s15;
	v4 =	vsel vm6, $0x1, v17;
	v1 =	vadd.s32 s26, v1;
	v2 =	vadd.s32 v14, v2;
	[tilespmem:s28+$0x1A000] =	vst v3  }
0x4e4: {  	v14 =	vbroadcast v21, $0x0;
	v3 =	vadd.s32 v12, v7;
	v12 =	vperm.xlane v63, v16;
	[tilespmem:s15+$0x20] =	vst v17  }
0x4e5: {  	v5 =	vadd.s32 v32, v4;
	vm6 =	vlt.s32 v2, $0x40;
	v2 =	vadd.s32 s26, v2;
	[tilespmem:s16+$0x1C000] =	vst v17  }
0x4e6: {  	vm7 =	vlt.s32 v5, $0x40;
	v12 =	vsel vm0, v14, v12;
	v14 =	vperm.xlane v60, v16;
	[tilespmem:s1+$0x1C000] =	vst v17  }
0x4e7: {  	v29 =	vbroadcast v60, $0x0;
	v4 =	vimm.s32 $0x1;
	v5 =	vadd.s32 s26, v5;
	[tilespmem:s28+$0x1C000] =	vst v17  }
0x4e8: {  	v32 =	vbroadcast v57, $0xF;
	vm14 =	vlt.s32 v3, $0x40;
	v14 =	vsel vm0, v15, v14;
	[tilespmem:v1+s19+$0x0] =	vst.idx.add.s32.msk vm5, v4  }
0x4e9: {  	v11, _, _ =	vpop (xrf2);
	vm8 =	vmand vm14, vm2;
	v15 =	vsub.f32 v60, v14;
	v60 =	vmin.f32 v27, v22;
	v27 =	vld [tilespmem:$0x1FFC0]  }
0x4ea: {  	v3 =	vadd.s32 s26, v3;
	v8 =	vadd.f32 v32, v11;
	v32 =	vperm.xlane v21, v16;
	v22 =	vld [tilespmem:$0x1FFD0]  }
0x4eb: {  	[tilespmem:v2+s19+$0x0] =	vst.idx.add.s32.msk vm6, v4  }
0x4ec: {  	v11 =	vsel vm0, v29, v32;
	v63 =	vsub.f32 v63, v12;
	[tilespmem:v5+s19+$0x0] =	vst.idx.add.s32.msk vm7, v4  }
0x4ed: {  	v29 =	vperm.xlane v61, v16;
	v2 =	vsel vm4, $0x7F800000, v8;
	v5 =	vsub.f32 v21, v11;
	v21 =	vld [tilespmem:$0x1FFA0]  }
0x4ee: {  	v1 =	vbroadcast v8, $0xF;
	[tilespmem:s3+$0x10] =	vst v2;
	v2 =	vmul.f32 $5.000000000e-01, v63;
	v63 =	vld [tilespmem:$0x1FFB0]  }
0x4ef: {  	[tilespmem:v3+s19+$0x0] =	vst.idx.add.s32.msk vm8, v4;
	v3 =	vsub.f32 v61, v29  }
0x4f0: {  	[tilespmem:s3+$0xFFFFFFE0] =	vst v52;
	(erf) = vrcp.f32 v1;
	v5 =	vmul.f32 $5.000000000e-01, v5  }
0x4f1: {  	[tilespmem:s3+$0xFFFFFFF0] =	vst v54;
	v61 =	vld [tilespmem:s15+$0x20];
	v2 =	vadd.f32 v2, v12;
	v3 =	vmul.f32 $5.000000000e-01, v3;
	v32 =	vmul.f32 v1, v27  }
0x4f2: {  	[tilespmem:s3+$0x0] =	vst v57;
	v56, _, _ =	vpop (xrf1);
	v12 =	vld [tilespmem:s16+$0x1C000];
	v31 =	vmul.f32 v1, v22;
	v5 =	vadd.f32 v5, v11;
	v30 =	vmul.f32 v1, v21  }
0x4f3: {  	v55, _, _ =	vpop (xrf1);
	[tilespmem:s13+$0xFFFFFFE0] =	vst v2;
	v2 =	vadd.f32 v3, v29;
	v29 =	vmul.f32 v1, v63;
	v1 =	vmul.f32 v58, v13;
	v13 =	vld [tilespmem:$0x1FFF0]  }
0x4f4: {  	v9, _, _ =	vpop (xrf1);
	v58 =	vld [tilespmem:$0x1FFF0]  }
0x4f5: {  	v6, _, _ =	vpop (xrf1);
	[tilespmem:s13+$0xFFFFFFF0] =	vst v5;
	v5 =	vmul.f32 v59, v51;
	v59 =	vld [tilespmem:$0x1FFF0]  }
0x4f6: {  	v7, _, _ =	vpop (xrf1);
	v15 =	vmul.f32 $5.000000000e-01, v15;
	v3 =	vld [tilespmem:s1+$0x1C000];
	(xrf0) =	vadd.scan.msk.s32 $0xffff, v61  }
0x4f7: {  	v10, _, _ =	vpop (xrf1);
	v1 =	vadd.f32 v1, v43;
	[tilespmem:s13+$0x10] =	vst v2;
	v2 =	vld [tilespmem:s28+$0x1C000]  }
0x4f8: {  	v28, _, _ =	vpop (xrf1);
	v11 =	vadd.f32 v15, v14;
	(xrf0) =	vadd.scan.msk.s32 $0xffff, v12;
	v5 =	vadd.f32 v5, v50  }
0x4f9: {  	(xrf1) =	vsort.ascd.msk.f32 $0xffff, v1, v1;
	v0 =	vperm.xlane v0, v13;
	v9 =	vperm.xlane v9, v58;
	v13 =	vpop (erf)  }
0x4fa: {  	[tilespmem:s13+$0x0] =	vst v11;
	(xrf1) =	vsort.ascd.msk.f32 $0xffff, v5, v5;
	v7 =	vperm.xlane v7, v59;
	v1 =	vmul.f32 $6.300000000e+01, v13  }
0x4fb: {  	(xrf0) =	vadd.scan.msk.s32 $0xffff, v3;
	v61 =	vmin.f32 v62, v0;
	v0 =	vmax.f32 v62, v0;
	v5 =	vmin.f32 v10, v9  }
0x4fc: {  	v12 =	vmin.f32 v6, v7;
	v3 =	vmul.f32 v1, v52;
	v8 =	vmul.f32 v1, v8;
	v62, _, _ =	vpop (xrf0);
	(xrf0) =	vadd.scan.msk.s32 $0xffff, v2  }
0x4fd: {  	v6 =	vmax.f32 v6, v7;
	(xrf1) =	vsort.ascd.msk.f32 $0xffff, v61, v61;
	v54 =	vmul.f32 v1, v54;
	v58 =	vbroadcast v62, $0xF  }
0x4fe: {  	v7 =	vmax.f32 v10, v9;
	v1 =	vmul.f32 v1, v57;
	v14, _, _ =	vpop (xrf0);
	(xrf1) =	vsort.ascd.msk.f32 $0xffff, v0, v0;
	v2 =	vtrunc.f32 v3  }
0x4ff: {  	v15 =	vtrunc.f32 v8;
	(xrf1) =	vsort.ascd.msk.f32 $0xffff, v12, v12;
	v0 =	vcvt.f32.s32 v2;
	v11 =	vadd.s32 v58, v14  }
0x500: {  	vm5 =	vgt.f32 v3, v2;
	v2 =	vcvt.f32.s32 v15;
	(xrf1) =	vsort.ascd.msk.f32 $0xffff, v6, v6;
	v3 =	vbroadcast v11, $0xF  }
0x501: {  	v6 =	vtrunc.f32 v54;
	vm6 =	vgt.f32 v8, v15;
	(xrf1) =	vsort.ascd.msk.f32 $0xffff, v5, v5;
	v5, _, _ =	vpop (xrf0);
	v59 =	vsel vm5, $0x1, v17  }
0x502: {  	v11 =	vadd.s32 s26, v11;
	vm5 =	vgt.f32 v54, v6;
	v3 =	vadd.s32 v5, v3;
	v15, _, _ =	vpop (xrf0)  }
0x503: {  	(xrf1) =	vsort.ascd.msk.f32 $0xffff, v7, v7;
	v5 =	vcvt.f32.s32 v6;
	v7 =	vbroadcast v3, $0xF;
	v6 =	vadd.s32 s26, v15;
	v15 =	vld [tilespmem:$0x1FDC0]  }
0x504: {  	[tilespmem:s15+$0xFFFFFFE0] =	vst v17;
	v12 =	vtrunc.f32 v1;
	v14 =	vsel vm6, $0x1, v17;
	v10 =	vadd.s32 $0x1, v11  }
0x505: {  	[tilespmem:s15+$0xFFFFFFF0] =	vst v17;
	vm6 =	vgt.f32 v1, v12;
	v3 =	vadd.s32 s26, v3;
	v1 =	vadd.s32 v7, v6;
	v6 =	vld [tilespmem:$0x1FDD0]  }
0x506: {  	v16 =	vld [tilespmem:$0x1FFF0];
	[tilespmem:s15+$0x0] =	vst v17;
	v51 =	vadd.s32 $0x1, v3  }
0x507: {  	[tilespmem:s15+$0x10] =	vst v17;
	(xrf1) =	vsort.ascd.msk.f32 $0xffff, v20, v20;
	v20 =	vld.idx.msk [tilespmem:v11+s20+$0x0], $0xffff  }
0x508: {  	[tilespmem:s6+$0xFFFFFFD0] =	vst v56;
	v0 =	vadd.s32 v0, v59;
	v11 =	vld.idx.msk [tilespmem:v11+s21+$0x0], $0xffff;
	(xrf1) =	vsort.ascd.msk.f32 $0xffff, v15, v15  }
0x509: {  	[tilespmem:s6+$0xFFFFFFE0] =	vst v55;
	v7 =	vsel vm5, $0x1, v17;
	vm5 =	vlt.s32 v0, $0x40;
	v9 =	vld.idx.msk [tilespmem:v10+s20+$0x0], $0xffff  }
0x50a: {  	v5 =	vadd.s32 v5, v7;
	vm7 =	vmand vm5, vm1;
	v56 =	vld.idx.msk [tilespmem:v3+s20+$0x0], $0xffff;
	(xrf1) =	vsort.ascd.msk.f32 $0xffff, v6, v6;
	v6 =	vadd.s32 $0x1, v1  }
0x50b: {  	v0 =	vadd.s32 s12, v0;
	vm15 =	vlt.s32 v5, $0x40;
	v15 =	vcvt.f32.s32 v12;
	v55 =	vld.idx.msk [tilespmem:v51+s20+$0x0], $0xffff;
	(xrf1) =	vsort.ascd.msk.f32 $0xffff, v19, v19  }
0x50c: {  	v61 =	vsel vm6, $0x1, v17;
	v5 =	vadd.s32 s12, v5;
	v12, _, _ =	vpop (xrf1);
	v54 =	vld.idx.msk [tilespmem:v1+s20+$0x0], $0xffff;
	(xrf1) =	vsort.ascd.msk.f32 $0xffff, v18, v18  }
0x50d: {  	v8 =	vadd.s32 s26, v62;
	v2 =	vadd.s32 v2, v14;
	v52, _, _ =	vpop (xrf1);
	v7 =	vadd.s32 v15, v61;
	v15 =	vld [tilespmem:$0x1FFF0];
	(xrf1) =	vsort.ascd.msk.f32 $0xffff, v24, v24  }
0x50e: {  	[tilespmem:s8+$0xFFFFFF80] =	vst v53;
	v53 =	vadd.s32 $0x1, v8;
	vm6 =	vlt.s32 v2, $0x40;
	v61 =	vld [tilespmem:$0x1FFF0];
	v18, _, _ =	vpop (xrf1);
	(xrf1) =	vsort.ascd.msk.f32 $0xffff, v34, v34  }
0x50f: {  	v42 =	vmax.f32 v41, v42;
	vm5 =	vmand vm6, vm2;
	vm6 =	vlt.s32 v7, $0x40;
	v62 =	vld.idx.msk [tilespmem:v6+s20+$0x0], $0xffff  }
0x510: {  	v43 =	vmin.f32 v46, v39;
	v7 =	vadd.s32 s12, v7;
	v9 =	vsub.f32 v9, v20;
	[tilespmem:v0+s19+$0x0] =	vst.idx.add.s32.msk vm7, v4;
	v19, _, _ =	vpop (xrf1)  }
0x511: {  	v50 =	vmin.f32 v49, v60;
	v2 =	vadd.s32 s12, v2;
	v17 =	vmax.f32 v49, v60;
	[tilespmem:v5+s19+$0x0] =	vst.idx.add.s32.msk vm15, v4;
	v14, _, _ =	vpop (xrf1)  }
0x512: {  	v9 =	vmul.f32 v9, v38;
	v12 =	vperm.xlane v12, v15;
	v15 =	vmax.f32 v46, v39;
	v46 =	vld.idx.msk [tilespmem:v8+s20+$0x0], $0xffff;
	v60, _, _ =	vpop (xrf1)  }
0x513: {  	v39 =	vperm.xlane v14, v16;
	v14 =	vmin.f32 v44, v47;
	v16 =	vmin.f32 v45, v48;
	v45 =	vld.idx.msk [tilespmem:v53+s20+$0x0], $0xffff;
	v47, _, _ =	vpop (xrf1)  }
0x514: {  	v10 =	vld.idx.msk [tilespmem:v10+s21+$0x0], $0xffff;
	v24 =	vsub.f32 v55, v56;
	v44 =	vperm.xlane v60, v61;
	v0, _, _ =	vpop (xrf1);
	v62 =	vsub.f32 v62, v54  }
0x515: {  	v57 =	vmov v21;
	v48 =	vmin.f32 v52, v12;
	v12 =	vmax.f32 v52, v12;
	[tilespmem:v7+s19+$0x0] =	vst.idx.add.s32.msk vm6, v4;
	v60, _, _ =	vpop (xrf1)  }
0x516: {  	v8 =	vld.idx.msk [tilespmem:v8+s21+$0x0], $0xffff;
	v5 =	vmin.f32 v47, v44;
	v61, _, _ =	vpop (xrf1);
	v49 =	vmul.f32 v62, v38;
	(xrf1) =	vsort.ascd.msk.f32 $0xffff, v48, v48  }
0x517: {  	v7 =	vmin.f32 v0, v39;
	v44 =	vmax.f32 v47, v44;
	v0 =	vmax.f32 v0, v39;
	[tilespmem:s6+$0xFFFFFFF0] =	vst v28;
	s6 =	smov.u32 s8  }
0x518: {  	v39 =	vld.idx.msk [tilespmem:v53+s21+$0x0], $0xffff;
	v53 =	vmul.f32 v24, v38;
	[tilespmem:s6+$0x0] =	vst v60;
	v45 =	vsub.f32 v45, v46;
	v62, _, _ =	vpop (xrf1);
	(erf) = vrcp.f32 v49  }
0x519: {  	v24 =	vmin.f32 v5, v7;
	v5 =	vmax.f32 v5, v7;
	[tilespmem:v2+s19+$0x0] =	vst.idx.add.s32.msk vm5, v4;
	v47, _, _ =	vpop (xrf1);
	(erf) = vrcp.f32 v9  }
0x51a: {  	v3 =	vld.idx.msk [tilespmem:v3+s21+$0x0], $0xffff;
	v7 =	vmul.f32 v45, v38;
	[tilespmem:s6+$0x10] =	vst v61;
	v55, _, _ =	vpop (xrf1);
	(xrf1) =	vsort.ascd.msk.f32 $0xffff, v12, v12;
	(erf) = vrcp.f32 v53  }
0x51b: {  	v58 =	vmin.f32 v44, v0;
	v60 =	vmul.f32 v40, v57;
	v59 =	vld.idx.msk [tilespmem:v51+s21+$0x0], $0xffff;
	v12, _, _ =	vpop (xrf1);
	(xrf1) =	vsort.ascd.msk.f32 $0xffff, v24, v24  }
0x51c: {  	v2 =	vmul.f32 v40, v22;
	v1 =	vld.idx.msk [tilespmem:v1+s21+$0x0], $0xffff;
	[tilespmem:s6+$0x20] =	vst v62;
	(erf) = vrcp.f32 v7;
	v28, _, _ =	vpop (xrf1);
	(xrf1) =	vsort.ascd.msk.f32 $0xffff, v5, v5  }
0x51d: {  	v10 =	vsub.f32 v10, v11;
	v61 =	vmul.f32 v40, v27;
	v6 =	vld.idx.msk [tilespmem:v6+s21+$0x0], $0xffff;
	(xrf1) =	vsort.ascd.msk.f32 $0xffff, v58, v58  }
0x51e: {  	v0 =	vmax.f32 v44, v0;
	v2 =	vsub.f32 v2, v56;
	v62 =	vsub.f32 v60, v54  }
0x51f: {  	v20 =	vsub.f32 v61, v20;
	v5 =	vmul.f32 v40, v63;
	(xrf1) =	vsort.ascd.msk.f32 $0xffff, v0, v0  }
0x520: {  	v39 =	vsub.f32 v39, v8;
	v2 =	vmul.f32 v2, v38;
	v40 =	vmul.f32 v62, v38  }
0x521: {  	vm5 =	vlt.f32 v49, $9.999999740e-06;
	v20 =	vmul.f32 v20, v38;
	v63 =	vld [tilespmem:s15+$0xFFFFFFE0];
	v5 =	vsub.f32 v5, v46;
	v48 =	vpop (erf)  }
0x522: {  	[tilespmem:s6+$0x40] =	vst v55;
	v51 =	vsub.f32 v59, v3;
	v6 =	vsub.f32 v6, v1;
	v52 =	vmul.f32 v48, v40;
	v54 =	vpop (erf)  }
0x523: {  	[tilespmem:s6+$0x60] =	vst v28;
	(xrf1) =	vsort.ascd.msk.f32 $0xffff, v42, v42;
	v5 =	vmul.f32 v5, v38;
	v28 =	vmul.f32 v54, v20;
	v55 =	vpop (erf)  }
0x524: {  	vm6 =	vlt.f32 v9, $9.999999740e-06;
	(xrf1) =	vsort.ascd.msk.f32 $0xffff, v26, v26;
	v56 =	vmul.f32 v55, v2;
	v40 =	vsel vm5, v40, v52;
	v58, _, _ =	vpop (xrf1)  }
0x525: {  	v4 =	vld [tilespmem:$0x1FFF0];
	vm5 =	vlt.f32 v53, $9.999999740e-06;
	v26 =	vpop (erf);
	(xrf1) =	vsort.ascd.msk.f32 $0xffff, v25, v25;
	v20 =	vsel vm6, v20, v28;
	v24 =	vmul.f32 v40, v6  }
0x526: {  	(xrf0) =	vadd.scan.msk.s32 $0xffff, v63;
	v26 =	vmul.f32 v26, v5;
	v10 =	vmul.f32 v20, v10;
	v2 =	vsel vm5, v2, v56  }
0x527: {  	v0 =	vld [tilespmem:s15+$0xFFFFFFF0];
	(xrf1) =	vsort.ascd.msk.f32 $0xffff, v33, v33;
	vm5 =	vlt.f32 v7, $9.999999740e-06;
	v2 =	vmul.f32 v2, v51;
	v1 =	vadd.f32 v24, v1  }
0x528: {  	v5 =	vsel vm5, v5, v26;
	v6, _, _ =	vpop (xrf1);
	v7 =	vadd.f32 v10, v11;
	(xrf1) =	vsort.ascd.msk.f32 $0xffff, v23, v23  }
0x529: {  	v5 =	vmul.f32 v5, v39;
	v59 =	vadd.f32 v2, v3;
	v25, _, _ =	vpop (xrf1);
	(xrf1) =	vsort.ascd.msk.f32 $0xffff, v1, v1  }
0x52a: {  	v1 =	vperm.xlane v6, v4;
	v3 =	vperm.xlane v58, v4;
	v26, _, _ =	vpop (xrf1);
	(xrf1) =	vsort.ascd.msk.f32 $0xffff, v7, v7  }
0x52b: {  	v5 =	vadd.f32 v5, v8;
	v24, _, _ =	vpop (xrf1);
	(xrf1) =	vsort.ascd.msk.f32 $0xffff, v59, v59  }
0x52c: {  	v2, _, _ =	vpop (xrf0);
	v6 =	vmin.f32 v18, v1;
	v7 =	vmin.f32 v19, v3;
	v1 =	vmax.f32 v18, v1;
	(xrf0) =	vadd.scan.msk.s32 $0xffff, v0  }
0x52d: {  	v3 =	vmax.f32 v19, v3;
	v23, _, _ =	vpop (xrf1);
	(xrf1) =	vsort.ascd.msk.f32 $0xffff, v5, v5;
	v0 =	vmin.f32 v6, v7  }
0x52e: {  	v6 =	vmax.f32 v6, v7;
	v7 =	vmin.f32 v1, v3;
	v1 =	vmax.f32 v1, v3;
	v3 =	vld [tilespmem:$0x1FE00]  }
0x52f: {  	(xrf1) =	vsort.ascd.msk.f32 $0xffff, v0, v0;
	v0 =	vld [tilespmem:$0x1FDF0];
	_ =	sdelay $0x3  }
0x530: {  	v34 =	vld [tilespmem:$0x1FDE0]  }
0x531: {  	v42 =	vmin.f32 v0, v3;
	v39 =	vmax.f32 v0, v3;
	v0 =	vld [tilespmem:$0x1FE10]  }
0x532: {  	v60 =	vbroadcast v2, $0xF;
	v2 =	vadd.s32 s12, v2;
	v3 =	vld [tilespmem:$0x1FE20]  }
0x533: {  	v5 =	vadd.s32 $0x1, v2;
	_ =	sdelay $0x1  }
0x534: {  	v27 =	vmov v32;
	v32 =	vld [tilespmem:s15+$0x0]  }
0x535: {  	v21 =	vmov v30;
	v41 =	vmin.f32 v34, v36;
	v54 =	vmin.f32 v15, v17  }
0x536: {  	[tilespmem:s6+$0x50] =	vst v12;
	v12 =	vld [tilespmem:s15+$0x10];
	(xrf1) =	vsort.ascd.msk.f32 $0xffff, v6, v6;
	v38 =	vmin.f32 v0, v3;
	v28 =	vmax.f32 v0, v3;
	v0, _, _ =	vpop (xrf1)  }
0x537: {  	v53 =	vmax.f32 v43, v50;
	v20 =	vmin.f32 v43, v50;
	(xrf1) =	vsort.ascd.msk.f32 $0xffff, v7, v7;
	v43 =	vld.idx.msk [tilespmem:v5+s21+$0x0], $0xffff;
	v3, _, _ =	vpop (xrf1)  }
0x538: {  	v40 =	vmax.f32 v34, v36;
	v19 =	vmax.f32 v15, v17;
	(xrf1) =	vsort.ascd.msk.f32 $0xffff, v1, v1;
	v1 =	vld.idx.msk [tilespmem:v5+s20+$0x0], $0xffff;
	v5, _, _ =	vpop (xrf0)  }
0x539: {  	v17 =	vmin.f32 v14, v16;
	v36 =	vld.idx.msk [tilespmem:v2+s20+$0x0], $0xffff;
	(xrf0) =	vadd.scan.msk.s32 $0xffff, v32;
	[tilespmem:s6+$0xFFFFFF90] =	vst v0;
	v6, _, _ =	vpop (xrf1);
	v3 =	vperm.xlane v3, v4  }
0x53a: {  	v18 =	vmax.f32 v14, v16;
	v0 =	vadd.s32 v60, v5;
	v30 =	vld.idx.msk [tilespmem:v2+s21+$0x0], $0xffff;
	v2 =	vperm.xlane v6, v4;
	v5, _, _ =	vpop (xrf1)  }
0x53b: {  	(xrf0) =	vadd.scan.msk.s32 $0xffff, v12;
	v6 =	vbroadcast v0, $0xF;
	v32 =	vadd.s32 s12, v0;
	v0 =	vmin.f32 v5, v3;
	v7, _, _ =	vpop (xrf1)  }
0x53c: {  	s14 =	sadd.s32 $0x2, s14;
	v16 =	vmin.f32 v35, v37;
	v61 =	vadd.s32 $0x1, v32;
	v62 =	vmin.f32 v7, v2;
	v63, _, _ =	vpop (xrf1);
	(xrf1) =	vsort.ascd.msk.f32 $0xffff, v0, v0  }
0x53d: {  	p0 =	slt.u32 s14, $0x7E;
	v0 =	vmax.f32 v7, v2;
	v2 =	vperm.xlane v63, v4;
	v7, _, _ =	vpop (xrf1);
	(xrf1) =	vsort.ascd.msk.f32 $0xffff, v62, v62  }
.Ltmp1:
0x53e: {  	v22 =	vmov v31;
	v35 =	vsub.f32 v1, v36;
	v1 =	vmax.f32 v5, v3;
	v3, _, _ =	vpop (xrf1);
	(xrf1) =	vsort.ascd.msk.f32 $0xffff, v0, v0;
	(pc) =	sbr.rel @p0 .LBB2_5-.Ltmp1, $4  }
0x53f: {  	[tilespmem:s6+$0x30] =	vst v47;
	v5 =	vperm.xlane v7, v4;
	v7, _, _ =	vpop (xrf0);
	v0 =	vmin.f32 v3, v2;
	(xrf1) =	vsort.ascd.msk.f32 $0xffff, v1, v1  }
0x540: {  	v1 =	vadd.s32 v7, v6;
	v44 =	vld.idx.msk [tilespmem:v32+s20+$0x0], $0xffff;
	v2 =	vmax.f32 v3, v2;
	v3, _, _ =	vpop (xrf1);
	(xrf1) =	vsort.ascd.msk.f32 $0xffff, v0, v0  }
0x541: {  	v6, _, _ =	vpop (xrf0);
	v37 =	vbroadcast v1, $0xF;
	v33 =	vadd.s32 s12, v1;
	v0 =	vld.idx.msk [tilespmem:v61+s20+$0x0], $0xffff;
	v1 =	vmin.f32 v3, v5;
	(xrf1) =	vsort.ascd.msk.f32 $0xffff, v2, v2  }
0x542: {  	s25 =	sadd.s32 $0x100, s25;
	s8 =	smov.u32 s7;
	v46 =	vadd.s32 s12, v6;
	v31 =	vld.idx.msk [tilespmem:v61+s21+$0x0], $0xffff;
	v47 =	vmax.f32 v3, v5;
	v45, _, _ =	vpop (xrf1);
	v34 =	vadd.s32 $0x1, v33;
	(xrf1) =	vsort.ascd.msk.f32 $0xffff, v1, v1  }
0x543: {  	(xrf1) =	vsort.ascd.msk.f32 $0xffff, v47, v47;
	_ =	sdelay $0x3  }
0x544: {  	v1, _, _ =	vpop (xrf1)  }
0x545: {  	v2, _, _ =	vpop (xrf1)  }
0x546: {  	v3, _, _ =	vpop (xrf1)  }
0x547: {  	v5, _, _ =	vpop (xrf1)  }
0x548: {  	v6, _, _ =	vpop (xrf1)  }
0x549: {  	v9 =	vadd.s32 v37, v46;
	v7, _, _ =	vpop (xrf1)  }
0x54a: {  	(xrf1) =	vsort.ascd.msk.f32 $0xffff, v41, v41;
	v6 =	vperm.xlane v6, v4;
	v7 =	vperm.xlane v7, v4;
	v8, _, _ =	vpop (xrf1)  }
0x54b: {  	v10 =	vmul.f32 v35, v13;
	v0 =	vsub.f32 v0, v44;
	(xrf1) =	vsort.ascd.msk.f32 $0xffff, v40, v40;
	v11, _, _ =	vpop (xrf1)  }
0x54c: {  	v12 =	vadd.s32 $0x1, v9;
	(xrf1) =	vsort.ascd.msk.f32 $0xffff, v42, v42;
	v15 =	vmin.f32 v8, v6;
	v14 =	vmin.f32 v5, v7;
	v46, _, _ =	vpop (xrf1)  }
0x54d: {  	v11 =	vperm.xlane v11, v4;
	v47 =	vmin.f32 v14, v15;
	v35 =	vperm.xlane v46, v4;
	v48, _, _ =	vpop (xrf1)  }
0x54e: {  	v55 =	vmul.f32 v0, v13;
	v14 =	vmax.f32 v14, v15;
	(xrf1) =	vsort.ascd.msk.f32 $0xffff, v47, v47;
	v49, _, _ =	vpop (xrf1)  }
0x54f: {  	(erf) = vrcp.f32 v10;
	v50 =	vmin.f32 v48, v35;
	v51 =	vmin.f32 v49, v11;
	(xrf1) =	vsort.ascd.msk.f32 $0xffff, v14, v14  }
0x550: {  	v35 =	vmax.f32 v48, v35;
	v11 =	vmax.f32 v49, v11;
	v52 =	vmin.f32 v50, v51  }
0x551: {  	v56 =	vld.idx.msk [tilespmem:v9+s20+$0x0], $0xffff;
	(erf) = vrcp.f32 v55;
	v40 =	vmin.f32 v35, v11;
	(xrf1) =	vsort.ascd.msk.f32 $0xffff, v52, v52  }
0x552: {  	v0 =	vld.idx.msk [tilespmem:v12+s20+$0x0], $0xffff;
	v5 =	vmax.f32 v5, v7;
	v7 =	vmax.f32 v35, v11;
	(xrf1) =	vsort.ascd.msk.f32 $0xffff, v40, v40  }
0x553: {  	v6 =	vmax.f32 v8, v6;
	v8 =	vmax.f32 v50, v51;
	(xrf1) =	vsort.ascd.msk.f32 $0xffff, v7, v7  }
0x554: {  	v11 =	vmin.f32 v5, v6;
	v7 =	vld.idx.msk [tilespmem:v34+s20+$0x0], $0xffff;
	(xrf1) =	vsort.ascd.msk.f32 $0xffff, v8, v8  }
0x555: {  	v37 =	vperm.xlane v3, v4;
	v8 =	vld.idx.msk [tilespmem:v33+s20+$0x0], $0xffff;
	(xrf1) =	vsort.ascd.msk.f32 $0xffff, v11, v11  }
0x556: {  	v5 =	vmax.f32 v5, v6;
	v35 =	vperm.xlane v2, v4;
	v11 =	vsub.f32 v29, v36  }
0x557: {  	v3 =	vld.idx.msk [tilespmem:v32+s21+$0x0], $0xffff;
	v2 =	vsub.f32 v0, v56;
	v6 =	vsub.f32 v27, v44;
	(xrf1) =	vsort.ascd.msk.f32 $0xffff, v5, v5  }
0x558: {  	v58 =	vsub.f32 v43, v30;
	v49 =	vld [tilespmem:$0x1FE40];
	v0 =	vperm.xlane v1, v4;
	v27, _, _ =	vpop (xrf1);
	v1 =	vmul.f32 v11, v13  }
0x559: {  	vm3 =	vlt.f32 v10, $9.999999740e-06;
	v50 =	vld [tilespmem:$0x1FE30];
	v2 =	vmul.f32 v2, v13;
	v6 =	vmul.f32 v6, v13;
	v5 =	vpop (erf)  }
0x55a: {  	vm4 =	vlt.f32 v55, $9.999999740e-06;
	v52 =	vld [tilespmem:$0x1FE60];
	v59 =	vpop (erf);
	v7 =	vsub.f32 v7, v8;
	v5 =	vmul.f32 v5, v1  }
0x55b: {  	v14 =	vsub.f32 v21, v56;
	v51 =	vld [tilespmem:$0x1FE50];
	v29, _, _ =	vpop (xrf1);
	(erf) = vrcp.f32 v2;
	v60 =	vmul.f32 v59, v6  }
0x55c: {  	v32, _, _ =	vpop (xrf1);
	v7 =	vmul.f32 v7, v13;
	v1 =	vsel vm3, v1, v5;
	v5 =	vsub.f32 v31, v3  }
0x55d: {  	v40 =	vperm.xlane v45, v4;
	v6 =	vsel vm4, v6, v60;
	v42, _, _ =	vpop (xrf1);
	v1 =	vmul.f32 v1, v58  }
0x55e: {  	v36 =	vmin.f32 v49, v35;
	v43, _, _ =	vpop (xrf1);
	(erf) = vrcp.f32 v7;
	v5 =	vmul.f32 v6, v5  }
0x55f: {  	v9 =	vld.idx.msk [tilespmem:v9+s21+$0x0], $0xffff;
	v10 =	vmin.f32 v50, v37;
	v41 =	vmin.f32 v52, v40;
	v1 =	vadd.f32 v1, v30;
	v61, _, _ =	vpop (xrf1)  }
0x560: {  	v11 =	vld.idx.msk [tilespmem:v12+s21+$0x0], $0xffff;
	v12 =	vmin.f32 v51, v0;
	v8 =	vsub.f32 v22, v8;
	v3 =	vadd.f32 v5, v3;
	v6, _, _ =	vpop (xrf1)  }
0x561: {  	v45 =	vmin.f32 v36, v41;
	v44 =	vmin.f32 v10, v12;
	v62, _, _ =	vpop (xrf1)  }
0x562: {  	v63 =	vld.idx.msk [tilespmem:v34+s21+$0x0], $0xffff;
	v14 =	vmul.f32 v14, v13;
	v56 =	vmin.f32 v44, v45;
	v8 =	vmul.f32 v8, v13;
	v5, _, _ =	vpop (xrf1)  }
0x563: {  	v55 =	vld.idx.msk [tilespmem:v33+s21+$0x0], $0xffff;
	(xrf1) =	vsort.ascd.msk.f32 $0xffff, v1, v1;
	v6 =	vperm.xlane v6, v4;
	v47 =	vperm.xlane v62, v4;
	v1, _, _ =	vpop (xrf1)  }
0x564: {  	vm3 =	vlt.f32 v2, $9.999999740e-06;
	(xrf1) =	vsort.ascd.msk.f32 $0xffff, v3, v3;
	v2 =	vperm.xlane v5, v4;
	v5 =	vperm.xlane v61, v4;
	v3 =	vpop (erf)  }
0x565: {  	v11 =	vsub.f32 v11, v9;
	v22 =	vmax.f32 v43, v6;
	v30 =	vmax.f32 v42, v47;
	v48, _, _ =	vpop (xrf1)  }
0x566: {  	v3 =	vmul.f32 v3, v14;
	v33 =	vmax.f32 v1, v2;
	v31 =	vmax.f32 v48, v5  }
0x567: {  	(xrf1) =	vsort.ascd.msk.f32 $0xffff, v56, v56;
	v13 =	vmax.f32 v30, v33;
	v21 =	vmax.f32 v22, v31;
	v58 =	vpop (erf)  }
0x568: {  	v3 =	vsel vm3, v14, v3;
	v59 =	vmax.f32 v13, v21;
	v14 =	vmul.f32 v58, v8  }
0x569: {  	vm3 =	vlt.f32 v7, $9.999999740e-06;
	v7 =	vsub.f32 v63, v55;
	v3 =	vmul.f32 v3, v11;
	(xrf1) =	vsort.ascd.msk.f32 $0xffff, v59, v59  }
0x56a: {  	(xrf1) =	vsort.ascd.msk.f32 $0xffff, v39, v39;
	v8 =	vsel vm3, v8, v14  }
0x56b: {  	v3 =	vadd.f32 v3, v9;
	(xrf1) =	vsort.ascd.msk.f32 $0xffff, v38, v38;
	v7 =	vmul.f32 v8, v7  }
0x56c: {  	(xrf1) =	vsort.ascd.msk.f32 $0xffff, v28, v28  }
0x56d: {  	v7 =	vadd.f32 v7, v55;
	(xrf1) =	vsort.ascd.msk.f32 $0xffff, v3, v3;
	_ =	sdelay $0x1  }
0x56e: {  	(xrf1) =	vsort.ascd.msk.f32 $0xffff, v7, v7;
	_ =	sdelay $0x1  }
0x56f: {  	v3, _, _ =	vpop (xrf1)  }
0x570: {  	v7, _, _ =	vpop (xrf1)  }
0x571: {  	v7 =	vperm.xlane v7, v4;
	_ =	sdelay $0x1  }
0x572: {  	v8 =	vmin.f32 v3, v7;
	v3 =	vmax.f32 v3, v7  }
0x573: {  	v9, _, _ =	vpop (xrf1);
	(xrf1) =	vsort.ascd.msk.f32 $0xffff, v8, v8  }
0x574: {  	(xrf1) =	vsort.ascd.msk.f32 $0xffff, v3, v3;
	v7, _, _ =	vpop (xrf1)  }
0x575: {  	(xrf1) =	vsort.ascd.msk.f32 $0xffff, v20, v20;
	v3, _, _ =	vpop (xrf1)  }
0x576: {  	(xrf1) =	vsort.ascd.msk.f32 $0xffff, v53, v53;
	v8, _, _ =	vpop (xrf1)  }
0x577: {  	(xrf1) =	vsort.ascd.msk.f32 $0xffff, v54, v54;
	v11, _, _ =	vpop (xrf1)  }
0x578: {  	(xrf1) =	vsort.ascd.msk.f32 $0xffff, v19, v19;
	v60, _, _ =	vpop (xrf1)  }
0x579: {  	(xrf1) =	vsort.ascd.msk.f32 $0xffff, v17, v17;
	v14 =	vperm.xlane v60, v4  }
0x57a: {  	(xrf1) =	vsort.ascd.msk.f32 $0xffff, v18, v18;
	v61, _, _ =	vpop (xrf1)  }
0x57b: {  	(xrf1) =	vsort.ascd.msk.f32 $0xffff, v16, v16;
	v62 =	vmin.f32 v61, v14  }
0x57c: {  	v14 =	vmax.f32 v61, v14;
	(xrf1) =	vsort.ascd.msk.f32 $0xffff, v62, v62  }
0x57d: {  	(xrf1) =	vsort.ascd.msk.f32 $0xffff, v14, v14;
	_ =	sdelay $0x3  }
0x57e: {  	v63, _, _ =	vpop (xrf1)  }
0x57f: {  	v53, _, _ =	vpop (xrf1)  }
0x580: {  	v16, _, _ =	vpop (xrf1)  }
0x581: {  	v17, _, _ =	vpop (xrf1)  }
0x582: {  	v18, _, _ =	vpop (xrf1)  }
0x583: {  	v19, _, _ =	vpop (xrf1)  }
0x584: {  	v20, _, _ =	vpop (xrf1)  }
0x585: {  	v28, _, _ =	vpop (xrf1)  }
0x586: {  	v34, _, _ =	vpop (xrf1)  }
0x587: {  	v54, _, _ =	vpop (xrf1)  }
0x588: {  	v55, _, _ =	vpop (xrf1)  }
0x589: {  	v38 =	vperm.xlane v54, v4;
	v39 =	vperm.xlane v55, v4;
	_ =	sdelay $0x1  }
0x58a: {  	v44 =	vmax.f32 v44, v45;
	v58 =	vmin.f32 v53, v38;
	v56 =	vmin.f32 v63, v39  }
0x58b: {  	(xrf1) =	vsort.ascd.msk.f32 $0xffff, v44, v44;
	v15 =	vmax.f32 v53, v38;
	v59 =	vmin.f32 v56, v58  }
0x58c: {  	v14 =	vmax.f32 v63, v39;
	v60 =	vmax.f32 v56, v58;
	(xrf1) =	vsort.ascd.msk.f32 $0xffff, v59, v59  }
0x58d: {  	v61 =	vmin.f32 v14, v15;
	(xrf1) =	vsort.ascd.msk.f32 $0xffff, v60, v60  }
0x58e: {  	v14 =	vmax.f32 v14, v15;
	(xrf1) =	vsort.ascd.msk.f32 $0xffff, v61, v61  }
0x58f: {  	(xrf1) =	vsort.ascd.msk.f32 $0xffff, v14, v14;
	_ =	sdelay $0x9  }
0x590: {  	v0 =	vmax.f32 v51, v0;
	v36 =	vmax.f32 v36, v41;
	v10 =	vmax.f32 v10, v12;
	v45, _, _ =	vpop (xrf1)  }
0x591: {  	v6 =	vmin.f32 v43, v6;
	v1 =	vmin.f32 v1, v2;
	v63 =	vmax.f32 v49, v35;
	v49, _, _ =	vpop (xrf1)  }
0x592: {  	v2 =	vmin.f32 v48, v5;
	v62 =	vmax.f32 v50, v37;
	v44 =	vmax.f32 v52, v40;
	v52, _, _ =	vpop (xrf1)  }
0x593: {  	v37 =	vmin.f32 v62, v0;
	v0 =	vmax.f32 v62, v0;
	v53 =	vmin.f32 v10, v36;
	v5, _, _ =	vpop (xrf1)  }
0x594: {  	v10 =	vmax.f32 v10, v36;
	v39 =	vperm.xlane v49, v4;
	v35 =	vperm.xlane v52, v4;
	v54, _, _ =	vpop (xrf1)  }
0x595: {  	v46 =	vmin.f32 v63, v44;
	v5 =	vperm.xlane v5, v4;
	v55 =	vperm.xlane v54, v4  }
0x596: {  	v56 =	vmin.f32 v37, v46;
	(xrf1) =	vsort.ascd.msk.f32 $0xffff, v53, v53;
	v61 =	vmin.f32 v23, v39  }
0x597: {  	v60 =	vmin.f32 v24, v35;
	v58 =	vmin.f32 v26, v5;
	v59 =	vmin.f32 v25, v55  }
0x598: {  	[tilespmem:s6+$0xFFFFFFA0] =	vst v27;
	(xrf1) =	vsort.ascd.msk.f32 $0xffff, v10, v10;
	v62 =	vmin.f32 v58, v61;
	v10 =	vmin.f32 v59, v60  }
0x599: {  	[tilespmem:s6+$0xFFFFFFB0] =	vst v29;
	v50 =	vmax.f32 v63, v44;
	(xrf1) =	vsort.ascd.msk.f32 $0xffff, v56, v56;
	v63 =	vmin.f32 v10, v62  }
0x59a: {  	v51 =	vmin.f32 v42, v47;
	[tilespmem:s8+$0xFFFFFF80] =	vst v9;
	v9 =	vmax.f32 v37, v46;
	(xrf1) =	vsort.ascd.msk.f32 $0xffff, v63, v63  }
0x59b: {  	s0 =	sadd.s32 $0x100, s7;
	v43 =	vmin.f32 v6, v2;
	[tilespmem:s6+$0xFFFFFFD0] =	vst v3;
	v3 =	vmin.f32 v0, v50;
	(xrf1) =	vsort.ascd.msk.f32 $0xffff, v9, v9  }
0x59c: {  	[tilespmem:s0+$0x70] =	vst v7;
	v7 =	vmin.f32 v51, v1;
	v0 =	vmax.f32 v0, v50;
	(xrf1) =	vsort.ascd.msk.f32 $0xffff, v3, v3  }
0x59d: {  	[tilespmem:s6+$0xFFFFFFC0] =	vst v32;
	v2 =	vmax.f32 v6, v2;
	v6 =	vmin.f32 v7, v43;
	(xrf1) =	vsort.ascd.msk.f32 $0xffff, v0, v0  }
0x59e: {  	v1 =	vmax.f32 v51, v1;
	v7 =	vmax.f32 v7, v43;
	[tilespmem:s6+$0xFFFFFFE0] =	vst v8;
	(xrf1) =	vsort.ascd.msk.f32 $0xffff, v6, v6  }
0x59f: {  	[tilespmem:s6+$0xFFFFFFF0] =	vst v11;
	v3 =	vmin.f32 v30, v33;
	v6 =	vmin.f32 v1, v2;
	(xrf1) =	vsort.ascd.msk.f32 $0xffff, v7, v7  }
0x5a0: {  	[tilespmem:s8+$0x0] =	vst v16;
	v0 =	vmin.f32 v22, v31;
	v1 =	vmax.f32 v1, v2;
	(xrf1) =	vsort.ascd.msk.f32 $0xffff, v6, v6  }
0x5a1: {  	[tilespmem:s8+$0x10] =	vst v17;
	v2 =	vmin.f32 v3, v0;
	(xrf1) =	vsort.ascd.msk.f32 $0xffff, v1, v1  }
0x5a2: {  	[tilespmem:s8+$0x20] =	vst v18;
	v0 =	vmax.f32 v3, v0;
	(xrf1) =	vsort.ascd.msk.f32 $0xffff, v2, v2  }
0x5a3: {  	[tilespmem:s8+$0x30] =	vst v19;
	v3 =	vmin.f32 v13, v21;
	v7 =	vmax.f32 v59, v60;
	(xrf1) =	vsort.ascd.msk.f32 $0xffff, v0, v0  }
0x5a4: {  	[tilespmem:s8+$0x40] =	vst v20;
	v6 =	vmax.f32 v25, v55;
	(xrf1) =	vsort.ascd.msk.f32 $0xffff, v3, v3;
	v3 =	vmax.f32 v10, v62  }
0x5a5: {  	[tilespmem:s8+$0x50] =	vst v28;
	v8, _, _ =	vpop (xrf1);
	v1 =	vmax.f32 v26, v5;
	v5 =	vmax.f32 v24, v35;
	v2 =	vmax.f32 v23, v39  }
0x5a6: {  	[tilespmem:s8+$0xFFFFFFA0] =	vst v8;
	v9 =	vmin.f32 v6, v5;
	v0 =	vmax.f32 v58, v61;
	v8 =	vmin.f32 v1, v2  }
0x5a7: {  	[tilespmem:s8+$0x60] =	vst v34;
	v10 =	vmin.f32 v7, v0;
	v0 =	vmax.f32 v7, v0;
	(xrf1) =	vsort.ascd.msk.f32 $0xffff, v3, v3;
	v3, _, _ =	vpop (xrf1)  }
0x5a8: {  	(xrf1) =	vsort.ascd.msk.f32 $0xffff, v10, v10;
	v7, _, _ =	vpop (xrf1);
	[tilespmem:s8+$0xFFFFFFB0] =	vst v3;
	v3 =	vmax.f32 v6, v5;
	v5 =	vmin.f32 v9, v8  }
0x5a9: {  	[tilespmem:s8+$0xFFFFFF90] =	vst v45;
	(xrf1) =	vsort.ascd.msk.f32 $0xffff, v0, v0;
	v0 =	vmax.f32 v1, v2;
	v2 =	vmax.f32 v9, v8;
	v1, _, _ =	vpop (xrf1)  }
0x5aa: {  	(xrf1) =	vsort.ascd.msk.f32 $0xffff, v5, v5;
	[tilespmem:s0+$0xFFFFFF80] =	vst v1;
	v1 =	vmin.f32 v3, v0  }
0x5ab: {  	[tilespmem:s8+$0xFFFFFFC0] =	vst v7;
	v0 =	vmax.f32 v3, v0;
	v5, _, _ =	vpop (xrf1);
	(xrf1) =	vsort.ascd.msk.f32 $0xffff, v2, v2  }
0x5ac: {  	v2, _, _ =	vpop (xrf1);
	[tilespmem:s8+$0xFFFFFFD0] =	vst v5;
	(xrf1) =	vsort.ascd.msk.f32 $0xffff, v1, v1  }
0x5ad: {  	v1, _, _ =	vpop (xrf1);
	[tilespmem:s8+$0xFFFFFFE0] =	vst v2;
	(xrf1) =	vsort.ascd.msk.f32 $0xffff, v0, v0  }
0x5ae: {  	v0, _, _ =	vpop (xrf1);
	[tilespmem:s8+$0xFFFFFFF0] =	vst v1  }
0x5af: {  	v1, _, _ =	vpop (xrf1);
	[tilespmem:s0+$0x0] =	vst v0  }
0x5b0: {  	v0, _, _ =	vpop (xrf1);
	[tilespmem:s0+$0x10] =	vst v1  }
0x5b1: {  	v1, _, _ =	vpop (xrf1);
	[tilespmem:s0+$0x20] =	vst v0  }
0x5b2: {  	v0, _, _ =	vpop (xrf1);
	[tilespmem:s0+$0x30] =	vst v1  }
0x5b3: {  	v1, _, _ =	vpop (xrf1);
	[tilespmem:s0+$0x40] =	vst v0  }
0x5b4: {  	v0, _, _ =	vpop (xrf1);
	[tilespmem:s0+$0x50] =	vst v1  }
0x5b5: {  	[tilespmem:s0+$0x60] =	vst v0;
	v0, _, _ =	vpop (xrf1)  }
0x5b6: {  	[tilespmem:s0+$0xFFFFFF90] =	vst v0;
	v0, _, _ =	vpop (xrf1)  }
0x5b7: {  	v1, _, _ =	vpop (xrf1);
	[tilespmem:s0+$0xFFFFFFA0] =	vst v0  }
0x5b8: {  	v0, _, _ =	vpop (xrf1);
	[tilespmem:s0+$0xFFFFFFB0] =	vst v1  }
0x5b9: {  	[tilespmem:s0+$0xFFFFFFC0] =	vst v0;
	v0, _, _ =	vpop (xrf1)  }
0x5ba: {  	s29 =	sadd.s32 $0x1, s29;
	v1, _, _ =	vpop (xrf1);
	[tilespmem:s0+$0xFFFFFFD0] =	vst v0  }
0x5bb: {  	p0 =	sne.s32 s29, $0x10;
	v0, _, _ =	vpop (xrf1);
	[tilespmem:s0+$0xFFFFFFE0] =	vst v1  }
.Ltmp2:
0x5bc: {  	[tilespmem:s0+$0xFFFFFFF0] =	vst v0;
	(pc) =	sbr.rel @p0 .LBB2_2-.Ltmp2, $4  }
0x5bd: {  	v2 =	vld [tilespmem:$0x1FFE0]  }
0x5be: {  	v6 =	vld [tilespmem:$0x1FFB0]  }
0x5bf: {  	s31 =	sadd.s32 s17, s30;
	v7 =	vld [tilespmem:$0x1FFC0]  }
0x5c0: {  	v3 =	vimm.s32 $0x0;
	v5 =	vimm.s32 $0x1;
	[hbm4b:s31+s2] =	stream.linear.scatter [tilespmem:s24], [sflag:$0x4], $0x4000, $0x38;
	v8 =	vld [tilespmem:$0x1FFD0]  }
0x5c1: {  	s0 =	simm.s32 $0x3  }
0x5c2: {  	_ =	swait.ge [sflag:s0], $0x4000  }
0x5c3: {  	[sflag:s0] =	ssyncset.done $0x0  }
0x5c4: {  	s1 =	simm.s32 $0x4;
	[sflag:s0] =	ssyncadd.s32 $0xFFFFC000  }
0x5c5: {  	_ =	swait.ge [sflag:s1], $0x4000  }
0x5c6: {  	s3 =	rddreg [dreg:$0x7]  }
0x5c7: {  	s31 =	rddreg [dreg:$0x6];
	s3 =	sadd.s32 $0x1, s3  }
0x5c8: {  	p0 =	sne.s32 s3, s31  }
.Ltmp3:
0x5c9: {  	_ = 	snop;
	(pc) =	sbr.rel @p0 .LBB2_1-.Ltmp3, $3  }
0x5ca: {  	_ =	sdelay $0x1  }
0x5cb: {  	[sflag:s1] =	ssyncset.done $0x0  }
0x5cc: {  	[sflag:s1] =	ssyncadd.s32 $0xFFFFC000  }
0x5cd: {  	_ =	sfence.sel $0x180000  }
0x5ce: {  	[bflag:$0x0] =	sbarrier.arrive $0xFFFF  }
0x5cf: {  	_ =	strace $0x90000047  }
0x5d0: {  	s0 =	stileid.u32;
	[bflag:$0x2] =	sbarrier.arrive $0xFFFF  }
0x5d1: {  	p0 =	sne.s32 s0, $0x0;
	s0 =	rddreg [dreg:$0x2]  }
0x5d2: {  	s0 =	sadd.s32 @!p0 $0x100000, s0  }
0x5d3: {  	[sflag:s0] =	ssyncadd.tile.s32 @!p0 $0x1;
	_ =	shalt  }
.Lfunc_end2:
_tile_overlayer_lowered:
.L_overlay_start_2:
0x5d4: {  	(tag) =	ssettag $0x2  }
0x5d5: {  	s0 =	rddreg [dreg:$0x0];
	s2 =	stileid.u32  }
0x5d6: {  	s1 =	rddreg [dreg:$0x1];
	p0 =	sne.s32 s2, $0x0  }
0x5d7: {  	s3 =	rddreg [dreg:$0x2];
	[bflag:$0x3] =	sbarrier.arrive $0xFFFF;
	s2 =	simm.s32 @!p0 $0x1C05  }
0x5d8: {  	[timem:s3], [sflag:s2] =	dma.local @!p0 [hbm:s0], s1  }
0x5d9: {  	s0 =	simm.s32 @!p0 $0x5  }
0x5da: {  	_ =	swait.ge @!p0 [sflag:s0], s1  }
0x5db: {  	s1 =	ssub.s32 @!p0 $0x0, s1;
	[sflag:s0] =	ssyncset.done @!p0 $0x0  }
0x5dc: {  	[sflag:s0] =	ssyncadd.s32 @!p0 s1  }
0x5dd: {  	[bflag:$0x3] =	sbarrier.arrive $0xFFFF  }
0x5de: {  	_ =	shalt  }

</sc_bundles>
